<compile_context>
chip_gen: v7x
topology: tpu7x:2x2x1
jax: 0.10.2.dev20260603
libtpu: 0.0.44.dev20260713+nightly
codegen_flags: <defaults>
</compile_context>

<pallas_src>
import functools

import numpy as np
import jax
import jax.numpy as jnp
from jax import lax
from jax.experimental import pallas as pl
from jax.experimental.pallas import tpu as pltpu
from jax.experimental.pallas import tpu_sc as plsc

N_MAIN = 10000
NHALF = 10000
NPAD = 10240
NTOTP = 2 * NPAD
E_SC = 320000
NTILES = 16
K = 64
NCHUNK = 320
IBLK = 32
NBLK = NCHUNK // IBLK
NB = 4
E_TILE = NCHUNK * K
RB = NPAD // NTILES
DUMMY_DST = NPAD - 1
BLK = 1000
BN_C = float(1.0 / np.sqrt(1.0 + 1e-5))


def _deg_body(dst_hbm, zeros_hbm, deg_hbm, idx_v, hist_v, red_v, out_v, hists_sh):
    c = lax.axis_index("c")
    s = lax.axis_index("s")
    w = c * NTILES + s
    pltpu.sync_copy(dst_hbm.at[w], idx_v)
    pltpu.sync_copy(zeros_hbm, hist_v)

    def hbody(i, carry):
        idx = idx_v[pl.ds(i * 16, 16)]
        plsc.addupdate_scatter(hist_v, [idx], jnp.ones((16,), jnp.float32))
        return carry

    lax.fori_loop(0, E_TILE // 16, hbody, 0)
    pltpu.sync_copy(hist_v, hists_sh.at[s])
    plsc.subcore_barrier()
    for r in range(NTILES):
        pltpu.sync_copy(hists_sh.at[r, pl.ds(s * RB, RB)], red_v.at[r])

    def rbody(k, carry):
        tot = jnp.ones((16,), jnp.float32)
        for r in range(NTILES):
            tot = tot + red_v[r, pl.ds(k * 16, 16)]
        out_v[pl.ds(k * 16, 16)] = tot
        return carry

    lax.fori_loop(0, RB // 16, rbody, 0)
    pltpu.sync_copy(out_v, deg_hbm.at[pl.ds(c * NPAD + s * RB, RB)])


@functools.lru_cache(maxsize=None)
def _deg_call_fn():
    return pl.kernel(
        _deg_body,
        out_type=jax.ShapeDtypeStruct((NTOTP,), jnp.float32),
        mesh=plsc.VectorSubcoreMesh(core_axis_name="c", subcore_axis_name="s"),
        compiler_params=pltpu.CompilerParams(needs_layout_passes=False),
        scratch_types=[
            pltpu.VMEM((E_TILE,), jnp.int32),
            pltpu.VMEM((NPAD,), jnp.float32),
            pltpu.VMEM((NTILES, RB), jnp.float32),
            pltpu.VMEM((RB,), jnp.float32),
            pltpu.VMEM_SHARED((NTILES, NPAD), jnp.float32),
        ],
    )


def _deg_call(*args):
    return _deg_call_fn()(*args)


def _scat_body(srcw_hbm, dstw_hbm, table_hbm, zeros_hbm, out_hbm,
               is_v, id_v, b0, b1, b2, b3, sg0, sg1, sg2, sg3,
               ss0, ss1, ss2, ss3, semi0, semi1, acc_sh):
    c = lax.axis_index("c")
    s = lax.axis_index("s")
    w = c * NTILES + s
    bufs = (b0, b1, b2, b3)
    sgs = (sg0, sg1, sg2, sg3)
    sss = (ss0, ss1, ss2, ss3)
    pltpu.sync_copy(zeros_hbm, acc_sh.at[pl.ds(s * RB, RB)])
    pltpu.async_copy(srcw_hbm.at[w, 0], is_v.at[0], semi0)
    pltpu.async_copy(dstw_hbm.at[w, 0], id_v.at[0], semi0)
    pltpu.async_copy(srcw_hbm.at[w, 1], is_v.at[1], semi1)
    pltpu.async_copy(dstw_hbm.at[w, 1], id_v.at[1], semi1)
    plsc.subcore_barrier()

    def do_block(ob, p, semi):
        pltpu.make_async_copy(srcw_hbm.at[w, 0], is_v.at[p], semi).wait()
        pltpu.make_async_copy(dstw_hbm.at[w, 0], id_v.at[p], semi).wait()
        for b in range(NB):
            pltpu.async_copy(table_hbm.at[is_v.at[p, b]], bufs[b], sgs[b])

        def mbody(m, carry):
            j0 = m * NB
            for b in range(NB):
                pltpu.make_async_copy(
                    table_hbm.at[is_v.at[p, 0]], bufs[b], sgs[b]).wait()
                pltpu.async_copy(
                    bufs[b], acc_sh.at[id_v.at[p, j0 + b]], sss[b], add=True)
            for b in range(NB):
                pltpu.make_async_copy(
                    bufs[b], acc_sh.at[id_v.at[p, 0]], sss[b]).wait()
                pltpu.async_copy(
                    table_hbm.at[is_v.at[p, j0 + NB + b]], bufs[b], sgs[b])
            return carry

        lax.fori_loop(0, IBLK // NB - 1, mbody, 0)
        for b in range(NB):
            pltpu.make_async_copy(
                table_hbm.at[is_v.at[p, 0]], bufs[b], sgs[b]).wait()
            pltpu.async_copy(
                bufs[b], acc_sh.at[id_v.at[p, IBLK - NB + b]], sss[b], add=True)
        for b in range(NB):
            pltpu.make_async_copy(
                bufs[b], acc_sh.at[id_v.at[p, 0]], sss[b]).wait()
        @pl.when(ob + 2 < NBLK)
        def _():
            nb = jnp.minimum(ob + 2, NBLK - 1)
            pltpu.async_copy(srcw_hbm.at[w, nb], is_v.at[p], semi)
            pltpu.async_copy(dstw_hbm.at[w, nb], id_v.at[p], semi)

    def obody(ob2, carry):
        do_block(ob2 * 2, 0, semi0)
        do_block(ob2 * 2 + 1, 1, semi1)
        return carry

    lax.fori_loop(0, NBLK // 2, obody, 0)
    plsc.subcore_barrier()
    pltpu.sync_copy(acc_sh.at[pl.ds(s * RB, RB)],
                    out_hbm.at[pl.ds(c * NPAD + s * RB, RB)])


@functools.lru_cache(maxsize=None)
def _scat_call_fn():
    return pl.kernel(
        _scat_body,
        out_type=jax.ShapeDtypeStruct((NTOTP, 128), jnp.float32),
        mesh=plsc.VectorSubcoreMesh(core_axis_name="c", subcore_axis_name="s"),
        scratch_types=[
            pltpu.VMEM((2, IBLK, K), jnp.int32),
            pltpu.VMEM((2, IBLK, K), jnp.int32),
            pltpu.VMEM((K, 128), jnp.float32),
            pltpu.VMEM((K, 128), jnp.float32),
            pltpu.VMEM((K, 128), jnp.float32),
            pltpu.VMEM((K, 128), jnp.float32),
            pltpu.SemaphoreType.DMA,
            pltpu.SemaphoreType.DMA,
            pltpu.SemaphoreType.DMA,
            pltpu.SemaphoreType.DMA,
            pltpu.SemaphoreType.DMA,
            pltpu.SemaphoreType.DMA,
            pltpu.SemaphoreType.DMA,
            pltpu.SemaphoreType.DMA,
            pltpu.SemaphoreType.DMA,
            pltpu.SemaphoreType.DMA,
            pltpu.VMEM_SHARED((NPAD, 128), jnp.float32),
        ],
    )


def _scat_call(*args):
    return _scat_call_fn()(*args)



def _prep_body(feat_ref, deg_ref, bnw_ref, bnb_ref, xp0_ref, dinv_ref):
    pid = pl.program_id(0)
    dinv = lax.rsqrt(deg_ref[0])
    ismain = pid < 10
    scale = jnp.where(ismain, bnw_ref[...] * BN_C, 1.0)
    bias = jnp.where(ismain, bnb_ref[...], 0.0)
    xb = feat_ref[0] * scale + bias
    xp0_ref[0] = dinv * xb
    dinv_ref[0] = dinv


def _mid_body(s1_ref, xp0_ref, dinv_ref, w1_ref, b1_ref, w2_ref, upre_ref):
    dinv = dinv_ref[0]
    t = dinv * (s1_ref[0] + xp0_ref[0])
    h = jnp.maximum(
        jnp.dot(t, w1_ref[0], preferred_element_type=jnp.float32) + b1_ref[0], 0.0)
    u = jnp.dot(h, w2_ref[0], preferred_element_type=jnp.float32)
    upre_ref[0] = dinv * u


def _fin_body(s2m_ref, uprem_ref, dinvm_ref, s2b_ref, upreb_ref, dinvb_ref,
              b2m_ref, b2b_ref, attw_ref, attb_ref, attq_ref, out_ref):
    xo = dinvm_ref[0] * (s2m_ref[0] + uprem_ref[0]) + b2m_ref[0]
    sim = dinvb_ref[0] * (s2b_ref[0] + upreb_ref[0]) + b2b_ref[0]
    t0 = jnp.tanh(jnp.dot(xo, attw_ref[...], preferred_element_type=jnp.float32)
                  + attb_ref[...])
    w0 = jnp.sum(t0 * attq_ref[...], axis=1, keepdims=True)
    t1 = jnp.tanh(jnp.dot(sim, attw_ref[...], preferred_element_type=jnp.float32)
                  + attb_ref[...])
    w1 = jnp.sum(t1 * attq_ref[...], axis=1, keepdims=True)
    m = jnp.maximum(w0, w1)
    e0 = jnp.exp(w0 - m)
    e1 = jnp.exp(w1 - m)
    out_ref[...] = (e0 * xo + e1 * sim) / (e0 + e1)


def _cr(i):
    i = jnp.asarray(i, jnp.int32)
    return i // 10, i % 10


def _gidx(i):
    i = jnp.asarray(i, jnp.int32)
    return ((i >= 10).astype(jnp.int32) + (i >= 14).astype(jnp.int32)
            + (i >= 17).astype(jnp.int32))


def _bgidx(i):
    i = jnp.asarray(i, jnp.int32)
    return 1 + (i >= 4).astype(jnp.int32) + (i >= 7).astype(jnp.int32)



def kernel(x, edge_index, drug_sim_def, drug_graph_def, dise_sim_def,
           dise_graph_def, gene_sim_def, gene_graph_def, drug_sim_feat,
           dise_sim_feat, gene_sim_feat, bn_w, bn_b, W1, b1, W2, b2,
           Wd1, bd1, Wd2, bd2, Ws1, bs1, Ws2, bs2, Wg1, bg1, Wg2, bg2,
           att_W, att_b, att_q):
    f32 = jnp.float32
    z240 = jnp.zeros((NPAD - NHALF, 128), f32)
    feat = jnp.concatenate(
        [x, z240, drug_sim_def, dise_sim_def, gene_sim_def, z240], 0)
    src = jnp.concatenate([
        edge_index[0], drug_graph_def[0] + NPAD,
        dise_graph_def[0] + (NPAD + 4000),
        gene_graph_def[0] + (NPAD + 7000)]).astype(jnp.int32)
    dstl = jnp.concatenate([
        edge_index[1], drug_graph_def[1],
        dise_graph_def[1] + 4000, gene_graph_def[1] + 7000]).astype(jnp.int32)
    npad_e = E_TILE - E_SC // NTILES
    src_w = jnp.pad(src.reshape(2 * NTILES, E_SC // NTILES),
                    ((0, 0), (0, npad_e)))
    dst_w = jnp.pad(dstl.reshape(2 * NTILES, E_SC // NTILES),
                    ((0, 0), (0, npad_e)), constant_values=DUMMY_DST)
    srcc = src_w.reshape(2 * NTILES, NBLK, IBLK, K)
    dstc = dst_w.reshape(2 * NTILES, NBLK, IBLK, K)
    zeros_row = jnp.zeros((RB, 128), f32)
    zeros_hist = jnp.zeros((NPAD,), f32)

    deg = _deg_call(dst_w, zeros_hist)
    deg3 = deg.reshape(2, NPAD, 1)
    feat3 = feat.reshape(2, NPAD, 128)

    xp0, dinv = pl.pallas_call(
        _prep_body,
        grid=(20,),
        in_specs=[
            pl.BlockSpec((1, BLK, 128), lambda i: (*_cr(i), 0)),
            pl.BlockSpec((1, BLK, 1), lambda i: (*_cr(i), 0)),
            pl.BlockSpec((1, 128), lambda i: (0, 0)),
            pl.BlockSpec((1, 128), lambda i: (0, 0)),
        ],
        out_specs=[
            pl.BlockSpec((1, BLK, 128), lambda i: (*_cr(i), 0)),
            pl.BlockSpec((1, BLK, 1), lambda i: (*_cr(i), 0)),
        ],
        out_shape=[
            jax.ShapeDtypeStruct((2, NPAD, 128), f32),
            jax.ShapeDtypeStruct((2, NPAD, 1), f32),
        ],
    )(feat3, deg3, bn_w.reshape(1, 128), bn_b.reshape(1, 128))

    s1 = _scat_call(srcc, dstc, xp0.reshape(NTOTP, 128), zeros_row)

    w1s = jnp.stack([W1, Wd1, Ws1, Wg1])
    b1s = jnp.stack([b1, bd1, bs1, bg1]).reshape(4, 1, 256)
    w2s = jnp.stack([W2, Wd2, Ws2, Wg2])
    upre = pl.pallas_call(
        _mid_body,
        grid=(20,),
        in_specs=[
            pl.BlockSpec((1, BLK, 128), lambda i: (*_cr(i), 0)),
            pl.BlockSpec((1, BLK, 128), lambda i: (*_cr(i), 0)),
            pl.BlockSpec((1, BLK, 1), lambda i: (*_cr(i), 0)),
            pl.BlockSpec((1, 128, 256), lambda i: (_gidx(i), 0, 0)),
            pl.BlockSpec((1, 1, 256), lambda i: (_gidx(i), 0, 0)),
            pl.BlockSpec((1, 256, 128), lambda i: (_gidx(i), 0, 0)),
        ],
        out_specs=pl.BlockSpec((1, BLK, 128), lambda i: (*_cr(i), 0)),
        out_shape=jax.ShapeDtypeStruct((2, NPAD, 128), f32),
    )(s1.reshape(2, NPAD, 128), xp0, dinv, w1s, b1s, w2s)

    s2 = _scat_call(srcc, dstc, upre.reshape(NTOTP, 128), zeros_row)

    b2s = jnp.stack([b2, bd2, bs2, bg2]).reshape(4, 1, 128)
    s23 = s2.reshape(2, NPAD, 128)
    out = pl.pallas_call(
        _fin_body,
        grid=(N_MAIN // BLK,),
        in_specs=[
            pl.BlockSpec((1, BLK, 128), lambda i: (0, i, 0)),
            pl.BlockSpec((1, BLK, 128), lambda i: (0, i, 0)),
            pl.BlockSpec((1, BLK, 1), lambda i: (0, i, 0)),
            pl.BlockSpec((1, BLK, 128), lambda i: (1, i, 0)),
            pl.BlockSpec((1, BLK, 128), lambda i: (1, i, 0)),
            pl.BlockSpec((1, BLK, 1), lambda i: (1, i, 0)),
            pl.BlockSpec((1, 1, 128), lambda i: (0, 0, 0)),
            pl.BlockSpec((1, 1, 128), lambda i: (_bgidx(i), 0, 0)),
            pl.BlockSpec((128, 128), lambda i: (0, 0)),
            pl.BlockSpec((1, 128), lambda i: (0, 0)),
            pl.BlockSpec((1, 128), lambda i: (0, 0)),
        ],
        out_specs=pl.BlockSpec((BLK, 128), lambda i: (i, 0)),
        out_shape=jax.ShapeDtypeStruct((N_MAIN, 128), f32),
    )(s23, upre, dinv, s23, upre, dinv, b2s, b2s,
      att_W, att_b.reshape(1, 128), att_q.reshape(1, 128))
    return out

# --- scband reference (transcript-rebuilt; emitter-appended) ---
"""Pipeline reference for scband-gcn-binary1-9491877724697 (READ-ONLY COPY).

The authoritative reference and input builder live on the scoring server;
editing this copy changes nothing except your own understanding.
"""

import jax, jax.numpy as jnp
import numpy as np


def _gcn_conv(x, ei, W, b):
    n = x.shape[0]
    src = jnp.concatenate([ei[0], jnp.arange(n)])
    dst = jnp.concatenate([ei[1], jnp.arange(n)])
    deg = jnp.zeros((n,), x.dtype).at[dst].add(1.0)
    dinv = jnp.where(deg > 0, 1.0 / jnp.sqrt(deg), 0.0)
    norm = dinv[src] * dinv[dst]
    h = x @ W
    out = jnp.zeros((n, W.shape[1]), x.dtype).at[dst].add(h[src] * norm[:, None])
    return out + b


def setup_inputs(seed: int = 0):
    key = jax.random.key(seed)
    ks = jax.random.split(key, 32)
    IN, H, OUT = 128, 256, 128
    N, ND, NS, NG = 10000, 4000, 3000, 3000
    E, ED, ES, EG = 320000, 128000, 96000, 96000
    p = lambda k, s: jax.random.normal(k, s, jnp.float32) * 0.05
    inp = {
        'x': jax.random.normal(ks[0], (N, IN), jnp.float32),
        'edge_index': jax.random.randint(ks[1], (2, E), 0, N),
        'drug_sim_def': jax.random.normal(ks[2], (ND, IN), jnp.float32),
        'drug_graph_def': jax.random.randint(ks[3], (2, ED), 0, ND),
        'dise_sim_def': jax.random.normal(ks[4], (NS, IN), jnp.float32),
        'dise_graph_def': jax.random.randint(ks[5], (2, ES), 0, NS),
        'gene_sim_def': jax.random.normal(ks[6], (NG, IN), jnp.float32),
        'gene_graph_def': jax.random.randint(ks[7], (2, EG), 0, NG),
        'drug_sim_feat': jax.random.normal(ks[8], (ND, IN), jnp.float32),
        'dise_sim_feat': jax.random.normal(ks[9], (NS, IN), jnp.float32),
        'gene_sim_feat': jax.random.normal(ks[10], (NG, IN), jnp.float32),
        'bn_w': jnp.ones((IN,), jnp.float32),
        'bn_b': jnp.zeros((IN,), jnp.float32),
        'W1': p(ks[11], (IN, H)), 'b1': jnp.zeros((H,), jnp.float32),
        'W2': p(ks[12], (H, OUT)), 'b2': jnp.zeros((OUT,), jnp.float32),
        'Wd1': p(ks[13], (IN, H)), 'bd1': jnp.zeros((H,), jnp.float32),
        'Wd2': p(ks[14], (H, OUT)), 'bd2': jnp.zeros((OUT,), jnp.float32),
        'Ws1': p(ks[15], (IN, H)), 'bs1': jnp.zeros((H,), jnp.float32),
        'Ws2': p(ks[16], (H, OUT)), 'bs2': jnp.zeros((OUT,), jnp.float32),
        'Wg1': p(ks[17], (IN, H)), 'bg1': jnp.zeros((H,), jnp.float32),
        'Wg2': p(ks[18], (H, OUT)), 'bg2': jnp.zeros((OUT,), jnp.float32),
        'att_W': p(ks[19], (OUT, OUT)), 'att_b': jnp.zeros((OUT,), jnp.float32),
        'att_q': p(ks[20], (OUT,)),
    }
    return inp


def reference(x, edge_index, drug_sim_def, drug_graph_def, dise_sim_def, dise_graph_def,
              gene_sim_def, gene_graph_def, drug_sim_feat, dise_sim_feat, gene_sim_feat,
              bn_w, bn_b, W1, b1, W2, b2, Wd1, bd1, Wd2, bd2, Ws1, bs1, Ws2, bs2,
              Wg1, bg1, Wg2, bg2, att_W, att_b, att_q):
    # BatchNorm1d in eval mode with default running stats (mean=0, var=1)
    xb = x * (bn_w / jnp.sqrt(1.0 + 1e-5)) + bn_b
    h = jax.nn.relu(_gcn_conv(xb, edge_index, W1, b1))  # dropout is identity in eval
    xo = _gcn_conv(h, edge_index, W2, b2)
    # graph_feat branches are None -> emb = emb_sim; sim_feat inputs unused
    e1 = _gcn_conv(jax.nn.relu(_gcn_conv(drug_sim_def, drug_graph_def, Wd1, bd1)), drug_graph_def, Wd2, bd2)
    e2 = _gcn_conv(jax.nn.relu(_gcn_conv(dise_sim_def, dise_graph_def, Ws1, bs1)), dise_graph_def, Ws2, bs2)
    e3 = _gcn_conv(jax.nn.relu(_gcn_conv(gene_sim_def, gene_graph_def, Wg1, bg1)), gene_graph_def, Wg2, bg2)
    sim = jnp.concatenate([e1, e2, e3], axis=0)
    feats = jnp.stack([xo, sim], axis=1)  # [N, 2, out_dim]
    w = jnp.tanh(feats @ att_W + att_b) @ att_q  # [N, 2]
    beta = jax.nn.softmax(w, axis=1)
    out = jnp.sum(beta[:, :, None] * feats, axis=1)
    return out

if __name__ == "__main__":
    import jax
    _d = setup_inputs()
    print(jax.jit(kernel)(*tuple(_d.values())))

</pallas_src>

<mosaic_0001>
#map = affine_map<(d0, d1) -> (0, 0)>
#map1 = affine_map<(d0, d1) -> (0)>
module attributes {stable_mosaic.version = 14 : i64} {
  func.func @_deg_body(%arg0: i32, %arg1: i32, %arg2: memref<32x20480xi32, #tpu.memory_space<hbm>>, %arg3: memref<10240xf32, #tpu.memory_space<hbm>>, %arg4: memref<20480xf32, #tpu.memory_space<hbm>>, %arg5: memref<20480xi32, #tpu.memory_space<vmem>>, %arg6: memref<10240xf32, #tpu.memory_space<vmem>>, %arg7: memref<16x640xf32, #tpu.memory_space<vmem>>, %arg8: memref<640xf32, #tpu.memory_space<vmem>>, %arg9: memref<16x10240xf32, #tpu.memory_space<vmem_shared>>) attributes {dimension_semantics = [#tpu.dimension_semantics<core_parallel>, #tpu.dimension_semantics<subcore_parallel>], iteration_bounds = array<i64: 2, 16>, scalar_prefetch = 0 : i64, scratch_operands = 5 : i64, tpu.core_type = #tpu.core_type<sc_vector_subcore>, window_params = [{transform_indices = #map}, {transform_indices = #map1}, {transform_indices = #map1}]} {
    %mul3A = arith.constant 16 : i32
    %mul3A_0 = arith.muli %arg0, %mul3A : i32
    %add3A = arith.addi %mul3A_0, %arg1 : i32
    "tpu.region"() ({
      %run_scoped3A_80 = tpu.sem_alloc : memref<!tpu.dma_semaphore, #tpu.memory_space<semaphore_mem>>
      %dma_start3A = arith.constant 0 : i32
      %dma_start3A_81 = tpu.memref_slice %arg2[%add3A, %dma_start3A] : memref<32x20480xi32, #tpu.memory_space<hbm>> -> memref<1x20480xi32, #tpu.memory_space<hbm>>
      %dma_start3A_82 = tpu.memref_squeeze %dma_start3A_81 : memref<1x20480xi32, #tpu.memory_space<hbm>> -> memref<20480xi32, #tpu.memory_space<hbm>>
      %dma_start3A_83 = arith.constant 0 : i32
      %dma_start3A_84 = tpu.memref_slice %arg2[%add3A, %dma_start3A_83] : memref<32x20480xi32, #tpu.memory_space<hbm>> -> memref<1x20480xi32, #tpu.memory_space<hbm>>
      %dma_start3A_85 = tpu.memref_squeeze %dma_start3A_84 : memref<1x20480xi32, #tpu.memory_space<hbm>> -> memref<20480xi32, #tpu.memory_space<hbm>>
      tpu.enqueue_dma source(%dma_start3A_85 : memref<20480xi32, #tpu.memory_space<hbm>>) target(%arg5 : memref<20480xi32, #tpu.memory_space<vmem>>) target_semaphore(%run_scoped3A_80 : memref<!tpu.dma_semaphore, #tpu.memory_space<semaphore_mem>>)
      %dma_wait3A = arith.constant 0 : i32
      %dma_wait3A_86 = tpu.memref_slice %arg2[%add3A, %dma_wait3A] : memref<32x20480xi32, #tpu.memory_space<hbm>> -> memref<1x20480xi32, #tpu.memory_space<hbm>>
      %dma_wait3A_87 = tpu.memref_squeeze %dma_wait3A_86 : memref<1x20480xi32, #tpu.memory_space<hbm>> -> memref<20480xi32, #tpu.memory_space<hbm>>
      %dma_wait3A_88 = arith.constant 0 : i32
      %dma_wait3A_89 = tpu.memref_slice %arg2[%add3A, %dma_wait3A_88] : memref<32x20480xi32, #tpu.memory_space<hbm>> -> memref<1x20480xi32, #tpu.memory_space<hbm>>
      %dma_wait3A_90 = tpu.memref_squeeze %dma_wait3A_89 : memref<1x20480xi32, #tpu.memory_space<hbm>> -> memref<20480xi32, #tpu.memory_space<hbm>>
      tpu.wait_dma2 semaphore(%run_scoped3A_80 : memref<!tpu.dma_semaphore, #tpu.memory_space<semaphore_mem>>) src(%dma_wait3A_90 : memref<20480xi32, #tpu.memory_space<hbm>>) dst(%arg5 : memref<20480xi32, #tpu.memory_space<vmem>>)
      tpu.yield
    }) : () -> ()
    "tpu.region"() ({
      %run_scoped3A_80 = tpu.sem_alloc : memref<!tpu.dma_semaphore, #tpu.memory_space<semaphore_mem>>
      tpu.enqueue_dma source(%arg3 : memref<10240xf32, #tpu.memory_space<hbm>>) target(%arg6 : memref<10240xf32, #tpu.memory_space<vmem>>) target_semaphore(%run_scoped3A_80 : memref<!tpu.dma_semaphore, #tpu.memory_space<semaphore_mem>>)
      tpu.wait_dma2 semaphore(%run_scoped3A_80 : memref<!tpu.dma_semaphore, #tpu.memory_space<semaphore_mem>>) src(%arg3 : memref<10240xf32, #tpu.memory_space<hbm>>) dst(%arg6 : memref<10240xf32, #tpu.memory_space<vmem>>)
      tpu.yield
    }) : () -> ()
    %scan3A = arith.constant 0 : i32
    %scan3A_1 = arith.constant 0 : i32
    %scan3A_2 = arith.constant 1280 : i32
    %scan3A_3 = arith.addi %scan3A_1, %scan3A_2 : i32
    %scan3A_4 = arith.constant 1 : i32
    scf.for %scan3A_80 = %scan3A_1 to %scan3A_3 step %scan3A_4  : i32 {
      %mul3A_81 = arith.constant 16 : i32
      %mul3A_82 = arith.muli %scan3A_80, %mul3A_81 : i32
      %get3A = arith.index_cast %mul3A_82 : i32 to index
      %get3A_83 = tpu.vector_load %arg5[%get3A] {strides = array<i32>} : memref<20480xi32, #tpu.memory_space<vmem>>, vector<16xi32>,
      %broadcast_in_dim3A = arith.constant 1.000000e+00 : f32
      %broadcast_in_dim3A_84 = vector.broadcast %broadcast_in_dim3A : f32 to vector<16xf32>
      tpu.vector_store_idx %arg6[%get3A_83], %broadcast_in_dim3A_84 {add = true} : memref<10240xf32, #tpu.memory_space<vmem>>[vector<16xi32>], vector<16xf32>,
    }
    %scan3A_5 = arith.constant 1280 : i32
    "tpu.region"() ({
      %run_scoped3A_80 = tpu.sem_alloc : memref<!tpu.dma_semaphore, #tpu.memory_space<semaphore_mem>>
      %dma_start3A = arith.constant 0 : i32
      %dma_start3A_81 = tpu.memref_slice %arg9[%arg1, %dma_start3A] : memref<16x10240xf32, #tpu.memory_space<vmem_shared>> -> memref<1x10240xf32, #tpu.memory_space<vmem_shared>>
      %dma_start3A_82 = tpu.memref_squeeze %dma_start3A_81 : memref<1x10240xf32, #tpu.memory_space<vmem_shared>> -> memref<10240xf32, #tpu.memory_space<vmem_shared>>
      %dma_start3A_83 = arith.constant 0 : i32
      %dma_start3A_84 = tpu.memref_slice %arg9[%arg1, %dma_start3A_83] : memref<16x10240xf32, #tpu.memory_space<vmem_shared>> -> memref<1x10240xf32, #tpu.memory_space<vmem_shared>>
      %dma_start3A_85 = tpu.memref_squeeze %dma_start3A_84 : memref<1x10240xf32, #tpu.memory_space<vmem_shared>> -> memref<10240xf32, #tpu.memory_space<vmem_shared>>
      tpu.enqueue_dma source(%arg6 : memref<10240xf32, #tpu.memory_space<vmem>>) target(%dma_start3A_85 : memref<10240xf32, #tpu.memory_space<vmem_shared>>) target_semaphore(%run_scoped3A_80 : memref<!tpu.dma_semaphore, #tpu.memory_space<semaphore_mem>>)
      %dma_wait3A = arith.constant 0 : i32
      %dma_wait3A_86 = tpu.memref_slice %arg9[%arg1, %dma_wait3A] : memref<16x10240xf32, #tpu.memory_space<vmem_shared>> -> memref<1x10240xf32, #tpu.memory_space<vmem_shared>>
      %dma_wait3A_87 = tpu.memref_squeeze %dma_wait3A_86 : memref<1x10240xf32, #tpu.memory_space<vmem_shared>> -> memref<10240xf32, #tpu.memory_space<vmem_shared>>
      %dma_wait3A_88 = arith.constant 0 : i32
      %dma_wait3A_89 = tpu.memref_slice %arg9[%arg1, %dma_wait3A_88] : memref<16x10240xf32, #tpu.memory_space<vmem_shared>> -> memref<1x10240xf32, #tpu.memory_space<vmem_shared>>
      %dma_wait3A_90 = tpu.memref_squeeze %dma_wait3A_89 : memref<1x10240xf32, #tpu.memory_space<vmem_shared>> -> memref<10240xf32, #tpu.memory_space<vmem_shared>>
      tpu.wait_dma2 semaphore(%run_scoped3A_80 : memref<!tpu.dma_semaphore, #tpu.memory_space<semaphore_mem>>) src(%arg6 : memref<10240xf32, #tpu.memory_space<vmem>>) dst(%dma_wait3A_90 : memref<10240xf32, #tpu.memory_space<vmem_shared>>)
      tpu.yield
    }) : () -> ()
    %barrier3A = arith.constant 0 : index
    tpu.barrier barrier_id(%barrier3A)
    %mul3A_6 = arith.constant 640 : i32
    %mul3A_7 = arith.muli %arg1, %mul3A_6 : i32
    %run_scoped3A = arith.constant 0 : i32
    %run_scoped3A_8 = arith.constant 0 : i32
    "tpu.region"() ({
      %run_scoped3A_80 = tpu.sem_alloc : memref<!tpu.dma_semaphore, #tpu.memory_space<semaphore_mem>>
      %dma_start3A = arith.constant 0 : i32
      %dma_start3A_81 = tpu.memref_slice %arg7[%run_scoped3A_8, %dma_start3A] : memref<16x640xf32, #tpu.memory_space<vmem>> -> memref<1x640xf32, #tpu.memory_space<vmem>>
      %dma_start3A_82 = tpu.memref_squeeze %dma_start3A_81 : memref<1x640xf32, #tpu.memory_space<vmem>> -> memref<640xf32, #tpu.memory_space<vmem>>
      %dma_start3A_83 = tpu.memref_slice %arg9[%run_scoped3A, %mul3A_7] : memref<16x10240xf32, #tpu.memory_space<vmem_shared>> -> memref<1x640xf32, #tpu.memory_space<vmem_shared>>
      %dma_start3A_84 = tpu.memref_squeeze %dma_start3A_83 : memref<1x640xf32, #tpu.memory_space<vmem_shared>> -> memref<640xf32, #tpu.memory_space<vmem_shared>>
      %dma_start3A_85 = arith.constant 0 : i32
      %dma_start3A_86 = tpu.memref_slice %arg7[%run_scoped3A_8, %dma_start3A_85] : memref<16x640xf32, #tpu.memory_space<vmem>> -> memref<1x640xf32, #tpu.memory_space<vmem>>
      %dma_start3A_87 = tpu.memref_squeeze %dma_start3A_86 : memref<1x640xf32, #tpu.memory_space<vmem>> -> memref<640xf32, #tpu.memory_space<vmem>>
      %dma_start3A_88 = tpu.memref_slice %arg9[%run_scoped3A, %mul3A_7] : memref<16x10240xf32, #tpu.memory_space<vmem_shared>> -> memref<1x640xf32, #tpu.memory_space<vmem_shared>>
      %dma_start3A_89 = tpu.memref_squeeze %dma_start3A_88 : memref<1x640xf32, #tpu.memory_space<vmem_shared>> -> memref<640xf32, #tpu.memory_space<vmem_shared>>
      tpu.enqueue_dma source(%dma_start3A_89 : memref<640xf32, #tpu.memory_space<vmem_shared>>) target(%dma_start3A_87 : memref<640xf32, #tpu.memory_space<vmem>>) target_semaphore(%run_scoped3A_80 : memref<!tpu.dma_semaphore, #tpu.memory_space<semaphore_mem>>)
      %dma_wait3A = arith.constant 0 : i32
      %dma_wait3A_90 = tpu.memref_slice %arg7[%run_scoped3A_8, %dma_wait3A] : memref<16x640xf32, #tpu.memory_space<vmem>> -> memref<1x640xf32, #tpu.memory_space<vmem>>
      %dma_wait3A_91 = tpu.memref_squeeze %dma_wait3A_90 : memref<1x640xf32, #tpu.memory_space<vmem>> -> memref<640xf32, #tpu.memory_space<vmem>>
      %dma_wait3A_92 = tpu.memref_slice %arg9[%run_scoped3A, %mul3A_7] : memref<16x10240xf32, #tpu.memory_space<vmem_shared>> -> memref<1x640xf32, #tpu.memory_space<vmem_shared>>
      %dma_wait3A_93 = tpu.memref_squeeze %dma_wait3A_92 : memref<1x640xf32, #tpu.memory_space<vmem_shared>> -> memref<640xf32, #tpu.memory_space<vmem_shared>>
      %dma_wait3A_94 = arith.constant 0 : i32
      %dma_wait3A_95 = tpu.memref_slice %arg7[%run_scoped3A_8, %dma_wait3A_94] : memref<16x640xf32, #tpu.memory_space<vmem>> -> memref<1x640xf32, #tpu.memory_space<vmem>>
      %dma_wait3A_96 = tpu.memref_squeeze %dma_wait3A_95 : memref<1x640xf32, #tpu.memory_space<vmem>> -> memref<640xf32, #tpu.memory_space<vmem>>
      %dma_wait3A_97 = tpu.memref_slice %arg9[%run_scoped3A, %mul3A_7] : memref<16x10240xf32, #tpu.memory_space<vmem_shared>> -> memref<1x640xf32, #tpu.memory_space<vmem_shared>>
      %dma_wait3A_98 = tpu.memref_squeeze %dma_wait3A_97 : memref<1x640xf32, #tpu.memory_space<vmem_shared>> -> memref<640xf32, #tpu.memory_space<vmem_shared>>
      tpu.wait_dma2 semaphore(%run_scoped3A_80 : memref<!tpu.dma_semaphore, #tpu.memory_space<semaphore_mem>>) src(%dma_wait3A_98 : memref<640xf32, #tpu.memory_space<vmem_shared>>) dst(%dma_wait3A_96 : memref<640xf32, #tpu.memory_space<vmem>>)
      tpu.yield
    }) : () -> ()
    %mul3A_9 = arith.constant 640 : i32
    %mul3A_10 = arith.muli %arg1, %mul3A_9 : i32
    %run_scoped3A_11 = arith.constant 1 : i32
    %run_scoped3A_12 = arith.constant 1 : i32
    "tpu.region"() ({
      %run_scoped3A_80 = tpu.sem_alloc : memref<!tpu.dma_semaphore, #tpu.memory_space<semaphore_mem>>
      %dma_start3A = arith.constant 0 : i32
      %dma_start3A_81 = tpu.memref_slice %arg7[%run_scoped3A_12, %dma_start3A] : memref<16x640xf32, #tpu.memory_space<vmem>> -> memref<1x640xf32, #tpu.memory_space<vmem>>
      %dma_start3A_82 = tpu.memref_squeeze %dma_start3A_81 : memref<1x640xf32, #tpu.memory_space<vmem>> -> memref<640xf32, #tpu.memory_space<vmem>>
      %dma_start3A_83 = tpu.memref_slice %arg9[%run_scoped3A_11, %mul3A_10] : memref<16x10240xf32, #tpu.memory_space<vmem_shared>> -> memref<1x640xf32, #tpu.memory_space<vmem_shared>>
      %dma_start3A_84 = tpu.memref_squeeze %dma_start3A_83 : memref<1x640xf32, #tpu.memory_space<vmem_shared>> -> memref<640xf32, #tpu.memory_space<vmem_shared>>
      %dma_start3A_85 = arith.constant 0 : i32
      %dma_start3A_86 = tpu.memref_slice %arg7[%run_scoped3A_12, %dma_start3A_85] : memref<16x640xf32, #tpu.memory_space<vmem>> -> memref<1x640xf32, #tpu.memory_space<vmem>>
      %dma_start3A_87 = tpu.memref_squeeze %dma_start3A_86 : memref<1x640xf32, #tpu.memory_space<vmem>> -> memref<640xf32, #tpu.memory_space<vmem>>
      %dma_start3A_88 = tpu.memref_slice %arg9[%run_scoped3A_11, %mul3A_10] : memref<16x10240xf32, #tpu.memory_space<vmem_shared>> -> memref<1x640xf32, #tpu.memory_space<vmem_shared>>
      %dma_start3A_89 = tpu.memref_squeeze %dma_start3A_88 : memref<1x640xf32, #tpu.memory_space<vmem_shared>> -> memref<640xf32, #tpu.memory_space<vmem_shared>>
      tpu.enqueue_dma source(%dma_start3A_89 : memref<640xf32, #tpu.memory_space<vmem_shared>>) target(%dma_start3A_87 : memref<640xf32, #tpu.memory_space<vmem>>) target_semaphore(%run_scoped3A_80 : memref<!tpu.dma_semaphore, #tpu.memory_space<semaphore_mem>>)
      %dma_wait3A = arith.constant 0 : i32
      %dma_wait3A_90 = tpu.memref_slice %arg7[%run_scoped3A_12, %dma_wait3A] : memref<16x640xf32, #tpu.memory_space<vmem>> -> memref<1x640xf32, #tpu.memory_space<vmem>>
      %dma_wait3A_91 = tpu.memref_squeeze %dma_wait3A_90 : memref<1x640xf32, #tpu.memory_space<vmem>> -> memref<640xf32, #tpu.memory_space<vmem>>
      %dma_wait3A_92 = tpu.memref_slice %arg9[%run_scoped3A_11, %mul3A_10] : memref<16x10240xf32, #tpu.memory_space<vmem_shared>> -> memref<1x640xf32, #tpu.memory_space<vmem_shared>>
      %dma_wait3A_93 = tpu.memref_squeeze %dma_wait3A_92 : memref<1x640xf32, #tpu.memory_space<vmem_shared>> -> memref<640xf32, #tpu.memory_space<vmem_shared>>
      %dma_wait3A_94 = arith.constant 0 : i32
      %dma_wait3A_95 = tpu.memref_slice %arg7[%run_scoped3A_12, %dma_wait3A_94] : memref<16x640xf32, #tpu.memory_space<vmem>> -> memref<1x640xf32, #tpu.memory_space<vmem>>
      %dma_wait3A_96 = tpu.memref_squeeze %dma_wait3A_95 : memref<1x640xf32, #tpu.memory_space<vmem>> -> memref<640xf32, #tpu.memory_space<vmem>>
      %dma_wait3A_97 = tpu.memref_slice %arg9[%run_scoped3A_11, %mul3A_10] : memref<16x10240xf32, #tpu.memory_space<vmem_shared>> -> memref<1x640xf32, #tpu.memory_space<vmem_shared>>
      %dma_wait3A_98 = tpu.memref_squeeze %dma_wait3A_97 : memref<1x640xf32, #tpu.memory_space<vmem_shared>> -> memref<640xf32, #tpu.memory_space<vmem_shared>>
      tpu.wait_dma2 semaphore(%run_scoped3A_80 : memref<!tpu.dma_semaphore, #tpu.memory_space<semaphore_mem>>) src(%dma_wait3A_98 : memref<640xf32, #tpu.memory_space<vmem_shared>>) dst(%dma_wait3A_96 : memref<640xf32, #tpu.memory_space<vmem>>)
      tpu.yield
    }) : () -> ()
    %mul3A_13 = arith.constant 640 : i32
    %mul3A_14 = arith.muli %arg1, %mul3A_13 : i32
    %run_scoped3A_15 = arith.constant 2 : i32
    %run_scoped3A_16 = arith.constant 2 : i32
    "tpu.region"() ({
      %run_scoped3A_80 = tpu.sem_alloc : memref<!tpu.dma_semaphore, #tpu.memory_space<semaphore_mem>>
      %dma_start3A = arith.constant 0 : i32
      %dma_start3A_81 = tpu.memref_slice %arg7[%run_scoped3A_16, %dma_start3A] : memref<16x640xf32, #tpu.memory_space<vmem>> -> memref<1x640xf32, #tpu.memory_space<vmem>>
      %dma_start3A_82 = tpu.memref_squeeze %dma_start3A_81 : memref<1x640xf32, #tpu.memory_space<vmem>> -> memref<640xf32, #tpu.memory_space<vmem>>
      %dma_start3A_83 = tpu.memref_slice %arg9[%run_scoped3A_15, %mul3A_14] : memref<16x10240xf32, #tpu.memory_space<vmem_shared>> -> memref<1x640xf32, #tpu.memory_space<vmem_shared>>
      %dma_start3A_84 = tpu.memref_squeeze %dma_start3A_83 : memref<1x640xf32, #tpu.memory_space<vmem_shared>> -> memref<640xf32, #tpu.memory_space<vmem_shared>>
      %dma_start3A_85 = arith.constant 0 : i32
      %dma_start3A_86 = tpu.memref_slice %arg7[%run_scoped3A_16, %dma_start3A_85] : memref<16x640xf32, #tpu.memory_space<vmem>> -> memref<1x640xf32, #tpu.memory_space<vmem>>
      %dma_start3A_87 = tpu.memref_squeeze %dma_start3A_86 : memref<1x640xf32, #tpu.memory_space<vmem>> -> memref<640xf32, #tpu.memory_space<vmem>>
      %dma_start3A_88 = tpu.memref_slice %arg9[%run_scoped3A_15, %mul3A_14] : memref<16x10240xf32, #tpu.memory_space<vmem_shared>> -> memref<1x640xf32, #tpu.memory_space<vmem_shared>>
      %dma_start3A_89 = tpu.memref_squeeze %dma_start3A_88 : memref<1x640xf32, #tpu.memory_space<vmem_shared>> -> memref<640xf32, #tpu.memory_space<vmem_shared>>
      tpu.enqueue_dma source(%dma_start3A_89 : memref<640xf32, #tpu.memory_space<vmem_shared>>) target(%dma_start3A_87 : memref<640xf32, #tpu.memory_space<vmem>>) target_semaphore(%run_scoped3A_80 : memref<!tpu.dma_semaphore, #tpu.memory_space<semaphore_mem>>)
      %dma_wait3A = arith.constant 0 : i32
      %dma_wait3A_90 = tpu.memref_slice %arg7[%run_scoped3A_16, %dma_wait3A] : memref<16x640xf32, #tpu.memory_space<vmem>> -> memref<1x640xf32, #tpu.memory_space<vmem>>
      %dma_wait3A_91 = tpu.memref_squeeze %dma_wait3A_90 : memref<1x640xf32, #tpu.memory_space<vmem>> -> memref<640xf32, #tpu.memory_space<vmem>>
      %dma_wait3A_92 = tpu.memref_slice %arg9[%run_scoped3A_15, %mul3A_14] : memref<16x10240xf32, #tpu.memory_space<vmem_shared>> -> memref<1x640xf32, #tpu.memory_space<vmem_shared>>
      %dma_wait3A_93 = tpu.memref_squeeze %dma_wait3A_92 : memref<1x640xf32, #tpu.memory_space<vmem_shared>> -> memref<640xf32, #tpu.memory_space<vmem_shared>>
      %dma_wait3A_94 = arith.constant 0 : i32
      %dma_wait3A_95 = tpu.memref_slice %arg7[%run_scoped3A_16, %dma_wait3A_94] : memref<16x640xf32, #tpu.memory_space<vmem>> -> memref<1x640xf32, #tpu.memory_space<vmem>>
      %dma_wait3A_96 = tpu.memref_squeeze %dma_wait3A_95 : memref<1x640xf32, #tpu.memory_space<vmem>> -> memref<640xf32, #tpu.memory_space<vmem>>
      %dma_wait3A_97 = tpu.memref_slice %arg9[%run_scoped3A_15, %mul3A_14] : memref<16x10240xf32, #tpu.memory_space<vmem_shared>> -> memref<1x640xf32, #tpu.memory_space<vmem_shared>>
      %dma_wait3A_98 = tpu.memref_squeeze %dma_wait3A_97 : memref<1x640xf32, #tpu.memory_space<vmem_shared>> -> memref<640xf32, #tpu.memory_space<vmem_shared>>
      tpu.wait_dma2 semaphore(%run_scoped3A_80 : memref<!tpu.dma_semaphore, #tpu.memory_space<semaphore_mem>>) src(%dma_wait3A_98 : memref<640xf32, #tpu.memory_space<vmem_shared>>) dst(%dma_wait3A_96 : memref<640xf32, #tpu.memory_space<vmem>>)
      tpu.yield
    }) : () -> ()
    %mul3A_17 = arith.constant 640 : i32
    %mul3A_18 = arith.muli %arg1, %mul3A_17 : i32
    %run_scoped3A_19 = arith.constant 3 : i32
    %run_scoped3A_20 = arith.constant 3 : i32
    "tpu.region"() ({
      %run_scoped3A_80 = tpu.sem_alloc : memref<!tpu.dma_semaphore, #tpu.memory_space<semaphore_mem>>
      %dma_start3A = arith.constant 0 : i32
      %dma_start3A_81 = tpu.memref_slice %arg7[%run_scoped3A_20, %dma_start3A] : memref<16x640xf32, #tpu.memory_space<vmem>> -> memref<1x640xf32, #tpu.memory_space<vmem>>
      %dma_start3A_82 = tpu.memref_squeeze %dma_start3A_81 : memref<1x640xf32, #tpu.memory_space<vmem>> -> memref<640xf32, #tpu.memory_space<vmem>>
      %dma_start3A_83 = tpu.memref_slice %arg9[%run_scoped3A_19, %mul3A_18] : memref<16x10240xf32, #tpu.memory_space<vmem_shared>> -> memref<1x640xf32, #tpu.memory_space<vmem_shared>>
      %dma_start3A_84 = tpu.memref_squeeze %dma_start3A_83 : memref<1x640xf32, #tpu.memory_space<vmem_shared>> -> memref<640xf32, #tpu.memory_space<vmem_shared>>
      %dma_start3A_85 = arith.constant 0 : i32
      %dma_start3A_86 = tpu.memref_slice %arg7[%run_scoped3A_20, %dma_start3A_85] : memref<16x640xf32, #tpu.memory_space<vmem>> -> memref<1x640xf32, #tpu.memory_space<vmem>>
      %dma_start3A_87 = tpu.memref_squeeze %dma_start3A_86 : memref<1x640xf32, #tpu.memory_space<vmem>> -> memref<640xf32, #tpu.memory_space<vmem>>
      %dma_start3A_88 = tpu.memref_slice %arg9[%run_scoped3A_19, %mul3A_18] : memref<16x10240xf32, #tpu.memory_space<vmem_shared>> -> memref<1x640xf32, #tpu.memory_space<vmem_shared>>
      %dma_start3A_89 = tpu.memref_squeeze %dma_start3A_88 : memref<1x640xf32, #tpu.memory_space<vmem_shared>> -> memref<640xf32, #tpu.memory_space<vmem_shared>>
      tpu.enqueue_dma source(%dma_start3A_89 : memref<640xf32, #tpu.memory_space<vmem_shared>>) target(%dma_start3A_87 : memref<640xf32, #tpu.memory_space<vmem>>) target_semaphore(%run_scoped3A_80 : memref<!tpu.dma_semaphore, #tpu.memory_space<semaphore_mem>>)
      %dma_wait3A = arith.constant 0 : i32
      %dma_wait3A_90 = tpu.memref_slice %arg7[%run_scoped3A_20, %dma_wait3A] : memref<16x640xf32, #tpu.memory_space<vmem>> -> memref<1x640xf32, #tpu.memory_space<vmem>>
      %dma_wait3A_91 = tpu.memref_squeeze %dma_wait3A_90 : memref<1x640xf32, #tpu.memory_space<vmem>> -> memref<640xf32, #tpu.memory_space<vmem>>
      %dma_wait3A_92 = tpu.memref_slice %arg9[%run_scoped3A_19, %mul3A_18] : memref<16x10240xf32, #tpu.memory_space<vmem_shared>> -> memref<1x640xf32, #tpu.memory_space<vmem_shared>>
      %dma_wait3A_93 = tpu.memref_squeeze %dma_wait3A_92 : memref<1x640xf32, #tpu.memory_space<vmem_shared>> -> memref<640xf32, #tpu.memory_space<vmem_shared>>
      %dma_wait3A_94 = arith.constant 0 : i32
      %dma_wait3A_95 = tpu.memref_slice %arg7[%run_scoped3A_20, %dma_wait3A_94] : memref<16x640xf32, #tpu.memory_space<vmem>> -> memref<1x640xf32, #tpu.memory_space<vmem>>
      %dma_wait3A_96 = tpu.memref_squeeze %dma_wait3A_95 : memref<1x640xf32, #tpu.memory_space<vmem>> -> memref<640xf32, #tpu.memory_space<vmem>>
      %dma_wait3A_97 = tpu.memref_slice %arg9[%run_scoped3A_19, %mul3A_18] : memref<16x10240xf32, #tpu.memory_space<vmem_shared>> -> memref<1x640xf32, #tpu.memory_space<vmem_shared>>
      %dma_wait3A_98 = tpu.memref_squeeze %dma_wait3A_97 : memref<1x640xf32, #tpu.memory_space<vmem_shared>> -> memref<640xf32, #tpu.memory_space<vmem_shared>>
      tpu.wait_dma2 semaphore(%run_scoped3A_80 : memref<!tpu.dma_semaphore, #tpu.memory_space<semaphore_mem>>) src(%dma_wait3A_98 : memref<640xf32, #tpu.memory_space<vmem_shared>>) dst(%dma_wait3A_96 : memref<640xf32, #tpu.memory_space<vmem>>)
      tpu.yield
    }) : () -> ()
    %mul3A_21 = arith.constant 640 : i32
    %mul3A_22 = arith.muli %arg1, %mul3A_21 : i32
    %run_scoped3A_23 = arith.constant 4 : i32
    %run_scoped3A_24 = arith.constant 4 : i32
    "tpu.region"() ({
      %run_scoped3A_80 = tpu.sem_alloc : memref<!tpu.dma_semaphore, #tpu.memory_space<semaphore_mem>>
      %dma_start3A = arith.constant 0 : i32
      %dma_start3A_81 = tpu.memref_slice %arg7[%run_scoped3A_24, %dma_start3A] : memref<16x640xf32, #tpu.memory_space<vmem>> -> memref<1x640xf32, #tpu.memory_space<vmem>>
      %dma_start3A_82 = tpu.memref_squeeze %dma_start3A_81 : memref<1x640xf32, #tpu.memory_space<vmem>> -> memref<640xf32, #tpu.memory_space<vmem>>
      %dma_start3A_83 = tpu.memref_slice %arg9[%run_scoped3A_23, %mul3A_22] : memref<16x10240xf32, #tpu.memory_space<vmem_shared>> -> memref<1x640xf32, #tpu.memory_space<vmem_shared>>
      %dma_start3A_84 = tpu.memref_squeeze %dma_start3A_83 : memref<1x640xf32, #tpu.memory_space<vmem_shared>> -> memref<640xf32, #tpu.memory_space<vmem_shared>>
      %dma_start3A_85 = arith.constant 0 : i32
      %dma_start3A_86 = tpu.memref_slice %arg7[%run_scoped3A_24, %dma_start3A_85] : memref<16x640xf32, #tpu.memory_space<vmem>> -> memref<1x640xf32, #tpu.memory_space<vmem>>
      %dma_start3A_87 = tpu.memref_squeeze %dma_start3A_86 : memref<1x640xf32, #tpu.memory_space<vmem>> -> memref<640xf32, #tpu.memory_space<vmem>>
      %dma_start3A_88 = tpu.memref_slice %arg9[%run_scoped3A_23, %mul3A_22] : memref<16x10240xf32, #tpu.memory_space<vmem_shared>> -> memref<1x640xf32, #tpu.memory_space<vmem_shared>>
      %dma_start3A_89 = tpu.memref_squeeze %dma_start3A_88 : memref<1x640xf32, #tpu.memory_space<vmem_shared>> -> memref<640xf32, #tpu.memory_space<vmem_shared>>
      tpu.enqueue_dma source(%dma_start3A_89 : memref<640xf32, #tpu.memory_space<vmem_shared>>) target(%dma_start3A_87 : memref<640xf32, #tpu.memory_space<vmem>>) target_semaphore(%run_scoped3A_80 : memref<!tpu.dma_semaphore, #tpu.memory_space<semaphore_mem>>)
      %dma_wait3A = arith.constant 0 : i32
      %dma_wait3A_90 = tpu.memref_slice %arg7[%run_scoped3A_24, %dma_wait3A] : memref<16x640xf32, #tpu.memory_space<vmem>> -> memref<1x640xf32, #tpu.memory_space<vmem>>
      %dma_wait3A_91 = tpu.memref_squeeze %dma_wait3A_90 : memref<1x640xf32, #tpu.memory_space<vmem>> -> memref<640xf32, #tpu.memory_space<vmem>>
      %dma_wait3A_92 = tpu.memref_slice %arg9[%run_scoped3A_23, %mul3A_22] : memref<16x10240xf32, #tpu.memory_space<vmem_shared>> -> memref<1x640xf32, #tpu.memory_space<vmem_shared>>
      %dma_wait3A_93 = tpu.memref_squeeze %dma_wait3A_92 : memref<1x640xf32, #tpu.memory_space<vmem_shared>> -> memref<640xf32, #tpu.memory_space<vmem_shared>>
      %dma_wait3A_94 = arith.constant 0 : i32
      %dma_wait3A_95 = tpu.memref_slice %arg7[%run_scoped3A_24, %dma_wait3A_94] : memref<16x640xf32, #tpu.memory_space<vmem>> -> memref<1x640xf32, #tpu.memory_space<vmem>>
      %dma_wait3A_96 = tpu.memref_squeeze %dma_wait3A_95 : memref<1x640xf32, #tpu.memory_space<vmem>> -> memref<640xf32, #tpu.memory_space<vmem>>
      %dma_wait3A_97 = tpu.memref_slice %arg9[%run_scoped3A_23, %mul3A_22] : memref<16x10240xf32, #tpu.memory_space<vmem_shared>> -> memref<1x640xf32, #tpu.memory_space<vmem_shared>>
      %dma_wait3A_98 = tpu.memref_squeeze %dma_wait3A_97 : memref<1x640xf32, #tpu.memory_space<vmem_shared>> -> memref<640xf32, #tpu.memory_space<vmem_shared>>
      tpu.wait_dma2 semaphore(%run_scoped3A_80 : memref<!tpu.dma_semaphore, #tpu.memory_space<semaphore_mem>>) src(%dma_wait3A_98 : memref<640xf32, #tpu.memory_space<vmem_shared>>) dst(%dma_wait3A_96 : memref<640xf32, #tpu.memory_space<vmem>>)
      tpu.yield
    }) : () -> ()
    %mul3A_25 = arith.constant 640 : i32
    %mul3A_26 = arith.muli %arg1, %mul3A_25 : i32
    %run_scoped3A_27 = arith.constant 5 : i32
    %run_scoped3A_28 = arith.constant 5 : i32
    "tpu.region"() ({
      %run_scoped3A_80 = tpu.sem_alloc : memref<!tpu.dma_semaphore, #tpu.memory_space<semaphore_mem>>
      %dma_start3A = arith.constant 0 : i32
      %dma_start3A_81 = tpu.memref_slice %arg7[%run_scoped3A_28, %dma_start3A] : memref<16x640xf32, #tpu.memory_space<vmem>> -> memref<1x640xf32, #tpu.memory_space<vmem>>
      %dma_start3A_82 = tpu.memref_squeeze %dma_start3A_81 : memref<1x640xf32, #tpu.memory_space<vmem>> -> memref<640xf32, #tpu.memory_space<vmem>>
      %dma_start3A_83 = tpu.memref_slice %arg9[%run_scoped3A_27, %mul3A_26] : memref<16x10240xf32, #tpu.memory_space<vmem_shared>> -> memref<1x640xf32, #tpu.memory_space<vmem_shared>>
      %dma_start3A_84 = tpu.memref_squeeze %dma_start3A_83 : memref<1x640xf32, #tpu.memory_space<vmem_shared>> -> memref<640xf32, #tpu.memory_space<vmem_shared>>
      %dma_start3A_85 = arith.constant 0 : i32
      %dma_start3A_86 = tpu.memref_slice %arg7[%run_scoped3A_28, %dma_start3A_85] : memref<16x640xf32, #tpu.memory_space<vmem>> -> memref<1x640xf32, #tpu.memory_space<vmem>>
      %dma_start3A_87 = tpu.memref_squeeze %dma_start3A_86 : memref<1x640xf32, #tpu.memory_space<vmem>> -> memref<640xf32, #tpu.memory_space<vmem>>
      %dma_start3A_88 = tpu.memref_slice %arg9[%run_scoped3A_27, %mul3A_26] : memref<16x10240xf32, #tpu.memory_space<vmem_shared>> -> memref<1x640xf32, #tpu.memory_space<vmem_shared>>
      %dma_start3A_89 = tpu.memref_squeeze %dma_start3A_88 : memref<1x640xf32, #tpu.memory_space<vmem_shared>> -> memref<640xf32, #tpu.memory_space<vmem_shared>>
      tpu.enqueue_dma source(%dma_start3A_89 : memref<640xf32, #tpu.memory_space<vmem_shared>>) target(%dma_start3A_87 : memref<640xf32, #tpu.memory_space<vmem>>) target_semaphore(%run_scoped3A_80 : memref<!tpu.dma_semaphore, #tpu.memory_space<semaphore_mem>>)
      %dma_wait3A = arith.constant 0 : i32
      %dma_wait3A_90 = tpu.memref_slice %arg7[%run_scoped3A_28, %dma_wait3A] : memref<16x640xf32, #tpu.memory_space<vmem>> -> memref<1x640xf32, #tpu.memory_space<vmem>>
      %dma_wait3A_91 = tpu.memref_squeeze %dma_wait3A_90 : memref<1x640xf32, #tpu.memory_space<vmem>> -> memref<640xf32, #tpu.memory_space<vmem>>
      %dma_wait3A_92 = tpu.memref_slice %arg9[%run_scoped3A_27, %mul3A_26] : memref<16x10240xf32, #tpu.memory_space<vmem_shared>> -> memref<1x640xf32, #tpu.memory_space<vmem_shared>>
      %dma_wait3A_93 = tpu.memref_squeeze %dma_wait3A_92 : memref<1x640xf32, #tpu.memory_space<vmem_shared>> -> memref<640xf32, #tpu.memory_space<vmem_shared>>
      %dma_wait3A_94 = arith.constant 0 : i32
      %dma_wait3A_95 = tpu.memref_slice %arg7[%run_scoped3A_28, %dma_wait3A_94] : memref<16x640xf32, #tpu.memory_space<vmem>> -> memref<1x640xf32, #tpu.memory_space<vmem>>
      %dma_wait3A_96 = tpu.memref_squeeze %dma_wait3A_95 : memref<1x640xf32, #tpu.memory_space<vmem>> -> memref<640xf32, #tpu.memory_space<vmem>>
      %dma_wait3A_97 = tpu.memref_slice %arg9[%run_scoped3A_27, %mul3A_26] : memref<16x10240xf32, #tpu.memory_space<vmem_shared>> -> memref<1x640xf32, #tpu.memory_space<vmem_shared>>
      %dma_wait3A_98 = tpu.memref_squeeze %dma_wait3A_97 : memref<1x640xf32, #tpu.memory_space<vmem_shared>> -> memref<640xf32, #tpu.memory_space<vmem_shared>>
      tpu.wait_dma2 semaphore(%run_scoped3A_80 : memref<!tpu.dma_semaphore, #tpu.memory_space<semaphore_mem>>) src(%dma_wait3A_98 : memref<640xf32, #tpu.memory_space<vmem_shared>>) dst(%dma_wait3A_96 : memref<640xf32, #tpu.memory_space<vmem>>)
      tpu.yield
    }) : () -> ()
    %mul3A_29 = arith.constant 640 : i32
    %mul3A_30 = arith.muli %arg1, %mul3A_29 : i32
    %run_scoped3A_31 = arith.constant 6 : i32
    %run_scoped3A_32 = arith.constant 6 : i32
    "tpu.region"() ({
      %run_scoped3A_80 = tpu.sem_alloc : memref<!tpu.dma_semaphore, #tpu.memory_space<semaphore_mem>>
      %dma_start3A = arith.constant 0 : i32
      %dma_start3A_81 = tpu.memref_slice %arg7[%run_scoped3A_32, %dma_start3A] : memref<16x640xf32, #tpu.memory_space<vmem>> -> memref<1x640xf32, #tpu.memory_space<vmem>>
      %dma_start3A_82 = tpu.memref_squeeze %dma_start3A_81 : memref<1x640xf32, #tpu.memory_space<vmem>> -> memref<640xf32, #tpu.memory_space<vmem>>
      %dma_start3A_83 = tpu.memref_slice %arg9[%run_scoped3A_31, %mul3A_30] : memref<16x10240xf32, #tpu.memory_space<vmem_shared>> -> memref<1x640xf32, #tpu.memory_space<vmem_shared>>
      %dma_start3A_84 = tpu.memref_squeeze %dma_start3A_83 : memref<1x640xf32, #tpu.memory_space<vmem_shared>> -> memref<640xf32, #tpu.memory_space<vmem_shared>>
      %dma_start3A_85 = arith.constant 0 : i32
      %dma_start3A_86 = tpu.memref_slice %arg7[%run_scoped3A_32, %dma_start3A_85] : memref<16x640xf32, #tpu.memory_space<vmem>> -> memref<1x640xf32, #tpu.memory_space<vmem>>
      %dma_start3A_87 = tpu.memref_squeeze %dma_start3A_86 : memref<1x640xf32, #tpu.memory_space<vmem>> -> memref<640xf32, #tpu.memory_space<vmem>>
      %dma_start3A_88 = tpu.memref_slice %arg9[%run_scoped3A_31, %mul3A_30] : memref<16x10240xf32, #tpu.memory_space<vmem_shared>> -> memref<1x640xf32, #tpu.memory_space<vmem_shared>>
      %dma_start3A_89 = tpu.memref_squeeze %dma_start3A_88 : memref<1x640xf32, #tpu.memory_space<vmem_shared>> -> memref<640xf32, #tpu.memory_space<vmem_shared>>
      tpu.enqueue_dma source(%dma_start3A_89 : memref<640xf32, #tpu.memory_space<vmem_shared>>) target(%dma_start3A_87 : memref<640xf32, #tpu.memory_space<vmem>>) target_semaphore(%run_scoped3A_80 : memref<!tpu.dma_semaphore, #tpu.memory_space<semaphore_mem>>)
      %dma_wait3A = arith.constant 0 : i32
      %dma_wait3A_90 = tpu.memref_slice %arg7[%run_scoped3A_32, %dma_wait3A] : memref<16x640xf32, #tpu.memory_space<vmem>> -> memref<1x640xf32, #tpu.memory_space<vmem>>
      %dma_wait3A_91 = tpu.memref_squeeze %dma_wait3A_90 : memref<1x640xf32, #tpu.memory_space<vmem>> -> memref<640xf32, #tpu.memory_space<vmem>>
      %dma_wait3A_92 = tpu.memref_slice %arg9[%run_scoped3A_31, %mul3A_30] : memref<16x10240xf32, #tpu.memory_space<vmem_shared>> -> memref<1x640xf32, #tpu.memory_space<vmem_shared>>
      %dma_wait3A_93 = tpu.memref_squeeze %dma_wait3A_92 : memref<1x640xf32, #tpu.memory_space<vmem_shared>> -> memref<640xf32, #tpu.memory_space<vmem_shared>>
      %dma_wait3A_94 = arith.constant 0 : i32
      %dma_wait3A_95 = tpu.memref_slice %arg7[%run_scoped3A_32, %dma_wait3A_94] : memref<16x640xf32, #tpu.memory_space<vmem>> -> memref<1x640xf32, #tpu.memory_space<vmem>>
      %dma_wait3A_96 = tpu.memref_squeeze %dma_wait3A_95 : memref<1x640xf32, #tpu.memory_space<vmem>> -> memref<640xf32, #tpu.memory_space<vmem>>
      %dma_wait3A_97 = tpu.memref_slice %arg9[%run_scoped3A_31, %mul3A_30] : memref<16x10240xf32, #tpu.memory_space<vmem_shared>> -> memref<1x640xf32, #tpu.memory_space<vmem_shared>>
      %dma_wait3A_98 = tpu.memref_squeeze %dma_wait3A_97 : memref<1x640xf32, #tpu.memory_space<vmem_shared>> -> memref<640xf32, #tpu.memory_space<vmem_shared>>
      tpu.wait_dma2 semaphore(%run_scoped3A_80 : memref<!tpu.dma_semaphore, #tpu.memory_space<semaphore_mem>>) src(%dma_wait3A_98 : memref<640xf32, #tpu.memory_space<vmem_shared>>) dst(%dma_wait3A_96 : memref<640xf32, #tpu.memory_space<vmem>>)
      tpu.yield
    }) : () -> ()
    %mul3A_33 = arith.constant 640 : i32
    %mul3A_34 = arith.muli %arg1, %mul3A_33 : i32
    %run_scoped3A_35 = arith.constant 7 : i32
    %run_scoped3A_36 = arith.constant 7 : i32
    "tpu.region"() ({
      %run_scoped3A_80 = tpu.sem_alloc : memref<!tpu.dma_semaphore, #tpu.memory_space<semaphore_mem>>
      %dma_start3A = arith.constant 0 : i32
      %dma_start3A_81 = tpu.memref_slice %arg7[%run_scoped3A_36, %dma_start3A] : memref<16x640xf32, #tpu.memory_space<vmem>> -> memref<1x640xf32, #tpu.memory_space<vmem>>
      %dma_start3A_82 = tpu.memref_squeeze %dma_start3A_81 : memref<1x640xf32, #tpu.memory_space<vmem>> -> memref<640xf32, #tpu.memory_space<vmem>>
      %dma_start3A_83 = tpu.memref_slice %arg9[%run_scoped3A_35, %mul3A_34] : memref<16x10240xf32, #tpu.memory_space<vmem_shared>> -> memref<1x640xf32, #tpu.memory_space<vmem_shared>>
      %dma_start3A_84 = tpu.memref_squeeze %dma_start3A_83 : memref<1x640xf32, #tpu.memory_space<vmem_shared>> -> memref<640xf32, #tpu.memory_space<vmem_shared>>
      %dma_start3A_85 = arith.constant 0 : i32
      %dma_start3A_86 = tpu.memref_slice %arg7[%run_scoped3A_36, %dma_start3A_85] : memref<16x640xf32, #tpu.memory_space<vmem>> -> memref<1x640xf32, #tpu.memory_space<vmem>>
      %dma_start3A_87 = tpu.memref_squeeze %dma_start3A_86 : memref<1x640xf32, #tpu.memory_space<vmem>> -> memref<640xf32, #tpu.memory_space<vmem>>
      %dma_start3A_88 = tpu.memref_slice %arg9[%run_scoped3A_35, %mul3A_34] : memref<16x10240xf32, #tpu.memory_space<vmem_shared>> -> memref<1x640xf32, #tpu.memory_space<vmem_shared>>
      %dma_start3A_89 = tpu.memref_squeeze %dma_start3A_88 : memref<1x640xf32, #tpu.memory_space<vmem_shared>> -> memref<640xf32, #tpu.memory_space<vmem_shared>>
      tpu.enqueue_dma source(%dma_start3A_89 : memref<640xf32, #tpu.memory_space<vmem_shared>>) target(%dma_start3A_87 : memref<640xf32, #tpu.memory_space<vmem>>) target_semaphore(%run_scoped3A_80 : memref<!tpu.dma_semaphore, #tpu.memory_space<semaphore_mem>>)
      %dma_wait3A = arith.constant 0 : i32
      %dma_wait3A_90 = tpu.memref_slice %arg7[%run_scoped3A_36, %dma_wait3A] : memref<16x640xf32, #tpu.memory_space<vmem>> -> memref<1x640xf32, #tpu.memory_space<vmem>>
      %dma_wait3A_91 = tpu.memref_squeeze %dma_wait3A_90 : memref<1x640xf32, #tpu.memory_space<vmem>> -> memref<640xf32, #tpu.memory_space<vmem>>
      %dma_wait3A_92 = tpu.memref_slice %arg9[%run_scoped3A_35, %mul3A_34] : memref<16x10240xf32, #tpu.memory_space<vmem_shared>> -> memref<1x640xf32, #tpu.memory_space<vmem_shared>>
      %dma_wait3A_93 = tpu.memref_squeeze %dma_wait3A_92 : memref<1x640xf32, #tpu.memory_space<vmem_shared>> -> memref<640xf32, #tpu.memory_space<vmem_shared>>
      %dma_wait3A_94 = arith.constant 0 : i32
      %dma_wait3A_95 = tpu.memref_slice %arg7[%run_scoped3A_36, %dma_wait3A_94] : memref<16x640xf32, #tpu.memory_space<vmem>> -> memref<1x640xf32, #tpu.memory_space<vmem>>
      %dma_wait3A_96 = tpu.memref_squeeze %dma_wait3A_95 : memref<1x640xf32, #tpu.memory_space<vmem>> -> memref<640xf32, #tpu.memory_space<vmem>>
      %dma_wait3A_97 = tpu.memref_slice %arg9[%run_scoped3A_35, %mul3A_34] : memref<16x10240xf32, #tpu.memory_space<vmem_shared>> -> memref<1x640xf32, #tpu.memory_space<vmem_shared>>
      %dma_wait3A_98 = tpu.memref_squeeze %dma_wait3A_97 : memref<1x640xf32, #tpu.memory_space<vmem_shared>> -> memref<640xf32, #tpu.memory_space<vmem_shared>>
      tpu.wait_dma2 semaphore(%run_scoped3A_80 : memref<!tpu.dma_semaphore, #tpu.memory_space<semaphore_mem>>) src(%dma_wait3A_98 : memref<640xf32, #tpu.memory_space<vmem_shared>>) dst(%dma_wait3A_96 : memref<640xf32, #tpu.memory_space<vmem>>)
      tpu.yield
    }) : () -> ()
    %mul3A_37 = arith.constant 640 : i32
    %mul3A_38 = arith.muli %arg1, %mul3A_37 : i32
    %run_scoped3A_39 = arith.constant 8 : i32
    %run_scoped3A_40 = arith.constant 8 : i32
    "tpu.region"() ({
      %run_scoped3A_80 = tpu.sem_alloc : memref<!tpu.dma_semaphore, #tpu.memory_space<semaphore_mem>>
      %dma_start3A = arith.constant 0 : i32
      %dma_start3A_81 = tpu.memref_slice %arg7[%run_scoped3A_40, %dma_start3A] : memref<16x640xf32, #tpu.memory_space<vmem>> -> memref<1x640xf32, #tpu.memory_space<vmem>>
      %dma_start3A_82 = tpu.memref_squeeze %dma_start3A_81 : memref<1x640xf32, #tpu.memory_space<vmem>> -> memref<640xf32, #tpu.memory_space<vmem>>
      %dma_start3A_83 = tpu.memref_slice %arg9[%run_scoped3A_39, %mul3A_38] : memref<16x10240xf32, #tpu.memory_space<vmem_shared>> -> memref<1x640xf32, #tpu.memory_space<vmem_shared>>
      %dma_start3A_84 = tpu.memref_squeeze %dma_start3A_83 : memref<1x640xf32, #tpu.memory_space<vmem_shared>> -> memref<640xf32, #tpu.memory_space<vmem_shared>>
      %dma_start3A_85 = arith.constant 0 : i32
      %dma_start3A_86 = tpu.memref_slice %arg7[%run_scoped3A_40, %dma_start3A_85] : memref<16x640xf32, #tpu.memory_space<vmem>> -> memref<1x640xf32, #tpu.memory_space<vmem>>
      %dma_start3A_87 = tpu.memref_squeeze %dma_start3A_86 : memref<1x640xf32, #tpu.memory_space<vmem>> -> memref<640xf32, #tpu.memory_space<vmem>>
      %dma_start3A_88 = tpu.memref_slice %arg9[%run_scoped3A_39, %mul3A_38] : memref<16x10240xf32, #tpu.memory_space<vmem_shared>> -> memref<1x640xf32, #tpu.memory_space<vmem_shared>>
      %dma_start3A_89 = tpu.memref_squeeze %dma_start3A_88 : memref<1x640xf32, #tpu.memory_space<vmem_shared>> -> memref<640xf32, #tpu.memory_space<vmem_shared>>
      tpu.enqueue_dma source(%dma_start3A_89 : memref<640xf32, #tpu.memory_space<vmem_shared>>) target(%dma_start3A_87 : memref<640xf32, #tpu.memory_space<vmem>>) target_semaphore(%run_scoped3A_80 : memref<!tpu.dma_semaphore, #tpu.memory_space<semaphore_mem>>)
      %dma_wait3A = arith.constant 0 : i32
      %dma_wait3A_90 = tpu.memref_slice %arg7[%run_scoped3A_40, %dma_wait3A] : memref<16x640xf32, #tpu.memory_space<vmem>> -> memref<1x640xf32, #tpu.memory_space<vmem>>
      %dma_wait3A_91 = tpu.memref_squeeze %dma_wait3A_90 : memref<1x640xf32, #tpu.memory_space<vmem>> -> memref<640xf32, #tpu.memory_space<vmem>>
      %dma_wait3A_92 = tpu.memref_slice %arg9[%run_scoped3A_39, %mul3A_38] : memref<16x10240xf32, #tpu.memory_space<vmem_shared>> -> memref<1x640xf32, #tpu.memory_space<vmem_shared>>
      %dma_wait3A_93 = tpu.memref_squeeze %dma_wait3A_92 : memref<1x640xf32, #tpu.memory_space<vmem_shared>> -> memref<640xf32, #tpu.memory_space<vmem_shared>>
      %dma_wait3A_94 = arith.constant 0 : i32
      %dma_wait3A_95 = tpu.memref_slice %arg7[%run_scoped3A_40, %dma_wait3A_94] : memref<16x640xf32, #tpu.memory_space<vmem>> -> memref<1x640xf32, #tpu.memory_space<vmem>>
      %dma_wait3A_96 = tpu.memref_squeeze %dma_wait3A_95 : memref<1x640xf32, #tpu.memory_space<vmem>> -> memref<640xf32, #tpu.memory_space<vmem>>
      %dma_wait3A_97 = tpu.memref_slice %arg9[%run_scoped3A_39, %mul3A_38] : memref<16x10240xf32, #tpu.memory_space<vmem_shared>> -> memref<1x640xf32, #tpu.memory_space<vmem_shared>>
      %dma_wait3A_98 = tpu.memref_squeeze %dma_wait3A_97 : memref<1x640xf32, #tpu.memory_space<vmem_shared>> -> memref<640xf32, #tpu.memory_space<vmem_shared>>
      tpu.wait_dma2 semaphore(%run_scoped3A_80 : memref<!tpu.dma_semaphore, #tpu.memory_space<semaphore_mem>>) src(%dma_wait3A_98 : memref<640xf32, #tpu.memory_space<vmem_shared>>) dst(%dma_wait3A_96 : memref<640xf32, #tpu.memory_space<vmem>>)
      tpu.yield
    }) : () -> ()
    %mul3A_41 = arith.constant 640 : i32
    %mul3A_42 = arith.muli %arg1, %mul3A_41 : i32
    %run_scoped3A_43 = arith.constant 9 : i32
    %run_scoped3A_44 = arith.constant 9 : i32
    "tpu.region"() ({
      %run_scoped3A_80 = tpu.sem_alloc : memref<!tpu.dma_semaphore, #tpu.memory_space<semaphore_mem>>
      %dma_start3A = arith.constant 0 : i32
      %dma_start3A_81 = tpu.memref_slice %arg7[%run_scoped3A_44, %dma_start3A] : memref<16x640xf32, #tpu.memory_space<vmem>> -> memref<1x640xf32, #tpu.memory_space<vmem>>
      %dma_start3A_82 = tpu.memref_squeeze %dma_start3A_81 : memref<1x640xf32, #tpu.memory_space<vmem>> -> memref<640xf32, #tpu.memory_space<vmem>>
      %dma_start3A_83 = tpu.memref_slice %arg9[%run_scoped3A_43, %mul3A_42] : memref<16x10240xf32, #tpu.memory_space<vmem_shared>> -> memref<1x640xf32, #tpu.memory_space<vmem_shared>>
      %dma_start3A_84 = tpu.memref_squeeze %dma_start3A_83 : memref<1x640xf32, #tpu.memory_space<vmem_shared>> -> memref<640xf32, #tpu.memory_space<vmem_shared>>
      %dma_start3A_85 = arith.constant 0 : i32
      %dma_start3A_86 = tpu.memref_slice %arg7[%run_scoped3A_44, %dma_start3A_85] : memref<16x640xf32, #tpu.memory_space<vmem>> -> memref<1x640xf32, #tpu.memory_space<vmem>>
      %dma_start3A_87 = tpu.memref_squeeze %dma_start3A_86 : memref<1x640xf32, #tpu.memory_space<vmem>> -> memref<640xf32, #tpu.memory_space<vmem>>
      %dma_start3A_88 = tpu.memref_slice %arg9[%run_scoped3A_43, %mul3A_42] : memref<16x10240xf32, #tpu.memory_space<vmem_shared>> -> memref<1x640xf32, #tpu.memory_space<vmem_shared>>
      %dma_start3A_89 = tpu.memref_squeeze %dma_start3A_88 : memref<1x640xf32, #tpu.memory_space<vmem_shared>> -> memref<640xf32, #tpu.memory_space<vmem_shared>>
      tpu.enqueue_dma source(%dma_start3A_89 : memref<640xf32, #tpu.memory_space<vmem_shared>>) target(%dma_start3A_87 : memref<640xf32, #tpu.memory_space<vmem>>) target_semaphore(%run_scoped3A_80 : memref<!tpu.dma_semaphore, #tpu.memory_space<semaphore_mem>>)
      %dma_wait3A = arith.constant 0 : i32
      %dma_wait3A_90 = tpu.memref_slice %arg7[%run_scoped3A_44, %dma_wait3A] : memref<16x640xf32, #tpu.memory_space<vmem>> -> memref<1x640xf32, #tpu.memory_space<vmem>>
      %dma_wait3A_91 = tpu.memref_squeeze %dma_wait3A_90 : memref<1x640xf32, #tpu.memory_space<vmem>> -> memref<640xf32, #tpu.memory_space<vmem>>
      %dma_wait3A_92 = tpu.memref_slice %arg9[%run_scoped3A_43, %mul3A_42] : memref<16x10240xf32, #tpu.memory_space<vmem_shared>> -> memref<1x640xf32, #tpu.memory_space<vmem_shared>>
      %dma_wait3A_93 = tpu.memref_squeeze %dma_wait3A_92 : memref<1x640xf32, #tpu.memory_space<vmem_shared>> -> memref<640xf32, #tpu.memory_space<vmem_shared>>
      %dma_wait3A_94 = arith.constant 0 : i32
      %dma_wait3A_95 = tpu.memref_slice %arg7[%run_scoped3A_44, %dma_wait3A_94] : memref<16x640xf32, #tpu.memory_space<vmem>> -> memref<1x640xf32, #tpu.memory_space<vmem>>
      %dma_wait3A_96 = tpu.memref_squeeze %dma_wait3A_95 : memref<1x640xf32, #tpu.memory_space<vmem>> -> memref<640xf32, #tpu.memory_space<vmem>>
      %dma_wait3A_97 = tpu.memref_slice %arg9[%run_scoped3A_43, %mul3A_42] : memref<16x10240xf32, #tpu.memory_space<vmem_shared>> -> memref<1x640xf32, #tpu.memory_space<vmem_shared>>
      %dma_wait3A_98 = tpu.memref_squeeze %dma_wait3A_97 : memref<1x640xf32, #tpu.memory_space<vmem_shared>> -> memref<640xf32, #tpu.memory_space<vmem_shared>>
      tpu.wait_dma2 semaphore(%run_scoped3A_80 : memref<!tpu.dma_semaphore, #tpu.memory_space<semaphore_mem>>) src(%dma_wait3A_98 : memref<640xf32, #tpu.memory_space<vmem_shared>>) dst(%dma_wait3A_96 : memref<640xf32, #tpu.memory_space<vmem>>)
      tpu.yield
    }) : () -> ()
    %mul3A_45 = arith.constant 640 : i32
    %mul3A_46 = arith.muli %arg1, %mul3A_45 : i32
    %run_scoped3A_47 = arith.constant 10 : i32
    %run_scoped3A_48 = arith.constant 10 : i32
    "tpu.region"() ({
      %run_scoped3A_80 = tpu.sem_alloc : memref<!tpu.dma_semaphore, #tpu.memory_space<semaphore_mem>>
      %dma_start3A = arith.constant 0 : i32
      %dma_start3A_81 = tpu.memref_slice %arg7[%run_scoped3A_48, %dma_start3A] : memref<16x640xf32, #tpu.memory_space<vmem>> -> memref<1x640xf32, #tpu.memory_space<vmem>>
      %dma_start3A_82 = tpu.memref_squeeze %dma_start3A_81 : memref<1x640xf32, #tpu.memory_space<vmem>> -> memref<640xf32, #tpu.memory_space<vmem>>
      %dma_start3A_83 = tpu.memref_slice %arg9[%run_scoped3A_47, %mul3A_46] : memref<16x10240xf32, #tpu.memory_space<vmem_shared>> -> memref<1x640xf32, #tpu.memory_space<vmem_shared>>
      %dma_start3A_84 = tpu.memref_squeeze %dma_start3A_83 : memref<1x640xf32, #tpu.memory_space<vmem_shared>> -> memref<640xf32, #tpu.memory_space<vmem_shared>>
      %dma_start3A_85 = arith.constant 0 : i32
      %dma_start3A_86 = tpu.memref_slice %arg7[%run_scoped3A_48, %dma_start3A_85] : memref<16x640xf32, #tpu.memory_space<vmem>> -> memref<1x640xf32, #tpu.memory_space<vmem>>
      %dma_start3A_87 = tpu.memref_squeeze %dma_start3A_86 : memref<1x640xf32, #tpu.memory_space<vmem>> -> memref<640xf32, #tpu.memory_space<vmem>>
      %dma_start3A_88 = tpu.memref_slice %arg9[%run_scoped3A_47, %mul3A_46] : memref<16x10240xf32, #tpu.memory_space<vmem_shared>> -> memref<1x640xf32, #tpu.memory_space<vmem_shared>>
      %dma_start3A_89 = tpu.memref_squeeze %dma_start3A_88 : memref<1x640xf32, #tpu.memory_space<vmem_shared>> -> memref<640xf32, #tpu.memory_space<vmem_shared>>
      tpu.enqueue_dma source(%dma_start3A_89 : memref<640xf32, #tpu.memory_space<vmem_shared>>) target(%dma_start3A_87 : memref<640xf32, #tpu.memory_space<vmem>>) target_semaphore(%run_scoped3A_80 : memref<!tpu.dma_semaphore, #tpu.memory_space<semaphore_mem>>)
      %dma_wait3A = arith.constant 0 : i32
      %dma_wait3A_90 = tpu.memref_slice %arg7[%run_scoped3A_48, %dma_wait3A] : memref<16x640xf32, #tpu.memory_space<vmem>> -> memref<1x640xf32, #tpu.memory_space<vmem>>
      %dma_wait3A_91 = tpu.memref_squeeze %dma_wait3A_90 : memref<1x640xf32, #tpu.memory_space<vmem>> -> memref<640xf32, #tpu.memory_space<vmem>>
      %dma_wait3A_92 = tpu.memref_slice %arg9[%run_scoped3A_47, %mul3A_46] : memref<16x10240xf32, #tpu.memory_space<vmem_shared>> -> memref<1x640xf32, #tpu.memory_space<vmem_shared>>
      %dma_wait3A_93 = tpu.memref_squeeze %dma_wait3A_92 : memref<1x640xf32, #tpu.memory_space<vmem_shared>> -> memref<640xf32, #tpu.memory_space<vmem_shared>>
      %dma_wait3A_94 = arith.constant 0 : i32
      %dma_wait3A_95 = tpu.memref_slice %arg7[%run_scoped3A_48, %dma_wait3A_94] : memref<16x640xf32, #tpu.memory_space<vmem>> -> memref<1x640xf32, #tpu.memory_space<vmem>>
      %dma_wait3A_96 = tpu.memref_squeeze %dma_wait3A_95 : memref<1x640xf32, #tpu.memory_space<vmem>> -> memref<640xf32, #tpu.memory_space<vmem>>
      %dma_wait3A_97 = tpu.memref_slice %arg9[%run_scoped3A_47, %mul3A_46] : memref<16x10240xf32, #tpu.memory_space<vmem_shared>> -> memref<1x640xf32, #tpu.memory_space<vmem_shared>>
      %dma_wait3A_98 = tpu.memref_squeeze %dma_wait3A_97 : memref<1x640xf32, #tpu.memory_space<vmem_shared>> -> memref<640xf32, #tpu.memory_space<vmem_shared>>
      tpu.wait_dma2 semaphore(%run_scoped3A_80 : memref<!tpu.dma_semaphore, #tpu.memory_space<semaphore_mem>>) src(%dma_wait3A_98 : memref<640xf32, #tpu.memory_space<vmem_shared>>) dst(%dma_wait3A_96 : memref<640xf32, #tpu.memory_space<vmem>>)
      tpu.yield
    }) : () -> ()
    %mul3A_49 = arith.constant 640 : i32
    %mul3A_50 = arith.muli %arg1, %mul3A_49 : i32
    %run_scoped3A_51 = arith.constant 11 : i32
    %run_scoped3A_52 = arith.constant 11 : i32
    "tpu.region"() ({
      %run_scoped3A_80 = tpu.sem_alloc : memref<!tpu.dma_semaphore, #tpu.memory_space<semaphore_mem>>
      %dma_start3A = arith.constant 0 : i32
      %dma_start3A_81 = tpu.memref_slice %arg7[%run_scoped3A_52, %dma_start3A] : memref<16x640xf32, #tpu.memory_space<vmem>> -> memref<1x640xf32, #tpu.memory_space<vmem>>
      %dma_start3A_82 = tpu.memref_squeeze %dma_start3A_81 : memref<1x640xf32, #tpu.memory_space<vmem>> -> memref<640xf32, #tpu.memory_space<vmem>>
      %dma_start3A_83 = tpu.memref_slice %arg9[%run_scoped3A_51, %mul3A_50] : memref<16x10240xf32, #tpu.memory_space<vmem_shared>> -> memref<1x640xf32, #tpu.memory_space<vmem_shared>>
      %dma_start3A_84 = tpu.memref_squeeze %dma_start3A_83 : memref<1x640xf32, #tpu.memory_space<vmem_shared>> -> memref<640xf32, #tpu.memory_space<vmem_shared>>
      %dma_start3A_85 = arith.constant 0 : i32
      %dma_start3A_86 = tpu.memref_slice %arg7[%run_scoped3A_52, %dma_start3A_85] : memref<16x640xf32, #tpu.memory_space<vmem>> -> memref<1x640xf32, #tpu.memory_space<vmem>>
      %dma_start3A_87 = tpu.memref_squeeze %dma_start3A_86 : memref<1x640xf32, #tpu.memory_space<vmem>> -> memref<640xf32, #tpu.memory_space<vmem>>
      %dma_start3A_88 = tpu.memref_slice %arg9[%run_scoped3A_51, %mul3A_50] : memref<16x10240xf32, #tpu.memory_space<vmem_shared>> -> memref<1x640xf32, #tpu.memory_space<vmem_shared>>
      %dma_start3A_89 = tpu.memref_squeeze %dma_start3A_88 : memref<1x640xf32, #tpu.memory_space<vmem_shared>> -> memref<640xf32, #tpu.memory_space<vmem_shared>>
      tpu.enqueue_dma source(%dma_start3A_89 : memref<640xf32, #tpu.memory_space<vmem_shared>>) target(%dma_start3A_87 : memref<640xf32, #tpu.memory_space<vmem>>) target_semaphore(%run_scoped3A_80 : memref<!tpu.dma_semaphore, #tpu.memory_space<semaphore_mem>>)
      %dma_wait3A = arith.constant 0 : i32
      %dma_wait3A_90 = tpu.memref_slice %arg7[%run_scoped3A_52, %dma_wait3A] : memref<16x640xf32, #tpu.memory_space<vmem>> -> memref<1x640xf32, #tpu.memory_space<vmem>>
      %dma_wait3A_91 = tpu.memref_squeeze %dma_wait3A_90 : memref<1x640xf32, #tpu.memory_space<vmem>> -> memref<640xf32, #tpu.memory_space<vmem>>
      %dma_wait3A_92 = tpu.memref_slice %arg9[%run_scoped3A_51, %mul3A_50] : memref<16x10240xf32, #tpu.memory_space<vmem_shared>> -> memref<1x640xf32, #tpu.memory_space<vmem_shared>>
      %dma_wait3A_93 = tpu.memref_squeeze %dma_wait3A_92 : memref<1x640xf32, #tpu.memory_space<vmem_shared>> -> memref<640xf32, #tpu.memory_space<vmem_shared>>
      %dma_wait3A_94 = arith.constant 0 : i32
      %dma_wait3A_95 = tpu.memref_slice %arg7[%run_scoped3A_52, %dma_wait3A_94] : memref<16x640xf32, #tpu.memory_space<vmem>> -> memref<1x640xf32, #tpu.memory_space<vmem>>
      %dma_wait3A_96 = tpu.memref_squeeze %dma_wait3A_95 : memref<1x640xf32, #tpu.memory_space<vmem>> -> memref<640xf32, #tpu.memory_space<vmem>>
      %dma_wait3A_97 = tpu.memref_slice %arg9[%run_scoped3A_51, %mul3A_50] : memref<16x10240xf32, #tpu.memory_space<vmem_shared>> -> memref<1x640xf32, #tpu.memory_space<vmem_shared>>
      %dma_wait3A_98 = tpu.memref_squeeze %dma_wait3A_97 : memref<1x640xf32, #tpu.memory_space<vmem_shared>> -> memref<640xf32, #tpu.memory_space<vmem_shared>>
      tpu.wait_dma2 semaphore(%run_scoped3A_80 : memref<!tpu.dma_semaphore, #tpu.memory_space<semaphore_mem>>) src(%dma_wait3A_98 : memref<640xf32, #tpu.memory_space<vmem_shared>>) dst(%dma_wait3A_96 : memref<640xf32, #tpu.memory_space<vmem>>)
      tpu.yield
    }) : () -> ()
    %mul3A_53 = arith.constant 640 : i32
    %mul3A_54 = arith.muli %arg1, %mul3A_53 : i32
    %run_scoped3A_55 = arith.constant 12 : i32
    %run_scoped3A_56 = arith.constant 12 : i32
    "tpu.region"() ({
      %run_scoped3A_80 = tpu.sem_alloc : memref<!tpu.dma_semaphore, #tpu.memory_space<semaphore_mem>>
      %dma_start3A = arith.constant 0 : i32
      %dma_start3A_81 = tpu.memref_slice %arg7[%run_scoped3A_56, %dma_start3A] : memref<16x640xf32, #tpu.memory_space<vmem>> -> memref<1x640xf32, #tpu.memory_space<vmem>>
      %dma_start3A_82 = tpu.memref_squeeze %dma_start3A_81 : memref<1x640xf32, #tpu.memory_space<vmem>> -> memref<640xf32, #tpu.memory_space<vmem>>
      %dma_start3A_83 = tpu.memref_slice %arg9[%run_scoped3A_55, %mul3A_54] : memref<16x10240xf32, #tpu.memory_space<vmem_shared>> -> memref<1x640xf32, #tpu.memory_space<vmem_shared>>
      %dma_start3A_84 = tpu.memref_squeeze %dma_start3A_83 : memref<1x640xf32, #tpu.memory_space<vmem_shared>> -> memref<640xf32, #tpu.memory_space<vmem_shared>>
      %dma_start3A_85 = arith.constant 0 : i32
      %dma_start3A_86 = tpu.memref_slice %arg7[%run_scoped3A_56, %dma_start3A_85] : memref<16x640xf32, #tpu.memory_space<vmem>> -> memref<1x640xf32, #tpu.memory_space<vmem>>
      %dma_start3A_87 = tpu.memref_squeeze %dma_start3A_86 : memref<1x640xf32, #tpu.memory_space<vmem>> -> memref<640xf32, #tpu.memory_space<vmem>>
      %dma_start3A_88 = tpu.memref_slice %arg9[%run_scoped3A_55, %mul3A_54] : memref<16x10240xf32, #tpu.memory_space<vmem_shared>> -> memref<1x640xf32, #tpu.memory_space<vmem_shared>>
      %dma_start3A_89 = tpu.memref_squeeze %dma_start3A_88 : memref<1x640xf32, #tpu.memory_space<vmem_shared>> -> memref<640xf32, #tpu.memory_space<vmem_shared>>
      tpu.enqueue_dma source(%dma_start3A_89 : memref<640xf32, #tpu.memory_space<vmem_shared>>) target(%dma_start3A_87 : memref<640xf32, #tpu.memory_space<vmem>>) target_semaphore(%run_scoped3A_80 : memref<!tpu.dma_semaphore, #tpu.memory_space<semaphore_mem>>)
      %dma_wait3A = arith.constant 0 : i32
      %dma_wait3A_90 = tpu.memref_slice %arg7[%run_scoped3A_56, %dma_wait3A] : memref<16x640xf32, #tpu.memory_space<vmem>> -> memref<1x640xf32, #tpu.memory_space<vmem>>
      %dma_wait3A_91 = tpu.memref_squeeze %dma_wait3A_90 : memref<1x640xf32, #tpu.memory_space<vmem>> -> memref<640xf32, #tpu.memory_space<vmem>>
      %dma_wait3A_92 = tpu.memref_slice %arg9[%run_scoped3A_55, %mul3A_54] : memref<16x10240xf32, #tpu.memory_space<vmem_shared>> -> memref<1x640xf32, #tpu.memory_space<vmem_shared>>
      %dma_wait3A_93 = tpu.memref_squeeze %dma_wait3A_92 : memref<1x640xf32, #tpu.memory_space<vmem_shared>> -> memref<640xf32, #tpu.memory_space<vmem_shared>>
      %dma_wait3A_94 = arith.constant 0 : i32
      %dma_wait3A_95 = tpu.memref_slice %arg7[%run_scoped3A_56, %dma_wait3A_94] : memref<16x640xf32, #tpu.memory_space<vmem>> -> memref<1x640xf32, #tpu.memory_space<vmem>>
      %dma_wait3A_96 = tpu.memref_squeeze %dma_wait3A_95 : memref<1x640xf32, #tpu.memory_space<vmem>> -> memref<640xf32, #tpu.memory_space<vmem>>
      %dma_wait3A_97 = tpu.memref_slice %arg9[%run_scoped3A_55, %mul3A_54] : memref<16x10240xf32, #tpu.memory_space<vmem_shared>> -> memref<1x640xf32, #tpu.memory_space<vmem_shared>>
      %dma_wait3A_98 = tpu.memref_squeeze %dma_wait3A_97 : memref<1x640xf32, #tpu.memory_space<vmem_shared>> -> memref<640xf32, #tpu.memory_space<vmem_shared>>
      tpu.wait_dma2 semaphore(%run_scoped3A_80 : memref<!tpu.dma_semaphore, #tpu.memory_space<semaphore_mem>>) src(%dma_wait3A_98 : memref<640xf32, #tpu.memory_space<vmem_shared>>) dst(%dma_wait3A_96 : memref<640xf32, #tpu.memory_space<vmem>>)
      tpu.yield
    }) : () -> ()
    %mul3A_57 = arith.constant 640 : i32
    %mul3A_58 = arith.muli %arg1, %mul3A_57 : i32
    %run_scoped3A_59 = arith.constant 13 : i32
    %run_scoped3A_60 = arith.constant 13 : i32
    "tpu.region"() ({
      %run_scoped3A_80 = tpu.sem_alloc : memref<!tpu.dma_semaphore, #tpu.memory_space<semaphore_mem>>
      %dma_start3A = arith.constant 0 : i32
      %dma_start3A_81 = tpu.memref_slice %arg7[%run_scoped3A_60, %dma_start3A] : memref<16x640xf32, #tpu.memory_space<vmem>> -> memref<1x640xf32, #tpu.memory_space<vmem>>
      %dma_start3A_82 = tpu.memref_squeeze %dma_start3A_81 : memref<1x640xf32, #tpu.memory_space<vmem>> -> memref<640xf32, #tpu.memory_space<vmem>>
      %dma_start3A_83 = tpu.memref_slice %arg9[%run_scoped3A_59, %mul3A_58] : memref<16x10240xf32, #tpu.memory_space<vmem_shared>> -> memref<1x640xf32, #tpu.memory_space<vmem_shared>>
      %dma_start3A_84 = tpu.memref_squeeze %dma_start3A_83 : memref<1x640xf32, #tpu.memory_space<vmem_shared>> -> memref<640xf32, #tpu.memory_space<vmem_shared>>
      %dma_start3A_85 = arith.constant 0 : i32
      %dma_start3A_86 = tpu.memref_slice %arg7[%run_scoped3A_60, %dma_start3A_85] : memref<16x640xf32, #tpu.memory_space<vmem>> -> memref<1x640xf32, #tpu.memory_space<vmem>>
      %dma_start3A_87 = tpu.memref_squeeze %dma_start3A_86 : memref<1x640xf32, #tpu.memory_space<vmem>> -> memref<640xf32, #tpu.memory_space<vmem>>
      %dma_start3A_88 = tpu.memref_slice %arg9[%run_scoped3A_59, %mul3A_58] : memref<16x10240xf32, #tpu.memory_space<vmem_shared>> -> memref<1x640xf32, #tpu.memory_space<vmem_shared>>
      %dma_start3A_89 = tpu.memref_squeeze %dma_start3A_88 : memref<1x640xf32, #tpu.memory_space<vmem_shared>> -> memref<640xf32, #tpu.memory_space<vmem_shared>>
      tpu.enqueue_dma source(%dma_start3A_89 : memref<640xf32, #tpu.memory_space<vmem_shared>>) target(%dma_start3A_87 : memref<640xf32, #tpu.memory_space<vmem>>) target_semaphore(%run_scoped3A_80 : memref<!tpu.dma_semaphore, #tpu.memory_space<semaphore_mem>>)
      %dma_wait3A = arith.constant 0 : i32
      %dma_wait3A_90 = tpu.memref_slice %arg7[%run_scoped3A_60, %dma_wait3A] : memref<16x640xf32, #tpu.memory_space<vmem>> -> memref<1x640xf32, #tpu.memory_space<vmem>>
      %dma_wait3A_91 = tpu.memref_squeeze %dma_wait3A_90 : memref<1x640xf32, #tpu.memory_space<vmem>> -> memref<640xf32, #tpu.memory_space<vmem>>
      %dma_wait3A_92 = tpu.memref_slice %arg9[%run_scoped3A_59, %mul3A_58] : memref<16x10240xf32, #tpu.memory_space<vmem_shared>> -> memref<1x640xf32, #tpu.memory_space<vmem_shared>>
      %dma_wait3A_93 = tpu.memref_squeeze %dma_wait3A_92 : memref<1x640xf32, #tpu.memory_space<vmem_shared>> -> memref<640xf32, #tpu.memory_space<vmem_shared>>
      %dma_wait3A_94 = arith.constant 0 : i32
      %dma_wait3A_95 = tpu.memref_slice %arg7[%run_scoped3A_60, %dma_wait3A_94] : memref<16x640xf32, #tpu.memory_space<vmem>> -> memref<1x640xf32, #tpu.memory_space<vmem>>
      %dma_wait3A_96 = tpu.memref_squeeze %dma_wait3A_95 : memref<1x640xf32, #tpu.memory_space<vmem>> -> memref<640xf32, #tpu.memory_space<vmem>>
      %dma_wait3A_97 = tpu.memref_slice %arg9[%run_scoped3A_59, %mul3A_58] : memref<16x10240xf32, #tpu.memory_space<vmem_shared>> -> memref<1x640xf32, #tpu.memory_space<vmem_shared>>
      %dma_wait3A_98 = tpu.memref_squeeze %dma_wait3A_97 : memref<1x640xf32, #tpu.memory_space<vmem_shared>> -> memref<640xf32, #tpu.memory_space<vmem_shared>>
      tpu.wait_dma2 semaphore(%run_scoped3A_80 : memref<!tpu.dma_semaphore, #tpu.memory_space<semaphore_mem>>) src(%dma_wait3A_98 : memref<640xf32, #tpu.memory_space<vmem_shared>>) dst(%dma_wait3A_96 : memref<640xf32, #tpu.memory_space<vmem>>)
      tpu.yield
    }) : () -> ()
    %mul3A_61 = arith.constant 640 : i32
    %mul3A_62 = arith.muli %arg1, %mul3A_61 : i32
    %run_scoped3A_63 = arith.constant 14 : i32
    %run_scoped3A_64 = arith.constant 14 : i32
    "tpu.region"() ({
      %run_scoped3A_80 = tpu.sem_alloc : memref<!tpu.dma_semaphore, #tpu.memory_space<semaphore_mem>>
      %dma_start3A = arith.constant 0 : i32
      %dma_start3A_81 = tpu.memref_slice %arg7[%run_scoped3A_64, %dma_start3A] : memref<16x640xf32, #tpu.memory_space<vmem>> -> memref<1x640xf32, #tpu.memory_space<vmem>>
      %dma_start3A_82 = tpu.memref_squeeze %dma_start3A_81 : memref<1x640xf32, #tpu.memory_space<vmem>> -> memref<640xf32, #tpu.memory_space<vmem>>
      %dma_start3A_83 = tpu.memref_slice %arg9[%run_scoped3A_63, %mul3A_62] : memref<16x10240xf32, #tpu.memory_space<vmem_shared>> -> memref<1x640xf32, #tpu.memory_space<vmem_shared>>
      %dma_start3A_84 = tpu.memref_squeeze %dma_start3A_83 : memref<1x640xf32, #tpu.memory_space<vmem_shared>> -> memref<640xf32, #tpu.memory_space<vmem_shared>>
      %dma_start3A_85 = arith.constant 0 : i32
      %dma_start3A_86 = tpu.memref_slice %arg7[%run_scoped3A_64, %dma_start3A_85] : memref<16x640xf32, #tpu.memory_space<vmem>> -> memref<1x640xf32, #tpu.memory_space<vmem>>
      %dma_start3A_87 = tpu.memref_squeeze %dma_start3A_86 : memref<1x640xf32, #tpu.memory_space<vmem>> -> memref<640xf32, #tpu.memory_space<vmem>>
      %dma_start3A_88 = tpu.memref_slice %arg9[%run_scoped3A_63, %mul3A_62] : memref<16x10240xf32, #tpu.memory_space<vmem_shared>> -> memref<1x640xf32, #tpu.memory_space<vmem_shared>>
      %dma_start3A_89 = tpu.memref_squeeze %dma_start3A_88 : memref<1x640xf32, #tpu.memory_space<vmem_shared>> -> memref<640xf32, #tpu.memory_space<vmem_shared>>
      tpu.enqueue_dma source(%dma_start3A_89 : memref<640xf32, #tpu.memory_space<vmem_shared>>) target(%dma_start3A_87 : memref<640xf32, #tpu.memory_space<vmem>>) target_semaphore(%run_scoped3A_80 : memref<!tpu.dma_semaphore, #tpu.memory_space<semaphore_mem>>)
      %dma_wait3A = arith.constant 0 : i32
      %dma_wait3A_90 = tpu.memref_slice %arg7[%run_scoped3A_64, %dma_wait3A] : memref<16x640xf32, #tpu.memory_space<vmem>> -> memref<1x640xf32, #tpu.memory_space<vmem>>
      %dma_wait3A_91 = tpu.memref_squeeze %dma_wait3A_90 : memref<1x640xf32, #tpu.memory_space<vmem>> -> memref<640xf32, #tpu.memory_space<vmem>>
      %dma_wait3A_92 = tpu.memref_slice %arg9[%run_scoped3A_63, %mul3A_62] : memref<16x10240xf32, #tpu.memory_space<vmem_shared>> -> memref<1x640xf32, #tpu.memory_space<vmem_shared>>
      %dma_wait3A_93 = tpu.memref_squeeze %dma_wait3A_92 : memref<1x640xf32, #tpu.memory_space<vmem_shared>> -> memref<640xf32, #tpu.memory_space<vmem_shared>>
      %dma_wait3A_94 = arith.constant 0 : i32
      %dma_wait3A_95 = tpu.memref_slice %arg7[%run_scoped3A_64, %dma_wait3A_94] : memref<16x640xf32, #tpu.memory_space<vmem>> -> memref<1x640xf32, #tpu.memory_space<vmem>>
      %dma_wait3A_96 = tpu.memref_squeeze %dma_wait3A_95 : memref<1x640xf32, #tpu.memory_space<vmem>> -> memref<640xf32, #tpu.memory_space<vmem>>
      %dma_wait3A_97 = tpu.memref_slice %arg9[%run_scoped3A_63, %mul3A_62] : memref<16x10240xf32, #tpu.memory_space<vmem_shared>> -> memref<1x640xf32, #tpu.memory_space<vmem_shared>>
      %dma_wait3A_98 = tpu.memref_squeeze %dma_wait3A_97 : memref<1x640xf32, #tpu.memory_space<vmem_shared>> -> memref<640xf32, #tpu.memory_space<vmem_shared>>
      tpu.wait_dma2 semaphore(%run_scoped3A_80 : memref<!tpu.dma_semaphore, #tpu.memory_space<semaphore_mem>>) src(%dma_wait3A_98 : memref<640xf32, #tpu.memory_space<vmem_shared>>) dst(%dma_wait3A_96 : memref<640xf32, #tpu.memory_space<vmem>>)
      tpu.yield
    }) : () -> ()
    %mul3A_65 = arith.constant 640 : i32
    %mul3A_66 = arith.muli %arg1, %mul3A_65 : i32
    %run_scoped3A_67 = arith.constant 15 : i32
    %run_scoped3A_68 = arith.constant 15 : i32
    "tpu.region"() ({
      %run_scoped3A_80 = tpu.sem_alloc : memref<!tpu.dma_semaphore, #tpu.memory_space<semaphore_mem>>
      %dma_start3A = arith.constant 0 : i32
      %dma_start3A_81 = tpu.memref_slice %arg7[%run_scoped3A_68, %dma_start3A] : memref<16x640xf32, #tpu.memory_space<vmem>> -> memref<1x640xf32, #tpu.memory_space<vmem>>
      %dma_start3A_82 = tpu.memref_squeeze %dma_start3A_81 : memref<1x640xf32, #tpu.memory_space<vmem>> -> memref<640xf32, #tpu.memory_space<vmem>>
      %dma_start3A_83 = tpu.memref_slice %arg9[%run_scoped3A_67, %mul3A_66] : memref<16x10240xf32, #tpu.memory_space<vmem_shared>> -> memref<1x640xf32, #tpu.memory_space<vmem_shared>>
      %dma_start3A_84 = tpu.memref_squeeze %dma_start3A_83 : memref<1x640xf32, #tpu.memory_space<vmem_shared>> -> memref<640xf32, #tpu.memory_space<vmem_shared>>
      %dma_start3A_85 = arith.constant 0 : i32
      %dma_start3A_86 = tpu.memref_slice %arg7[%run_scoped3A_68, %dma_start3A_85] : memref<16x640xf32, #tpu.memory_space<vmem>> -> memref<1x640xf32, #tpu.memory_space<vmem>>
      %dma_start3A_87 = tpu.memref_squeeze %dma_start3A_86 : memref<1x640xf32, #tpu.memory_space<vmem>> -> memref<640xf32, #tpu.memory_space<vmem>>
      %dma_start3A_88 = tpu.memref_slice %arg9[%run_scoped3A_67, %mul3A_66] : memref<16x10240xf32, #tpu.memory_space<vmem_shared>> -> memref<1x640xf32, #tpu.memory_space<vmem_shared>>
      %dma_start3A_89 = tpu.memref_squeeze %dma_start3A_88 : memref<1x640xf32, #tpu.memory_space<vmem_shared>> -> memref<640xf32, #tpu.memory_space<vmem_shared>>
      tpu.enqueue_dma source(%dma_start3A_89 : memref<640xf32, #tpu.memory_space<vmem_shared>>) target(%dma_start3A_87 : memref<640xf32, #tpu.memory_space<vmem>>) target_semaphore(%run_scoped3A_80 : memref<!tpu.dma_semaphore, #tpu.memory_space<semaphore_mem>>)
      %dma_wait3A = arith.constant 0 : i32
      %dma_wait3A_90 = tpu.memref_slice %arg7[%run_scoped3A_68, %dma_wait3A] : memref<16x640xf32, #tpu.memory_space<vmem>> -> memref<1x640xf32, #tpu.memory_space<vmem>>
      %dma_wait3A_91 = tpu.memref_squeeze %dma_wait3A_90 : memref<1x640xf32, #tpu.memory_space<vmem>> -> memref<640xf32, #tpu.memory_space<vmem>>
      %dma_wait3A_92 = tpu.memref_slice %arg9[%run_scoped3A_67, %mul3A_66] : memref<16x10240xf32, #tpu.memory_space<vmem_shared>> -> memref<1x640xf32, #tpu.memory_space<vmem_shared>>
      %dma_wait3A_93 = tpu.memref_squeeze %dma_wait3A_92 : memref<1x640xf32, #tpu.memory_space<vmem_shared>> -> memref<640xf32, #tpu.memory_space<vmem_shared>>
      %dma_wait3A_94 = arith.constant 0 : i32
      %dma_wait3A_95 = tpu.memref_slice %arg7[%run_scoped3A_68, %dma_wait3A_94] : memref<16x640xf32, #tpu.memory_space<vmem>> -> memref<1x640xf32, #tpu.memory_space<vmem>>
      %dma_wait3A_96 = tpu.memref_squeeze %dma_wait3A_95 : memref<1x640xf32, #tpu.memory_space<vmem>> -> memref<640xf32, #tpu.memory_space<vmem>>
      %dma_wait3A_97 = tpu.memref_slice %arg9[%run_scoped3A_67, %mul3A_66] : memref<16x10240xf32, #tpu.memory_space<vmem_shared>> -> memref<1x640xf32, #tpu.memory_space<vmem_shared>>
      %dma_wait3A_98 = tpu.memref_squeeze %dma_wait3A_97 : memref<1x640xf32, #tpu.memory_space<vmem_shared>> -> memref<640xf32, #tpu.memory_space<vmem_shared>>
      tpu.wait_dma2 semaphore(%run_scoped3A_80 : memref<!tpu.dma_semaphore, #tpu.memory_space<semaphore_mem>>) src(%dma_wait3A_98 : memref<640xf32, #tpu.memory_space<vmem_shared>>) dst(%dma_wait3A_96 : memref<640xf32, #tpu.memory_space<vmem>>)
      tpu.yield
    }) : () -> ()
    %scan3A_69 = arith.constant 0 : i32
    %scan3A_70 = arith.constant 0 : i32
    %scan3A_71 = arith.constant 40 : i32
    %scan3A_72 = arith.addi %scan3A_70, %scan3A_71 : i32
    %scan3A_73 = arith.constant 1 : i32
    scf.for %scan3A_80 = %scan3A_70 to %scan3A_72 step %scan3A_73  : i32 {
      %broadcast_in_dim3A = arith.constant 1.000000e+00 : f32
      %broadcast_in_dim3A_81 = vector.broadcast %broadcast_in_dim3A : f32 to vector<16xf32>
      %mul3A_82 = arith.constant 16 : i32
      %mul3A_83 = arith.muli %scan3A_80, %mul3A_82 : i32
      %get3A = arith.constant 0 : i32
      %get3A_84 = arith.index_cast %get3A : i32 to index
      %get3A_85 = arith.index_cast %mul3A_83 : i32 to index
      %get3A_86 = tpu.vector_load %arg7[%get3A_84, %get3A_85] {strides = array<i32>} : memref<16x640xf32, #tpu.memory_space<vmem>>, vector<16xf32>,
      %add3A_87 = arith.addf %broadcast_in_dim3A_81, %get3A_86 : vector<16xf32>
      %mul3A_88 = arith.constant 16 : i32
      %mul3A_89 = arith.muli %scan3A_80, %mul3A_88 : i32
      %get3A_90 = arith.constant 1 : i32
      %get3A_91 = arith.index_cast %get3A_90 : i32 to index
      %get3A_92 = arith.index_cast %mul3A_89 : i32 to index
      %get3A_93 = tpu.vector_load %arg7[%get3A_91, %get3A_92] {strides = array<i32>} : memref<16x640xf32, #tpu.memory_space<vmem>>, vector<16xf32>,
      %add3A_94 = arith.addf %add3A_87, %get3A_93 : vector<16xf32>
      %mul3A_95 = arith.constant 16 : i32
      %mul3A_96 = arith.muli %scan3A_80, %mul3A_95 : i32
      %get3A_97 = arith.constant 2 : i32
      %get3A_98 = arith.index_cast %get3A_97 : i32 to index
      %get3A_99 = arith.index_cast %mul3A_96 : i32 to index
      %get3A_100 = tpu.vector_load %arg7[%get3A_98, %get3A_99] {strides = array<i32>} : memref<16x640xf32, #tpu.memory_space<vmem>>, vector<16xf32>,
      %add3A_101 = arith.addf %add3A_94, %get3A_100 : vector<16xf32>
      %mul3A_102 = arith.constant 16 : i32
      %mul3A_103 = arith.muli %scan3A_80, %mul3A_102 : i32
      %get3A_104 = arith.constant 3 : i32
      %get3A_105 = arith.index_cast %get3A_104 : i32 to index
      %get3A_106 = arith.index_cast %mul3A_103 : i32 to index
      %get3A_107 = tpu.vector_load %arg7[%get3A_105, %get3A_106] {strides = array<i32>} : memref<16x640xf32, #tpu.memory_space<vmem>>, vector<16xf32>,
      %add3A_108 = arith.addf %add3A_101, %get3A_107 : vector<16xf32>
      %mul3A_109 = arith.constant 16 : i32
      %mul3A_110 = arith.muli %scan3A_80, %mul3A_109 : i32
      %get3A_111 = arith.constant 4 : i32
      %get3A_112 = arith.index_cast %get3A_111 : i32 to index
      %get3A_113 = arith.index_cast %mul3A_110 : i32 to index
      %get3A_114 = tpu.vector_load %arg7[%get3A_112, %get3A_113] {strides = array<i32>} : memref<16x640xf32, #tpu.memory_space<vmem>>, vector<16xf32>,
      %add3A_115 = arith.addf %add3A_108, %get3A_114 : vector<16xf32>
      %mul3A_116 = arith.constant 16 : i32
      %mul3A_117 = arith.muli %scan3A_80, %mul3A_116 : i32
      %get3A_118 = arith.constant 5 : i32
      %get3A_119 = arith.index_cast %get3A_118 : i32 to index
      %get3A_120 = arith.index_cast %mul3A_117 : i32 to index
      %get3A_121 = tpu.vector_load %arg7[%get3A_119, %get3A_120] {strides = array<i32>} : memref<16x640xf32, #tpu.memory_space<vmem>>, vector<16xf32>,
      %add3A_122 = arith.addf %add3A_115, %get3A_121 : vector<16xf32>
      %mul3A_123 = arith.constant 16 : i32
      %mul3A_124 = arith.muli %scan3A_80, %mul3A_123 : i32
      %get3A_125 = arith.constant 6 : i32
      %get3A_126 = arith.index_cast %get3A_125 : i32 to index
      %get3A_127 = arith.index_cast %mul3A_124 : i32 to index
      %get3A_128 = tpu.vector_load %arg7[%get3A_126, %get3A_127] {strides = array<i32>} : memref<16x640xf32, #tpu.memory_space<vmem>>, vector<16xf32>,
      %add3A_129 = arith.addf %add3A_122, %get3A_128 : vector<16xf32>
      %mul3A_130 = arith.constant 16 : i32
      %mul3A_131 = arith.muli %scan3A_80, %mul3A_130 : i32
      %get3A_132 = arith.constant 7 : i32
      %get3A_133 = arith.index_cast %get3A_132 : i32 to index
      %get3A_134 = arith.index_cast %mul3A_131 : i32 to index
      %get3A_135 = tpu.vector_load %arg7[%get3A_133, %get3A_134] {strides = array<i32>} : memref<16x640xf32, #tpu.memory_space<vmem>>, vector<16xf32>,
      %add3A_136 = arith.addf %add3A_129, %get3A_135 : vector<16xf32>
      %mul3A_137 = arith.constant 16 : i32
      %mul3A_138 = arith.muli %scan3A_80, %mul3A_137 : i32
      %get3A_139 = arith.constant 8 : i32
      %get3A_140 = arith.index_cast %get3A_139 : i32 to index
      %get3A_141 = arith.index_cast %mul3A_138 : i32 to index
      %get3A_142 = tpu.vector_load %arg7[%get3A_140, %get3A_141] {strides = array<i32>} : memref<16x640xf32, #tpu.memory_space<vmem>>, vector<16xf32>,
      %add3A_143 = arith.addf %add3A_136, %get3A_142 : vector<16xf32>
      %mul3A_144 = arith.constant 16 : i32
      %mul3A_145 = arith.muli %scan3A_80, %mul3A_144 : i32
      %get3A_146 = arith.constant 9 : i32
      %get3A_147 = arith.index_cast %get3A_146 : i32 to index
      %get3A_148 = arith.index_cast %mul3A_145 : i32 to index
      %get3A_149 = tpu.vector_load %arg7[%get3A_147, %get3A_148] {strides = array<i32>} : memref<16x640xf32, #tpu.memory_space<vmem>>, vector<16xf32>,
      %add3A_150 = arith.addf %add3A_143, %get3A_149 : vector<16xf32>
      %mul3A_151 = arith.constant 16 : i32
      %mul3A_152 = arith.muli %scan3A_80, %mul3A_151 : i32
      %get3A_153 = arith.constant 10 : i32
      %get3A_154 = arith.index_cast %get3A_153 : i32 to index
      %get3A_155 = arith.index_cast %mul3A_152 : i32 to index
      %get3A_156 = tpu.vector_load %arg7[%get3A_154, %get3A_155] {strides = array<i32>} : memref<16x640xf32, #tpu.memory_space<vmem>>, vector<16xf32>,
      %add3A_157 = arith.addf %add3A_150, %get3A_156 : vector<16xf32>
      %mul3A_158 = arith.constant 16 : i32
      %mul3A_159 = arith.muli %scan3A_80, %mul3A_158 : i32
      %get3A_160 = arith.constant 11 : i32
      %get3A_161 = arith.index_cast %get3A_160 : i32 to index
      %get3A_162 = arith.index_cast %mul3A_159 : i32 to index
      %get3A_163 = tpu.vector_load %arg7[%get3A_161, %get3A_162] {strides = array<i32>} : memref<16x640xf32, #tpu.memory_space<vmem>>, vector<16xf32>,
      %add3A_164 = arith.addf %add3A_157, %get3A_163 : vector<16xf32>
      %mul3A_165 = arith.constant 16 : i32
      %mul3A_166 = arith.muli %scan3A_80, %mul3A_165 : i32
      %get3A_167 = arith.constant 12 : i32
      %get3A_168 = arith.index_cast %get3A_167 : i32 to index
      %get3A_169 = arith.index_cast %mul3A_166 : i32 to index
      %get3A_170 = tpu.vector_load %arg7[%get3A_168, %get3A_169] {strides = array<i32>} : memref<16x640xf32, #tpu.memory_space<vmem>>, vector<16xf32>,
      %add3A_171 = arith.addf %add3A_164, %get3A_170 : vector<16xf32>
      %mul3A_172 = arith.constant 16 : i32
      %mul3A_173 = arith.muli %scan3A_80, %mul3A_172 : i32
      %get3A_174 = arith.constant 13 : i32
      %get3A_175 = arith.index_cast %get3A_174 : i32 to index
      %get3A_176 = arith.index_cast %mul3A_173 : i32 to index
      %get3A_177 = tpu.vector_load %arg7[%get3A_175, %get3A_176] {strides = array<i32>} : memref<16x640xf32, #tpu.memory_space<vmem>>, vector<16xf32>,
      %add3A_178 = arith.addf %add3A_171, %get3A_177 : vector<16xf32>
      %mul3A_179 = arith.constant 16 : i32
      %mul3A_180 = arith.muli %scan3A_80, %mul3A_179 : i32
      %get3A_181 = arith.constant 14 : i32
      %get3A_182 = arith.index_cast %get3A_181 : i32 to index
      %get3A_183 = arith.index_cast %mul3A_180 : i32 to index
      %get3A_184 = tpu.vector_load %arg7[%get3A_182, %get3A_183] {strides = array<i32>} : memref<16x640xf32, #tpu.memory_space<vmem>>, vector<16xf32>,
      %add3A_185 = arith.addf %add3A_178, %get3A_184 : vector<16xf32>
      %mul3A_186 = arith.constant 16 : i32
      %mul3A_187 = arith.muli %scan3A_80, %mul3A_186 : i32
      %get3A_188 = arith.constant 15 : i32
      %get3A_189 = arith.index_cast %get3A_188 : i32 to index
      %get3A_190 = arith.index_cast %mul3A_187 : i32 to index
      %get3A_191 = tpu.vector_load %arg7[%get3A_189, %get3A_190] {strides = array<i32>} : memref<16x640xf32, #tpu.memory_space<vmem>>, vector<16xf32>,
      %add3A_192 = arith.addf %add3A_185, %get3A_191 : vector<16xf32>
      %mul3A_193 = arith.constant 16 : i32
      %mul3A_194 = arith.muli %scan3A_80, %mul3A_193 : i32
      %swap3A = arith.index_cast %mul3A_194 : i32 to index
      %swap3A_195 = tpu.vector_load %arg8[%swap3A] {strides = array<i32>} : memref<640xf32, #tpu.memory_space<vmem>>, vector<16xf32>,
      tpu.vector_store %arg8[%swap3A], %add3A_192 {strides = array<i32>} : memref<640xf32, #tpu.memory_space<vmem>>, vector<16xf32>,
    }
    %scan3A_74 = arith.constant 40 : i32
    %mul3A_75 = arith.constant 10240 : i32
    %mul3A_76 = arith.muli %arg0, %mul3A_75 : i32
    %mul3A_77 = arith.constant 640 : i32
    %mul3A_78 = arith.muli %arg1, %mul3A_77 : i32
    %add3A_79 = arith.addi %mul3A_76, %mul3A_78 : i32
    "tpu.region"() ({
      %run_scoped3A_80 = tpu.sem_alloc : memref<!tpu.dma_semaphore, #tpu.memory_space<semaphore_mem>>
      %dma_start3A = tpu.memref_slice %arg4[%add3A_79] : memref<20480xf32, #tpu.memory_space<hbm>> -> memref<640xf32, #tpu.memory_space<hbm>>
      %dma_start3A_81 = tpu.memref_slice %arg4[%add3A_79] : memref<20480xf32, #tpu.memory_space<hbm>> -> memref<640xf32, #tpu.memory_space<hbm>>
      tpu.enqueue_dma source(%arg8 : memref<640xf32, #tpu.memory_space<vmem>>) target(%dma_start3A_81 : memref<640xf32, #tpu.memory_space<hbm>>) target_semaphore(%run_scoped3A_80 : memref<!tpu.dma_semaphore, #tpu.memory_space<semaphore_mem>>)
      %dma_wait3A = tpu.memref_slice %arg4[%add3A_79] : memref<20480xf32, #tpu.memory_space<hbm>> -> memref<640xf32, #tpu.memory_space<hbm>>
      %dma_wait3A_82 = tpu.memref_slice %arg4[%add3A_79] : memref<20480xf32, #tpu.memory_space<hbm>> -> memref<640xf32, #tpu.memory_space<hbm>>
      tpu.wait_dma2 semaphore(%run_scoped3A_80 : memref<!tpu.dma_semaphore, #tpu.memory_space<semaphore_mem>>) src(%arg8 : memref<640xf32, #tpu.memory_space<vmem>>) dst(%dma_wait3A_82 : memref<640xf32, #tpu.memory_space<hbm>>)
      tpu.yield
    }) : () -> ()
    return
  }
}

#map = affine_map<(d0, d1) -> (0, 0, 0, 0)>
#map1 = affine_map<(d0, d1) -> (0, 0)>
module attributes {stable_mosaic.version = 14 : i64} {
  func.func @_scat_body(%arg0: i32, %arg1: i32, %arg2: memref<32x10x32x64xi32, #tpu.memory_space<hbm>>, %arg3: memref<32x10x32x64xi32, #tpu.memory_space<hbm>>, %arg4: memref<20480x128xf32, #tpu.memory_space<hbm>>, %arg5: memref<640x128xf32, #tpu.memory_space<hbm>>, %arg6: memref<20480x128xf32, #tpu.memory_space<hbm>>, %arg7: memref<2x32x64xi32, #tpu.memory_space<vmem>>, %arg8: memref<2x32x64xi32, #tpu.memory_space<vmem>>, %arg9: memref<64x128xf32, #tpu.memory_space<vmem>>, %arg10: memref<64x128xf32, #tpu.memory_space<vmem>>, %arg11: memref<64x128xf32, #tpu.memory_space<vmem>>, %arg12: memref<64x128xf32, #tpu.memory_space<vmem>>, %arg13: memref<!tpu.dma_semaphore, #tpu.memory_space<semaphore_mem>>, %arg14: memref<!tpu.dma_semaphore, #tpu.memory_space<semaphore_mem>>, %arg15: memref<!tpu.dma_semaphore, #tpu.memory_space<semaphore_mem>>, %arg16: memref<!tpu.dma_semaphore, #tpu.memory_space<semaphore_mem>>, %arg17: memref<!tpu.dma_semaphore, #tpu.memory_space<semaphore_mem>>, %arg18: memref<!tpu.dma_semaphore, #tpu.memory_space<semaphore_mem>>, %arg19: memref<!tpu.dma_semaphore, #tpu.memory_space<semaphore_mem>>, %arg20: memref<!tpu.dma_semaphore, #tpu.memory_space<semaphore_mem>>, %arg21: memref<!tpu.dma_semaphore, #tpu.memory_space<semaphore_mem>>, %arg22: memref<!tpu.dma_semaphore, #tpu.memory_space<semaphore_mem>>, %arg23: memref<10240x128xf32, #tpu.memory_space<vmem_shared>>) attributes {dimension_semantics = [#tpu.dimension_semantics<core_parallel>, #tpu.dimension_semantics<subcore_parallel>], iteration_bounds = array<i64: 2, 16>, scalar_prefetch = 0 : i64, scratch_operands = 17 : i64, tpu.core_type = #tpu.core_type<sc_vector_subcore>, window_params = [{transform_indices = #map}, {transform_indices = #map}, {transform_indices = #map1}, {transform_indices = #map1}, {transform_indices = #map1}]} {
    %mul3A = arith.constant 16 : i32
    %mul3A_0 = arith.muli %arg0, %mul3A : i32
    %add3A = arith.addi %mul3A_0, %arg1 : i32
    %mul3A_1 = arith.constant 640 : i32
    %mul3A_2 = arith.muli %arg1, %mul3A_1 : i32
    "tpu.region"() ({
      %run_scoped3A = tpu.sem_alloc : memref<!tpu.dma_semaphore, #tpu.memory_space<semaphore_mem>>
      %dma_start3A_87 = arith.constant 0 : i32
      %dma_start3A_88 = tpu.memref_slice %arg23[%mul3A_2, %dma_start3A_87] : memref<10240x128xf32, #tpu.memory_space<vmem_shared>> -> memref<640x128xf32, #tpu.memory_space<vmem_shared>>
      tpu.enqueue_dma source(%arg5 : memref<640x128xf32, #tpu.memory_space<hbm>>) target(%dma_start3A_88 : memref<640x128xf32, #tpu.memory_space<vmem_shared>>) target_semaphore(%run_scoped3A : memref<!tpu.dma_semaphore, #tpu.memory_space<semaphore_mem>>)
      %dma_wait3A = arith.constant 0 : i32
      %dma_wait3A_89 = tpu.memref_slice %arg23[%mul3A_2, %dma_wait3A] : memref<10240x128xf32, #tpu.memory_space<vmem_shared>> -> memref<640x128xf32, #tpu.memory_space<vmem_shared>>
      tpu.wait_dma2 semaphore(%run_scoped3A : memref<!tpu.dma_semaphore, #tpu.memory_space<semaphore_mem>>) src(%arg5 : memref<640x128xf32, #tpu.memory_space<hbm>>) dst(%dma_wait3A_89 : memref<640x128xf32, #tpu.memory_space<vmem_shared>>)
      tpu.yield
    }) : () -> ()
    %dma_start3A = arith.constant 0 : i32
    %dma_start3A_3 = arith.constant 0 : i32
    %dma_start3A_4 = arith.constant 0 : i32
    %dma_start3A_5 = arith.constant 0 : i32
    %dma_start3A_6 = tpu.memref_slice %arg7[%dma_start3A_3, %dma_start3A_4, %dma_start3A_5] : memref<2x32x64xi32, #tpu.memory_space<vmem>> -> memref<1x32x64xi32, #tpu.memory_space<vmem>>
    %dma_start3A_7 = tpu.memref_squeeze %dma_start3A_6 : memref<1x32x64xi32, #tpu.memory_space<vmem>> -> memref<32x64xi32, #tpu.memory_space<vmem>>
    %dma_start3A_8 = arith.constant 0 : i32
    %dma_start3A_9 = arith.constant 0 : i32
    %dma_start3A_10 = tpu.memref_slice %arg2[%add3A, %dma_start3A, %dma_start3A_8, %dma_start3A_9] : memref<32x10x32x64xi32, #tpu.memory_space<hbm>> -> memref<1x1x32x64xi32, #tpu.memory_space<hbm>>
    %dma_start3A_11 = tpu.memref_squeeze %dma_start3A_10 : memref<1x1x32x64xi32, #tpu.memory_space<hbm>> -> memref<32x64xi32, #tpu.memory_space<hbm>>
    %dma_start3A_12 = arith.constant 0 : i32
    %dma_start3A_13 = arith.constant 0 : i32
    %dma_start3A_14 = tpu.memref_slice %arg7[%dma_start3A_3, %dma_start3A_12, %dma_start3A_13] : memref<2x32x64xi32, #tpu.memory_space<vmem>> -> memref<1x32x64xi32, #tpu.memory_space<vmem>>
    %dma_start3A_15 = tpu.memref_squeeze %dma_start3A_14 : memref<1x32x64xi32, #tpu.memory_space<vmem>> -> memref<32x64xi32, #tpu.memory_space<vmem>>
    %dma_start3A_16 = arith.constant 0 : i32
    %dma_start3A_17 = arith.constant 0 : i32
    %dma_start3A_18 = tpu.memref_slice %arg2[%add3A, %dma_start3A, %dma_start3A_16, %dma_start3A_17] : memref<32x10x32x64xi32, #tpu.memory_space<hbm>> -> memref<1x1x32x64xi32, #tpu.memory_space<hbm>>
    %dma_start3A_19 = tpu.memref_squeeze %dma_start3A_18 : memref<1x1x32x64xi32, #tpu.memory_space<hbm>> -> memref<32x64xi32, #tpu.memory_space<hbm>>
    tpu.enqueue_dma source(%dma_start3A_19 : memref<32x64xi32, #tpu.memory_space<hbm>>) target(%dma_start3A_15 : memref<32x64xi32, #tpu.memory_space<vmem>>) target_semaphore(%arg21 : memref<!tpu.dma_semaphore, #tpu.memory_space<semaphore_mem>>)
    %dma_start3A_20 = arith.constant 0 : i32
    %dma_start3A_21 = arith.constant 0 : i32
    %dma_start3A_22 = arith.constant 0 : i32
    %dma_start3A_23 = arith.constant 0 : i32
    %dma_start3A_24 = tpu.memref_slice %arg8[%dma_start3A_21, %dma_start3A_22, %dma_start3A_23] : memref<2x32x64xi32, #tpu.memory_space<vmem>> -> memref<1x32x64xi32, #tpu.memory_space<vmem>>
    %dma_start3A_25 = tpu.memref_squeeze %dma_start3A_24 : memref<1x32x64xi32, #tpu.memory_space<vmem>> -> memref<32x64xi32, #tpu.memory_space<vmem>>
    %dma_start3A_26 = arith.constant 0 : i32
    %dma_start3A_27 = arith.constant 0 : i32
    %dma_start3A_28 = tpu.memref_slice %arg3[%add3A, %dma_start3A_20, %dma_start3A_26, %dma_start3A_27] : memref<32x10x32x64xi32, #tpu.memory_space<hbm>> -> memref<1x1x32x64xi32, #tpu.memory_space<hbm>>
    %dma_start3A_29 = tpu.memref_squeeze %dma_start3A_28 : memref<1x1x32x64xi32, #tpu.memory_space<hbm>> -> memref<32x64xi32, #tpu.memory_space<hbm>>
    %dma_start3A_30 = arith.constant 0 : i32
    %dma_start3A_31 = arith.constant 0 : i32
    %dma_start3A_32 = tpu.memref_slice %arg8[%dma_start3A_21, %dma_start3A_30, %dma_start3A_31] : memref<2x32x64xi32, #tpu.memory_space<vmem>> -> memref<1x32x64xi32, #tpu.memory_space<vmem>>
    %dma_start3A_33 = tpu.memref_squeeze %dma_start3A_32 : memref<1x32x64xi32, #tpu.memory_space<vmem>> -> memref<32x64xi32, #tpu.memory_space<vmem>>
    %dma_start3A_34 = arith.constant 0 : i32
    %dma_start3A_35 = arith.constant 0 : i32
    %dma_start3A_36 = tpu.memref_slice %arg3[%add3A, %dma_start3A_20, %dma_start3A_34, %dma_start3A_35] : memref<32x10x32x64xi32, #tpu.memory_space<hbm>> -> memref<1x1x32x64xi32, #tpu.memory_space<hbm>>
    %dma_start3A_37 = tpu.memref_squeeze %dma_start3A_36 : memref<1x1x32x64xi32, #tpu.memory_space<hbm>> -> memref<32x64xi32, #tpu.memory_space<hbm>>
    tpu.enqueue_dma source(%dma_start3A_37 : memref<32x64xi32, #tpu.memory_space<hbm>>) target(%dma_start3A_33 : memref<32x64xi32, #tpu.memory_space<vmem>>) target_semaphore(%arg21 : memref<!tpu.dma_semaphore, #tpu.memory_space<semaphore_mem>>)
    %dma_start3A_38 = arith.constant 1 : i32
    %dma_start3A_39 = arith.constant 1 : i32
    %dma_start3A_40 = arith.constant 0 : i32
    %dma_start3A_41 = arith.constant 0 : i32
    %dma_start3A_42 = tpu.memref_slice %arg7[%dma_start3A_39, %dma_start3A_40, %dma_start3A_41] : memref<2x32x64xi32, #tpu.memory_space<vmem>> -> memref<1x32x64xi32, #tpu.memory_space<vmem>>
    %dma_start3A_43 = tpu.memref_squeeze %dma_start3A_42 : memref<1x32x64xi32, #tpu.memory_space<vmem>> -> memref<32x64xi32, #tpu.memory_space<vmem>>
    %dma_start3A_44 = arith.constant 0 : i32
    %dma_start3A_45 = arith.constant 0 : i32
    %dma_start3A_46 = tpu.memref_slice %arg2[%add3A, %dma_start3A_38, %dma_start3A_44, %dma_start3A_45] : memref<32x10x32x64xi32, #tpu.memory_space<hbm>> -> memref<1x1x32x64xi32, #tpu.memory_space<hbm>>
    %dma_start3A_47 = tpu.memref_squeeze %dma_start3A_46 : memref<1x1x32x64xi32, #tpu.memory_space<hbm>> -> memref<32x64xi32, #tpu.memory_space<hbm>>
    %dma_start3A_48 = arith.constant 0 : i32
    %dma_start3A_49 = arith.constant 0 : i32
    %dma_start3A_50 = tpu.memref_slice %arg7[%dma_start3A_39, %dma_start3A_48, %dma_start3A_49] : memref<2x32x64xi32, #tpu.memory_space<vmem>> -> memref<1x32x64xi32, #tpu.memory_space<vmem>>
    %dma_start3A_51 = tpu.memref_squeeze %dma_start3A_50 : memref<1x32x64xi32, #tpu.memory_space<vmem>> -> memref<32x64xi32, #tpu.memory_space<vmem>>
    %dma_start3A_52 = arith.constant 0 : i32
    %dma_start3A_53 = arith.constant 0 : i32
    %dma_start3A_54 = tpu.memref_slice %arg2[%add3A, %dma_start3A_38, %dma_start3A_52, %dma_start3A_53] : memref<32x10x32x64xi32, #tpu.memory_space<hbm>> -> memref<1x1x32x64xi32, #tpu.memory_space<hbm>>
    %dma_start3A_55 = tpu.memref_squeeze %dma_start3A_54 : memref<1x1x32x64xi32, #tpu.memory_space<hbm>> -> memref<32x64xi32, #tpu.memory_space<hbm>>
    tpu.enqueue_dma source(%dma_start3A_55 : memref<32x64xi32, #tpu.memory_space<hbm>>) target(%dma_start3A_51 : memref<32x64xi32, #tpu.memory_space<vmem>>) target_semaphore(%arg22 : memref<!tpu.dma_semaphore, #tpu.memory_space<semaphore_mem>>)
    %dma_start3A_56 = arith.constant 1 : i32
    %dma_start3A_57 = arith.constant 1 : i32
    %dma_start3A_58 = arith.constant 0 : i32
    %dma_start3A_59 = arith.constant 0 : i32
    %dma_start3A_60 = tpu.memref_slice %arg8[%dma_start3A_57, %dma_start3A_58, %dma_start3A_59] : memref<2x32x64xi32, #tpu.memory_space<vmem>> -> memref<1x32x64xi32, #tpu.memory_space<vmem>>
    %dma_start3A_61 = tpu.memref_squeeze %dma_start3A_60 : memref<1x32x64xi32, #tpu.memory_space<vmem>> -> memref<32x64xi32, #tpu.memory_space<vmem>>
    %dma_start3A_62 = arith.constant 0 : i32
    %dma_start3A_63 = arith.constant 0 : i32
    %dma_start3A_64 = tpu.memref_slice %arg3[%add3A, %dma_start3A_56, %dma_start3A_62, %dma_start3A_63] : memref<32x10x32x64xi32, #tpu.memory_space<hbm>> -> memref<1x1x32x64xi32, #tpu.memory_space<hbm>>
    %dma_start3A_65 = tpu.memref_squeeze %dma_start3A_64 : memref<1x1x32x64xi32, #tpu.memory_space<hbm>> -> memref<32x64xi32, #tpu.memory_space<hbm>>
    %dma_start3A_66 = arith.constant 0 : i32
    %dma_start3A_67 = arith.constant 0 : i32
    %dma_start3A_68 = tpu.memref_slice %arg8[%dma_start3A_57, %dma_start3A_66, %dma_start3A_67] : memref<2x32x64xi32, #tpu.memory_space<vmem>> -> memref<1x32x64xi32, #tpu.memory_space<vmem>>
    %dma_start3A_69 = tpu.memref_squeeze %dma_start3A_68 : memref<1x32x64xi32, #tpu.memory_space<vmem>> -> memref<32x64xi32, #tpu.memory_space<vmem>>
    %dma_start3A_70 = arith.constant 0 : i32
    %dma_start3A_71 = arith.constant 0 : i32
    %dma_start3A_72 = tpu.memref_slice %arg3[%add3A, %dma_start3A_56, %dma_start3A_70, %dma_start3A_71] : memref<32x10x32x64xi32, #tpu.memory_space<hbm>> -> memref<1x1x32x64xi32, #tpu.memory_space<hbm>>
    %dma_start3A_73 = tpu.memref_squeeze %dma_start3A_72 : memref<1x1x32x64xi32, #tpu.memory_space<hbm>> -> memref<32x64xi32, #tpu.memory_space<hbm>>
    tpu.enqueue_dma source(%dma_start3A_73 : memref<32x64xi32, #tpu.memory_space<hbm>>) target(%dma_start3A_69 : memref<32x64xi32, #tpu.memory_space<vmem>>) target_semaphore(%arg22 : memref<!tpu.dma_semaphore, #tpu.memory_space<semaphore_mem>>)
    %barrier3A = arith.constant 0 : index
    tpu.barrier barrier_id(%barrier3A)
    %scan3A = arith.constant 0 : i32
    %scan3A_74 = arith.constant 0 : i32
    %scan3A_75 = arith.constant 5 : i32
    %scan3A_76 = arith.addi %scan3A_74, %scan3A_75 : i32
    %scan3A_77 = arith.constant 1 : i32
    scf.for %scan3A_87 = %scan3A_74 to %scan3A_76 step %scan3A_77  : i32 {
      %mul3A_88 = arith.constant 2 : i32
      %mul3A_89 = arith.muli %scan3A_87, %mul3A_88 : i32
      %dma_wait3A = arith.constant 0 : i32
      %dma_wait3A_90 = arith.constant 0 : i32
      %dma_wait3A_91 = arith.constant 0 : i32
      %dma_wait3A_92 = arith.constant 0 : i32
      %dma_wait3A_93 = tpu.memref_slice %arg7[%dma_wait3A_90, %dma_wait3A_91, %dma_wait3A_92] : memref<2x32x64xi32, #tpu.memory_space<vmem>> -> memref<1x32x64xi32, #tpu.memory_space<vmem>>
      %dma_wait3A_94 = tpu.memref_squeeze %dma_wait3A_93 : memref<1x32x64xi32, #tpu.memory_space<vmem>> -> memref<32x64xi32, #tpu.memory_space<vmem>>
      %dma_wait3A_95 = arith.constant 0 : i32
      %dma_wait3A_96 = arith.constant 0 : i32
      %dma_wait3A_97 = tpu.memref_slice %arg2[%add3A, %dma_wait3A, %dma_wait3A_95, %dma_wait3A_96] : memref<32x10x32x64xi32, #tpu.memory_space<hbm>> -> memref<1x1x32x64xi32, #tpu.memory_space<hbm>>
      %dma_wait3A_98 = tpu.memref_squeeze %dma_wait3A_97 : memref<1x1x32x64xi32, #tpu.memory_space<hbm>> -> memref<32x64xi32, #tpu.memory_space<hbm>>
      %dma_wait3A_99 = arith.constant 0 : i32
      %dma_wait3A_100 = arith.constant 0 : i32
      %dma_wait3A_101 = tpu.memref_slice %arg7[%dma_wait3A_90, %dma_wait3A_99, %dma_wait3A_100] : memref<2x32x64xi32, #tpu.memory_space<vmem>> -> memref<1x32x64xi32, #tpu.memory_space<vmem>>
      %dma_wait3A_102 = tpu.memref_squeeze %dma_wait3A_101 : memref<1x32x64xi32, #tpu.memory_space<vmem>> -> memref<32x64xi32, #tpu.memory_space<vmem>>
      %dma_wait3A_103 = arith.constant 0 : i32
      %dma_wait3A_104 = arith.constant 0 : i32
      %dma_wait3A_105 = tpu.memref_slice %arg2[%add3A, %dma_wait3A, %dma_wait3A_103, %dma_wait3A_104] : memref<32x10x32x64xi32, #tpu.memory_space<hbm>> -> memref<1x1x32x64xi32, #tpu.memory_space<hbm>>
      %dma_wait3A_106 = tpu.memref_squeeze %dma_wait3A_105 : memref<1x1x32x64xi32, #tpu.memory_space<hbm>> -> memref<32x64xi32, #tpu.memory_space<hbm>>
      tpu.wait_dma2 semaphore(%arg21 : memref<!tpu.dma_semaphore, #tpu.memory_space<semaphore_mem>>) src(%dma_wait3A_106 : memref<32x64xi32, #tpu.memory_space<hbm>>) dst(%dma_wait3A_102 : memref<32x64xi32, #tpu.memory_space<vmem>>)
      %dma_wait3A_107 = arith.constant 0 : i32
      %dma_wait3A_108 = arith.constant 0 : i32
      %dma_wait3A_109 = arith.constant 0 : i32
      %dma_wait3A_110 = arith.constant 0 : i32
      %dma_wait3A_111 = tpu.memref_slice %arg8[%dma_wait3A_108, %dma_wait3A_109, %dma_wait3A_110] : memref<2x32x64xi32, #tpu.memory_space<vmem>> -> memref<1x32x64xi32, #tpu.memory_space<vmem>>
      %dma_wait3A_112 = tpu.memref_squeeze %dma_wait3A_111 : memref<1x32x64xi32, #tpu.memory_space<vmem>> -> memref<32x64xi32, #tpu.memory_space<vmem>>
      %dma_wait3A_113 = arith.constant 0 : i32
      %dma_wait3A_114 = arith.constant 0 : i32
      %dma_wait3A_115 = tpu.memref_slice %arg3[%add3A, %dma_wait3A_107, %dma_wait3A_113, %dma_wait3A_114] : memref<32x10x32x64xi32, #tpu.memory_space<hbm>> -> memref<1x1x32x64xi32, #tpu.memory_space<hbm>>
      %dma_wait3A_116 = tpu.memref_squeeze %dma_wait3A_115 : memref<1x1x32x64xi32, #tpu.memory_space<hbm>> -> memref<32x64xi32, #tpu.memory_space<hbm>>
      %dma_wait3A_117 = arith.constant 0 : i32
      %dma_wait3A_118 = arith.constant 0 : i32
      %dma_wait3A_119 = tpu.memref_slice %arg8[%dma_wait3A_108, %dma_wait3A_117, %dma_wait3A_118] : memref<2x32x64xi32, #tpu.memory_space<vmem>> -> memref<1x32x64xi32, #tpu.memory_space<vmem>>
      %dma_wait3A_120 = tpu.memref_squeeze %dma_wait3A_119 : memref<1x32x64xi32, #tpu.memory_space<vmem>> -> memref<32x64xi32, #tpu.memory_space<vmem>>
      %dma_wait3A_121 = arith.constant 0 : i32
      %dma_wait3A_122 = arith.constant 0 : i32
      %dma_wait3A_123 = tpu.memref_slice %arg3[%add3A, %dma_wait3A_107, %dma_wait3A_121, %dma_wait3A_122] : memref<32x10x32x64xi32, #tpu.memory_space<hbm>> -> memref<1x1x32x64xi32, #tpu.memory_space<hbm>>
      %dma_wait3A_124 = tpu.memref_squeeze %dma_wait3A_123 : memref<1x1x32x64xi32, #tpu.memory_space<hbm>> -> memref<32x64xi32, #tpu.memory_space<hbm>>
      tpu.wait_dma2 semaphore(%arg21 : memref<!tpu.dma_semaphore, #tpu.memory_space<semaphore_mem>>) src(%dma_wait3A_124 : memref<32x64xi32, #tpu.memory_space<hbm>>) dst(%dma_wait3A_120 : memref<32x64xi32, #tpu.memory_space<vmem>>)
      %dma_start3A_125 = arith.constant 0 : i32
      %dma_start3A_126 = arith.constant 0 : i32
      %dma_start3A_127 = arith.constant 0 : i32
      %dma_start3A_128 = tpu.memref_slice %arg7[%dma_start3A_125, %dma_start3A_126, %dma_start3A_127] : memref<2x32x64xi32, #tpu.memory_space<vmem>> -> memref<1x1x64xi32, #tpu.memory_space<vmem>>
      %dma_start3A_129 = tpu.memref_squeeze %dma_start3A_128 : memref<1x1x64xi32, #tpu.memory_space<vmem>> -> memref<64xi32, #tpu.memory_space<vmem>>
      %dma_start3A_130 = arith.constant 0 : i32
      %dma_start3A_131 = arith.constant 0 : i32
      %dma_start3A_132 = tpu.memref_slice %arg4[%dma_start3A_130, %dma_start3A_131] : memref<20480x128xf32, #tpu.memory_space<hbm>> -> memref<20480x128xf32, #tpu.memory_space<hbm>>
      tpu.enqueue_indirect_dma source(%dma_start3A_132 : memref<20480x128xf32, #tpu.memory_space<hbm>>) target(%arg9 : memref<64x128xf32, #tpu.memory_space<vmem>>) offsets(%dma_start3A_129 : memref<64xi32, #tpu.memory_space<vmem>>) semaphore(%arg13 : memref<!tpu.dma_semaphore, #tpu.memory_space<semaphore_mem>>)
      %dma_start3A_133 = arith.constant 0 : i32
      %dma_start3A_134 = arith.constant 1 : i32
      %dma_start3A_135 = arith.constant 0 : i32
      %dma_start3A_136 = tpu.memref_slice %arg7[%dma_start3A_133, %dma_start3A_134, %dma_start3A_135] : memref<2x32x64xi32, #tpu.memory_space<vmem>> -> memref<1x1x64xi32, #tpu.memory_space<vmem>>
      %dma_start3A_137 = tpu.memref_squeeze %dma_start3A_136 : memref<1x1x64xi32, #tpu.memory_space<vmem>> -> memref<64xi32, #tpu.memory_space<vmem>>
      %dma_start3A_138 = arith.constant 0 : i32
      %dma_start3A_139 = arith.constant 0 : i32
      %dma_start3A_140 = tpu.memref_slice %arg4[%dma_start3A_138, %dma_start3A_139] : memref<20480x128xf32, #tpu.memory_space<hbm>> -> memref<20480x128xf32, #tpu.memory_space<hbm>>
      tpu.enqueue_indirect_dma source(%dma_start3A_140 : memref<20480x128xf32, #tpu.memory_space<hbm>>) target(%arg10 : memref<64x128xf32, #tpu.memory_space<vmem>>) offsets(%dma_start3A_137 : memref<64xi32, #tpu.memory_space<vmem>>) semaphore(%arg14 : memref<!tpu.dma_semaphore, #tpu.memory_space<semaphore_mem>>)
      %dma_start3A_141 = arith.constant 0 : i32
      %dma_start3A_142 = arith.constant 2 : i32
      %dma_start3A_143 = arith.constant 0 : i32
      %dma_start3A_144 = tpu.memref_slice %arg7[%dma_start3A_141, %dma_start3A_142, %dma_start3A_143] : memref<2x32x64xi32, #tpu.memory_space<vmem>> -> memref<1x1x64xi32, #tpu.memory_space<vmem>>
      %dma_start3A_145 = tpu.memref_squeeze %dma_start3A_144 : memref<1x1x64xi32, #tpu.memory_space<vmem>> -> memref<64xi32, #tpu.memory_space<vmem>>
      %dma_start3A_146 = arith.constant 0 : i32
      %dma_start3A_147 = arith.constant 0 : i32
      %dma_start3A_148 = tpu.memref_slice %arg4[%dma_start3A_146, %dma_start3A_147] : memref<20480x128xf32, #tpu.memory_space<hbm>> -> memref<20480x128xf32, #tpu.memory_space<hbm>>
      tpu.enqueue_indirect_dma source(%dma_start3A_148 : memref<20480x128xf32, #tpu.memory_space<hbm>>) target(%arg11 : memref<64x128xf32, #tpu.memory_space<vmem>>) offsets(%dma_start3A_145 : memref<64xi32, #tpu.memory_space<vmem>>) semaphore(%arg15 : memref<!tpu.dma_semaphore, #tpu.memory_space<semaphore_mem>>)
      %dma_start3A_149 = arith.constant 0 : i32
      %dma_start3A_150 = arith.constant 3 : i32
      %dma_start3A_151 = arith.constant 0 : i32
      %dma_start3A_152 = tpu.memref_slice %arg7[%dma_start3A_149, %dma_start3A_150, %dma_start3A_151] : memref<2x32x64xi32, #tpu.memory_space<vmem>> -> memref<1x1x64xi32, #tpu.memory_space<vmem>>
      %dma_start3A_153 = tpu.memref_squeeze %dma_start3A_152 : memref<1x1x64xi32, #tpu.memory_space<vmem>> -> memref<64xi32, #tpu.memory_space<vmem>>
      %dma_start3A_154 = arith.constant 0 : i32
      %dma_start3A_155 = arith.constant 0 : i32
      %dma_start3A_156 = tpu.memref_slice %arg4[%dma_start3A_154, %dma_start3A_155] : memref<20480x128xf32, #tpu.memory_space<hbm>> -> memref<20480x128xf32, #tpu.memory_space<hbm>>
      tpu.enqueue_indirect_dma source(%dma_start3A_156 : memref<20480x128xf32, #tpu.memory_space<hbm>>) target(%arg12 : memref<64x128xf32, #tpu.memory_space<vmem>>) offsets(%dma_start3A_153 : memref<64xi32, #tpu.memory_space<vmem>>) semaphore(%arg16 : memref<!tpu.dma_semaphore, #tpu.memory_space<semaphore_mem>>)
      %scan3A_157 = arith.constant 0 : i32
      %scan3A_158 = arith.constant 0 : i32
      %scan3A_159 = arith.constant 7 : i32
      %scan3A_160 = arith.addi %scan3A_158, %scan3A_159 : i32
      %scan3A_161 = arith.constant 1 : i32
      scf.for %scan3A_444 = %scan3A_158 to %scan3A_160 step %scan3A_161  : i32 {
        %mul3A_445 = arith.constant 4 : i32
        %mul3A_446 = arith.muli %scan3A_444, %mul3A_445 : i32
        %dma_wait3A_447 = arith.constant 0 : i32
        %dma_wait3A_448 = arith.constant 0 : i32
        %dma_wait3A_449 = arith.constant 0 : i32
        %dma_wait3A_450 = tpu.memref_slice %arg7[%dma_wait3A_447, %dma_wait3A_448, %dma_wait3A_449] : memref<2x32x64xi32, #tpu.memory_space<vmem>> -> memref<1x1x64xi32, #tpu.memory_space<vmem>>
        %dma_wait3A_451 = tpu.memref_squeeze %dma_wait3A_450 : memref<1x1x64xi32, #tpu.memory_space<vmem>> -> memref<64xi32, #tpu.memory_space<vmem>>
        %dma_wait3A_452 = arith.constant 0 : i32
        %dma_wait3A_453 = arith.constant 0 : i32
        %dma_wait3A_454 = tpu.memref_slice %arg4[%dma_wait3A_452, %dma_wait3A_453] : memref<20480x128xf32, #tpu.memory_space<hbm>> -> memref<20480x128xf32, #tpu.memory_space<hbm>>
        tpu.wait_indirect_dma semaphore(%arg13 : memref<!tpu.dma_semaphore, #tpu.memory_space<semaphore_mem>>) src(%dma_wait3A_454 : memref<20480x128xf32, #tpu.memory_space<hbm>>) dst(%arg9 : memref<64x128xf32, #tpu.memory_space<vmem>>)
        %add3A_455 = arith.constant 0 : i32
        %add3A_456 = arith.addi %mul3A_446, %add3A_455 : i32
        %dma_start3A_457 = arith.constant 0 : i32
        %dma_start3A_458 = arith.constant 0 : i32
        %dma_start3A_459 = tpu.memref_slice %arg8[%dma_start3A_457, %add3A_456, %dma_start3A_458] : memref<2x32x64xi32, #tpu.memory_space<vmem>> -> memref<1x1x64xi32, #tpu.memory_space<vmem>>
        %dma_start3A_460 = tpu.memref_squeeze %dma_start3A_459 : memref<1x1x64xi32, #tpu.memory_space<vmem>> -> memref<64xi32, #tpu.memory_space<vmem>>
        %dma_start3A_461 = arith.constant 0 : i32
        %dma_start3A_462 = arith.constant 0 : i32
        %dma_start3A_463 = tpu.memref_slice %arg23[%dma_start3A_461, %dma_start3A_462] : memref<10240x128xf32, #tpu.memory_space<vmem_shared>> -> memref<10240x128xf32, #tpu.memory_space<vmem_shared>>
        tpu.enqueue_indirect_dma source(%arg9 : memref<64x128xf32, #tpu.memory_space<vmem>>) target(%dma_start3A_463 : memref<10240x128xf32, #tpu.memory_space<vmem_shared>>) offsets(%dma_start3A_460 : memref<64xi32, #tpu.memory_space<vmem>>) semaphore(%arg17 : memref<!tpu.dma_semaphore, #tpu.memory_space<semaphore_mem>>) {add = true}
        %dma_wait3A_464 = arith.constant 0 : i32
        %dma_wait3A_465 = arith.constant 0 : i32
        %dma_wait3A_466 = arith.constant 0 : i32
        %dma_wait3A_467 = tpu.memref_slice %arg7[%dma_wait3A_464, %dma_wait3A_465, %dma_wait3A_466] : memref<2x32x64xi32, #tpu.memory_space<vmem>> -> memref<1x1x64xi32, #tpu.memory_space<vmem>>
        %dma_wait3A_468 = tpu.memref_squeeze %dma_wait3A_467 : memref<1x1x64xi32, #tpu.memory_space<vmem>> -> memref<64xi32, #tpu.memory_space<vmem>>
        %dma_wait3A_469 = arith.constant 0 : i32
        %dma_wait3A_470 = arith.constant 0 : i32
        %dma_wait3A_471 = tpu.memref_slice %arg4[%dma_wait3A_469, %dma_wait3A_470] : memref<20480x128xf32, #tpu.memory_space<hbm>> -> memref<20480x128xf32, #tpu.memory_space<hbm>>
        tpu.wait_indirect_dma semaphore(%arg14 : memref<!tpu.dma_semaphore, #tpu.memory_space<semaphore_mem>>) src(%dma_wait3A_471 : memref<20480x128xf32, #tpu.memory_space<hbm>>) dst(%arg10 : memref<64x128xf32, #tpu.memory_space<vmem>>)
        %add3A_472 = arith.constant 1 : i32
        %add3A_473 = arith.addi %mul3A_446, %add3A_472 : i32
        %dma_start3A_474 = arith.constant 0 : i32
        %dma_start3A_475 = arith.constant 0 : i32
        %dma_start3A_476 = tpu.memref_slice %arg8[%dma_start3A_474, %add3A_473, %dma_start3A_475] : memref<2x32x64xi32, #tpu.memory_space<vmem>> -> memref<1x1x64xi32, #tpu.memory_space<vmem>>
        %dma_start3A_477 = tpu.memref_squeeze %dma_start3A_476 : memref<1x1x64xi32, #tpu.memory_space<vmem>> -> memref<64xi32, #tpu.memory_space<vmem>>
        %dma_start3A_478 = arith.constant 0 : i32
        %dma_start3A_479 = arith.constant 0 : i32
        %dma_start3A_480 = tpu.memref_slice %arg23[%dma_start3A_478, %dma_start3A_479] : memref<10240x128xf32, #tpu.memory_space<vmem_shared>> -> memref<10240x128xf32, #tpu.memory_space<vmem_shared>>
        tpu.enqueue_indirect_dma source(%arg10 : memref<64x128xf32, #tpu.memory_space<vmem>>) target(%dma_start3A_480 : memref<10240x128xf32, #tpu.memory_space<vmem_shared>>) offsets(%dma_start3A_477 : memref<64xi32, #tpu.memory_space<vmem>>) semaphore(%arg18 : memref<!tpu.dma_semaphore, #tpu.memory_space<semaphore_mem>>) {add = true}
        %dma_wait3A_481 = arith.constant 0 : i32
        %dma_wait3A_482 = arith.constant 0 : i32
        %dma_wait3A_483 = arith.constant 0 : i32
        %dma_wait3A_484 = tpu.memref_slice %arg7[%dma_wait3A_481, %dma_wait3A_482, %dma_wait3A_483] : memref<2x32x64xi32, #tpu.memory_space<vmem>> -> memref<1x1x64xi32, #tpu.memory_space<vmem>>
        %dma_wait3A_485 = tpu.memref_squeeze %dma_wait3A_484 : memref<1x1x64xi32, #tpu.memory_space<vmem>> -> memref<64xi32, #tpu.memory_space<vmem>>
        %dma_wait3A_486 = arith.constant 0 : i32
        %dma_wait3A_487 = arith.constant 0 : i32
        %dma_wait3A_488 = tpu.memref_slice %arg4[%dma_wait3A_486, %dma_wait3A_487] : memref<20480x128xf32, #tpu.memory_space<hbm>> -> memref<20480x128xf32, #tpu.memory_space<hbm>>
        tpu.wait_indirect_dma semaphore(%arg15 : memref<!tpu.dma_semaphore, #tpu.memory_space<semaphore_mem>>) src(%dma_wait3A_488 : memref<20480x128xf32, #tpu.memory_space<hbm>>) dst(%arg11 : memref<64x128xf32, #tpu.memory_space<vmem>>)
        %add3A_489 = arith.constant 2 : i32
        %add3A_490 = arith.addi %mul3A_446, %add3A_489 : i32
        %dma_start3A_491 = arith.constant 0 : i32
        %dma_start3A_492 = arith.constant 0 : i32
        %dma_start3A_493 = tpu.memref_slice %arg8[%dma_start3A_491, %add3A_490, %dma_start3A_492] : memref<2x32x64xi32, #tpu.memory_space<vmem>> -> memref<1x1x64xi32, #tpu.memory_space<vmem>>
        %dma_start3A_494 = tpu.memref_squeeze %dma_start3A_493 : memref<1x1x64xi32, #tpu.memory_space<vmem>> -> memref<64xi32, #tpu.memory_space<vmem>>
        %dma_start3A_495 = arith.constant 0 : i32
        %dma_start3A_496 = arith.constant 0 : i32
        %dma_start3A_497 = tpu.memref_slice %arg23[%dma_start3A_495, %dma_start3A_496] : memref<10240x128xf32, #tpu.memory_space<vmem_shared>> -> memref<10240x128xf32, #tpu.memory_space<vmem_shared>>
        tpu.enqueue_indirect_dma source(%arg11 : memref<64x128xf32, #tpu.memory_space<vmem>>) target(%dma_start3A_497 : memref<10240x128xf32, #tpu.memory_space<vmem_shared>>) offsets(%dma_start3A_494 : memref<64xi32, #tpu.memory_space<vmem>>) semaphore(%arg19 : memref<!tpu.dma_semaphore, #tpu.memory_space<semaphore_mem>>) {add = true}
        %dma_wait3A_498 = arith.constant 0 : i32
        %dma_wait3A_499 = arith.constant 0 : i32
        %dma_wait3A_500 = arith.constant 0 : i32
        %dma_wait3A_501 = tpu.memref_slice %arg7[%dma_wait3A_498, %dma_wait3A_499, %dma_wait3A_500] : memref<2x32x64xi32, #tpu.memory_space<vmem>> -> memref<1x1x64xi32, #tpu.memory_space<vmem>>
        %dma_wait3A_502 = tpu.memref_squeeze %dma_wait3A_501 : memref<1x1x64xi32, #tpu.memory_space<vmem>> -> memref<64xi32, #tpu.memory_space<vmem>>
        %dma_wait3A_503 = arith.constant 0 : i32
        %dma_wait3A_504 = arith.constant 0 : i32
        %dma_wait3A_505 = tpu.memref_slice %arg4[%dma_wait3A_503, %dma_wait3A_504] : memref<20480x128xf32, #tpu.memory_space<hbm>> -> memref<20480x128xf32, #tpu.memory_space<hbm>>
        tpu.wait_indirect_dma semaphore(%arg16 : memref<!tpu.dma_semaphore, #tpu.memory_space<semaphore_mem>>) src(%dma_wait3A_505 : memref<20480x128xf32, #tpu.memory_space<hbm>>) dst(%arg12 : memref<64x128xf32, #tpu.memory_space<vmem>>)
        %add3A_506 = arith.constant 3 : i32
        %add3A_507 = arith.addi %mul3A_446, %add3A_506 : i32
        %dma_start3A_508 = arith.constant 0 : i32
        %dma_start3A_509 = arith.constant 0 : i32
        %dma_start3A_510 = tpu.memref_slice %arg8[%dma_start3A_508, %add3A_507, %dma_start3A_509] : memref<2x32x64xi32, #tpu.memory_space<vmem>> -> memref<1x1x64xi32, #tpu.memory_space<vmem>>
        %dma_start3A_511 = tpu.memref_squeeze %dma_start3A_510 : memref<1x1x64xi32, #tpu.memory_space<vmem>> -> memref<64xi32, #tpu.memory_space<vmem>>
        %dma_start3A_512 = arith.constant 0 : i32
        %dma_start3A_513 = arith.constant 0 : i32
        %dma_start3A_514 = tpu.memref_slice %arg23[%dma_start3A_512, %dma_start3A_513] : memref<10240x128xf32, #tpu.memory_space<vmem_shared>> -> memref<10240x128xf32, #tpu.memory_space<vmem_shared>>
        tpu.enqueue_indirect_dma source(%arg12 : memref<64x128xf32, #tpu.memory_space<vmem>>) target(%dma_start3A_514 : memref<10240x128xf32, #tpu.memory_space<vmem_shared>>) offsets(%dma_start3A_511 : memref<64xi32, #tpu.memory_space<vmem>>) semaphore(%arg20 : memref<!tpu.dma_semaphore, #tpu.memory_space<semaphore_mem>>) {add = true}
        %dma_wait3A_515 = arith.constant 0 : i32
        %dma_wait3A_516 = arith.constant 0 : i32
        %dma_wait3A_517 = arith.constant 0 : i32
        %dma_wait3A_518 = tpu.memref_slice %arg8[%dma_wait3A_515, %dma_wait3A_516, %dma_wait3A_517] : memref<2x32x64xi32, #tpu.memory_space<vmem>> -> memref<1x1x64xi32, #tpu.memory_space<vmem>>
        %dma_wait3A_519 = tpu.memref_squeeze %dma_wait3A_518 : memref<1x1x64xi32, #tpu.memory_space<vmem>> -> memref<64xi32, #tpu.memory_space<vmem>>
        %dma_wait3A_520 = arith.constant 0 : i32
        %dma_wait3A_521 = arith.constant 0 : i32
        %dma_wait3A_522 = tpu.memref_slice %arg23[%dma_wait3A_520, %dma_wait3A_521] : memref<10240x128xf32, #tpu.memory_space<vmem_shared>> -> memref<10240x128xf32, #tpu.memory_space<vmem_shared>>
        tpu.wait_indirect_dma semaphore(%arg17 : memref<!tpu.dma_semaphore, #tpu.memory_space<semaphore_mem>>) src(%arg9 : memref<64x128xf32, #tpu.memory_space<vmem>>) dst(%dma_wait3A_522 : memref<10240x128xf32, #tpu.memory_space<vmem_shared>>)
        %add3A_523 = arith.constant 4 : i32
        %add3A_524 = arith.addi %mul3A_446, %add3A_523 : i32
        %add3A_525 = arith.constant 0 : i32
        %add3A_526 = arith.addi %add3A_524, %add3A_525 : i32
        %dma_start3A_527 = arith.constant 0 : i32
        %dma_start3A_528 = arith.constant 0 : i32
        %dma_start3A_529 = tpu.memref_slice %arg7[%dma_start3A_527, %add3A_526, %dma_start3A_528] : memref<2x32x64xi32, #tpu.memory_space<vmem>> -> memref<1x1x64xi32, #tpu.memory_space<vmem>>
        %dma_start3A_530 = tpu.memref_squeeze %dma_start3A_529 : memref<1x1x64xi32, #tpu.memory_space<vmem>> -> memref<64xi32, #tpu.memory_space<vmem>>
        %dma_start3A_531 = arith.constant 0 : i32
        %dma_start3A_532 = arith.constant 0 : i32
        %dma_start3A_533 = tpu.memref_slice %arg4[%dma_start3A_531, %dma_start3A_532] : memref<20480x128xf32, #tpu.memory_space<hbm>> -> memref<20480x128xf32, #tpu.memory_space<hbm>>
        tpu.enqueue_indirect_dma source(%dma_start3A_533 : memref<20480x128xf32, #tpu.memory_space<hbm>>) target(%arg9 : memref<64x128xf32, #tpu.memory_space<vmem>>) offsets(%dma_start3A_530 : memref<64xi32, #tpu.memory_space<vmem>>) semaphore(%arg13 : memref<!tpu.dma_semaphore, #tpu.memory_space<semaphore_mem>>)
        %dma_wait3A_534 = arith.constant 0 : i32
        %dma_wait3A_535 = arith.constant 0 : i32
        %dma_wait3A_536 = arith.constant 0 : i32
        %dma_wait3A_537 = tpu.memref_slice %arg8[%dma_wait3A_534, %dma_wait3A_535, %dma_wait3A_536] : memref<2x32x64xi32, #tpu.memory_space<vmem>> -> memref<1x1x64xi32, #tpu.memory_space<vmem>>
        %dma_wait3A_538 = tpu.memref_squeeze %dma_wait3A_537 : memref<1x1x64xi32, #tpu.memory_space<vmem>> -> memref<64xi32, #tpu.memory_space<vmem>>
        %dma_wait3A_539 = arith.constant 0 : i32
        %dma_wait3A_540 = arith.constant 0 : i32
        %dma_wait3A_541 = tpu.memref_slice %arg23[%dma_wait3A_539, %dma_wait3A_540] : memref<10240x128xf32, #tpu.memory_space<vmem_shared>> -> memref<10240x128xf32, #tpu.memory_space<vmem_shared>>
        tpu.wait_indirect_dma semaphore(%arg18 : memref<!tpu.dma_semaphore, #tpu.memory_space<semaphore_mem>>) src(%arg10 : memref<64x128xf32, #tpu.memory_space<vmem>>) dst(%dma_wait3A_541 : memref<10240x128xf32, #tpu.memory_space<vmem_shared>>)
        %add3A_542 = arith.constant 4 : i32
        %add3A_543 = arith.addi %mul3A_446, %add3A_542 : i32
        %add3A_544 = arith.constant 1 : i32
        %add3A_545 = arith.addi %add3A_543, %add3A_544 : i32
        %dma_start3A_546 = arith.constant 0 : i32
        %dma_start3A_547 = arith.constant 0 : i32
        %dma_start3A_548 = tpu.memref_slice %arg7[%dma_start3A_546, %add3A_545, %dma_start3A_547] : memref<2x32x64xi32, #tpu.memory_space<vmem>> -> memref<1x1x64xi32, #tpu.memory_space<vmem>>
        %dma_start3A_549 = tpu.memref_squeeze %dma_start3A_548 : memref<1x1x64xi32, #tpu.memory_space<vmem>> -> memref<64xi32, #tpu.memory_space<vmem>>
        %dma_start3A_550 = arith.constant 0 : i32
        %dma_start3A_551 = arith.constant 0 : i32
        %dma_start3A_552 = tpu.memref_slice %arg4[%dma_start3A_550, %dma_start3A_551] : memref<20480x128xf32, #tpu.memory_space<hbm>> -> memref<20480x128xf32, #tpu.memory_space<hbm>>
        tpu.enqueue_indirect_dma source(%dma_start3A_552 : memref<20480x128xf32, #tpu.memory_space<hbm>>) target(%arg10 : memref<64x128xf32, #tpu.memory_space<vmem>>) offsets(%dma_start3A_549 : memref<64xi32, #tpu.memory_space<vmem>>) semaphore(%arg14 : memref<!tpu.dma_semaphore, #tpu.memory_space<semaphore_mem>>)
        %dma_wait3A_553 = arith.constant 0 : i32
        %dma_wait3A_554 = arith.constant 0 : i32
        %dma_wait3A_555 = arith.constant 0 : i32
        %dma_wait3A_556 = tpu.memref_slice %arg8[%dma_wait3A_553, %dma_wait3A_554, %dma_wait3A_555] : memref<2x32x64xi32, #tpu.memory_space<vmem>> -> memref<1x1x64xi32, #tpu.memory_space<vmem>>
        %dma_wait3A_557 = tpu.memref_squeeze %dma_wait3A_556 : memref<1x1x64xi32, #tpu.memory_space<vmem>> -> memref<64xi32, #tpu.memory_space<vmem>>
        %dma_wait3A_558 = arith.constant 0 : i32
        %dma_wait3A_559 = arith.constant 0 : i32
        %dma_wait3A_560 = tpu.memref_slice %arg23[%dma_wait3A_558, %dma_wait3A_559] : memref<10240x128xf32, #tpu.memory_space<vmem_shared>> -> memref<10240x128xf32, #tpu.memory_space<vmem_shared>>
        tpu.wait_indirect_dma semaphore(%arg19 : memref<!tpu.dma_semaphore, #tpu.memory_space<semaphore_mem>>) src(%arg11 : memref<64x128xf32, #tpu.memory_space<vmem>>) dst(%dma_wait3A_560 : memref<10240x128xf32, #tpu.memory_space<vmem_shared>>)
        %add3A_561 = arith.constant 4 : i32
        %add3A_562 = arith.addi %mul3A_446, %add3A_561 : i32
        %add3A_563 = arith.constant 2 : i32
        %add3A_564 = arith.addi %add3A_562, %add3A_563 : i32
        %dma_start3A_565 = arith.constant 0 : i32
        %dma_start3A_566 = arith.constant 0 : i32
        %dma_start3A_567 = tpu.memref_slice %arg7[%dma_start3A_565, %add3A_564, %dma_start3A_566] : memref<2x32x64xi32, #tpu.memory_space<vmem>> -> memref<1x1x64xi32, #tpu.memory_space<vmem>>
        %dma_start3A_568 = tpu.memref_squeeze %dma_start3A_567 : memref<1x1x64xi32, #tpu.memory_space<vmem>> -> memref<64xi32, #tpu.memory_space<vmem>>
        %dma_start3A_569 = arith.constant 0 : i32
        %dma_start3A_570 = arith.constant 0 : i32
        %dma_start3A_571 = tpu.memref_slice %arg4[%dma_start3A_569, %dma_start3A_570] : memref<20480x128xf32, #tpu.memory_space<hbm>> -> memref<20480x128xf32, #tpu.memory_space<hbm>>
        tpu.enqueue_indirect_dma source(%dma_start3A_571 : memref<20480x128xf32, #tpu.memory_space<hbm>>) target(%arg11 : memref<64x128xf32, #tpu.memory_space<vmem>>) offsets(%dma_start3A_568 : memref<64xi32, #tpu.memory_space<vmem>>) semaphore(%arg15 : memref<!tpu.dma_semaphore, #tpu.memory_space<semaphore_mem>>)
        %dma_wait3A_572 = arith.constant 0 : i32
        %dma_wait3A_573 = arith.constant 0 : i32
        %dma_wait3A_574 = arith.constant 0 : i32
        %dma_wait3A_575 = tpu.memref_slice %arg8[%dma_wait3A_572, %dma_wait3A_573, %dma_wait3A_574] : memref<2x32x64xi32, #tpu.memory_space<vmem>> -> memref<1x1x64xi32, #tpu.memory_space<vmem>>
        %dma_wait3A_576 = tpu.memref_squeeze %dma_wait3A_575 : memref<1x1x64xi32, #tpu.memory_space<vmem>> -> memref<64xi32, #tpu.memory_space<vmem>>
        %dma_wait3A_577 = arith.constant 0 : i32
        %dma_wait3A_578 = arith.constant 0 : i32
        %dma_wait3A_579 = tpu.memref_slice %arg23[%dma_wait3A_577, %dma_wait3A_578] : memref<10240x128xf32, #tpu.memory_space<vmem_shared>> -> memref<10240x128xf32, #tpu.memory_space<vmem_shared>>
        tpu.wait_indirect_dma semaphore(%arg20 : memref<!tpu.dma_semaphore, #tpu.memory_space<semaphore_mem>>) src(%arg12 : memref<64x128xf32, #tpu.memory_space<vmem>>) dst(%dma_wait3A_579 : memref<10240x128xf32, #tpu.memory_space<vmem_shared>>)
        %add3A_580 = arith.constant 4 : i32
        %add3A_581 = arith.addi %mul3A_446, %add3A_580 : i32
        %add3A_582 = arith.constant 3 : i32
        %add3A_583 = arith.addi %add3A_581, %add3A_582 : i32
        %dma_start3A_584 = arith.constant 0 : i32
        %dma_start3A_585 = arith.constant 0 : i32
        %dma_start3A_586 = tpu.memref_slice %arg7[%dma_start3A_584, %add3A_583, %dma_start3A_585] : memref<2x32x64xi32, #tpu.memory_space<vmem>> -> memref<1x1x64xi32, #tpu.memory_space<vmem>>
        %dma_start3A_587 = tpu.memref_squeeze %dma_start3A_586 : memref<1x1x64xi32, #tpu.memory_space<vmem>> -> memref<64xi32, #tpu.memory_space<vmem>>
        %dma_start3A_588 = arith.constant 0 : i32
        %dma_start3A_589 = arith.constant 0 : i32
        %dma_start3A_590 = tpu.memref_slice %arg4[%dma_start3A_588, %dma_start3A_589] : memref<20480x128xf32, #tpu.memory_space<hbm>> -> memref<20480x128xf32, #tpu.memory_space<hbm>>
        tpu.enqueue_indirect_dma source(%dma_start3A_590 : memref<20480x128xf32, #tpu.memory_space<hbm>>) target(%arg12 : memref<64x128xf32, #tpu.memory_space<vmem>>) offsets(%dma_start3A_587 : memref<64xi32, #tpu.memory_space<vmem>>) semaphore(%arg16 : memref<!tpu.dma_semaphore, #tpu.memory_space<semaphore_mem>>)
      }
      %scan3A_162 = arith.constant 7 : i32
      %dma_wait3A_163 = arith.constant 0 : i32
      %dma_wait3A_164 = arith.constant 0 : i32
      %dma_wait3A_165 = arith.constant 0 : i32
      %dma_wait3A_166 = tpu.memref_slice %arg7[%dma_wait3A_163, %dma_wait3A_164, %dma_wait3A_165] : memref<2x32x64xi32, #tpu.memory_space<vmem>> -> memref<1x1x64xi32, #tpu.memory_space<vmem>>
      %dma_wait3A_167 = tpu.memref_squeeze %dma_wait3A_166 : memref<1x1x64xi32, #tpu.memory_space<vmem>> -> memref<64xi32, #tpu.memory_space<vmem>>
      %dma_wait3A_168 = arith.constant 0 : i32
      %dma_wait3A_169 = arith.constant 0 : i32
      %dma_wait3A_170 = tpu.memref_slice %arg4[%dma_wait3A_168, %dma_wait3A_169] : memref<20480x128xf32, #tpu.memory_space<hbm>> -> memref<20480x128xf32, #tpu.memory_space<hbm>>
      tpu.wait_indirect_dma semaphore(%arg13 : memref<!tpu.dma_semaphore, #tpu.memory_space<semaphore_mem>>) src(%dma_wait3A_170 : memref<20480x128xf32, #tpu.memory_space<hbm>>) dst(%arg9 : memref<64x128xf32, #tpu.memory_space<vmem>>)
      %dma_start3A_171 = arith.constant 0 : i32
      %dma_start3A_172 = arith.constant 28 : i32
      %dma_start3A_173 = arith.constant 0 : i32
      %dma_start3A_174 = tpu.memref_slice %arg8[%dma_start3A_171, %dma_start3A_172, %dma_start3A_173] : memref<2x32x64xi32, #tpu.memory_space<vmem>> -> memref<1x1x64xi32, #tpu.memory_space<vmem>>
      %dma_start3A_175 = tpu.memref_squeeze %dma_start3A_174 : memref<1x1x64xi32, #tpu.memory_space<vmem>> -> memref<64xi32, #tpu.memory_space<vmem>>
      %dma_start3A_176 = arith.constant 0 : i32
      %dma_start3A_177 = arith.constant 0 : i32
      %dma_start3A_178 = tpu.memref_slice %arg23[%dma_start3A_176, %dma_start3A_177] : memref<10240x128xf32, #tpu.memory_space<vmem_shared>> -> memref<10240x128xf32, #tpu.memory_space<vmem_shared>>
      tpu.enqueue_indirect_dma source(%arg9 : memref<64x128xf32, #tpu.memory_space<vmem>>) target(%dma_start3A_178 : memref<10240x128xf32, #tpu.memory_space<vmem_shared>>) offsets(%dma_start3A_175 : memref<64xi32, #tpu.memory_space<vmem>>) semaphore(%arg17 : memref<!tpu.dma_semaphore, #tpu.memory_space<semaphore_mem>>) {add = true}
      %dma_wait3A_179 = arith.constant 0 : i32
      %dma_wait3A_180 = arith.constant 0 : i32
      %dma_wait3A_181 = arith.constant 0 : i32
      %dma_wait3A_182 = tpu.memref_slice %arg7[%dma_wait3A_179, %dma_wait3A_180, %dma_wait3A_181] : memref<2x32x64xi32, #tpu.memory_space<vmem>> -> memref<1x1x64xi32, #tpu.memory_space<vmem>>
      %dma_wait3A_183 = tpu.memref_squeeze %dma_wait3A_182 : memref<1x1x64xi32, #tpu.memory_space<vmem>> -> memref<64xi32, #tpu.memory_space<vmem>>
      %dma_wait3A_184 = arith.constant 0 : i32
      %dma_wait3A_185 = arith.constant 0 : i32
      %dma_wait3A_186 = tpu.memref_slice %arg4[%dma_wait3A_184, %dma_wait3A_185] : memref<20480x128xf32, #tpu.memory_space<hbm>> -> memref<20480x128xf32, #tpu.memory_space<hbm>>
      tpu.wait_indirect_dma semaphore(%arg14 : memref<!tpu.dma_semaphore, #tpu.memory_space<semaphore_mem>>) src(%dma_wait3A_186 : memref<20480x128xf32, #tpu.memory_space<hbm>>) dst(%arg10 : memref<64x128xf32, #tpu.memory_space<vmem>>)
      %dma_start3A_187 = arith.constant 0 : i32
      %dma_start3A_188 = arith.constant 29 : i32
      %dma_start3A_189 = arith.constant 0 : i32
      %dma_start3A_190 = tpu.memref_slice %arg8[%dma_start3A_187, %dma_start3A_188, %dma_start3A_189] : memref<2x32x64xi32, #tpu.memory_space<vmem>> -> memref<1x1x64xi32, #tpu.memory_space<vmem>>
      %dma_start3A_191 = tpu.memref_squeeze %dma_start3A_190 : memref<1x1x64xi32, #tpu.memory_space<vmem>> -> memref<64xi32, #tpu.memory_space<vmem>>
      %dma_start3A_192 = arith.constant 0 : i32
      %dma_start3A_193 = arith.constant 0 : i32
      %dma_start3A_194 = tpu.memref_slice %arg23[%dma_start3A_192, %dma_start3A_193] : memref<10240x128xf32, #tpu.memory_space<vmem_shared>> -> memref<10240x128xf32, #tpu.memory_space<vmem_shared>>
      tpu.enqueue_indirect_dma source(%arg10 : memref<64x128xf32, #tpu.memory_space<vmem>>) target(%dma_start3A_194 : memref<10240x128xf32, #tpu.memory_space<vmem_shared>>) offsets(%dma_start3A_191 : memref<64xi32, #tpu.memory_space<vmem>>) semaphore(%arg18 : memref<!tpu.dma_semaphore, #tpu.memory_space<semaphore_mem>>) {add = true}
      %dma_wait3A_195 = arith.constant 0 : i32
      %dma_wait3A_196 = arith.constant 0 : i32
      %dma_wait3A_197 = arith.constant 0 : i32
      %dma_wait3A_198 = tpu.memref_slice %arg7[%dma_wait3A_195, %dma_wait3A_196, %dma_wait3A_197] : memref<2x32x64xi32, #tpu.memory_space<vmem>> -> memref<1x1x64xi32, #tpu.memory_space<vmem>>
      %dma_wait3A_199 = tpu.memref_squeeze %dma_wait3A_198 : memref<1x1x64xi32, #tpu.memory_space<vmem>> -> memref<64xi32, #tpu.memory_space<vmem>>
      %dma_wait3A_200 = arith.constant 0 : i32
      %dma_wait3A_201 = arith.constant 0 : i32
      %dma_wait3A_202 = tpu.memref_slice %arg4[%dma_wait3A_200, %dma_wait3A_201] : memref<20480x128xf32, #tpu.memory_space<hbm>> -> memref<20480x128xf32, #tpu.memory_space<hbm>>
      tpu.wait_indirect_dma semaphore(%arg15 : memref<!tpu.dma_semaphore, #tpu.memory_space<semaphore_mem>>) src(%dma_wait3A_202 : memref<20480x128xf32, #tpu.memory_space<hbm>>) dst(%arg11 : memref<64x128xf32, #tpu.memory_space<vmem>>)
      %dma_start3A_203 = arith.constant 0 : i32
      %dma_start3A_204 = arith.constant 30 : i32
      %dma_start3A_205 = arith.constant 0 : i32
      %dma_start3A_206 = tpu.memref_slice %arg8[%dma_start3A_203, %dma_start3A_204, %dma_start3A_205] : memref<2x32x64xi32, #tpu.memory_space<vmem>> -> memref<1x1x64xi32, #tpu.memory_space<vmem>>
      %dma_start3A_207 = tpu.memref_squeeze %dma_start3A_206 : memref<1x1x64xi32, #tpu.memory_space<vmem>> -> memref<64xi32, #tpu.memory_space<vmem>>
      %dma_start3A_208 = arith.constant 0 : i32
      %dma_start3A_209 = arith.constant 0 : i32
      %dma_start3A_210 = tpu.memref_slice %arg23[%dma_start3A_208, %dma_start3A_209] : memref<10240x128xf32, #tpu.memory_space<vmem_shared>> -> memref<10240x128xf32, #tpu.memory_space<vmem_shared>>
      tpu.enqueue_indirect_dma source(%arg11 : memref<64x128xf32, #tpu.memory_space<vmem>>) target(%dma_start3A_210 : memref<10240x128xf32, #tpu.memory_space<vmem_shared>>) offsets(%dma_start3A_207 : memref<64xi32, #tpu.memory_space<vmem>>) semaphore(%arg19 : memref<!tpu.dma_semaphore, #tpu.memory_space<semaphore_mem>>) {add = true}
      %dma_wait3A_211 = arith.constant 0 : i32
      %dma_wait3A_212 = arith.constant 0 : i32
      %dma_wait3A_213 = arith.constant 0 : i32
      %dma_wait3A_214 = tpu.memref_slice %arg7[%dma_wait3A_211, %dma_wait3A_212, %dma_wait3A_213] : memref<2x32x64xi32, #tpu.memory_space<vmem>> -> memref<1x1x64xi32, #tpu.memory_space<vmem>>
      %dma_wait3A_215 = tpu.memref_squeeze %dma_wait3A_214 : memref<1x1x64xi32, #tpu.memory_space<vmem>> -> memref<64xi32, #tpu.memory_space<vmem>>
      %dma_wait3A_216 = arith.constant 0 : i32
      %dma_wait3A_217 = arith.constant 0 : i32
      %dma_wait3A_218 = tpu.memref_slice %arg4[%dma_wait3A_216, %dma_wait3A_217] : memref<20480x128xf32, #tpu.memory_space<hbm>> -> memref<20480x128xf32, #tpu.memory_space<hbm>>
      tpu.wait_indirect_dma semaphore(%arg16 : memref<!tpu.dma_semaphore, #tpu.memory_space<semaphore_mem>>) src(%dma_wait3A_218 : memref<20480x128xf32, #tpu.memory_space<hbm>>) dst(%arg12 : memref<64x128xf32, #tpu.memory_space<vmem>>)
      %dma_start3A_219 = arith.constant 0 : i32
      %dma_start3A_220 = arith.constant 31 : i32
      %dma_start3A_221 = arith.constant 0 : i32
      %dma_start3A_222 = tpu.memref_slice %arg8[%dma_start3A_219, %dma_start3A_220, %dma_start3A_221] : memref<2x32x64xi32, #tpu.memory_space<vmem>> -> memref<1x1x64xi32, #tpu.memory_space<vmem>>
      %dma_start3A_223 = tpu.memref_squeeze %dma_start3A_222 : memref<1x1x64xi32, #tpu.memory_space<vmem>> -> memref<64xi32, #tpu.memory_space<vmem>>
      %dma_start3A_224 = arith.constant 0 : i32
      %dma_start3A_225 = arith.constant 0 : i32
      %dma_start3A_226 = tpu.memref_slice %arg23[%dma_start3A_224, %dma_start3A_225] : memref<10240x128xf32, #tpu.memory_space<vmem_shared>> -> memref<10240x128xf32, #tpu.memory_space<vmem_shared>>
      tpu.enqueue_indirect_dma source(%arg12 : memref<64x128xf32, #tpu.memory_space<vmem>>) target(%dma_start3A_226 : memref<10240x128xf32, #tpu.memory_space<vmem_shared>>) offsets(%dma_start3A_223 : memref<64xi32, #tpu.memory_space<vmem>>) semaphore(%arg20 : memref<!tpu.dma_semaphore, #tpu.memory_space<semaphore_mem>>) {add = true}
      %dma_wait3A_227 = arith.constant 0 : i32
      %dma_wait3A_228 = arith.constant 0 : i32
      %dma_wait3A_229 = arith.constant 0 : i32
      %dma_wait3A_230 = tpu.memref_slice %arg8[%dma_wait3A_227, %dma_wait3A_228, %dma_wait3A_229] : memref<2x32x64xi32, #tpu.memory_space<vmem>> -> memref<1x1x64xi32, #tpu.memory_space<vmem>>
      %dma_wait3A_231 = tpu.memref_squeeze %dma_wait3A_230 : memref<1x1x64xi32, #tpu.memory_space<vmem>> -> memref<64xi32, #tpu.memory_space<vmem>>
      %dma_wait3A_232 = arith.constant 0 : i32
      %dma_wait3A_233 = arith.constant 0 : i32
      %dma_wait3A_234 = tpu.memref_slice %arg23[%dma_wait3A_232, %dma_wait3A_233] : memref<10240x128xf32, #tpu.memory_space<vmem_shared>> -> memref<10240x128xf32, #tpu.memory_space<vmem_shared>>
      tpu.wait_indirect_dma semaphore(%arg17 : memref<!tpu.dma_semaphore, #tpu.memory_space<semaphore_mem>>) src(%arg9 : memref<64x128xf32, #tpu.memory_space<vmem>>) dst(%dma_wait3A_234 : memref<10240x128xf32, #tpu.memory_space<vmem_shared>>)
      %dma_wait3A_235 = arith.constant 0 : i32
      %dma_wait3A_236 = arith.constant 0 : i32
      %dma_wait3A_237 = arith.constant 0 : i32
      %dma_wait3A_238 = tpu.memref_slice %arg8[%dma_wait3A_235, %dma_wait3A_236, %dma_wait3A_237] : memref<2x32x64xi32, #tpu.memory_space<vmem>> -> memref<1x1x64xi32, #tpu.memory_space<vmem>>
      %dma_wait3A_239 = tpu.memref_squeeze %dma_wait3A_238 : memref<1x1x64xi32, #tpu.memory_space<vmem>> -> memref<64xi32, #tpu.memory_space<vmem>>
      %dma_wait3A_240 = arith.constant 0 : i32
      %dma_wait3A_241 = arith.constant 0 : i32
      %dma_wait3A_242 = tpu.memref_slice %arg23[%dma_wait3A_240, %dma_wait3A_241] : memref<10240x128xf32, #tpu.memory_space<vmem_shared>> -> memref<10240x128xf32, #tpu.memory_space<vmem_shared>>
      tpu.wait_indirect_dma semaphore(%arg18 : memref<!tpu.dma_semaphore, #tpu.memory_space<semaphore_mem>>) src(%arg10 : memref<64x128xf32, #tpu.memory_space<vmem>>) dst(%dma_wait3A_242 : memref<10240x128xf32, #tpu.memory_space<vmem_shared>>)
      %dma_wait3A_243 = arith.constant 0 : i32
      %dma_wait3A_244 = arith.constant 0 : i32
      %dma_wait3A_245 = arith.constant 0 : i32
      %dma_wait3A_246 = tpu.memref_slice %arg8[%dma_wait3A_243, %dma_wait3A_244, %dma_wait3A_245] : memref<2x32x64xi32, #tpu.memory_space<vmem>> -> memref<1x1x64xi32, #tpu.memory_space<vmem>>
      %dma_wait3A_247 = tpu.memref_squeeze %dma_wait3A_246 : memref<1x1x64xi32, #tpu.memory_space<vmem>> -> memref<64xi32, #tpu.memory_space<vmem>>
      %dma_wait3A_248 = arith.constant 0 : i32
      %dma_wait3A_249 = arith.constant 0 : i32
      %dma_wait3A_250 = tpu.memref_slice %arg23[%dma_wait3A_248, %dma_wait3A_249] : memref<10240x128xf32, #tpu.memory_space<vmem_shared>> -> memref<10240x128xf32, #tpu.memory_space<vmem_shared>>
      tpu.wait_indirect_dma semaphore(%arg19 : memref<!tpu.dma_semaphore, #tpu.memory_space<semaphore_mem>>) src(%arg11 : memref<64x128xf32, #tpu.memory_space<vmem>>) dst(%dma_wait3A_250 : memref<10240x128xf32, #tpu.memory_space<vmem_shared>>)
      %dma_wait3A_251 = arith.constant 0 : i32
      %dma_wait3A_252 = arith.constant 0 : i32
      %dma_wait3A_253 = arith.constant 0 : i32
      %dma_wait3A_254 = tpu.memref_slice %arg8[%dma_wait3A_251, %dma_wait3A_252, %dma_wait3A_253] : memref<2x32x64xi32, #tpu.memory_space<vmem>> -> memref<1x1x64xi32, #tpu.memory_space<vmem>>
      %dma_wait3A_255 = tpu.memref_squeeze %dma_wait3A_254 : memref<1x1x64xi32, #tpu.memory_space<vmem>> -> memref<64xi32, #tpu.memory_space<vmem>>
      %dma_wait3A_256 = arith.constant 0 : i32
      %dma_wait3A_257 = arith.constant 0 : i32
      %dma_wait3A_258 = tpu.memref_slice %arg23[%dma_wait3A_256, %dma_wait3A_257] : memref<10240x128xf32, #tpu.memory_space<vmem_shared>> -> memref<10240x128xf32, #tpu.memory_space<vmem_shared>>
      tpu.wait_indirect_dma semaphore(%arg20 : memref<!tpu.dma_semaphore, #tpu.memory_space<semaphore_mem>>) src(%arg12 : memref<64x128xf32, #tpu.memory_space<vmem>>) dst(%dma_wait3A_258 : memref<10240x128xf32, #tpu.memory_space<vmem_shared>>)
      %add3A_259 = arith.constant 2 : i32
      %add3A_260 = arith.addi %mul3A_89, %add3A_259 : i32
      %lt3A = arith.constant 10 : i32
      %lt3A_261 = arith.cmpi slt, %add3A_260, %lt3A : i32
      %convert_element_type3A = arith.extui %lt3A_261 : i1 to i32
      %cond3A = arith.constant 0 : i32
      %cond3A_262 = arith.cmpi ne, %convert_element_type3A, %cond3A : i32
      scf.if %cond3A_262 {
        %add3A_444 = arith.constant 2 : i32
        %add3A_445 = arith.addi %mul3A_89, %add3A_444 : i32
        %min3A = arith.constant 9 : i32
        %min3A_446 = arith.minsi %add3A_445, %min3A : i32
        %dma_start3A_447 = arith.constant 0 : i32
        %dma_start3A_448 = arith.constant 0 : i32
        %dma_start3A_449 = arith.constant 0 : i32
        %dma_start3A_450 = tpu.memref_slice %arg7[%dma_start3A_447, %dma_start3A_448, %dma_start3A_449] : memref<2x32x64xi32, #tpu.memory_space<vmem>> -> memref<1x32x64xi32, #tpu.memory_space<vmem>>
        %dma_start3A_451 = tpu.memref_squeeze %dma_start3A_450 : memref<1x32x64xi32, #tpu.memory_space<vmem>> -> memref<32x64xi32, #tpu.memory_space<vmem>>
        %dma_start3A_452 = arith.constant 0 : i32
        %dma_start3A_453 = arith.constant 0 : i32
        %dma_start3A_454 = tpu.memref_slice %arg2[%add3A, %min3A_446, %dma_start3A_452, %dma_start3A_453] : memref<32x10x32x64xi32, #tpu.memory_space<hbm>> -> memref<1x1x32x64xi32, #tpu.memory_space<hbm>>
        %dma_start3A_455 = tpu.memref_squeeze %dma_start3A_454 : memref<1x1x32x64xi32, #tpu.memory_space<hbm>> -> memref<32x64xi32, #tpu.memory_space<hbm>>
        %dma_start3A_456 = arith.constant 0 : i32
        %dma_start3A_457 = arith.constant 0 : i32
        %dma_start3A_458 = tpu.memref_slice %arg7[%dma_start3A_447, %dma_start3A_456, %dma_start3A_457] : memref<2x32x64xi32, #tpu.memory_space<vmem>> -> memref<1x32x64xi32, #tpu.memory_space<vmem>>
        %dma_start3A_459 = tpu.memref_squeeze %dma_start3A_458 : memref<1x32x64xi32, #tpu.memory_space<vmem>> -> memref<32x64xi32, #tpu.memory_space<vmem>>
        %dma_start3A_460 = arith.constant 0 : i32
        %dma_start3A_461 = arith.constant 0 : i32
        %dma_start3A_462 = tpu.memref_slice %arg2[%add3A, %min3A_446, %dma_start3A_460, %dma_start3A_461] : memref<32x10x32x64xi32, #tpu.memory_space<hbm>> -> memref<1x1x32x64xi32, #tpu.memory_space<hbm>>
        %dma_start3A_463 = tpu.memref_squeeze %dma_start3A_462 : memref<1x1x32x64xi32, #tpu.memory_space<hbm>> -> memref<32x64xi32, #tpu.memory_space<hbm>>
        tpu.enqueue_dma source(%dma_start3A_463 : memref<32x64xi32, #tpu.memory_space<hbm>>) target(%dma_start3A_459 : memref<32x64xi32, #tpu.memory_space<vmem>>) target_semaphore(%arg21 : memref<!tpu.dma_semaphore, #tpu.memory_space<semaphore_mem>>)
        %dma_start3A_464 = arith.constant 0 : i32
        %dma_start3A_465 = arith.constant 0 : i32
        %dma_start3A_466 = arith.constant 0 : i32
        %dma_start3A_467 = tpu.memref_slice %arg8[%dma_start3A_464, %dma_start3A_465, %dma_start3A_466] : memref<2x32x64xi32, #tpu.memory_space<vmem>> -> memref<1x32x64xi32, #tpu.memory_space<vmem>>
        %dma_start3A_468 = tpu.memref_squeeze %dma_start3A_467 : memref<1x32x64xi32, #tpu.memory_space<vmem>> -> memref<32x64xi32, #tpu.memory_space<vmem>>
        %dma_start3A_469 = arith.constant 0 : i32
        %dma_start3A_470 = arith.constant 0 : i32
        %dma_start3A_471 = tpu.memref_slice %arg3[%add3A, %min3A_446, %dma_start3A_469, %dma_start3A_470] : memref<32x10x32x64xi32, #tpu.memory_space<hbm>> -> memref<1x1x32x64xi32, #tpu.memory_space<hbm>>
        %dma_start3A_472 = tpu.memref_squeeze %dma_start3A_471 : memref<1x1x32x64xi32, #tpu.memory_space<hbm>> -> memref<32x64xi32, #tpu.memory_space<hbm>>
        %dma_start3A_473 = arith.constant 0 : i32
        %dma_start3A_474 = arith.constant 0 : i32
        %dma_start3A_475 = tpu.memref_slice %arg8[%dma_start3A_464, %dma_start3A_473, %dma_start3A_474] : memref<2x32x64xi32, #tpu.memory_space<vmem>> -> memref<1x32x64xi32, #tpu.memory_space<vmem>>
        %dma_start3A_476 = tpu.memref_squeeze %dma_start3A_475 : memref<1x32x64xi32, #tpu.memory_space<vmem>> -> memref<32x64xi32, #tpu.memory_space<vmem>>
        %dma_start3A_477 = arith.constant 0 : i32
        %dma_start3A_478 = arith.constant 0 : i32
        %dma_start3A_479 = tpu.memref_slice %arg3[%add3A, %min3A_446, %dma_start3A_477, %dma_start3A_478] : memref<32x10x32x64xi32, #tpu.memory_space<hbm>> -> memref<1x1x32x64xi32, #tpu.memory_space<hbm>>
        %dma_start3A_480 = tpu.memref_squeeze %dma_start3A_479 : memref<1x1x32x64xi32, #tpu.memory_space<hbm>> -> memref<32x64xi32, #tpu.memory_space<hbm>>
        tpu.enqueue_dma source(%dma_start3A_480 : memref<32x64xi32, #tpu.memory_space<hbm>>) target(%dma_start3A_476 : memref<32x64xi32, #tpu.memory_space<vmem>>) target_semaphore(%arg21 : memref<!tpu.dma_semaphore, #tpu.memory_space<semaphore_mem>>)
      } else {
      }
      %mul3A_263 = arith.constant 2 : i32
      %mul3A_264 = arith.muli %scan3A_87, %mul3A_263 : i32
      %add3A_265 = arith.constant 1 : i32
      %add3A_266 = arith.addi %mul3A_264, %add3A_265 : i32
      %dma_wait3A_267 = arith.constant 0 : i32
      %dma_wait3A_268 = arith.constant 1 : i32
      %dma_wait3A_269 = arith.constant 0 : i32
      %dma_wait3A_270 = arith.constant 0 : i32
      %dma_wait3A_271 = tpu.memref_slice %arg7[%dma_wait3A_268, %dma_wait3A_269, %dma_wait3A_270] : memref<2x32x64xi32, #tpu.memory_space<vmem>> -> memref<1x32x64xi32, #tpu.memory_space<vmem>>
      %dma_wait3A_272 = tpu.memref_squeeze %dma_wait3A_271 : memref<1x32x64xi32, #tpu.memory_space<vmem>> -> memref<32x64xi32, #tpu.memory_space<vmem>>
      %dma_wait3A_273 = arith.constant 0 : i32
      %dma_wait3A_274 = arith.constant 0 : i32
      %dma_wait3A_275 = tpu.memref_slice %arg2[%add3A, %dma_wait3A_267, %dma_wait3A_273, %dma_wait3A_274] : memref<32x10x32x64xi32, #tpu.memory_space<hbm>> -> memref<1x1x32x64xi32, #tpu.memory_space<hbm>>
      %dma_wait3A_276 = tpu.memref_squeeze %dma_wait3A_275 : memref<1x1x32x64xi32, #tpu.memory_space<hbm>> -> memref<32x64xi32, #tpu.memory_space<hbm>>
      %dma_wait3A_277 = arith.constant 0 : i32
      %dma_wait3A_278 = arith.constant 0 : i32
      %dma_wait3A_279 = tpu.memref_slice %arg7[%dma_wait3A_268, %dma_wait3A_277, %dma_wait3A_278] : memref<2x32x64xi32, #tpu.memory_space<vmem>> -> memref<1x32x64xi32, #tpu.memory_space<vmem>>
      %dma_wait3A_280 = tpu.memref_squeeze %dma_wait3A_279 : memref<1x32x64xi32, #tpu.memory_space<vmem>> -> memref<32x64xi32, #tpu.memory_space<vmem>>
      %dma_wait3A_281 = arith.constant 0 : i32
      %dma_wait3A_282 = arith.constant 0 : i32
      %dma_wait3A_283 = tpu.memref_slice %arg2[%add3A, %dma_wait3A_267, %dma_wait3A_281, %dma_wait3A_282] : memref<32x10x32x64xi32, #tpu.memory_space<hbm>> -> memref<1x1x32x64xi32, #tpu.memory_space<hbm>>
      %dma_wait3A_284 = tpu.memref_squeeze %dma_wait3A_283 : memref<1x1x32x64xi32, #tpu.memory_space<hbm>> -> memref<32x64xi32, #tpu.memory_space<hbm>>
      tpu.wait_dma2 semaphore(%arg22 : memref<!tpu.dma_semaphore, #tpu.memory_space<semaphore_mem>>) src(%dma_wait3A_284 : memref<32x64xi32, #tpu.memory_space<hbm>>) dst(%dma_wait3A_280 : memref<32x64xi32, #tpu.memory_space<vmem>>)
      %dma_wait3A_285 = arith.constant 0 : i32
      %dma_wait3A_286 = arith.constant 1 : i32
      %dma_wait3A_287 = arith.constant 0 : i32
      %dma_wait3A_288 = arith.constant 0 : i32
      %dma_wait3A_289 = tpu.memref_slice %arg8[%dma_wait3A_286, %dma_wait3A_287, %dma_wait3A_288] : memref<2x32x64xi32, #tpu.memory_space<vmem>> -> memref<1x32x64xi32, #tpu.memory_space<vmem>>
      %dma_wait3A_290 = tpu.memref_squeeze %dma_wait3A_289 : memref<1x32x64xi32, #tpu.memory_space<vmem>> -> memref<32x64xi32, #tpu.memory_space<vmem>>
      %dma_wait3A_291 = arith.constant 0 : i32
      %dma_wait3A_292 = arith.constant 0 : i32
      %dma_wait3A_293 = tpu.memref_slice %arg3[%add3A, %dma_wait3A_285, %dma_wait3A_291, %dma_wait3A_292] : memref<32x10x32x64xi32, #tpu.memory_space<hbm>> -> memref<1x1x32x64xi32, #tpu.memory_space<hbm>>
      %dma_wait3A_294 = tpu.memref_squeeze %dma_wait3A_293 : memref<1x1x32x64xi32, #tpu.memory_space<hbm>> -> memref<32x64xi32, #tpu.memory_space<hbm>>
      %dma_wait3A_295 = arith.constant 0 : i32
      %dma_wait3A_296 = arith.constant 0 : i32
      %dma_wait3A_297 = tpu.memref_slice %arg8[%dma_wait3A_286, %dma_wait3A_295, %dma_wait3A_296] : memref<2x32x64xi32, #tpu.memory_space<vmem>> -> memref<1x32x64xi32, #tpu.memory_space<vmem>>
      %dma_wait3A_298 = tpu.memref_squeeze %dma_wait3A_297 : memref<1x32x64xi32, #tpu.memory_space<vmem>> -> memref<32x64xi32, #tpu.memory_space<vmem>>
      %dma_wait3A_299 = arith.constant 0 : i32
      %dma_wait3A_300 = arith.constant 0 : i32
      %dma_wait3A_301 = tpu.memref_slice %arg3[%add3A, %dma_wait3A_285, %dma_wait3A_299, %dma_wait3A_300] : memref<32x10x32x64xi32, #tpu.memory_space<hbm>> -> memref<1x1x32x64xi32, #tpu.memory_space<hbm>>
      %dma_wait3A_302 = tpu.memref_squeeze %dma_wait3A_301 : memref<1x1x32x64xi32, #tpu.memory_space<hbm>> -> memref<32x64xi32, #tpu.memory_space<hbm>>
      tpu.wait_dma2 semaphore(%arg22 : memref<!tpu.dma_semaphore, #tpu.memory_space<semaphore_mem>>) src(%dma_wait3A_302 : memref<32x64xi32, #tpu.memory_space<hbm>>) dst(%dma_wait3A_298 : memref<32x64xi32, #tpu.memory_space<vmem>>)
      %dma_start3A_303 = arith.constant 1 : i32
      %dma_start3A_304 = arith.constant 0 : i32
      %dma_start3A_305 = arith.constant 0 : i32
      %dma_start3A_306 = tpu.memref_slice %arg7[%dma_start3A_303, %dma_start3A_304, %dma_start3A_305] : memref<2x32x64xi32, #tpu.memory_space<vmem>> -> memref<1x1x64xi32, #tpu.memory_space<vmem>>
      %dma_start3A_307 = tpu.memref_squeeze %dma_start3A_306 : memref<1x1x64xi32, #tpu.memory_space<vmem>> -> memref<64xi32, #tpu.memory_space<vmem>>
      %dma_start3A_308 = arith.constant 0 : i32
      %dma_start3A_309 = arith.constant 0 : i32
      %dma_start3A_310 = tpu.memref_slice %arg4[%dma_start3A_308, %dma_start3A_309] : memref<20480x128xf32, #tpu.memory_space<hbm>> -> memref<20480x128xf32, #tpu.memory_space<hbm>>
      tpu.enqueue_indirect_dma source(%dma_start3A_310 : memref<20480x128xf32, #tpu.memory_space<hbm>>) target(%arg9 : memref<64x128xf32, #tpu.memory_space<vmem>>) offsets(%dma_start3A_307 : memref<64xi32, #tpu.memory_space<vmem>>) semaphore(%arg13 : memref<!tpu.dma_semaphore, #tpu.memory_space<semaphore_mem>>)
      %dma_start3A_311 = arith.constant 1 : i32
      %dma_start3A_312 = arith.constant 1 : i32
      %dma_start3A_313 = arith.constant 0 : i32
      %dma_start3A_314 = tpu.memref_slice %arg7[%dma_start3A_311, %dma_start3A_312, %dma_start3A_313] : memref<2x32x64xi32, #tpu.memory_space<vmem>> -> memref<1x1x64xi32, #tpu.memory_space<vmem>>
      %dma_start3A_315 = tpu.memref_squeeze %dma_start3A_314 : memref<1x1x64xi32, #tpu.memory_space<vmem>> -> memref<64xi32, #tpu.memory_space<vmem>>
      %dma_start3A_316 = arith.constant 0 : i32
      %dma_start3A_317 = arith.constant 0 : i32
      %dma_start3A_318 = tpu.memref_slice %arg4[%dma_start3A_316, %dma_start3A_317] : memref<20480x128xf32, #tpu.memory_space<hbm>> -> memref<20480x128xf32, #tpu.memory_space<hbm>>
      tpu.enqueue_indirect_dma source(%dma_start3A_318 : memref<20480x128xf32, #tpu.memory_space<hbm>>) target(%arg10 : memref<64x128xf32, #tpu.memory_space<vmem>>) offsets(%dma_start3A_315 : memref<64xi32, #tpu.memory_space<vmem>>) semaphore(%arg14 : memref<!tpu.dma_semaphore, #tpu.memory_space<semaphore_mem>>)
      %dma_start3A_319 = arith.constant 1 : i32
      %dma_start3A_320 = arith.constant 2 : i32
      %dma_start3A_321 = arith.constant 0 : i32
      %dma_start3A_322 = tpu.memref_slice %arg7[%dma_start3A_319, %dma_start3A_320, %dma_start3A_321] : memref<2x32x64xi32, #tpu.memory_space<vmem>> -> memref<1x1x64xi32, #tpu.memory_space<vmem>>
      %dma_start3A_323 = tpu.memref_squeeze %dma_start3A_322 : memref<1x1x64xi32, #tpu.memory_space<vmem>> -> memref<64xi32, #tpu.memory_space<vmem>>
      %dma_start3A_324 = arith.constant 0 : i32
      %dma_start3A_325 = arith.constant 0 : i32
      %dma_start3A_326 = tpu.memref_slice %arg4[%dma_start3A_324, %dma_start3A_325] : memref<20480x128xf32, #tpu.memory_space<hbm>> -> memref<20480x128xf32, #tpu.memory_space<hbm>>
      tpu.enqueue_indirect_dma source(%dma_start3A_326 : memref<20480x128xf32, #tpu.memory_space<hbm>>) target(%arg11 : memref<64x128xf32, #tpu.memory_space<vmem>>) offsets(%dma_start3A_323 : memref<64xi32, #tpu.memory_space<vmem>>) semaphore(%arg15 : memref<!tpu.dma_semaphore, #tpu.memory_space<semaphore_mem>>)
      %dma_start3A_327 = arith.constant 1 : i32
      %dma_start3A_328 = arith.constant 3 : i32
      %dma_start3A_329 = arith.constant 0 : i32
      %dma_start3A_330 = tpu.memref_slice %arg7[%dma_start3A_327, %dma_start3A_328, %dma_start3A_329] : memref<2x32x64xi32, #tpu.memory_space<vmem>> -> memref<1x1x64xi32, #tpu.memory_space<vmem>>
      %dma_start3A_331 = tpu.memref_squeeze %dma_start3A_330 : memref<1x1x64xi32, #tpu.memory_space<vmem>> -> memref<64xi32, #tpu.memory_space<vmem>>
      %dma_start3A_332 = arith.constant 0 : i32
      %dma_start3A_333 = arith.constant 0 : i32
      %dma_start3A_334 = tpu.memref_slice %arg4[%dma_start3A_332, %dma_start3A_333] : memref<20480x128xf32, #tpu.memory_space<hbm>> -> memref<20480x128xf32, #tpu.memory_space<hbm>>
      tpu.enqueue_indirect_dma source(%dma_start3A_334 : memref<20480x128xf32, #tpu.memory_space<hbm>>) target(%arg12 : memref<64x128xf32, #tpu.memory_space<vmem>>) offsets(%dma_start3A_331 : memref<64xi32, #tpu.memory_space<vmem>>) semaphore(%arg16 : memref<!tpu.dma_semaphore, #tpu.memory_space<semaphore_mem>>)
      %scan3A_335 = arith.constant 0 : i32
      %scan3A_336 = arith.constant 0 : i32
      %scan3A_337 = arith.constant 7 : i32
      %scan3A_338 = arith.addi %scan3A_336, %scan3A_337 : i32
      %scan3A_339 = arith.constant 1 : i32
      scf.for %scan3A_444 = %scan3A_336 to %scan3A_338 step %scan3A_339  : i32 {
        %mul3A_445 = arith.constant 4 : i32
        %mul3A_446 = arith.muli %scan3A_444, %mul3A_445 : i32
        %dma_wait3A_447 = arith.constant 1 : i32
        %dma_wait3A_448 = arith.constant 0 : i32
        %dma_wait3A_449 = arith.constant 0 : i32
        %dma_wait3A_450 = tpu.memref_slice %arg7[%dma_wait3A_447, %dma_wait3A_448, %dma_wait3A_449] : memref<2x32x64xi32, #tpu.memory_space<vmem>> -> memref<1x1x64xi32, #tpu.memory_space<vmem>>
        %dma_wait3A_451 = tpu.memref_squeeze %dma_wait3A_450 : memref<1x1x64xi32, #tpu.memory_space<vmem>> -> memref<64xi32, #tpu.memory_space<vmem>>
        %dma_wait3A_452 = arith.constant 0 : i32
        %dma_wait3A_453 = arith.constant 0 : i32
        %dma_wait3A_454 = tpu.memref_slice %arg4[%dma_wait3A_452, %dma_wait3A_453] : memref<20480x128xf32, #tpu.memory_space<hbm>> -> memref<20480x128xf32, #tpu.memory_space<hbm>>
        tpu.wait_indirect_dma semaphore(%arg13 : memref<!tpu.dma_semaphore, #tpu.memory_space<semaphore_mem>>) src(%dma_wait3A_454 : memref<20480x128xf32, #tpu.memory_space<hbm>>) dst(%arg9 : memref<64x128xf32, #tpu.memory_space<vmem>>)
        %add3A_455 = arith.constant 0 : i32
        %add3A_456 = arith.addi %mul3A_446, %add3A_455 : i32
        %dma_start3A_457 = arith.constant 1 : i32
        %dma_start3A_458 = arith.constant 0 : i32
        %dma_start3A_459 = tpu.memref_slice %arg8[%dma_start3A_457, %add3A_456, %dma_start3A_458] : memref<2x32x64xi32, #tpu.memory_space<vmem>> -> memref<1x1x64xi32, #tpu.memory_space<vmem>>
        %dma_start3A_460 = tpu.memref_squeeze %dma_start3A_459 : memref<1x1x64xi32, #tpu.memory_space<vmem>> -> memref<64xi32, #tpu.memory_space<vmem>>
        %dma_start3A_461 = arith.constant 0 : i32
        %dma_start3A_462 = arith.constant 0 : i32
        %dma_start3A_463 = tpu.memref_slice %arg23[%dma_start3A_461, %dma_start3A_462] : memref<10240x128xf32, #tpu.memory_space<vmem_shared>> -> memref<10240x128xf32, #tpu.memory_space<vmem_shared>>
        tpu.enqueue_indirect_dma source(%arg9 : memref<64x128xf32, #tpu.memory_space<vmem>>) target(%dma_start3A_463 : memref<10240x128xf32, #tpu.memory_space<vmem_shared>>) offsets(%dma_start3A_460 : memref<64xi32, #tpu.memory_space<vmem>>) semaphore(%arg17 : memref<!tpu.dma_semaphore, #tpu.memory_space<semaphore_mem>>) {add = true}
        %dma_wait3A_464 = arith.constant 1 : i32
        %dma_wait3A_465 = arith.constant 0 : i32
        %dma_wait3A_466 = arith.constant 0 : i32
        %dma_wait3A_467 = tpu.memref_slice %arg7[%dma_wait3A_464, %dma_wait3A_465, %dma_wait3A_466] : memref<2x32x64xi32, #tpu.memory_space<vmem>> -> memref<1x1x64xi32, #tpu.memory_space<vmem>>
        %dma_wait3A_468 = tpu.memref_squeeze %dma_wait3A_467 : memref<1x1x64xi32, #tpu.memory_space<vmem>> -> memref<64xi32, #tpu.memory_space<vmem>>
        %dma_wait3A_469 = arith.constant 0 : i32
        %dma_wait3A_470 = arith.constant 0 : i32
        %dma_wait3A_471 = tpu.memref_slice %arg4[%dma_wait3A_469, %dma_wait3A_470] : memref<20480x128xf32, #tpu.memory_space<hbm>> -> memref<20480x128xf32, #tpu.memory_space<hbm>>
        tpu.wait_indirect_dma semaphore(%arg14 : memref<!tpu.dma_semaphore, #tpu.memory_space<semaphore_mem>>) src(%dma_wait3A_471 : memref<20480x128xf32, #tpu.memory_space<hbm>>) dst(%arg10 : memref<64x128xf32, #tpu.memory_space<vmem>>)
        %add3A_472 = arith.constant 1 : i32
        %add3A_473 = arith.addi %mul3A_446, %add3A_472 : i32
        %dma_start3A_474 = arith.constant 1 : i32
        %dma_start3A_475 = arith.constant 0 : i32
        %dma_start3A_476 = tpu.memref_slice %arg8[%dma_start3A_474, %add3A_473, %dma_start3A_475] : memref<2x32x64xi32, #tpu.memory_space<vmem>> -> memref<1x1x64xi32, #tpu.memory_space<vmem>>
        %dma_start3A_477 = tpu.memref_squeeze %dma_start3A_476 : memref<1x1x64xi32, #tpu.memory_space<vmem>> -> memref<64xi32, #tpu.memory_space<vmem>>
        %dma_start3A_478 = arith.constant 0 : i32
        %dma_start3A_479 = arith.constant 0 : i32
        %dma_start3A_480 = tpu.memref_slice %arg23[%dma_start3A_478, %dma_start3A_479] : memref<10240x128xf32, #tpu.memory_space<vmem_shared>> -> memref<10240x128xf32, #tpu.memory_space<vmem_shared>>
        tpu.enqueue_indirect_dma source(%arg10 : memref<64x128xf32, #tpu.memory_space<vmem>>) target(%dma_start3A_480 : memref<10240x128xf32, #tpu.memory_space<vmem_shared>>) offsets(%dma_start3A_477 : memref<64xi32, #tpu.memory_space<vmem>>) semaphore(%arg18 : memref<!tpu.dma_semaphore, #tpu.memory_space<semaphore_mem>>) {add = true}
        %dma_wait3A_481 = arith.constant 1 : i32
        %dma_wait3A_482 = arith.constant 0 : i32
        %dma_wait3A_483 = arith.constant 0 : i32
        %dma_wait3A_484 = tpu.memref_slice %arg7[%dma_wait3A_481, %dma_wait3A_482, %dma_wait3A_483] : memref<2x32x64xi32, #tpu.memory_space<vmem>> -> memref<1x1x64xi32, #tpu.memory_space<vmem>>
        %dma_wait3A_485 = tpu.memref_squeeze %dma_wait3A_484 : memref<1x1x64xi32, #tpu.memory_space<vmem>> -> memref<64xi32, #tpu.memory_space<vmem>>
        %dma_wait3A_486 = arith.constant 0 : i32
        %dma_wait3A_487 = arith.constant 0 : i32
        %dma_wait3A_488 = tpu.memref_slice %arg4[%dma_wait3A_486, %dma_wait3A_487] : memref<20480x128xf32, #tpu.memory_space<hbm>> -> memref<20480x128xf32, #tpu.memory_space<hbm>>
        tpu.wait_indirect_dma semaphore(%arg15 : memref<!tpu.dma_semaphore, #tpu.memory_space<semaphore_mem>>) src(%dma_wait3A_488 : memref<20480x128xf32, #tpu.memory_space<hbm>>) dst(%arg11 : memref<64x128xf32, #tpu.memory_space<vmem>>)
        %add3A_489 = arith.constant 2 : i32
        %add3A_490 = arith.addi %mul3A_446, %add3A_489 : i32
        %dma_start3A_491 = arith.constant 1 : i32
        %dma_start3A_492 = arith.constant 0 : i32
        %dma_start3A_493 = tpu.memref_slice %arg8[%dma_start3A_491, %add3A_490, %dma_start3A_492] : memref<2x32x64xi32, #tpu.memory_space<vmem>> -> memref<1x1x64xi32, #tpu.memory_space<vmem>>
        %dma_start3A_494 = tpu.memref_squeeze %dma_start3A_493 : memref<1x1x64xi32, #tpu.memory_space<vmem>> -> memref<64xi32, #tpu.memory_space<vmem>>
        %dma_start3A_495 = arith.constant 0 : i32
        %dma_start3A_496 = arith.constant 0 : i32
        %dma_start3A_497 = tpu.memref_slice %arg23[%dma_start3A_495, %dma_start3A_496] : memref<10240x128xf32, #tpu.memory_space<vmem_shared>> -> memref<10240x128xf32, #tpu.memory_space<vmem_shared>>
        tpu.enqueue_indirect_dma source(%arg11 : memref<64x128xf32, #tpu.memory_space<vmem>>) target(%dma_start3A_497 : memref<10240x128xf32, #tpu.memory_space<vmem_shared>>) offsets(%dma_start3A_494 : memref<64xi32, #tpu.memory_space<vmem>>) semaphore(%arg19 : memref<!tpu.dma_semaphore, #tpu.memory_space<semaphore_mem>>) {add = true}
        %dma_wait3A_498 = arith.constant 1 : i32
        %dma_wait3A_499 = arith.constant 0 : i32
        %dma_wait3A_500 = arith.constant 0 : i32
        %dma_wait3A_501 = tpu.memref_slice %arg7[%dma_wait3A_498, %dma_wait3A_499, %dma_wait3A_500] : memref<2x32x64xi32, #tpu.memory_space<vmem>> -> memref<1x1x64xi32, #tpu.memory_space<vmem>>
        %dma_wait3A_502 = tpu.memref_squeeze %dma_wait3A_501 : memref<1x1x64xi32, #tpu.memory_space<vmem>> -> memref<64xi32, #tpu.memory_space<vmem>>
        %dma_wait3A_503 = arith.constant 0 : i32
        %dma_wait3A_504 = arith.constant 0 : i32
        %dma_wait3A_505 = tpu.memref_slice %arg4[%dma_wait3A_503, %dma_wait3A_504] : memref<20480x128xf32, #tpu.memory_space<hbm>> -> memref<20480x128xf32, #tpu.memory_space<hbm>>
        tpu.wait_indirect_dma semaphore(%arg16 : memref<!tpu.dma_semaphore, #tpu.memory_space<semaphore_mem>>) src(%dma_wait3A_505 : memref<20480x128xf32, #tpu.memory_space<hbm>>) dst(%arg12 : memref<64x128xf32, #tpu.memory_space<vmem>>)
        %add3A_506 = arith.constant 3 : i32
        %add3A_507 = arith.addi %mul3A_446, %add3A_506 : i32
        %dma_start3A_508 = arith.constant 1 : i32
        %dma_start3A_509 = arith.constant 0 : i32
        %dma_start3A_510 = tpu.memref_slice %arg8[%dma_start3A_508, %add3A_507, %dma_start3A_509] : memref<2x32x64xi32, #tpu.memory_space<vmem>> -> memref<1x1x64xi32, #tpu.memory_space<vmem>>
        %dma_start3A_511 = tpu.memref_squeeze %dma_start3A_510 : memref<1x1x64xi32, #tpu.memory_space<vmem>> -> memref<64xi32, #tpu.memory_space<vmem>>
        %dma_start3A_512 = arith.constant 0 : i32
        %dma_start3A_513 = arith.constant 0 : i32
        %dma_start3A_514 = tpu.memref_slice %arg23[%dma_start3A_512, %dma_start3A_513] : memref<10240x128xf32, #tpu.memory_space<vmem_shared>> -> memref<10240x128xf32, #tpu.memory_space<vmem_shared>>
        tpu.enqueue_indirect_dma source(%arg12 : memref<64x128xf32, #tpu.memory_space<vmem>>) target(%dma_start3A_514 : memref<10240x128xf32, #tpu.memory_space<vmem_shared>>) offsets(%dma_start3A_511 : memref<64xi32, #tpu.memory_space<vmem>>) semaphore(%arg20 : memref<!tpu.dma_semaphore, #tpu.memory_space<semaphore_mem>>) {add = true}
        %dma_wait3A_515 = arith.constant 1 : i32
        %dma_wait3A_516 = arith.constant 0 : i32
        %dma_wait3A_517 = arith.constant 0 : i32
        %dma_wait3A_518 = tpu.memref_slice %arg8[%dma_wait3A_515, %dma_wait3A_516, %dma_wait3A_517] : memref<2x32x64xi32, #tpu.memory_space<vmem>> -> memref<1x1x64xi32, #tpu.memory_space<vmem>>
        %dma_wait3A_519 = tpu.memref_squeeze %dma_wait3A_518 : memref<1x1x64xi32, #tpu.memory_space<vmem>> -> memref<64xi32, #tpu.memory_space<vmem>>
        %dma_wait3A_520 = arith.constant 0 : i32
        %dma_wait3A_521 = arith.constant 0 : i32
        %dma_wait3A_522 = tpu.memref_slice %arg23[%dma_wait3A_520, %dma_wait3A_521] : memref<10240x128xf32, #tpu.memory_space<vmem_shared>> -> memref<10240x128xf32, #tpu.memory_space<vmem_shared>>
        tpu.wait_indirect_dma semaphore(%arg17 : memref<!tpu.dma_semaphore, #tpu.memory_space<semaphore_mem>>) src(%arg9 : memref<64x128xf32, #tpu.memory_space<vmem>>) dst(%dma_wait3A_522 : memref<10240x128xf32, #tpu.memory_space<vmem_shared>>)
        %add3A_523 = arith.constant 4 : i32
        %add3A_524 = arith.addi %mul3A_446, %add3A_523 : i32
        %add3A_525 = arith.constant 0 : i32
        %add3A_526 = arith.addi %add3A_524, %add3A_525 : i32
        %dma_start3A_527 = arith.constant 1 : i32
        %dma_start3A_528 = arith.constant 0 : i32
        %dma_start3A_529 = tpu.memref_slice %arg7[%dma_start3A_527, %add3A_526, %dma_start3A_528] : memref<2x32x64xi32, #tpu.memory_space<vmem>> -> memref<1x1x64xi32, #tpu.memory_space<vmem>>
        %dma_start3A_530 = tpu.memref_squeeze %dma_start3A_529 : memref<1x1x64xi32, #tpu.memory_space<vmem>> -> memref<64xi32, #tpu.memory_space<vmem>>
        %dma_start3A_531 = arith.constant 0 : i32
        %dma_start3A_532 = arith.constant 0 : i32
        %dma_start3A_533 = tpu.memref_slice %arg4[%dma_start3A_531, %dma_start3A_532] : memref<20480x128xf32, #tpu.memory_space<hbm>> -> memref<20480x128xf32, #tpu.memory_space<hbm>>
        tpu.enqueue_indirect_dma source(%dma_start3A_533 : memref<20480x128xf32, #tpu.memory_space<hbm>>) target(%arg9 : memref<64x128xf32, #tpu.memory_space<vmem>>) offsets(%dma_start3A_530 : memref<64xi32, #tpu.memory_space<vmem>>) semaphore(%arg13 : memref<!tpu.dma_semaphore, #tpu.memory_space<semaphore_mem>>)
        %dma_wait3A_534 = arith.constant 1 : i32
        %dma_wait3A_535 = arith.constant 0 : i32
        %dma_wait3A_536 = arith.constant 0 : i32
        %dma_wait3A_537 = tpu.memref_slice %arg8[%dma_wait3A_534, %dma_wait3A_535, %dma_wait3A_536] : memref<2x32x64xi32, #tpu.memory_space<vmem>> -> memref<1x1x64xi32, #tpu.memory_space<vmem>>
        %dma_wait3A_538 = tpu.memref_squeeze %dma_wait3A_537 : memref<1x1x64xi32, #tpu.memory_space<vmem>> -> memref<64xi32, #tpu.memory_space<vmem>>
        %dma_wait3A_539 = arith.constant 0 : i32
        %dma_wait3A_540 = arith.constant 0 : i32
        %dma_wait3A_541 = tpu.memref_slice %arg23[%dma_wait3A_539, %dma_wait3A_540] : memref<10240x128xf32, #tpu.memory_space<vmem_shared>> -> memref<10240x128xf32, #tpu.memory_space<vmem_shared>>
        tpu.wait_indirect_dma semaphore(%arg18 : memref<!tpu.dma_semaphore, #tpu.memory_space<semaphore_mem>>) src(%arg10 : memref<64x128xf32, #tpu.memory_space<vmem>>) dst(%dma_wait3A_541 : memref<10240x128xf32, #tpu.memory_space<vmem_shared>>)
        %add3A_542 = arith.constant 4 : i32
        %add3A_543 = arith.addi %mul3A_446, %add3A_542 : i32
        %add3A_544 = arith.constant 1 : i32
        %add3A_545 = arith.addi %add3A_543, %add3A_544 : i32
        %dma_start3A_546 = arith.constant 1 : i32
        %dma_start3A_547 = arith.constant 0 : i32
        %dma_start3A_548 = tpu.memref_slice %arg7[%dma_start3A_546, %add3A_545, %dma_start3A_547] : memref<2x32x64xi32, #tpu.memory_space<vmem>> -> memref<1x1x64xi32, #tpu.memory_space<vmem>>
        %dma_start3A_549 = tpu.memref_squeeze %dma_start3A_548 : memref<1x1x64xi32, #tpu.memory_space<vmem>> -> memref<64xi32, #tpu.memory_space<vmem>>
        %dma_start3A_550 = arith.constant 0 : i32
        %dma_start3A_551 = arith.constant 0 : i32
        %dma_start3A_552 = tpu.memref_slice %arg4[%dma_start3A_550, %dma_start3A_551] : memref<20480x128xf32, #tpu.memory_space<hbm>> -> memref<20480x128xf32, #tpu.memory_space<hbm>>
        tpu.enqueue_indirect_dma source(%dma_start3A_552 : memref<20480x128xf32, #tpu.memory_space<hbm>>) target(%arg10 : memref<64x128xf32, #tpu.memory_space<vmem>>) offsets(%dma_start3A_549 : memref<64xi32, #tpu.memory_space<vmem>>) semaphore(%arg14 : memref<!tpu.dma_semaphore, #tpu.memory_space<semaphore_mem>>)
        %dma_wait3A_553 = arith.constant 1 : i32
        %dma_wait3A_554 = arith.constant 0 : i32
        %dma_wait3A_555 = arith.constant 0 : i32
        %dma_wait3A_556 = tpu.memref_slice %arg8[%dma_wait3A_553, %dma_wait3A_554, %dma_wait3A_555] : memref<2x32x64xi32, #tpu.memory_space<vmem>> -> memref<1x1x64xi32, #tpu.memory_space<vmem>>
        %dma_wait3A_557 = tpu.memref_squeeze %dma_wait3A_556 : memref<1x1x64xi32, #tpu.memory_space<vmem>> -> memref<64xi32, #tpu.memory_space<vmem>>
        %dma_wait3A_558 = arith.constant 0 : i32
        %dma_wait3A_559 = arith.constant 0 : i32
        %dma_wait3A_560 = tpu.memref_slice %arg23[%dma_wait3A_558, %dma_wait3A_559] : memref<10240x128xf32, #tpu.memory_space<vmem_shared>> -> memref<10240x128xf32, #tpu.memory_space<vmem_shared>>
        tpu.wait_indirect_dma semaphore(%arg19 : memref<!tpu.dma_semaphore, #tpu.memory_space<semaphore_mem>>) src(%arg11 : memref<64x128xf32, #tpu.memory_space<vmem>>) dst(%dma_wait3A_560 : memref<10240x128xf32, #tpu.memory_space<vmem_shared>>)
        %add3A_561 = arith.constant 4 : i32
        %add3A_562 = arith.addi %mul3A_446, %add3A_561 : i32
        %add3A_563 = arith.constant 2 : i32
        %add3A_564 = arith.addi %add3A_562, %add3A_563 : i32
        %dma_start3A_565 = arith.constant 1 : i32
        %dma_start3A_566 = arith.constant 0 : i32
        %dma_start3A_567 = tpu.memref_slice %arg7[%dma_start3A_565, %add3A_564, %dma_start3A_566] : memref<2x32x64xi32, #tpu.memory_space<vmem>> -> memref<1x1x64xi32, #tpu.memory_space<vmem>>
        %dma_start3A_568 = tpu.memref_squeeze %dma_start3A_567 : memref<1x1x64xi32, #tpu.memory_space<vmem>> -> memref<64xi32, #tpu.memory_space<vmem>>
        %dma_start3A_569 = arith.constant 0 : i32
        %dma_start3A_570 = arith.constant 0 : i32
        %dma_start3A_571 = tpu.memref_slice %arg4[%dma_start3A_569, %dma_start3A_570] : memref<20480x128xf32, #tpu.memory_space<hbm>> -> memref<20480x128xf32, #tpu.memory_space<hbm>>
        tpu.enqueue_indirect_dma source(%dma_start3A_571 : memref<20480x128xf32, #tpu.memory_space<hbm>>) target(%arg11 : memref<64x128xf32, #tpu.memory_space<vmem>>) offsets(%dma_start3A_568 : memref<64xi32, #tpu.memory_space<vmem>>) semaphore(%arg15 : memref<!tpu.dma_semaphore, #tpu.memory_space<semaphore_mem>>)
        %dma_wait3A_572 = arith.constant 1 : i32
        %dma_wait3A_573 = arith.constant 0 : i32
        %dma_wait3A_574 = arith.constant 0 : i32
        %dma_wait3A_575 = tpu.memref_slice %arg8[%dma_wait3A_572, %dma_wait3A_573, %dma_wait3A_574] : memref<2x32x64xi32, #tpu.memory_space<vmem>> -> memref<1x1x64xi32, #tpu.memory_space<vmem>>
        %dma_wait3A_576 = tpu.memref_squeeze %dma_wait3A_575 : memref<1x1x64xi32, #tpu.memory_space<vmem>> -> memref<64xi32, #tpu.memory_space<vmem>>
        %dma_wait3A_577 = arith.constant 0 : i32
        %dma_wait3A_578 = arith.constant 0 : i32
        %dma_wait3A_579 = tpu.memref_slice %arg23[%dma_wait3A_577, %dma_wait3A_578] : memref<10240x128xf32, #tpu.memory_space<vmem_shared>> -> memref<10240x128xf32, #tpu.memory_space<vmem_shared>>
        tpu.wait_indirect_dma semaphore(%arg20 : memref<!tpu.dma_semaphore, #tpu.memory_space<semaphore_mem>>) src(%arg12 : memref<64x128xf32, #tpu.memory_space<vmem>>) dst(%dma_wait3A_579 : memref<10240x128xf32, #tpu.memory_space<vmem_shared>>)
        %add3A_580 = arith.constant 4 : i32
        %add3A_581 = arith.addi %mul3A_446, %add3A_580 : i32
        %add3A_582 = arith.constant 3 : i32
        %add3A_583 = arith.addi %add3A_581, %add3A_582 : i32
        %dma_start3A_584 = arith.constant 1 : i32
        %dma_start3A_585 = arith.constant 0 : i32
        %dma_start3A_586 = tpu.memref_slice %arg7[%dma_start3A_584, %add3A_583, %dma_start3A_585] : memref<2x32x64xi32, #tpu.memory_space<vmem>> -> memref<1x1x64xi32, #tpu.memory_space<vmem>>
        %dma_start3A_587 = tpu.memref_squeeze %dma_start3A_586 : memref<1x1x64xi32, #tpu.memory_space<vmem>> -> memref<64xi32, #tpu.memory_space<vmem>>
        %dma_start3A_588 = arith.constant 0 : i32
        %dma_start3A_589 = arith.constant 0 : i32
        %dma_start3A_590 = tpu.memref_slice %arg4[%dma_start3A_588, %dma_start3A_589] : memref<20480x128xf32, #tpu.memory_space<hbm>> -> memref<20480x128xf32, #tpu.memory_space<hbm>>
        tpu.enqueue_indirect_dma source(%dma_start3A_590 : memref<20480x128xf32, #tpu.memory_space<hbm>>) target(%arg12 : memref<64x128xf32, #tpu.memory_space<vmem>>) offsets(%dma_start3A_587 : memref<64xi32, #tpu.memory_space<vmem>>) semaphore(%arg16 : memref<!tpu.dma_semaphore, #tpu.memory_space<semaphore_mem>>)
      }
      %scan3A_340 = arith.constant 7 : i32
      %dma_wait3A_341 = arith.constant 1 : i32
      %dma_wait3A_342 = arith.constant 0 : i32
      %dma_wait3A_343 = arith.constant 0 : i32
      %dma_wait3A_344 = tpu.memref_slice %arg7[%dma_wait3A_341, %dma_wait3A_342, %dma_wait3A_343] : memref<2x32x64xi32, #tpu.memory_space<vmem>> -> memref<1x1x64xi32, #tpu.memory_space<vmem>>
      %dma_wait3A_345 = tpu.memref_squeeze %dma_wait3A_344 : memref<1x1x64xi32, #tpu.memory_space<vmem>> -> memref<64xi32, #tpu.memory_space<vmem>>
      %dma_wait3A_346 = arith.constant 0 : i32
      %dma_wait3A_347 = arith.constant 0 : i32
      %dma_wait3A_348 = tpu.memref_slice %arg4[%dma_wait3A_346, %dma_wait3A_347] : memref<20480x128xf32, #tpu.memory_space<hbm>> -> memref<20480x128xf32, #tpu.memory_space<hbm>>
      tpu.wait_indirect_dma semaphore(%arg13 : memref<!tpu.dma_semaphore, #tpu.memory_space<semaphore_mem>>) src(%dma_wait3A_348 : memref<20480x128xf32, #tpu.memory_space<hbm>>) dst(%arg9 : memref<64x128xf32, #tpu.memory_space<vmem>>)
      %dma_start3A_349 = arith.constant 1 : i32
      %dma_start3A_350 = arith.constant 28 : i32
      %dma_start3A_351 = arith.constant 0 : i32
      %dma_start3A_352 = tpu.memref_slice %arg8[%dma_start3A_349, %dma_start3A_350, %dma_start3A_351] : memref<2x32x64xi32, #tpu.memory_space<vmem>> -> memref<1x1x64xi32, #tpu.memory_space<vmem>>
      %dma_start3A_353 = tpu.memref_squeeze %dma_start3A_352 : memref<1x1x64xi32, #tpu.memory_space<vmem>> -> memref<64xi32, #tpu.memory_space<vmem>>
      %dma_start3A_354 = arith.constant 0 : i32
      %dma_start3A_355 = arith.constant 0 : i32
      %dma_start3A_356 = tpu.memref_slice %arg23[%dma_start3A_354, %dma_start3A_355] : memref<10240x128xf32, #tpu.memory_space<vmem_shared>> -> memref<10240x128xf32, #tpu.memory_space<vmem_shared>>
      tpu.enqueue_indirect_dma source(%arg9 : memref<64x128xf32, #tpu.memory_space<vmem>>) target(%dma_start3A_356 : memref<10240x128xf32, #tpu.memory_space<vmem_shared>>) offsets(%dma_start3A_353 : memref<64xi32, #tpu.memory_space<vmem>>) semaphore(%arg17 : memref<!tpu.dma_semaphore, #tpu.memory_space<semaphore_mem>>) {add = true}
      %dma_wait3A_357 = arith.constant 1 : i32
      %dma_wait3A_358 = arith.constant 0 : i32
      %dma_wait3A_359 = arith.constant 0 : i32
      %dma_wait3A_360 = tpu.memref_slice %arg7[%dma_wait3A_357, %dma_wait3A_358, %dma_wait3A_359] : memref<2x32x64xi32, #tpu.memory_space<vmem>> -> memref<1x1x64xi32, #tpu.memory_space<vmem>>
      %dma_wait3A_361 = tpu.memref_squeeze %dma_wait3A_360 : memref<1x1x64xi32, #tpu.memory_space<vmem>> -> memref<64xi32, #tpu.memory_space<vmem>>
      %dma_wait3A_362 = arith.constant 0 : i32
      %dma_wait3A_363 = arith.constant 0 : i32
      %dma_wait3A_364 = tpu.memref_slice %arg4[%dma_wait3A_362, %dma_wait3A_363] : memref<20480x128xf32, #tpu.memory_space<hbm>> -> memref<20480x128xf32, #tpu.memory_space<hbm>>
      tpu.wait_indirect_dma semaphore(%arg14 : memref<!tpu.dma_semaphore, #tpu.memory_space<semaphore_mem>>) src(%dma_wait3A_364 : memref<20480x128xf32, #tpu.memory_space<hbm>>) dst(%arg10 : memref<64x128xf32, #tpu.memory_space<vmem>>)
      %dma_start3A_365 = arith.constant 1 : i32
      %dma_start3A_366 = arith.constant 29 : i32
      %dma_start3A_367 = arith.constant 0 : i32
      %dma_start3A_368 = tpu.memref_slice %arg8[%dma_start3A_365, %dma_start3A_366, %dma_start3A_367] : memref<2x32x64xi32, #tpu.memory_space<vmem>> -> memref<1x1x64xi32, #tpu.memory_space<vmem>>
      %dma_start3A_369 = tpu.memref_squeeze %dma_start3A_368 : memref<1x1x64xi32, #tpu.memory_space<vmem>> -> memref<64xi32, #tpu.memory_space<vmem>>
      %dma_start3A_370 = arith.constant 0 : i32
      %dma_start3A_371 = arith.constant 0 : i32
      %dma_start3A_372 = tpu.memref_slice %arg23[%dma_start3A_370, %dma_start3A_371] : memref<10240x128xf32, #tpu.memory_space<vmem_shared>> -> memref<10240x128xf32, #tpu.memory_space<vmem_shared>>
      tpu.enqueue_indirect_dma source(%arg10 : memref<64x128xf32, #tpu.memory_space<vmem>>) target(%dma_start3A_372 : memref<10240x128xf32, #tpu.memory_space<vmem_shared>>) offsets(%dma_start3A_369 : memref<64xi32, #tpu.memory_space<vmem>>) semaphore(%arg18 : memref<!tpu.dma_semaphore, #tpu.memory_space<semaphore_mem>>) {add = true}
      %dma_wait3A_373 = arith.constant 1 : i32
      %dma_wait3A_374 = arith.constant 0 : i32
      %dma_wait3A_375 = arith.constant 0 : i32
      %dma_wait3A_376 = tpu.memref_slice %arg7[%dma_wait3A_373, %dma_wait3A_374, %dma_wait3A_375] : memref<2x32x64xi32, #tpu.memory_space<vmem>> -> memref<1x1x64xi32, #tpu.memory_space<vmem>>
      %dma_wait3A_377 = tpu.memref_squeeze %dma_wait3A_376 : memref<1x1x64xi32, #tpu.memory_space<vmem>> -> memref<64xi32, #tpu.memory_space<vmem>>
      %dma_wait3A_378 = arith.constant 0 : i32
      %dma_wait3A_379 = arith.constant 0 : i32
      %dma_wait3A_380 = tpu.memref_slice %arg4[%dma_wait3A_378, %dma_wait3A_379] : memref<20480x128xf32, #tpu.memory_space<hbm>> -> memref<20480x128xf32, #tpu.memory_space<hbm>>
      tpu.wait_indirect_dma semaphore(%arg15 : memref<!tpu.dma_semaphore, #tpu.memory_space<semaphore_mem>>) src(%dma_wait3A_380 : memref<20480x128xf32, #tpu.memory_space<hbm>>) dst(%arg11 : memref<64x128xf32, #tpu.memory_space<vmem>>)
      %dma_start3A_381 = arith.constant 1 : i32
      %dma_start3A_382 = arith.constant 30 : i32
      %dma_start3A_383 = arith.constant 0 : i32
      %dma_start3A_384 = tpu.memref_slice %arg8[%dma_start3A_381, %dma_start3A_382, %dma_start3A_383] : memref<2x32x64xi32, #tpu.memory_space<vmem>> -> memref<1x1x64xi32, #tpu.memory_space<vmem>>
      %dma_start3A_385 = tpu.memref_squeeze %dma_start3A_384 : memref<1x1x64xi32, #tpu.memory_space<vmem>> -> memref<64xi32, #tpu.memory_space<vmem>>
      %dma_start3A_386 = arith.constant 0 : i32
      %dma_start3A_387 = arith.constant 0 : i32
      %dma_start3A_388 = tpu.memref_slice %arg23[%dma_start3A_386, %dma_start3A_387] : memref<10240x128xf32, #tpu.memory_space<vmem_shared>> -> memref<10240x128xf32, #tpu.memory_space<vmem_shared>>
      tpu.enqueue_indirect_dma source(%arg11 : memref<64x128xf32, #tpu.memory_space<vmem>>) target(%dma_start3A_388 : memref<10240x128xf32, #tpu.memory_space<vmem_shared>>) offsets(%dma_start3A_385 : memref<64xi32, #tpu.memory_space<vmem>>) semaphore(%arg19 : memref<!tpu.dma_semaphore, #tpu.memory_space<semaphore_mem>>) {add = true}
      %dma_wait3A_389 = arith.constant 1 : i32
      %dma_wait3A_390 = arith.constant 0 : i32
      %dma_wait3A_391 = arith.constant 0 : i32
      %dma_wait3A_392 = tpu.memref_slice %arg7[%dma_wait3A_389, %dma_wait3A_390, %dma_wait3A_391] : memref<2x32x64xi32, #tpu.memory_space<vmem>> -> memref<1x1x64xi32, #tpu.memory_space<vmem>>
      %dma_wait3A_393 = tpu.memref_squeeze %dma_wait3A_392 : memref<1x1x64xi32, #tpu.memory_space<vmem>> -> memref<64xi32, #tpu.memory_space<vmem>>
      %dma_wait3A_394 = arith.constant 0 : i32
      %dma_wait3A_395 = arith.constant 0 : i32
      %dma_wait3A_396 = tpu.memref_slice %arg4[%dma_wait3A_394, %dma_wait3A_395] : memref<20480x128xf32, #tpu.memory_space<hbm>> -> memref<20480x128xf32, #tpu.memory_space<hbm>>
      tpu.wait_indirect_dma semaphore(%arg16 : memref<!tpu.dma_semaphore, #tpu.memory_space<semaphore_mem>>) src(%dma_wait3A_396 : memref<20480x128xf32, #tpu.memory_space<hbm>>) dst(%arg12 : memref<64x128xf32, #tpu.memory_space<vmem>>)
      %dma_start3A_397 = arith.constant 1 : i32
      %dma_start3A_398 = arith.constant 31 : i32
      %dma_start3A_399 = arith.constant 0 : i32
      %dma_start3A_400 = tpu.memref_slice %arg8[%dma_start3A_397, %dma_start3A_398, %dma_start3A_399] : memref<2x32x64xi32, #tpu.memory_space<vmem>> -> memref<1x1x64xi32, #tpu.memory_space<vmem>>
      %dma_start3A_401 = tpu.memref_squeeze %dma_start3A_400 : memref<1x1x64xi32, #tpu.memory_space<vmem>> -> memref<64xi32, #tpu.memory_space<vmem>>
      %dma_start3A_402 = arith.constant 0 : i32
      %dma_start3A_403 = arith.constant 0 : i32
      %dma_start3A_404 = tpu.memref_slice %arg23[%dma_start3A_402, %dma_start3A_403] : memref<10240x128xf32, #tpu.memory_space<vmem_shared>> -> memref<10240x128xf32, #tpu.memory_space<vmem_shared>>
      tpu.enqueue_indirect_dma source(%arg12 : memref<64x128xf32, #tpu.memory_space<vmem>>) target(%dma_start3A_404 : memref<10240x128xf32, #tpu.memory_space<vmem_shared>>) offsets(%dma_start3A_401 : memref<64xi32, #tpu.memory_space<vmem>>) semaphore(%arg20 : memref<!tpu.dma_semaphore, #tpu.memory_space<semaphore_mem>>) {add = true}
      %dma_wait3A_405 = arith.constant 1 : i32
      %dma_wait3A_406 = arith.constant 0 : i32
      %dma_wait3A_407 = arith.constant 0 : i32
      %dma_wait3A_408 = tpu.memref_slice %arg8[%dma_wait3A_405, %dma_wait3A_406, %dma_wait3A_407] : memref<2x32x64xi32, #tpu.memory_space<vmem>> -> memref<1x1x64xi32, #tpu.memory_space<vmem>>
      %dma_wait3A_409 = tpu.memref_squeeze %dma_wait3A_408 : memref<1x1x64xi32, #tpu.memory_space<vmem>> -> memref<64xi32, #tpu.memory_space<vmem>>
      %dma_wait3A_410 = arith.constant 0 : i32
      %dma_wait3A_411 = arith.constant 0 : i32
      %dma_wait3A_412 = tpu.memref_slice %arg23[%dma_wait3A_410, %dma_wait3A_411] : memref<10240x128xf32, #tpu.memory_space<vmem_shared>> -> memref<10240x128xf32, #tpu.memory_space<vmem_shared>>
      tpu.wait_indirect_dma semaphore(%arg17 : memref<!tpu.dma_semaphore, #tpu.memory_space<semaphore_mem>>) src(%arg9 : memref<64x128xf32, #tpu.memory_space<vmem>>) dst(%dma_wait3A_412 : memref<10240x128xf32, #tpu.memory_space<vmem_shared>>)
      %dma_wait3A_413 = arith.constant 1 : i32
      %dma_wait3A_414 = arith.constant 0 : i32
      %dma_wait3A_415 = arith.constant 0 : i32
      %dma_wait3A_416 = tpu.memref_slice %arg8[%dma_wait3A_413, %dma_wait3A_414, %dma_wait3A_415] : memref<2x32x64xi32, #tpu.memory_space<vmem>> -> memref<1x1x64xi32, #tpu.memory_space<vmem>>
      %dma_wait3A_417 = tpu.memref_squeeze %dma_wait3A_416 : memref<1x1x64xi32, #tpu.memory_space<vmem>> -> memref<64xi32, #tpu.memory_space<vmem>>
      %dma_wait3A_418 = arith.constant 0 : i32
      %dma_wait3A_419 = arith.constant 0 : i32
      %dma_wait3A_420 = tpu.memref_slice %arg23[%dma_wait3A_418, %dma_wait3A_419] : memref<10240x128xf32, #tpu.memory_space<vmem_shared>> -> memref<10240x128xf32, #tpu.memory_space<vmem_shared>>
      tpu.wait_indirect_dma semaphore(%arg18 : memref<!tpu.dma_semaphore, #tpu.memory_space<semaphore_mem>>) src(%arg10 : memref<64x128xf32, #tpu.memory_space<vmem>>) dst(%dma_wait3A_420 : memref<10240x128xf32, #tpu.memory_space<vmem_shared>>)
      %dma_wait3A_421 = arith.constant 1 : i32
      %dma_wait3A_422 = arith.constant 0 : i32
      %dma_wait3A_423 = arith.constant 0 : i32
      %dma_wait3A_424 = tpu.memref_slice %arg8[%dma_wait3A_421, %dma_wait3A_422, %dma_wait3A_423] : memref<2x32x64xi32, #tpu.memory_space<vmem>> -> memref<1x1x64xi32, #tpu.memory_space<vmem>>
      %dma_wait3A_425 = tpu.memref_squeeze %dma_wait3A_424 : memref<1x1x64xi32, #tpu.memory_space<vmem>> -> memref<64xi32, #tpu.memory_space<vmem>>
      %dma_wait3A_426 = arith.constant 0 : i32
      %dma_wait3A_427 = arith.constant 0 : i32
      %dma_wait3A_428 = tpu.memref_slice %arg23[%dma_wait3A_426, %dma_wait3A_427] : memref<10240x128xf32, #tpu.memory_space<vmem_shared>> -> memref<10240x128xf32, #tpu.memory_space<vmem_shared>>
      tpu.wait_indirect_dma semaphore(%arg19 : memref<!tpu.dma_semaphore, #tpu.memory_space<semaphore_mem>>) src(%arg11 : memref<64x128xf32, #tpu.memory_space<vmem>>) dst(%dma_wait3A_428 : memref<10240x128xf32, #tpu.memory_space<vmem_shared>>)
      %dma_wait3A_429 = arith.constant 1 : i32
      %dma_wait3A_430 = arith.constant 0 : i32
      %dma_wait3A_431 = arith.constant 0 : i32
      %dma_wait3A_432 = tpu.memref_slice %arg8[%dma_wait3A_429, %dma_wait3A_430, %dma_wait3A_431] : memref<2x32x64xi32, #tpu.memory_space<vmem>> -> memref<1x1x64xi32, #tpu.memory_space<vmem>>
      %dma_wait3A_433 = tpu.memref_squeeze %dma_wait3A_432 : memref<1x1x64xi32, #tpu.memory_space<vmem>> -> memref<64xi32, #tpu.memory_space<vmem>>
      %dma_wait3A_434 = arith.constant 0 : i32
      %dma_wait3A_435 = arith.constant 0 : i32
      %dma_wait3A_436 = tpu.memref_slice %arg23[%dma_wait3A_434, %dma_wait3A_435] : memref<10240x128xf32, #tpu.memory_space<vmem_shared>> -> memref<10240x128xf32, #tpu.memory_space<vmem_shared>>
      tpu.wait_indirect_dma semaphore(%arg20 : memref<!tpu.dma_semaphore, #tpu.memory_space<semaphore_mem>>) src(%arg12 : memref<64x128xf32, #tpu.memory_space<vmem>>) dst(%dma_wait3A_436 : memref<10240x128xf32, #tpu.memory_space<vmem_shared>>)
      %add3A_437 = arith.constant 2 : i32
      %add3A_438 = arith.addi %add3A_266, %add3A_437 : i32
      %lt3A_439 = arith.constant 10 : i32
      %lt3A_440 = arith.cmpi slt, %add3A_438, %lt3A_439 : i32
      %convert_element_type3A_441 = arith.extui %lt3A_440 : i1 to i32
      %cond3A_442 = arith.constant 0 : i32
      %cond3A_443 = arith.cmpi ne, %convert_element_type3A_441, %cond3A_442 : i32
      scf.if %cond3A_443 {
        %add3A_444 = arith.constant 2 : i32
        %add3A_445 = arith.addi %add3A_266, %add3A_444 : i32
        %min3A = arith.constant 9 : i32
        %min3A_446 = arith.minsi %add3A_445, %min3A : i32
        %dma_start3A_447 = arith.constant 1 : i32
        %dma_start3A_448 = arith.constant 0 : i32
        %dma_start3A_449 = arith.constant 0 : i32
        %dma_start3A_450 = tpu.memref_slice %arg7[%dma_start3A_447, %dma_start3A_448, %dma_start3A_449] : memref<2x32x64xi32, #tpu.memory_space<vmem>> -> memref<1x32x64xi32, #tpu.memory_space<vmem>>
        %dma_start3A_451 = tpu.memref_squeeze %dma_start3A_450 : memref<1x32x64xi32, #tpu.memory_space<vmem>> -> memref<32x64xi32, #tpu.memory_space<vmem>>
        %dma_start3A_452 = arith.constant 0 : i32
        %dma_start3A_453 = arith.constant 0 : i32
        %dma_start3A_454 = tpu.memref_slice %arg2[%add3A, %min3A_446, %dma_start3A_452, %dma_start3A_453] : memref<32x10x32x64xi32, #tpu.memory_space<hbm>> -> memref<1x1x32x64xi32, #tpu.memory_space<hbm>>
        %dma_start3A_455 = tpu.memref_squeeze %dma_start3A_454 : memref<1x1x32x64xi32, #tpu.memory_space<hbm>> -> memref<32x64xi32, #tpu.memory_space<hbm>>
        %dma_start3A_456 = arith.constant 0 : i32
        %dma_start3A_457 = arith.constant 0 : i32
        %dma_start3A_458 = tpu.memref_slice %arg7[%dma_start3A_447, %dma_start3A_456, %dma_start3A_457] : memref<2x32x64xi32, #tpu.memory_space<vmem>> -> memref<1x32x64xi32, #tpu.memory_space<vmem>>
        %dma_start3A_459 = tpu.memref_squeeze %dma_start3A_458 : memref<1x32x64xi32, #tpu.memory_space<vmem>> -> memref<32x64xi32, #tpu.memory_space<vmem>>
        %dma_start3A_460 = arith.constant 0 : i32
        %dma_start3A_461 = arith.constant 0 : i32
        %dma_start3A_462 = tpu.memref_slice %arg2[%add3A, %min3A_446, %dma_start3A_460, %dma_start3A_461] : memref<32x10x32x64xi32, #tpu.memory_space<hbm>> -> memref<1x1x32x64xi32, #tpu.memory_space<hbm>>
        %dma_start3A_463 = tpu.memref_squeeze %dma_start3A_462 : memref<1x1x32x64xi32, #tpu.memory_space<hbm>> -> memref<32x64xi32, #tpu.memory_space<hbm>>
        tpu.enqueue_dma source(%dma_start3A_463 : memref<32x64xi32, #tpu.memory_space<hbm>>) target(%dma_start3A_459 : memref<32x64xi32, #tpu.memory_space<vmem>>) target_semaphore(%arg22 : memref<!tpu.dma_semaphore, #tpu.memory_space<semaphore_mem>>)
        %dma_start3A_464 = arith.constant 1 : i32
        %dma_start3A_465 = arith.constant 0 : i32
        %dma_start3A_466 = arith.constant 0 : i32
        %dma_start3A_467 = tpu.memref_slice %arg8[%dma_start3A_464, %dma_start3A_465, %dma_start3A_466] : memref<2x32x64xi32, #tpu.memory_space<vmem>> -> memref<1x32x64xi32, #tpu.memory_space<vmem>>
        %dma_start3A_468 = tpu.memref_squeeze %dma_start3A_467 : memref<1x32x64xi32, #tpu.memory_space<vmem>> -> memref<32x64xi32, #tpu.memory_space<vmem>>
        %dma_start3A_469 = arith.constant 0 : i32
        %dma_start3A_470 = arith.constant 0 : i32
        %dma_start3A_471 = tpu.memref_slice %arg3[%add3A, %min3A_446, %dma_start3A_469, %dma_start3A_470] : memref<32x10x32x64xi32, #tpu.memory_space<hbm>> -> memref<1x1x32x64xi32, #tpu.memory_space<hbm>>
        %dma_start3A_472 = tpu.memref_squeeze %dma_start3A_471 : memref<1x1x32x64xi32, #tpu.memory_space<hbm>> -> memref<32x64xi32, #tpu.memory_space<hbm>>
        %dma_start3A_473 = arith.constant 0 : i32
        %dma_start3A_474 = arith.constant 0 : i32
        %dma_start3A_475 = tpu.memref_slice %arg8[%dma_start3A_464, %dma_start3A_473, %dma_start3A_474] : memref<2x32x64xi32, #tpu.memory_space<vmem>> -> memref<1x32x64xi32, #tpu.memory_space<vmem>>
        %dma_start3A_476 = tpu.memref_squeeze %dma_start3A_475 : memref<1x32x64xi32, #tpu.memory_space<vmem>> -> memref<32x64xi32, #tpu.memory_space<vmem>>
        %dma_start3A_477 = arith.constant 0 : i32
        %dma_start3A_478 = arith.constant 0 : i32
        %dma_start3A_479 = tpu.memref_slice %arg3[%add3A, %min3A_446, %dma_start3A_477, %dma_start3A_478] : memref<32x10x32x64xi32, #tpu.memory_space<hbm>> -> memref<1x1x32x64xi32, #tpu.memory_space<hbm>>
        %dma_start3A_480 = tpu.memref_squeeze %dma_start3A_479 : memref<1x1x32x64xi32, #tpu.memory_space<hbm>> -> memref<32x64xi32, #tpu.memory_space<hbm>>
        tpu.enqueue_dma source(%dma_start3A_480 : memref<32x64xi32, #tpu.memory_space<hbm>>) target(%dma_start3A_476 : memref<32x64xi32, #tpu.memory_space<vmem>>) target_semaphore(%arg22 : memref<!tpu.dma_semaphore, #tpu.memory_space<semaphore_mem>>)
      } else {
      }
    }
    %scan3A_78 = arith.constant 5 : i32
    %barrier3A_79 = arith.constant 0 : index
    tpu.barrier barrier_id(%barrier3A_79)
    %mul3A_80 = arith.constant 640 : i32
    %mul3A_81 = arith.muli %arg1, %mul3A_80 : i32
    %mul3A_82 = arith.constant 10240 : i32
    %mul3A_83 = arith.muli %arg0, %mul3A_82 : i32
    %mul3A_84 = arith.constant 640 : i32
    %mul3A_85 = arith.muli %arg1, %mul3A_84 : i32
    %add3A_86 = arith.addi %mul3A_83, %mul3A_85 : i32
    "tpu.region"() ({
      %run_scoped3A = tpu.sem_alloc : memref<!tpu.dma_semaphore, #tpu.memory_space<semaphore_mem>>
      %dma_start3A_87 = arith.constant 0 : i32
      %dma_start3A_88 = tpu.memref_slice %arg6[%add3A_86, %dma_start3A_87] : memref<20480x128xf32, #tpu.memory_space<hbm>> -> memref<640x128xf32, #tpu.memory_space<hbm>>
      %dma_start3A_89 = arith.constant 0 : i32
      %dma_start3A_90 = tpu.memref_slice %arg23[%mul3A_81, %dma_start3A_89] : memref<10240x128xf32, #tpu.memory_space<vmem_shared>> -> memref<640x128xf32, #tpu.memory_space<vmem_shared>>
      tpu.enqueue_dma source(%dma_start3A_90 : memref<640x128xf32, #tpu.memory_space<vmem_shared>>) target(%dma_start3A_88 : memref<640x128xf32, #tpu.memory_space<hbm>>) target_semaphore(%run_scoped3A : memref<!tpu.dma_semaphore, #tpu.memory_space<semaphore_mem>>)
      %dma_wait3A = arith.constant 0 : i32
      %dma_wait3A_91 = tpu.memref_slice %arg6[%add3A_86, %dma_wait3A] : memref<20480x128xf32, #tpu.memory_space<hbm>> -> memref<640x128xf32, #tpu.memory_space<hbm>>
      %dma_wait3A_92 = arith.constant 0 : i32
      %dma_wait3A_93 = tpu.memref_slice %arg23[%mul3A_81, %dma_wait3A_92] : memref<10240x128xf32, #tpu.memory_space<vmem_shared>> -> memref<640x128xf32, #tpu.memory_space<vmem_shared>>
      tpu.wait_dma2 semaphore(%run_scoped3A : memref<!tpu.dma_semaphore, #tpu.memory_space<semaphore_mem>>) src(%dma_wait3A_93 : memref<640x128xf32, #tpu.memory_space<vmem_shared>>) dst(%dma_wait3A_91 : memref<640x128xf32, #tpu.memory_space<hbm>>)
      tpu.yield
    }) : () -> ()
    return
  }
}

#map = affine_map<(d0, d1) -> (0, 0, 0, 0)>
#map1 = affine_map<(d0, d1) -> (0, 0)>
module attributes {stable_mosaic.version = 14 : i64} {
  func.func @_scat_body(%arg0: i32, %arg1: i32, %arg2: memref<32x10x32x64xi32, #tpu.memory_space<hbm>>, %arg3: memref<32x10x32x64xi32, #tpu.memory_space<hbm>>, %arg4: memref<20480x128xf32, #tpu.memory_space<hbm>>, %arg5: memref<640x128xf32, #tpu.memory_space<hbm>>, %arg6: memref<20480x128xf32, #tpu.memory_space<hbm>>, %arg7: memref<2x32x64xi32, #tpu.memory_space<vmem>>, %arg8: memref<2x32x64xi32, #tpu.memory_space<vmem>>, %arg9: memref<64x128xf32, #tpu.memory_space<vmem>>, %arg10: memref<64x128xf32, #tpu.memory_space<vmem>>, %arg11: memref<64x128xf32, #tpu.memory_space<vmem>>, %arg12: memref<64x128xf32, #tpu.memory_space<vmem>>, %arg13: memref<!tpu.dma_semaphore, #tpu.memory_space<semaphore_mem>>, %arg14: memref<!tpu.dma_semaphore, #tpu.memory_space<semaphore_mem>>, %arg15: memref<!tpu.dma_semaphore, #tpu.memory_space<semaphore_mem>>, %arg16: memref<!tpu.dma_semaphore, #tpu.memory_space<semaphore_mem>>, %arg17: memref<!tpu.dma_semaphore, #tpu.memory_space<semaphore_mem>>, %arg18: memref<!tpu.dma_semaphore, #tpu.memory_space<semaphore_mem>>, %arg19: memref<!tpu.dma_semaphore, #tpu.memory_space<semaphore_mem>>, %arg20: memref<!tpu.dma_semaphore, #tpu.memory_space<semaphore_mem>>, %arg21: memref<!tpu.dma_semaphore, #tpu.memory_space<semaphore_mem>>, %arg22: memref<!tpu.dma_semaphore, #tpu.memory_space<semaphore_mem>>, %arg23: memref<10240x128xf32, #tpu.memory_space<vmem_shared>>) attributes {dimension_semantics = [#tpu.dimension_semantics<core_parallel>, #tpu.dimension_semantics<subcore_parallel>], iteration_bounds = array<i64: 2, 16>, scalar_prefetch = 0 : i64, scratch_operands = 17 : i64, tpu.core_type = #tpu.core_type<sc_vector_subcore>, window_params = [{transform_indices = #map}, {transform_indices = #map}, {transform_indices = #map1}, {transform_indices = #map1}, {transform_indices = #map1}]} {
    %mul3A = arith.constant 16 : i32
    %mul3A_0 = arith.muli %arg0, %mul3A : i32
    %add3A = arith.addi %mul3A_0, %arg1 : i32
    %mul3A_1 = arith.constant 640 : i32
    %mul3A_2 = arith.muli %arg1, %mul3A_1 : i32
    "tpu.region"() ({
      %run_scoped3A = tpu.sem_alloc : memref<!tpu.dma_semaphore, #tpu.memory_space<semaphore_mem>>
      %dma_start3A_87 = arith.constant 0 : i32
      %dma_start3A_88 = tpu.memref_slice %arg23[%mul3A_2, %dma_start3A_87] : memref<10240x128xf32, #tpu.memory_space<vmem_shared>> -> memref<640x128xf32, #tpu.memory_space<vmem_shared>>
      tpu.enqueue_dma source(%arg5 : memref<640x128xf32, #tpu.memory_space<hbm>>) target(%dma_start3A_88 : memref<640x128xf32, #tpu.memory_space<vmem_shared>>) target_semaphore(%run_scoped3A : memref<!tpu.dma_semaphore, #tpu.memory_space<semaphore_mem>>)
      %dma_wait3A = arith.constant 0 : i32
      %dma_wait3A_89 = tpu.memref_slice %arg23[%mul3A_2, %dma_wait3A] : memref<10240x128xf32, #tpu.memory_space<vmem_shared>> -> memref<640x128xf32, #tpu.memory_space<vmem_shared>>
      tpu.wait_dma2 semaphore(%run_scoped3A : memref<!tpu.dma_semaphore, #tpu.memory_space<semaphore_mem>>) src(%arg5 : memref<640x128xf32, #tpu.memory_space<hbm>>) dst(%dma_wait3A_89 : memref<640x128xf32, #tpu.memory_space<vmem_shared>>)
      tpu.yield
    }) : () -> ()
    %dma_start3A = arith.constant 0 : i32
    %dma_start3A_3 = arith.constant 0 : i32
    %dma_start3A_4 = arith.constant 0 : i32
    %dma_start3A_5 = arith.constant 0 : i32
    %dma_start3A_6 = tpu.memref_slice %arg7[%dma_start3A_3, %dma_start3A_4, %dma_start3A_5] : memref<2x32x64xi32, #tpu.memory_space<vmem>> -> memref<1x32x64xi32, #tpu.memory_space<vmem>>
    %dma_start3A_7 = tpu.memref_squeeze %dma_start3A_6 : memref<1x32x64xi32, #tpu.memory_space<vmem>> -> memref<32x64xi32, #tpu.memory_space<vmem>>
    %dma_start3A_8 = arith.constant 0 : i32
    %dma_start3A_9 = arith.constant 0 : i32
    %dma_start3A_10 = tpu.memref_slice %arg2[%add3A, %dma_start3A, %dma_start3A_8, %dma_start3A_9] : memref<32x10x32x64xi32, #tpu.memory_space<hbm>> -> memref<1x1x32x64xi32, #tpu.memory_space<hbm>>
    %dma_start3A_11 = tpu.memref_squeeze %dma_start3A_10 : memref<1x1x32x64xi32, #tpu.memory_space<hbm>> -> memref<32x64xi32, #tpu.memory_space<hbm>>
    %dma_start3A_12 = arith.constant 0 : i32
    %dma_start3A_13 = arith.constant 0 : i32
    %dma_start3A_14 = tpu.memref_slice %arg7[%dma_start3A_3, %dma_start3A_12, %dma_start3A_13] : memref<2x32x64xi32, #tpu.memory_space<vmem>> -> memref<1x32x64xi32, #tpu.memory_space<vmem>>
    %dma_start3A_15 = tpu.memref_squeeze %dma_start3A_14 : memref<1x32x64xi32, #tpu.memory_space<vmem>> -> memref<32x64xi32, #tpu.memory_space<vmem>>
    %dma_start3A_16 = arith.constant 0 : i32
    %dma_start3A_17 = arith.constant 0 : i32
    %dma_start3A_18 = tpu.memref_slice %arg2[%add3A, %dma_start3A, %dma_start3A_16, %dma_start3A_17] : memref<32x10x32x64xi32, #tpu.memory_space<hbm>> -> memref<1x1x32x64xi32, #tpu.memory_space<hbm>>
    %dma_start3A_19 = tpu.memref_squeeze %dma_start3A_18 : memref<1x1x32x64xi32, #tpu.memory_space<hbm>> -> memref<32x64xi32, #tpu.memory_space<hbm>>
    tpu.enqueue_dma source(%dma_start3A_19 : memref<32x64xi32, #tpu.memory_space<hbm>>) target(%dma_start3A_15 : memref<32x64xi32, #tpu.memory_space<vmem>>) target_semaphore(%arg21 : memref<!tpu.dma_semaphore, #tpu.memory_space<semaphore_mem>>)
    %dma_start3A_20 = arith.constant 0 : i32
    %dma_start3A_21 = arith.constant 0 : i32
    %dma_start3A_22 = arith.constant 0 : i32
    %dma_start3A_23 = arith.constant 0 : i32
    %dma_start3A_24 = tpu.memref_slice %arg8[%dma_start3A_21, %dma_start3A_22, %dma_start3A_23] : memref<2x32x64xi32, #tpu.memory_space<vmem>> -> memref<1x32x64xi32, #tpu.memory_space<vmem>>
    %dma_start3A_25 = tpu.memref_squeeze %dma_start3A_24 : memref<1x32x64xi32, #tpu.memory_space<vmem>> -> memref<32x64xi32, #tpu.memory_space<vmem>>
    %dma_start3A_26 = arith.constant 0 : i32
    %dma_start3A_27 = arith.constant 0 : i32
    %dma_start3A_28 = tpu.memref_slice %arg3[%add3A, %dma_start3A_20, %dma_start3A_26, %dma_start3A_27] : memref<32x10x32x64xi32, #tpu.memory_space<hbm>> -> memref<1x1x32x64xi32, #tpu.memory_space<hbm>>
    %dma_start3A_29 = tpu.memref_squeeze %dma_start3A_28 : memref<1x1x32x64xi32, #tpu.memory_space<hbm>> -> memref<32x64xi32, #tpu.memory_space<hbm>>
    %dma_start3A_30 = arith.constant 0 : i32
    %dma_start3A_31 = arith.constant 0 : i32
    %dma_start3A_32 = tpu.memref_slice %arg8[%dma_start3A_21, %dma_start3A_30, %dma_start3A_31] : memref<2x32x64xi32, #tpu.memory_space<vmem>> -> memref<1x32x64xi32, #tpu.memory_space<vmem>>
    %dma_start3A_33 = tpu.memref_squeeze %dma_start3A_32 : memref<1x32x64xi32, #tpu.memory_space<vmem>> -> memref<32x64xi32, #tpu.memory_space<vmem>>
    %dma_start3A_34 = arith.constant 0 : i32
    %dma_start3A_35 = arith.constant 0 : i32
    %dma_start3A_36 = tpu.memref_slice %arg3[%add3A, %dma_start3A_20, %dma_start3A_34, %dma_start3A_35] : memref<32x10x32x64xi32, #tpu.memory_space<hbm>> -> memref<1x1x32x64xi32, #tpu.memory_space<hbm>>
    %dma_start3A_37 = tpu.memref_squeeze %dma_start3A_36 : memref<1x1x32x64xi32, #tpu.memory_space<hbm>> -> memref<32x64xi32, #tpu.memory_space<hbm>>
    tpu.enqueue_dma source(%dma_start3A_37 : memref<32x64xi32, #tpu.memory_space<hbm>>) target(%dma_start3A_33 : memref<32x64xi32, #tpu.memory_space<vmem>>) target_semaphore(%arg21 : memref<!tpu.dma_semaphore, #tpu.memory_space<semaphore_mem>>)
    %dma_start3A_38 = arith.constant 1 : i32
    %dma_start3A_39 = arith.constant 1 : i32
    %dma_start3A_40 = arith.constant 0 : i32
    %dma_start3A_41 = arith.constant 0 : i32
    %dma_start3A_42 = tpu.memref_slice %arg7[%dma_start3A_39, %dma_start3A_40, %dma_start3A_41] : memref<2x32x64xi32, #tpu.memory_space<vmem>> -> memref<1x32x64xi32, #tpu.memory_space<vmem>>
    %dma_start3A_43 = tpu.memref_squeeze %dma_start3A_42 : memref<1x32x64xi32, #tpu.memory_space<vmem>> -> memref<32x64xi32, #tpu.memory_space<vmem>>
    %dma_start3A_44 = arith.constant 0 : i32
    %dma_start3A_45 = arith.constant 0 : i32
    %dma_start3A_46 = tpu.memref_slice %arg2[%add3A, %dma_start3A_38, %dma_start3A_44, %dma_start3A_45] : memref<32x10x32x64xi32, #tpu.memory_space<hbm>> -> memref<1x1x32x64xi32, #tpu.memory_space<hbm>>
    %dma_start3A_47 = tpu.memref_squeeze %dma_start3A_46 : memref<1x1x32x64xi32, #tpu.memory_space<hbm>> -> memref<32x64xi32, #tpu.memory_space<hbm>>
    %dma_start3A_48 = arith.constant 0 : i32
    %dma_start3A_49 = arith.constant 0 : i32
    %dma_start3A_50 = tpu.memref_slice %arg7[%dma_start3A_39, %dma_start3A_48, %dma_start3A_49] : memref<2x32x64xi32, #tpu.memory_space<vmem>> -> memref<1x32x64xi32, #tpu.memory_space<vmem>>
    %dma_start3A_51 = tpu.memref_squeeze %dma_start3A_50 : memref<1x32x64xi32, #tpu.memory_space<vmem>> -> memref<32x64xi32, #tpu.memory_space<vmem>>
    %dma_start3A_52 = arith.constant 0 : i32
    %dma_start3A_53 = arith.constant 0 : i32
    %dma_start3A_54 = tpu.memref_slice %arg2[%add3A, %dma_start3A_38, %dma_start3A_52, %dma_start3A_53] : memref<32x10x32x64xi32, #tpu.memory_space<hbm>> -> memref<1x1x32x64xi32, #tpu.memory_space<hbm>>
    %dma_start3A_55 = tpu.memref_squeeze %dma_start3A_54 : memref<1x1x32x64xi32, #tpu.memory_space<hbm>> -> memref<32x64xi32, #tpu.memory_space<hbm>>
    tpu.enqueue_dma source(%dma_start3A_55 : memref<32x64xi32, #tpu.memory_space<hbm>>) target(%dma_start3A_51 : memref<32x64xi32, #tpu.memory_space<vmem>>) target_semaphore(%arg22 : memref<!tpu.dma_semaphore, #tpu.memory_space<semaphore_mem>>)
    %dma_start3A_56 = arith.constant 1 : i32
    %dma_start3A_57 = arith.constant 1 : i32
    %dma_start3A_58 = arith.constant 0 : i32
    %dma_start3A_59 = arith.constant 0 : i32
    %dma_start3A_60 = tpu.memref_slice %arg8[%dma_start3A_57, %dma_start3A_58, %dma_start3A_59] : memref<2x32x64xi32, #tpu.memory_space<vmem>> -> memref<1x32x64xi32, #tpu.memory_space<vmem>>
    %dma_start3A_61 = tpu.memref_squeeze %dma_start3A_60 : memref<1x32x64xi32, #tpu.memory_space<vmem>> -> memref<32x64xi32, #tpu.memory_space<vmem>>
    %dma_start3A_62 = arith.constant 0 : i32
    %dma_start3A_63 = arith.constant 0 : i32
    %dma_start3A_64 = tpu.memref_slice %arg3[%add3A, %dma_start3A_56, %dma_start3A_62, %dma_start3A_63] : memref<32x10x32x64xi32, #tpu.memory_space<hbm>> -> memref<1x1x32x64xi32, #tpu.memory_space<hbm>>
    %dma_start3A_65 = tpu.memref_squeeze %dma_start3A_64 : memref<1x1x32x64xi32, #tpu.memory_space<hbm>> -> memref<32x64xi32, #tpu.memory_space<hbm>>
    %dma_start3A_66 = arith.constant 0 : i32
    %dma_start3A_67 = arith.constant 0 : i32
    %dma_start3A_68 = tpu.memref_slice %arg8[%dma_start3A_57, %dma_start3A_66, %dma_start3A_67] : memref<2x32x64xi32, #tpu.memory_space<vmem>> -> memref<1x32x64xi32, #tpu.memory_space<vmem>>
    %dma_start3A_69 = tpu.memref_squeeze %dma_start3A_68 : memref<1x32x64xi32, #tpu.memory_space<vmem>> -> memref<32x64xi32, #tpu.memory_space<vmem>>
    %dma_start3A_70 = arith.constant 0 : i32
    %dma_start3A_71 = arith.constant 0 : i32
    %dma_start3A_72 = tpu.memref_slice %arg3[%add3A, %dma_start3A_56, %dma_start3A_70, %dma_start3A_71] : memref<32x10x32x64xi32, #tpu.memory_space<hbm>> -> memref<1x1x32x64xi32, #tpu.memory_space<hbm>>
    %dma_start3A_73 = tpu.memref_squeeze %dma_start3A_72 : memref<1x1x32x64xi32, #tpu.memory_space<hbm>> -> memref<32x64xi32, #tpu.memory_space<hbm>>
    tpu.enqueue_dma source(%dma_start3A_73 : memref<32x64xi32, #tpu.memory_space<hbm>>) target(%dma_start3A_69 : memref<32x64xi32, #tpu.memory_space<vmem>>) target_semaphore(%arg22 : memref<!tpu.dma_semaphore, #tpu.memory_space<semaphore_mem>>)
    %barrier3A = arith.constant 0 : index
    tpu.barrier barrier_id(%barrier3A)
    %scan3A = arith.constant 0 : i32
    %scan3A_74 = arith.constant 0 : i32
    %scan3A_75 = arith.constant 5 : i32
    %scan3A_76 = arith.addi %scan3A_74, %scan3A_75 : i32
    %scan3A_77 = arith.constant 1 : i32
    scf.for %scan3A_87 = %scan3A_74 to %scan3A_76 step %scan3A_77  : i32 {
      %mul3A_88 = arith.constant 2 : i32
      %mul3A_89 = arith.muli %scan3A_87, %mul3A_88 : i32
      %dma_wait3A = arith.constant 0 : i32
      %dma_wait3A_90 = arith.constant 0 : i32
      %dma_wait3A_91 = arith.constant 0 : i32
      %dma_wait3A_92 = arith.constant 0 : i32
      %dma_wait3A_93 = tpu.memref_slice %arg7[%dma_wait3A_90, %dma_wait3A_91, %dma_wait3A_92] : memref<2x32x64xi32, #tpu.memory_space<vmem>> -> memref<1x32x64xi32, #tpu.memory_space<vmem>>
      %dma_wait3A_94 = tpu.memref_squeeze %dma_wait3A_93 : memref<1x32x64xi32, #tpu.memory_space<vmem>> -> memref<32x64xi32, #tpu.memory_space<vmem>>
      %dma_wait3A_95 = arith.constant 0 : i32
      %dma_wait3A_96 = arith.constant 0 : i32
      %dma_wait3A_97 = tpu.memref_slice %arg2[%add3A, %dma_wait3A, %dma_wait3A_95, %dma_wait3A_96] : memref<32x10x32x64xi32, #tpu.memory_space<hbm>> -> memref<1x1x32x64xi32, #tpu.memory_space<hbm>>
      %dma_wait3A_98 = tpu.memref_squeeze %dma_wait3A_97 : memref<1x1x32x64xi32, #tpu.memory_space<hbm>> -> memref<32x64xi32, #tpu.memory_space<hbm>>
      %dma_wait3A_99 = arith.constant 0 : i32
      %dma_wait3A_100 = arith.constant 0 : i32
      %dma_wait3A_101 = tpu.memref_slice %arg7[%dma_wait3A_90, %dma_wait3A_99, %dma_wait3A_100] : memref<2x32x64xi32, #tpu.memory_space<vmem>> -> memref<1x32x64xi32, #tpu.memory_space<vmem>>
      %dma_wait3A_102 = tpu.memref_squeeze %dma_wait3A_101 : memref<1x32x64xi32, #tpu.memory_space<vmem>> -> memref<32x64xi32, #tpu.memory_space<vmem>>
      %dma_wait3A_103 = arith.constant 0 : i32
      %dma_wait3A_104 = arith.constant 0 : i32
      %dma_wait3A_105 = tpu.memref_slice %arg2[%add3A, %dma_wait3A, %dma_wait3A_103, %dma_wait3A_104] : memref<32x10x32x64xi32, #tpu.memory_space<hbm>> -> memref<1x1x32x64xi32, #tpu.memory_space<hbm>>
      %dma_wait3A_106 = tpu.memref_squeeze %dma_wait3A_105 : memref<1x1x32x64xi32, #tpu.memory_space<hbm>> -> memref<32x64xi32, #tpu.memory_space<hbm>>
      tpu.wait_dma2 semaphore(%arg21 : memref<!tpu.dma_semaphore, #tpu.memory_space<semaphore_mem>>) src(%dma_wait3A_106 : memref<32x64xi32, #tpu.memory_space<hbm>>) dst(%dma_wait3A_102 : memref<32x64xi32, #tpu.memory_space<vmem>>)
      %dma_wait3A_107 = arith.constant 0 : i32
      %dma_wait3A_108 = arith.constant 0 : i32
      %dma_wait3A_109 = arith.constant 0 : i32
      %dma_wait3A_110 = arith.constant 0 : i32
      %dma_wait3A_111 = tpu.memref_slice %arg8[%dma_wait3A_108, %dma_wait3A_109, %dma_wait3A_110] : memref<2x32x64xi32, #tpu.memory_space<vmem>> -> memref<1x32x64xi32, #tpu.memory_space<vmem>>
      %dma_wait3A_112 = tpu.memref_squeeze %dma_wait3A_111 : memref<1x32x64xi32, #tpu.memory_space<vmem>> -> memref<32x64xi32, #tpu.memory_space<vmem>>
      %dma_wait3A_113 = arith.constant 0 : i32
      %dma_wait3A_114 = arith.constant 0 : i32
      %dma_wait3A_115 = tpu.memref_slice %arg3[%add3A, %dma_wait3A_107, %dma_wait3A_113, %dma_wait3A_114] : memref<32x10x32x64xi32, #tpu.memory_space<hbm>> -> memref<1x1x32x64xi32, #tpu.memory_space<hbm>>
      %dma_wait3A_116 = tpu.memref_squeeze %dma_wait3A_115 : memref<1x1x32x64xi32, #tpu.memory_space<hbm>> -> memref<32x64xi32, #tpu.memory_space<hbm>>
      %dma_wait3A_117 = arith.constant 0 : i32
      %dma_wait3A_118 = arith.constant 0 : i32
      %dma_wait3A_119 = tpu.memref_slice %arg8[%dma_wait3A_108, %dma_wait3A_117, %dma_wait3A_118] : memref<2x32x64xi32, #tpu.memory_space<vmem>> -> memref<1x32x64xi32, #tpu.memory_space<vmem>>
      %dma_wait3A_120 = tpu.memref_squeeze %dma_wait3A_119 : memref<1x32x64xi32, #tpu.memory_space<vmem>> -> memref<32x64xi32, #tpu.memory_space<vmem>>
      %dma_wait3A_121 = arith.constant 0 : i32
      %dma_wait3A_122 = arith.constant 0 : i32
      %dma_wait3A_123 = tpu.memref_slice %arg3[%add3A, %dma_wait3A_107, %dma_wait3A_121, %dma_wait3A_122] : memref<32x10x32x64xi32, #tpu.memory_space<hbm>> -> memref<1x1x32x64xi32, #tpu.memory_space<hbm>>
      %dma_wait3A_124 = tpu.memref_squeeze %dma_wait3A_123 : memref<1x1x32x64xi32, #tpu.memory_space<hbm>> -> memref<32x64xi32, #tpu.memory_space<hbm>>
      tpu.wait_dma2 semaphore(%arg21 : memref<!tpu.dma_semaphore, #tpu.memory_space<semaphore_mem>>) src(%dma_wait3A_124 : memref<32x64xi32, #tpu.memory_space<hbm>>) dst(%dma_wait3A_120 : memref<32x64xi32, #tpu.memory_space<vmem>>)
      %dma_start3A_125 = arith.constant 0 : i32
      %dma_start3A_126 = arith.constant 0 : i32
      %dma_start3A_127 = arith.constant 0 : i32
      %dma_start3A_128 = tpu.memref_slice %arg7[%dma_start3A_125, %dma_start3A_126, %dma_start3A_127] : memref<2x32x64xi32, #tpu.memory_space<vmem>> -> memref<1x1x64xi32, #tpu.memory_space<vmem>>
      %dma_start3A_129 = tpu.memref_squeeze %dma_start3A_128 : memref<1x1x64xi32, #tpu.memory_space<vmem>> -> memref<64xi32, #tpu.memory_space<vmem>>
      %dma_start3A_130 = arith.constant 0 : i32
      %dma_start3A_131 = arith.constant 0 : i32
      %dma_start3A_132 = tpu.memref_slice %arg4[%dma_start3A_130, %dma_start3A_131] : memref<20480x128xf32, #tpu.memory_space<hbm>> -> memref<20480x128xf32, #tpu.memory_space<hbm>>
      tpu.enqueue_indirect_dma source(%dma_start3A_132 : memref<20480x128xf32, #tpu.memory_space<hbm>>) target(%arg9 : memref<64x128xf32, #tpu.memory_space<vmem>>) offsets(%dma_start3A_129 : memref<64xi32, #tpu.memory_space<vmem>>) semaphore(%arg13 : memref<!tpu.dma_semaphore, #tpu.memory_space<semaphore_mem>>)
      %dma_start3A_133 = arith.constant 0 : i32
      %dma_start3A_134 = arith.constant 1 : i32
      %dma_start3A_135 = arith.constant 0 : i32
      %dma_start3A_136 = tpu.memref_slice %arg7[%dma_start3A_133, %dma_start3A_134, %dma_start3A_135] : memref<2x32x64xi32, #tpu.memory_space<vmem>> -> memref<1x1x64xi32, #tpu.memory_space<vmem>>
      %dma_start3A_137 = tpu.memref_squeeze %dma_start3A_136 : memref<1x1x64xi32, #tpu.memory_space<vmem>> -> memref<64xi32, #tpu.memory_space<vmem>>
      %dma_start3A_138 = arith.constant 0 : i32
      %dma_start3A_139 = arith.constant 0 : i32
      %dma_start3A_140 = tpu.memref_slice %arg4[%dma_start3A_138, %dma_start3A_139] : memref<20480x128xf32, #tpu.memory_space<hbm>> -> memref<20480x128xf32, #tpu.memory_space<hbm>>
      tpu.enqueue_indirect_dma source(%dma_start3A_140 : memref<20480x128xf32, #tpu.memory_space<hbm>>) target(%arg10 : memref<64x128xf32, #tpu.memory_space<vmem>>) offsets(%dma_start3A_137 : memref<64xi32, #tpu.memory_space<vmem>>) semaphore(%arg14 : memref<!tpu.dma_semaphore, #tpu.memory_space<semaphore_mem>>)
      %dma_start3A_141 = arith.constant 0 : i32
      %dma_start3A_142 = arith.constant 2 : i32
      %dma_start3A_143 = arith.constant 0 : i32
      %dma_start3A_144 = tpu.memref_slice %arg7[%dma_start3A_141, %dma_start3A_142, %dma_start3A_143] : memref<2x32x64xi32, #tpu.memory_space<vmem>> -> memref<1x1x64xi32, #tpu.memory_space<vmem>>
      %dma_start3A_145 = tpu.memref_squeeze %dma_start3A_144 : memref<1x1x64xi32, #tpu.memory_space<vmem>> -> memref<64xi32, #tpu.memory_space<vmem>>
      %dma_start3A_146 = arith.constant 0 : i32
      %dma_start3A_147 = arith.constant 0 : i32
      %dma_start3A_148 = tpu.memref_slice %arg4[%dma_start3A_146, %dma_start3A_147] : memref<20480x128xf32, #tpu.memory_space<hbm>> -> memref<20480x128xf32, #tpu.memory_space<hbm>>
      tpu.enqueue_indirect_dma source(%dma_start3A_148 : memref<20480x128xf32, #tpu.memory_space<hbm>>) target(%arg11 : memref<64x128xf32, #tpu.memory_space<vmem>>) offsets(%dma_start3A_145 : memref<64xi32, #tpu.memory_space<vmem>>) semaphore(%arg15 : memref<!tpu.dma_semaphore, #tpu.memory_space<semaphore_mem>>)
      %dma_start3A_149 = arith.constant 0 : i32
      %dma_start3A_150 = arith.constant 3 : i32
      %dma_start3A_151 = arith.constant 0 : i32
      %dma_start3A_152 = tpu.memref_slice %arg7[%dma_start3A_149, %dma_start3A_150, %dma_start3A_151] : memref<2x32x64xi32, #tpu.memory_space<vmem>> -> memref<1x1x64xi32, #tpu.memory_space<vmem>>
      %dma_start3A_153 = tpu.memref_squeeze %dma_start3A_152 : memref<1x1x64xi32, #tpu.memory_space<vmem>> -> memref<64xi32, #tpu.memory_space<vmem>>
      %dma_start3A_154 = arith.constant 0 : i32
      %dma_start3A_155 = arith.constant 0 : i32
      %dma_start3A_156 = tpu.memref_slice %arg4[%dma_start3A_154, %dma_start3A_155] : memref<20480x128xf32, #tpu.memory_space<hbm>> -> memref<20480x128xf32, #tpu.memory_space<hbm>>
      tpu.enqueue_indirect_dma source(%dma_start3A_156 : memref<20480x128xf32, #tpu.memory_space<hbm>>) target(%arg12 : memref<64x128xf32, #tpu.memory_space<vmem>>) offsets(%dma_start3A_153 : memref<64xi32, #tpu.memory_space<vmem>>) semaphore(%arg16 : memref<!tpu.dma_semaphore, #tpu.memory_space<semaphore_mem>>)
      %scan3A_157 = arith.constant 0 : i32
      %scan3A_158 = arith.constant 0 : i32
      %scan3A_159 = arith.constant 7 : i32
      %scan3A_160 = arith.addi %scan3A_158, %scan3A_159 : i32
      %scan3A_161 = arith.constant 1 : i32
      scf.for %scan3A_444 = %scan3A_158 to %scan3A_160 step %scan3A_161  : i32 {
        %mul3A_445 = arith.constant 4 : i32
        %mul3A_446 = arith.muli %scan3A_444, %mul3A_445 : i32
        %dma_wait3A_447 = arith.constant 0 : i32
        %dma_wait3A_448 = arith.constant 0 : i32
        %dma_wait3A_449 = arith.constant 0 : i32
        %dma_wait3A_450 = tpu.memref_slice %arg7[%dma_wait3A_447, %dma_wait3A_448, %dma_wait3A_449] : memref<2x32x64xi32, #tpu.memory_space<vmem>> -> memref<1x1x64xi32, #tpu.memory_space<vmem>>
        %dma_wait3A_451 = tpu.memref_squeeze %dma_wait3A_450 : memref<1x1x64xi32, #tpu.memory_space<vmem>> -> memref<64xi32, #tpu.memory_space<vmem>>
        %dma_wait3A_452 = arith.constant 0 : i32
        %dma_wait3A_453 = arith.constant 0 : i32
        %dma_wait3A_454 = tpu.memref_slice %arg4[%dma_wait3A_452, %dma_wait3A_453] : memref<20480x128xf32, #tpu.memory_space<hbm>> -> memref<20480x128xf32, #tpu.memory_space<hbm>>
        tpu.wait_indirect_dma semaphore(%arg13 : memref<!tpu.dma_semaphore, #tpu.memory_space<semaphore_mem>>) src(%dma_wait3A_454 : memref<20480x128xf32, #tpu.memory_space<hbm>>) dst(%arg9 : memref<64x128xf32, #tpu.memory_space<vmem>>)
        %add3A_455 = arith.constant 0 : i32
        %add3A_456 = arith.addi %mul3A_446, %add3A_455 : i32
        %dma_start3A_457 = arith.constant 0 : i32
        %dma_start3A_458 = arith.constant 0 : i32
        %dma_start3A_459 = tpu.memref_slice %arg8[%dma_start3A_457, %add3A_456, %dma_start3A_458] : memref<2x32x64xi32, #tpu.memory_space<vmem>> -> memref<1x1x64xi32, #tpu.memory_space<vmem>>
        %dma_start3A_460 = tpu.memref_squeeze %dma_start3A_459 : memref<1x1x64xi32, #tpu.memory_space<vmem>> -> memref<64xi32, #tpu.memory_space<vmem>>
        %dma_start3A_461 = arith.constant 0 : i32
        %dma_start3A_462 = arith.constant 0 : i32
        %dma_start3A_463 = tpu.memref_slice %arg23[%dma_start3A_461, %dma_start3A_462] : memref<10240x128xf32, #tpu.memory_space<vmem_shared>> -> memref<10240x128xf32, #tpu.memory_space<vmem_shared>>
        tpu.enqueue_indirect_dma source(%arg9 : memref<64x128xf32, #tpu.memory_space<vmem>>) target(%dma_start3A_463 : memref<10240x128xf32, #tpu.memory_space<vmem_shared>>) offsets(%dma_start3A_460 : memref<64xi32, #tpu.memory_space<vmem>>) semaphore(%arg17 : memref<!tpu.dma_semaphore, #tpu.memory_space<semaphore_mem>>) {add = true}
        %dma_wait3A_464 = arith.constant 0 : i32
        %dma_wait3A_465 = arith.constant 0 : i32
        %dma_wait3A_466 = arith.constant 0 : i32
        %dma_wait3A_467 = tpu.memref_slice %arg7[%dma_wait3A_464, %dma_wait3A_465, %dma_wait3A_466] : memref<2x32x64xi32, #tpu.memory_space<vmem>> -> memref<1x1x64xi32, #tpu.memory_space<vmem>>
        %dma_wait3A_468 = tpu.memref_squeeze %dma_wait3A_467 : memref<1x1x64xi32, #tpu.memory_space<vmem>> -> memref<64xi32, #tpu.memory_space<vmem>>
        %dma_wait3A_469 = arith.constant 0 : i32
        %dma_wait3A_470 = arith.constant 0 : i32
        %dma_wait3A_471 = tpu.memref_slice %arg4[%dma_wait3A_469, %dma_wait3A_470] : memref<20480x128xf32, #tpu.memory_space<hbm>> -> memref<20480x128xf32, #tpu.memory_space<hbm>>
        tpu.wait_indirect_dma semaphore(%arg14 : memref<!tpu.dma_semaphore, #tpu.memory_space<semaphore_mem>>) src(%dma_wait3A_471 : memref<20480x128xf32, #tpu.memory_space<hbm>>) dst(%arg10 : memref<64x128xf32, #tpu.memory_space<vmem>>)
        %add3A_472 = arith.constant 1 : i32
        %add3A_473 = arith.addi %mul3A_446, %add3A_472 : i32
        %dma_start3A_474 = arith.constant 0 : i32
        %dma_start3A_475 = arith.constant 0 : i32
        %dma_start3A_476 = tpu.memref_slice %arg8[%dma_start3A_474, %add3A_473, %dma_start3A_475] : memref<2x32x64xi32, #tpu.memory_space<vmem>> -> memref<1x1x64xi32, #tpu.memory_space<vmem>>
        %dma_start3A_477 = tpu.memref_squeeze %dma_start3A_476 : memref<1x1x64xi32, #tpu.memory_space<vmem>> -> memref<64xi32, #tpu.memory_space<vmem>>
        %dma_start3A_478 = arith.constant 0 : i32
        %dma_start3A_479 = arith.constant 0 : i32
        %dma_start3A_480 = tpu.memref_slice %arg23[%dma_start3A_478, %dma_start3A_479] : memref<10240x128xf32, #tpu.memory_space<vmem_shared>> -> memref<10240x128xf32, #tpu.memory_space<vmem_shared>>
        tpu.enqueue_indirect_dma source(%arg10 : memref<64x128xf32, #tpu.memory_space<vmem>>) target(%dma_start3A_480 : memref<10240x128xf32, #tpu.memory_space<vmem_shared>>) offsets(%dma_start3A_477 : memref<64xi32, #tpu.memory_space<vmem>>) semaphore(%arg18 : memref<!tpu.dma_semaphore, #tpu.memory_space<semaphore_mem>>) {add = true}
        %dma_wait3A_481 = arith.constant 0 : i32
        %dma_wait3A_482 = arith.constant 0 : i32
        %dma_wait3A_483 = arith.constant 0 : i32
        %dma_wait3A_484 = tpu.memref_slice %arg7[%dma_wait3A_481, %dma_wait3A_482, %dma_wait3A_483] : memref<2x32x64xi32, #tpu.memory_space<vmem>> -> memref<1x1x64xi32, #tpu.memory_space<vmem>>
        %dma_wait3A_485 = tpu.memref_squeeze %dma_wait3A_484 : memref<1x1x64xi32, #tpu.memory_space<vmem>> -> memref<64xi32, #tpu.memory_space<vmem>>
        %dma_wait3A_486 = arith.constant 0 : i32
        %dma_wait3A_487 = arith.constant 0 : i32
        %dma_wait3A_488 = tpu.memref_slice %arg4[%dma_wait3A_486, %dma_wait3A_487] : memref<20480x128xf32, #tpu.memory_space<hbm>> -> memref<20480x128xf32, #tpu.memory_space<hbm>>
        tpu.wait_indirect_dma semaphore(%arg15 : memref<!tpu.dma_semaphore, #tpu.memory_space<semaphore_mem>>) src(%dma_wait3A_488 : memref<20480x128xf32, #tpu.memory_space<hbm>>) dst(%arg11 : memref<64x128xf32, #tpu.memory_space<vmem>>)
        %add3A_489 = arith.constant 2 : i32
        %add3A_490 = arith.addi %mul3A_446, %add3A_489 : i32
        %dma_start3A_491 = arith.constant 0 : i32
        %dma_start3A_492 = arith.constant 0 : i32
        %dma_start3A_493 = tpu.memref_slice %arg8[%dma_start3A_491, %add3A_490, %dma_start3A_492] : memref<2x32x64xi32, #tpu.memory_space<vmem>> -> memref<1x1x64xi32, #tpu.memory_space<vmem>>
        %dma_start3A_494 = tpu.memref_squeeze %dma_start3A_493 : memref<1x1x64xi32, #tpu.memory_space<vmem>> -> memref<64xi32, #tpu.memory_space<vmem>>
        %dma_start3A_495 = arith.constant 0 : i32
        %dma_start3A_496 = arith.constant 0 : i32
        %dma_start3A_497 = tpu.memref_slice %arg23[%dma_start3A_495, %dma_start3A_496] : memref<10240x128xf32, #tpu.memory_space<vmem_shared>> -> memref<10240x128xf32, #tpu.memory_space<vmem_shared>>
        tpu.enqueue_indirect_dma source(%arg11 : memref<64x128xf32, #tpu.memory_space<vmem>>) target(%dma_start3A_497 : memref<10240x128xf32, #tpu.memory_space<vmem_shared>>) offsets(%dma_start3A_494 : memref<64xi32, #tpu.memory_space<vmem>>) semaphore(%arg19 : memref<!tpu.dma_semaphore, #tpu.memory_space<semaphore_mem>>) {add = true}
        %dma_wait3A_498 = arith.constant 0 : i32
        %dma_wait3A_499 = arith.constant 0 : i32
        %dma_wait3A_500 = arith.constant 0 : i32
        %dma_wait3A_501 = tpu.memref_slice %arg7[%dma_wait3A_498, %dma_wait3A_499, %dma_wait3A_500] : memref<2x32x64xi32, #tpu.memory_space<vmem>> -> memref<1x1x64xi32, #tpu.memory_space<vmem>>
        %dma_wait3A_502 = tpu.memref_squeeze %dma_wait3A_501 : memref<1x1x64xi32, #tpu.memory_space<vmem>> -> memref<64xi32, #tpu.memory_space<vmem>>
        %dma_wait3A_503 = arith.constant 0 : i32
        %dma_wait3A_504 = arith.constant 0 : i32
        %dma_wait3A_505 = tpu.memref_slice %arg4[%dma_wait3A_503, %dma_wait3A_504] : memref<20480x128xf32, #tpu.memory_space<hbm>> -> memref<20480x128xf32, #tpu.memory_space<hbm>>
        tpu.wait_indirect_dma semaphore(%arg16 : memref<!tpu.dma_semaphore, #tpu.memory_space<semaphore_mem>>) src(%dma_wait3A_505 : memref<20480x128xf32, #tpu.memory_space<hbm>>) dst(%arg12 : memref<64x128xf32, #tpu.memory_space<vmem>>)
        %add3A_506 = arith.constant 3 : i32
        %add3A_507 = arith.addi %mul3A_446, %add3A_506 : i32
        %dma_start3A_508 = arith.constant 0 : i32
        %dma_start3A_509 = arith.constant 0 : i32
        %dma_start3A_510 = tpu.memref_slice %arg8[%dma_start3A_508, %add3A_507, %dma_start3A_509] : memref<2x32x64xi32, #tpu.memory_space<vmem>> -> memref<1x1x64xi32, #tpu.memory_space<vmem>>
        %dma_start3A_511 = tpu.memref_squeeze %dma_start3A_510 : memref<1x1x64xi32, #tpu.memory_space<vmem>> -> memref<64xi32, #tpu.memory_space<vmem>>
        %dma_start3A_512 = arith.constant 0 : i32
        %dma_start3A_513 = arith.constant 0 : i32
        %dma_start3A_514 = tpu.memref_slice %arg23[%dma_start3A_512, %dma_start3A_513] : memref<10240x128xf32, #tpu.memory_space<vmem_shared>> -> memref<10240x128xf32, #tpu.memory_space<vmem_shared>>
        tpu.enqueue_indirect_dma source(%arg12 : memref<64x128xf32, #tpu.memory_space<vmem>>) target(%dma_start3A_514 : memref<10240x128xf32, #tpu.memory_space<vmem_shared>>) offsets(%dma_start3A_511 : memref<64xi32, #tpu.memory_space<vmem>>) semaphore(%arg20 : memref<!tpu.dma_semaphore, #tpu.memory_space<semaphore_mem>>) {add = true}
        %dma_wait3A_515 = arith.constant 0 : i32
        %dma_wait3A_516 = arith.constant 0 : i32
        %dma_wait3A_517 = arith.constant 0 : i32
        %dma_wait3A_518 = tpu.memref_slice %arg8[%dma_wait3A_515, %dma_wait3A_516, %dma_wait3A_517] : memref<2x32x64xi32, #tpu.memory_space<vmem>> -> memref<1x1x64xi32, #tpu.memory_space<vmem>>
        %dma_wait3A_519 = tpu.memref_squeeze %dma_wait3A_518 : memref<1x1x64xi32, #tpu.memory_space<vmem>> -> memref<64xi32, #tpu.memory_space<vmem>>
        %dma_wait3A_520 = arith.constant 0 : i32
        %dma_wait3A_521 = arith.constant 0 : i32
        %dma_wait3A_522 = tpu.memref_slice %arg23[%dma_wait3A_520, %dma_wait3A_521] : memref<10240x128xf32, #tpu.memory_space<vmem_shared>> -> memref<10240x128xf32, #tpu.memory_space<vmem_shared>>
        tpu.wait_indirect_dma semaphore(%arg17 : memref<!tpu.dma_semaphore, #tpu.memory_space<semaphore_mem>>) src(%arg9 : memref<64x128xf32, #tpu.memory_space<vmem>>) dst(%dma_wait3A_522 : memref<10240x128xf32, #tpu.memory_space<vmem_shared>>)
        %add3A_523 = arith.constant 4 : i32
        %add3A_524 = arith.addi %mul3A_446, %add3A_523 : i32
        %add3A_525 = arith.constant 0 : i32
        %add3A_526 = arith.addi %add3A_524, %add3A_525 : i32
        %dma_start3A_527 = arith.constant 0 : i32
        %dma_start3A_528 = arith.constant 0 : i32
        %dma_start3A_529 = tpu.memref_slice %arg7[%dma_start3A_527, %add3A_526, %dma_start3A_528] : memref<2x32x64xi32, #tpu.memory_space<vmem>> -> memref<1x1x64xi32, #tpu.memory_space<vmem>>
        %dma_start3A_530 = tpu.memref_squeeze %dma_start3A_529 : memref<1x1x64xi32, #tpu.memory_space<vmem>> -> memref<64xi32, #tpu.memory_space<vmem>>
        %dma_start3A_531 = arith.constant 0 : i32
        %dma_start3A_532 = arith.constant 0 : i32
        %dma_start3A_533 = tpu.memref_slice %arg4[%dma_start3A_531, %dma_start3A_532] : memref<20480x128xf32, #tpu.memory_space<hbm>> -> memref<20480x128xf32, #tpu.memory_space<hbm>>
        tpu.enqueue_indirect_dma source(%dma_start3A_533 : memref<20480x128xf32, #tpu.memory_space<hbm>>) target(%arg9 : memref<64x128xf32, #tpu.memory_space<vmem>>) offsets(%dma_start3A_530 : memref<64xi32, #tpu.memory_space<vmem>>) semaphore(%arg13 : memref<!tpu.dma_semaphore, #tpu.memory_space<semaphore_mem>>)
        %dma_wait3A_534 = arith.constant 0 : i32
        %dma_wait3A_535 = arith.constant 0 : i32
        %dma_wait3A_536 = arith.constant 0 : i32
        %dma_wait3A_537 = tpu.memref_slice %arg8[%dma_wait3A_534, %dma_wait3A_535, %dma_wait3A_536] : memref<2x32x64xi32, #tpu.memory_space<vmem>> -> memref<1x1x64xi32, #tpu.memory_space<vmem>>
        %dma_wait3A_538 = tpu.memref_squeeze %dma_wait3A_537 : memref<1x1x64xi32, #tpu.memory_space<vmem>> -> memref<64xi32, #tpu.memory_space<vmem>>
        %dma_wait3A_539 = arith.constant 0 : i32
        %dma_wait3A_540 = arith.constant 0 : i32
        %dma_wait3A_541 = tpu.memref_slice %arg23[%dma_wait3A_539, %dma_wait3A_540] : memref<10240x128xf32, #tpu.memory_space<vmem_shared>> -> memref<10240x128xf32, #tpu.memory_space<vmem_shared>>
        tpu.wait_indirect_dma semaphore(%arg18 : memref<!tpu.dma_semaphore, #tpu.memory_space<semaphore_mem>>) src(%arg10 : memref<64x128xf32, #tpu.memory_space<vmem>>) dst(%dma_wait3A_541 : memref<10240x128xf32, #tpu.memory_space<vmem_shared>>)
        %add3A_542 = arith.constant 4 : i32
        %add3A_543 = arith.addi %mul3A_446, %add3A_542 : i32
        %add3A_544 = arith.constant 1 : i32
        %add3A_545 = arith.addi %add3A_543, %add3A_544 : i32
        %dma_start3A_546 = arith.constant 0 : i32
        %dma_start3A_547 = arith.constant 0 : i32
        %dma_start3A_548 = tpu.memref_slice %arg7[%dma_start3A_546, %add3A_545, %dma_start3A_547] : memref<2x32x64xi32, #tpu.memory_space<vmem>> -> memref<1x1x64xi32, #tpu.memory_space<vmem>>
        %dma_start3A_549 = tpu.memref_squeeze %dma_start3A_548 : memref<1x1x64xi32, #tpu.memory_space<vmem>> -> memref<64xi32, #tpu.memory_space<vmem>>
        %dma_start3A_550 = arith.constant 0 : i32
        %dma_start3A_551 = arith.constant 0 : i32
        %dma_start3A_552 = tpu.memref_slice %arg4[%dma_start3A_550, %dma_start3A_551] : memref<20480x128xf32, #tpu.memory_space<hbm>> -> memref<20480x128xf32, #tpu.memory_space<hbm>>
        tpu.enqueue_indirect_dma source(%dma_start3A_552 : memref<20480x128xf32, #tpu.memory_space<hbm>>) target(%arg10 : memref<64x128xf32, #tpu.memory_space<vmem>>) offsets(%dma_start3A_549 : memref<64xi32, #tpu.memory_space<vmem>>) semaphore(%arg14 : memref<!tpu.dma_semaphore, #tpu.memory_space<semaphore_mem>>)
        %dma_wait3A_553 = arith.constant 0 : i32
        %dma_wait3A_554 = arith.constant 0 : i32
        %dma_wait3A_555 = arith.constant 0 : i32
        %dma_wait3A_556 = tpu.memref_slice %arg8[%dma_wait3A_553, %dma_wait3A_554, %dma_wait3A_555] : memref<2x32x64xi32, #tpu.memory_space<vmem>> -> memref<1x1x64xi32, #tpu.memory_space<vmem>>
        %dma_wait3A_557 = tpu.memref_squeeze %dma_wait3A_556 : memref<1x1x64xi32, #tpu.memory_space<vmem>> -> memref<64xi32, #tpu.memory_space<vmem>>
        %dma_wait3A_558 = arith.constant 0 : i32
        %dma_wait3A_559 = arith.constant 0 : i32
        %dma_wait3A_560 = tpu.memref_slice %arg23[%dma_wait3A_558, %dma_wait3A_559] : memref<10240x128xf32, #tpu.memory_space<vmem_shared>> -> memref<10240x128xf32, #tpu.memory_space<vmem_shared>>
        tpu.wait_indirect_dma semaphore(%arg19 : memref<!tpu.dma_semaphore, #tpu.memory_space<semaphore_mem>>) src(%arg11 : memref<64x128xf32, #tpu.memory_space<vmem>>) dst(%dma_wait3A_560 : memref<10240x128xf32, #tpu.memory_space<vmem_shared>>)
        %add3A_561 = arith.constant 4 : i32
        %add3A_562 = arith.addi %mul3A_446, %add3A_561 : i32
        %add3A_563 = arith.constant 2 : i32
        %add3A_564 = arith.addi %add3A_562, %add3A_563 : i32
        %dma_start3A_565 = arith.constant 0 : i32
        %dma_start3A_566 = arith.constant 0 : i32
        %dma_start3A_567 = tpu.memref_slice %arg7[%dma_start3A_565, %add3A_564, %dma_start3A_566] : memref<2x32x64xi32, #tpu.memory_space<vmem>> -> memref<1x1x64xi32, #tpu.memory_space<vmem>>
        %dma_start3A_568 = tpu.memref_squeeze %dma_start3A_567 : memref<1x1x64xi32, #tpu.memory_space<vmem>> -> memref<64xi32, #tpu.memory_space<vmem>>
        %dma_start3A_569 = arith.constant 0 : i32
        %dma_start3A_570 = arith.constant 0 : i32
        %dma_start3A_571 = tpu.memref_slice %arg4[%dma_start3A_569, %dma_start3A_570] : memref<20480x128xf32, #tpu.memory_space<hbm>> -> memref<20480x128xf32, #tpu.memory_space<hbm>>
        tpu.enqueue_indirect_dma source(%dma_start3A_571 : memref<20480x128xf32, #tpu.memory_space<hbm>>) target(%arg11 : memref<64x128xf32, #tpu.memory_space<vmem>>) offsets(%dma_start3A_568 : memref<64xi32, #tpu.memory_space<vmem>>) semaphore(%arg15 : memref<!tpu.dma_semaphore, #tpu.memory_space<semaphore_mem>>)
        %dma_wait3A_572 = arith.constant 0 : i32
        %dma_wait3A_573 = arith.constant 0 : i32
        %dma_wait3A_574 = arith.constant 0 : i32
        %dma_wait3A_575 = tpu.memref_slice %arg8[%dma_wait3A_572, %dma_wait3A_573, %dma_wait3A_574] : memref<2x32x64xi32, #tpu.memory_space<vmem>> -> memref<1x1x64xi32, #tpu.memory_space<vmem>>
        %dma_wait3A_576 = tpu.memref_squeeze %dma_wait3A_575 : memref<1x1x64xi32, #tpu.memory_space<vmem>> -> memref<64xi32, #tpu.memory_space<vmem>>
        %dma_wait3A_577 = arith.constant 0 : i32
        %dma_wait3A_578 = arith.constant 0 : i32
        %dma_wait3A_579 = tpu.memref_slice %arg23[%dma_wait3A_577, %dma_wait3A_578] : memref<10240x128xf32, #tpu.memory_space<vmem_shared>> -> memref<10240x128xf32, #tpu.memory_space<vmem_shared>>
        tpu.wait_indirect_dma semaphore(%arg20 : memref<!tpu.dma_semaphore, #tpu.memory_space<semaphore_mem>>) src(%arg12 : memref<64x128xf32, #tpu.memory_space<vmem>>) dst(%dma_wait3A_579 : memref<10240x128xf32, #tpu.memory_space<vmem_shared>>)
        %add3A_580 = arith.constant 4 : i32
        %add3A_581 = arith.addi %mul3A_446, %add3A_580 : i32
        %add3A_582 = arith.constant 3 : i32
        %add3A_583 = arith.addi %add3A_581, %add3A_582 : i32
        %dma_start3A_584 = arith.constant 0 : i32
        %dma_start3A_585 = arith.constant 0 : i32
        %dma_start3A_586 = tpu.memref_slice %arg7[%dma_start3A_584, %add3A_583, %dma_start3A_585] : memref<2x32x64xi32, #tpu.memory_space<vmem>> -> memref<1x1x64xi32, #tpu.memory_space<vmem>>
        %dma_start3A_587 = tpu.memref_squeeze %dma_start3A_586 : memref<1x1x64xi32, #tpu.memory_space<vmem>> -> memref<64xi32, #tpu.memory_space<vmem>>
        %dma_start3A_588 = arith.constant 0 : i32
        %dma_start3A_589 = arith.constant 0 : i32
        %dma_start3A_590 = tpu.memref_slice %arg4[%dma_start3A_588, %dma_start3A_589] : memref<20480x128xf32, #tpu.memory_space<hbm>> -> memref<20480x128xf32, #tpu.memory_space<hbm>>
        tpu.enqueue_indirect_dma source(%dma_start3A_590 : memref<20480x128xf32, #tpu.memory_space<hbm>>) target(%arg12 : memref<64x128xf32, #tpu.memory_space<vmem>>) offsets(%dma_start3A_587 : memref<64xi32, #tpu.memory_space<vmem>>) semaphore(%arg16 : memref<!tpu.dma_semaphore, #tpu.memory_space<semaphore_mem>>)
      }
      %scan3A_162 = arith.constant 7 : i32
      %dma_wait3A_163 = arith.constant 0 : i32
      %dma_wait3A_164 = arith.constant 0 : i32
      %dma_wait3A_165 = arith.constant 0 : i32
      %dma_wait3A_166 = tpu.memref_slice %arg7[%dma_wait3A_163, %dma_wait3A_164, %dma_wait3A_165] : memref<2x32x64xi32, #tpu.memory_space<vmem>> -> memref<1x1x64xi32, #tpu.memory_space<vmem>>
      %dma_wait3A_167 = tpu.memref_squeeze %dma_wait3A_166 : memref<1x1x64xi32, #tpu.memory_space<vmem>> -> memref<64xi32, #tpu.memory_space<vmem>>
      %dma_wait3A_168 = arith.constant 0 : i32
      %dma_wait3A_169 = arith.constant 0 : i32
      %dma_wait3A_170 = tpu.memref_slice %arg4[%dma_wait3A_168, %dma_wait3A_169] : memref<20480x128xf32, #tpu.memory_space<hbm>> -> memref<20480x128xf32, #tpu.memory_space<hbm>>
      tpu.wait_indirect_dma semaphore(%arg13 : memref<!tpu.dma_semaphore, #tpu.memory_space<semaphore_mem>>) src(%dma_wait3A_170 : memref<20480x128xf32, #tpu.memory_space<hbm>>) dst(%arg9 : memref<64x128xf32, #tpu.memory_space<vmem>>)
      %dma_start3A_171 = arith.constant 0 : i32
      %dma_start3A_172 = arith.constant 28 : i32
      %dma_start3A_173 = arith.constant 0 : i32
      %dma_start3A_174 = tpu.memref_slice %arg8[%dma_start3A_171, %dma_start3A_172, %dma_start3A_173] : memref<2x32x64xi32, #tpu.memory_space<vmem>> -> memref<1x1x64xi32, #tpu.memory_space<vmem>>
      %dma_start3A_175 = tpu.memref_squeeze %dma_start3A_174 : memref<1x1x64xi32, #tpu.memory_space<vmem>> -> memref<64xi32, #tpu.memory_space<vmem>>
      %dma_start3A_176 = arith.constant 0 : i32
      %dma_start3A_177 = arith.constant 0 : i32
      %dma_start3A_178 = tpu.memref_slice %arg23[%dma_start3A_176, %dma_start3A_177] : memref<10240x128xf32, #tpu.memory_space<vmem_shared>> -> memref<10240x128xf32, #tpu.memory_space<vmem_shared>>
      tpu.enqueue_indirect_dma source(%arg9 : memref<64x128xf32, #tpu.memory_space<vmem>>) target(%dma_start3A_178 : memref<10240x128xf32, #tpu.memory_space<vmem_shared>>) offsets(%dma_start3A_175 : memref<64xi32, #tpu.memory_space<vmem>>) semaphore(%arg17 : memref<!tpu.dma_semaphore, #tpu.memory_space<semaphore_mem>>) {add = true}
      %dma_wait3A_179 = arith.constant 0 : i32
      %dma_wait3A_180 = arith.constant 0 : i32
      %dma_wait3A_181 = arith.constant 0 : i32
      %dma_wait3A_182 = tpu.memref_slice %arg7[%dma_wait3A_179, %dma_wait3A_180, %dma_wait3A_181] : memref<2x32x64xi32, #tpu.memory_space<vmem>> -> memref<1x1x64xi32, #tpu.memory_space<vmem>>
      %dma_wait3A_183 = tpu.memref_squeeze %dma_wait3A_182 : memref<1x1x64xi32, #tpu.memory_space<vmem>> -> memref<64xi32, #tpu.memory_space<vmem>>
      %dma_wait3A_184 = arith.constant 0 : i32
      %dma_wait3A_185 = arith.constant 0 : i32
      %dma_wait3A_186 = tpu.memref_slice %arg4[%dma_wait3A_184, %dma_wait3A_185] : memref<20480x128xf32, #tpu.memory_space<hbm>> -> memref<20480x128xf32, #tpu.memory_space<hbm>>
      tpu.wait_indirect_dma semaphore(%arg14 : memref<!tpu.dma_semaphore, #tpu.memory_space<semaphore_mem>>) src(%dma_wait3A_186 : memref<20480x128xf32, #tpu.memory_space<hbm>>) dst(%arg10 : memref<64x128xf32, #tpu.memory_space<vmem>>)
      %dma_start3A_187 = arith.constant 0 : i32
      %dma_start3A_188 = arith.constant 29 : i32
      %dma_start3A_189 = arith.constant 0 : i32
      %dma_start3A_190 = tpu.memref_slice %arg8[%dma_start3A_187, %dma_start3A_188, %dma_start3A_189] : memref<2x32x64xi32, #tpu.memory_space<vmem>> -> memref<1x1x64xi32, #tpu.memory_space<vmem>>
      %dma_start3A_191 = tpu.memref_squeeze %dma_start3A_190 : memref<1x1x64xi32, #tpu.memory_space<vmem>> -> memref<64xi32, #tpu.memory_space<vmem>>
      %dma_start3A_192 = arith.constant 0 : i32
      %dma_start3A_193 = arith.constant 0 : i32
      %dma_start3A_194 = tpu.memref_slice %arg23[%dma_start3A_192, %dma_start3A_193] : memref<10240x128xf32, #tpu.memory_space<vmem_shared>> -> memref<10240x128xf32, #tpu.memory_space<vmem_shared>>
      tpu.enqueue_indirect_dma source(%arg10 : memref<64x128xf32, #tpu.memory_space<vmem>>) target(%dma_start3A_194 : memref<10240x128xf32, #tpu.memory_space<vmem_shared>>) offsets(%dma_start3A_191 : memref<64xi32, #tpu.memory_space<vmem>>) semaphore(%arg18 : memref<!tpu.dma_semaphore, #tpu.memory_space<semaphore_mem>>) {add = true}
      %dma_wait3A_195 = arith.constant 0 : i32
      %dma_wait3A_196 = arith.constant 0 : i32
      %dma_wait3A_197 = arith.constant 0 : i32
      %dma_wait3A_198 = tpu.memref_slice %arg7[%dma_wait3A_195, %dma_wait3A_196, %dma_wait3A_197] : memref<2x32x64xi32, #tpu.memory_space<vmem>> -> memref<1x1x64xi32, #tpu.memory_space<vmem>>
      %dma_wait3A_199 = tpu.memref_squeeze %dma_wait3A_198 : memref<1x1x64xi32, #tpu.memory_space<vmem>> -> memref<64xi32, #tpu.memory_space<vmem>>
      %dma_wait3A_200 = arith.constant 0 : i32
      %dma_wait3A_201 = arith.constant 0 : i32
      %dma_wait3A_202 = tpu.memref_slice %arg4[%dma_wait3A_200, %dma_wait3A_201] : memref<20480x128xf32, #tpu.memory_space<hbm>> -> memref<20480x128xf32, #tpu.memory_space<hbm>>
      tpu.wait_indirect_dma semaphore(%arg15 : memref<!tpu.dma_semaphore, #tpu.memory_space<semaphore_mem>>) src(%dma_wait3A_202 : memref<20480x128xf32, #tpu.memory_space<hbm>>) dst(%arg11 : memref<64x128xf32, #tpu.memory_space<vmem>>)
      %dma_start3A_203 = arith.constant 0 : i32
      %dma_start3A_204 = arith.constant 30 : i32
      %dma_start3A_205 = arith.constant 0 : i32
      %dma_start3A_206 = tpu.memref_slice %arg8[%dma_start3A_203, %dma_start3A_204, %dma_start3A_205] : memref<2x32x64xi32, #tpu.memory_space<vmem>> -> memref<1x1x64xi32, #tpu.memory_space<vmem>>
      %dma_start3A_207 = tpu.memref_squeeze %dma_start3A_206 : memref<1x1x64xi32, #tpu.memory_space<vmem>> -> memref<64xi32, #tpu.memory_space<vmem>>
      %dma_start3A_208 = arith.constant 0 : i32
      %dma_start3A_209 = arith.constant 0 : i32
      %dma_start3A_210 = tpu.memref_slice %arg23[%dma_start3A_208, %dma_start3A_209] : memref<10240x128xf32, #tpu.memory_space<vmem_shared>> -> memref<10240x128xf32, #tpu.memory_space<vmem_shared>>
      tpu.enqueue_indirect_dma source(%arg11 : memref<64x128xf32, #tpu.memory_space<vmem>>) target(%dma_start3A_210 : memref<10240x128xf32, #tpu.memory_space<vmem_shared>>) offsets(%dma_start3A_207 : memref<64xi32, #tpu.memory_space<vmem>>) semaphore(%arg19 : memref<!tpu.dma_semaphore, #tpu.memory_space<semaphore_mem>>) {add = true}
      %dma_wait3A_211 = arith.constant 0 : i32
      %dma_wait3A_212 = arith.constant 0 : i32
      %dma_wait3A_213 = arith.constant 0 : i32
      %dma_wait3A_214 = tpu.memref_slice %arg7[%dma_wait3A_211, %dma_wait3A_212, %dma_wait3A_213] : memref<2x32x64xi32, #tpu.memory_space<vmem>> -> memref<1x1x64xi32, #tpu.memory_space<vmem>>
      %dma_wait3A_215 = tpu.memref_squeeze %dma_wait3A_214 : memref<1x1x64xi32, #tpu.memory_space<vmem>> -> memref<64xi32, #tpu.memory_space<vmem>>
      %dma_wait3A_216 = arith.constant 0 : i32
      %dma_wait3A_217 = arith.constant 0 : i32
      %dma_wait3A_218 = tpu.memref_slice %arg4[%dma_wait3A_216, %dma_wait3A_217] : memref<20480x128xf32, #tpu.memory_space<hbm>> -> memref<20480x128xf32, #tpu.memory_space<hbm>>
      tpu.wait_indirect_dma semaphore(%arg16 : memref<!tpu.dma_semaphore, #tpu.memory_space<semaphore_mem>>) src(%dma_wait3A_218 : memref<20480x128xf32, #tpu.memory_space<hbm>>) dst(%arg12 : memref<64x128xf32, #tpu.memory_space<vmem>>)
      %dma_start3A_219 = arith.constant 0 : i32
      %dma_start3A_220 = arith.constant 31 : i32
      %dma_start3A_221 = arith.constant 0 : i32
      %dma_start3A_222 = tpu.memref_slice %arg8[%dma_start3A_219, %dma_start3A_220, %dma_start3A_221] : memref<2x32x64xi32, #tpu.memory_space<vmem>> -> memref<1x1x64xi32, #tpu.memory_space<vmem>>
      %dma_start3A_223 = tpu.memref_squeeze %dma_start3A_222 : memref<1x1x64xi32, #tpu.memory_space<vmem>> -> memref<64xi32, #tpu.memory_space<vmem>>
      %dma_start3A_224 = arith.constant 0 : i32
      %dma_start3A_225 = arith.constant 0 : i32
      %dma_start3A_226 = tpu.memref_slice %arg23[%dma_start3A_224, %dma_start3A_225] : memref<10240x128xf32, #tpu.memory_space<vmem_shared>> -> memref<10240x128xf32, #tpu.memory_space<vmem_shared>>
      tpu.enqueue_indirect_dma source(%arg12 : memref<64x128xf32, #tpu.memory_space<vmem>>) target(%dma_start3A_226 : memref<10240x128xf32, #tpu.memory_space<vmem_shared>>) offsets(%dma_start3A_223 : memref<64xi32, #tpu.memory_space<vmem>>) semaphore(%arg20 : memref<!tpu.dma_semaphore, #tpu.memory_space<semaphore_mem>>) {add = true}
      %dma_wait3A_227 = arith.constant 0 : i32
      %dma_wait3A_228 = arith.constant 0 : i32
      %dma_wait3A_229 = arith.constant 0 : i32
      %dma_wait3A_230 = tpu.memref_slice %arg8[%dma_wait3A_227, %dma_wait3A_228, %dma_wait3A_229] : memref<2x32x64xi32, #tpu.memory_space<vmem>> -> memref<1x1x64xi32, #tpu.memory_space<vmem>>
      %dma_wait3A_231 = tpu.memref_squeeze %dma_wait3A_230 : memref<1x1x64xi32, #tpu.memory_space<vmem>> -> memref<64xi32, #tpu.memory_space<vmem>>
      %dma_wait3A_232 = arith.constant 0 : i32
      %dma_wait3A_233 = arith.constant 0 : i32
      %dma_wait3A_234 = tpu.memref_slice %arg23[%dma_wait3A_232, %dma_wait3A_233] : memref<10240x128xf32, #tpu.memory_space<vmem_shared>> -> memref<10240x128xf32, #tpu.memory_space<vmem_shared>>
      tpu.wait_indirect_dma semaphore(%arg17 : memref<!tpu.dma_semaphore, #tpu.memory_space<semaphore_mem>>) src(%arg9 : memref<64x128xf32, #tpu.memory_space<vmem>>) dst(%dma_wait3A_234 : memref<10240x128xf32, #tpu.memory_space<vmem_shared>>)
      %dma_wait3A_235 = arith.constant 0 : i32
      %dma_wait3A_236 = arith.constant 0 : i32
      %dma_wait3A_237 = arith.constant 0 : i32
      %dma_wait3A_238 = tpu.memref_slice %arg8[%dma_wait3A_235, %dma_wait3A_236, %dma_wait3A_237] : memref<2x32x64xi32, #tpu.memory_space<vmem>> -> memref<1x1x64xi32, #tpu.memory_space<vmem>>
      %dma_wait3A_239 = tpu.memref_squeeze %dma_wait3A_238 : memref<1x1x64xi32, #tpu.memory_space<vmem>> -> memref<64xi32, #tpu.memory_space<vmem>>
      %dma_wait3A_240 = arith.constant 0 : i32
      %dma_wait3A_241 = arith.constant 0 : i32
      %dma_wait3A_242 = tpu.memref_slice %arg23[%dma_wait3A_240, %dma_wait3A_241] : memref<10240x128xf32, #tpu.memory_space<vmem_shared>> -> memref<10240x128xf32, #tpu.memory_space<vmem_shared>>
      tpu.wait_indirect_dma semaphore(%arg18 : memref<!tpu.dma_semaphore, #tpu.memory_space<semaphore_mem>>) src(%arg10 : memref<64x128xf32, #tpu.memory_space<vmem>>) dst(%dma_wait3A_242 : memref<10240x128xf32, #tpu.memory_space<vmem_shared>>)
      %dma_wait3A_243 = arith.constant 0 : i32
      %dma_wait3A_244 = arith.constant 0 : i32
      %dma_wait3A_245 = arith.constant 0 : i32
      %dma_wait3A_246 = tpu.memref_slice %arg8[%dma_wait3A_243, %dma_wait3A_244, %dma_wait3A_245] : memref<2x32x64xi32, #tpu.memory_space<vmem>> -> memref<1x1x64xi32, #tpu.memory_space<vmem>>
      %dma_wait3A_247 = tpu.memref_squeeze %dma_wait3A_246 : memref<1x1x64xi32, #tpu.memory_space<vmem>> -> memref<64xi32, #tpu.memory_space<vmem>>
      %dma_wait3A_248 = arith.constant 0 : i32
      %dma_wait3A_249 = arith.constant 0 : i32
      %dma_wait3A_250 = tpu.memref_slice %arg23[%dma_wait3A_248, %dma_wait3A_249] : memref<10240x128xf32, #tpu.memory_space<vmem_shared>> -> memref<10240x128xf32, #tpu.memory_space<vmem_shared>>
      tpu.wait_indirect_dma semaphore(%arg19 : memref<!tpu.dma_semaphore, #tpu.memory_space<semaphore_mem>>) src(%arg11 : memref<64x128xf32, #tpu.memory_space<vmem>>) dst(%dma_wait3A_250 : memref<10240x128xf32, #tpu.memory_space<vmem_shared>>)
      %dma_wait3A_251 = arith.constant 0 : i32
      %dma_wait3A_252 = arith.constant 0 : i32
      %dma_wait3A_253 = arith.constant 0 : i32
      %dma_wait3A_254 = tpu.memref_slice %arg8[%dma_wait3A_251, %dma_wait3A_252, %dma_wait3A_253] : memref<2x32x64xi32, #tpu.memory_space<vmem>> -> memref<1x1x64xi32, #tpu.memory_space<vmem>>
      %dma_wait3A_255 = tpu.memref_squeeze %dma_wait3A_254 : memref<1x1x64xi32, #tpu.memory_space<vmem>> -> memref<64xi32, #tpu.memory_space<vmem>>
      %dma_wait3A_256 = arith.constant 0 : i32
      %dma_wait3A_257 = arith.constant 0 : i32
      %dma_wait3A_258 = tpu.memref_slice %arg23[%dma_wait3A_256, %dma_wait3A_257] : memref<10240x128xf32, #tpu.memory_space<vmem_shared>> -> memref<10240x128xf32, #tpu.memory_space<vmem_shared>>
      tpu.wait_indirect_dma semaphore(%arg20 : memref<!tpu.dma_semaphore, #tpu.memory_space<semaphore_mem>>) src(%arg12 : memref<64x128xf32, #tpu.memory_space<vmem>>) dst(%dma_wait3A_258 : memref<10240x128xf32, #tpu.memory_space<vmem_shared>>)
      %add3A_259 = arith.constant 2 : i32
      %add3A_260 = arith.addi %mul3A_89, %add3A_259 : i32
      %lt3A = arith.constant 10 : i32
      %lt3A_261 = arith.cmpi slt, %add3A_260, %lt3A : i32
      %convert_element_type3A = arith.extui %lt3A_261 : i1 to i32
      %cond3A = arith.constant 0 : i32
      %cond3A_262 = arith.cmpi ne, %convert_element_type3A, %cond3A : i32
      scf.if %cond3A_262 {
        %add3A_444 = arith.constant 2 : i32
        %add3A_445 = arith.addi %mul3A_89, %add3A_444 : i32
        %min3A = arith.constant 9 : i32
        %min3A_446 = arith.minsi %add3A_445, %min3A : i32
        %dma_start3A_447 = arith.constant 0 : i32
        %dma_start3A_448 = arith.constant 0 : i32
        %dma_start3A_449 = arith.constant 0 : i32
        %dma_start3A_450 = tpu.memref_slice %arg7[%dma_start3A_447, %dma_start3A_448, %dma_start3A_449] : memref<2x32x64xi32, #tpu.memory_space<vmem>> -> memref<1x32x64xi32, #tpu.memory_space<vmem>>
        %dma_start3A_451 = tpu.memref_squeeze %dma_start3A_450 : memref<1x32x64xi32, #tpu.memory_space<vmem>> -> memref<32x64xi32, #tpu.memory_space<vmem>>
        %dma_start3A_452 = arith.constant 0 : i32
        %dma_start3A_453 = arith.constant 0 : i32
        %dma_start3A_454 = tpu.memref_slice %arg2[%add3A, %min3A_446, %dma_start3A_452, %dma_start3A_453] : memref<32x10x32x64xi32, #tpu.memory_space<hbm>> -> memref<1x1x32x64xi32, #tpu.memory_space<hbm>>
        %dma_start3A_455 = tpu.memref_squeeze %dma_start3A_454 : memref<1x1x32x64xi32, #tpu.memory_space<hbm>> -> memref<32x64xi32, #tpu.memory_space<hbm>>
        %dma_start3A_456 = arith.constant 0 : i32
        %dma_start3A_457 = arith.constant 0 : i32
        %dma_start3A_458 = tpu.memref_slice %arg7[%dma_start3A_447, %dma_start3A_456, %dma_start3A_457] : memref<2x32x64xi32, #tpu.memory_space<vmem>> -> memref<1x32x64xi32, #tpu.memory_space<vmem>>
        %dma_start3A_459 = tpu.memref_squeeze %dma_start3A_458 : memref<1x32x64xi32, #tpu.memory_space<vmem>> -> memref<32x64xi32, #tpu.memory_space<vmem>>
        %dma_start3A_460 = arith.constant 0 : i32
        %dma_start3A_461 = arith.constant 0 : i32
        %dma_start3A_462 = tpu.memref_slice %arg2[%add3A, %min3A_446, %dma_start3A_460, %dma_start3A_461] : memref<32x10x32x64xi32, #tpu.memory_space<hbm>> -> memref<1x1x32x64xi32, #tpu.memory_space<hbm>>
        %dma_start3A_463 = tpu.memref_squeeze %dma_start3A_462 : memref<1x1x32x64xi32, #tpu.memory_space<hbm>> -> memref<32x64xi32, #tpu.memory_space<hbm>>
        tpu.enqueue_dma source(%dma_start3A_463 : memref<32x64xi32, #tpu.memory_space<hbm>>) target(%dma_start3A_459 : memref<32x64xi32, #tpu.memory_space<vmem>>) target_semaphore(%arg21 : memref<!tpu.dma_semaphore, #tpu.memory_space<semaphore_mem>>)
        %dma_start3A_464 = arith.constant 0 : i32
        %dma_start3A_465 = arith.constant 0 : i32
        %dma_start3A_466 = arith.constant 0 : i32
        %dma_start3A_467 = tpu.memref_slice %arg8[%dma_start3A_464, %dma_start3A_465, %dma_start3A_466] : memref<2x32x64xi32, #tpu.memory_space<vmem>> -> memref<1x32x64xi32, #tpu.memory_space<vmem>>
        %dma_start3A_468 = tpu.memref_squeeze %dma_start3A_467 : memref<1x32x64xi32, #tpu.memory_space<vmem>> -> memref<32x64xi32, #tpu.memory_space<vmem>>
        %dma_start3A_469 = arith.constant 0 : i32
        %dma_start3A_470 = arith.constant 0 : i32
        %dma_start3A_471 = tpu.memref_slice %arg3[%add3A, %min3A_446, %dma_start3A_469, %dma_start3A_470] : memref<32x10x32x64xi32, #tpu.memory_space<hbm>> -> memref<1x1x32x64xi32, #tpu.memory_space<hbm>>
        %dma_start3A_472 = tpu.memref_squeeze %dma_start3A_471 : memref<1x1x32x64xi32, #tpu.memory_space<hbm>> -> memref<32x64xi32, #tpu.memory_space<hbm>>
        %dma_start3A_473 = arith.constant 0 : i32
        %dma_start3A_474 = arith.constant 0 : i32
        %dma_start3A_475 = tpu.memref_slice %arg8[%dma_start3A_464, %dma_start3A_473, %dma_start3A_474] : memref<2x32x64xi32, #tpu.memory_space<vmem>> -> memref<1x32x64xi32, #tpu.memory_space<vmem>>
        %dma_start3A_476 = tpu.memref_squeeze %dma_start3A_475 : memref<1x32x64xi32, #tpu.memory_space<vmem>> -> memref<32x64xi32, #tpu.memory_space<vmem>>
        %dma_start3A_477 = arith.constant 0 : i32
        %dma_start3A_478 = arith.constant 0 : i32
        %dma_start3A_479 = tpu.memref_slice %arg3[%add3A, %min3A_446, %dma_start3A_477, %dma_start3A_478] : memref<32x10x32x64xi32, #tpu.memory_space<hbm>> -> memref<1x1x32x64xi32, #tpu.memory_space<hbm>>
        %dma_start3A_480 = tpu.memref_squeeze %dma_start3A_479 : memref<1x1x32x64xi32, #tpu.memory_space<hbm>> -> memref<32x64xi32, #tpu.memory_space<hbm>>
        tpu.enqueue_dma source(%dma_start3A_480 : memref<32x64xi32, #tpu.memory_space<hbm>>) target(%dma_start3A_476 : memref<32x64xi32, #tpu.memory_space<vmem>>) target_semaphore(%arg21 : memref<!tpu.dma_semaphore, #tpu.memory_space<semaphore_mem>>)
      } else {
      }
      %mul3A_263 = arith.constant 2 : i32
      %mul3A_264 = arith.muli %scan3A_87, %mul3A_263 : i32
      %add3A_265 = arith.constant 1 : i32
      %add3A_266 = arith.addi %mul3A_264, %add3A_265 : i32
      %dma_wait3A_267 = arith.constant 0 : i32
      %dma_wait3A_268 = arith.constant 1 : i32
      %dma_wait3A_269 = arith.constant 0 : i32
      %dma_wait3A_270 = arith.constant 0 : i32
      %dma_wait3A_271 = tpu.memref_slice %arg7[%dma_wait3A_268, %dma_wait3A_269, %dma_wait3A_270] : memref<2x32x64xi32, #tpu.memory_space<vmem>> -> memref<1x32x64xi32, #tpu.memory_space<vmem>>
      %dma_wait3A_272 = tpu.memref_squeeze %dma_wait3A_271 : memref<1x32x64xi32, #tpu.memory_space<vmem>> -> memref<32x64xi32, #tpu.memory_space<vmem>>
      %dma_wait3A_273 = arith.constant 0 : i32
      %dma_wait3A_274 = arith.constant 0 : i32
      %dma_wait3A_275 = tpu.memref_slice %arg2[%add3A, %dma_wait3A_267, %dma_wait3A_273, %dma_wait3A_274] : memref<32x10x32x64xi32, #tpu.memory_space<hbm>> -> memref<1x1x32x64xi32, #tpu.memory_space<hbm>>
      %dma_wait3A_276 = tpu.memref_squeeze %dma_wait3A_275 : memref<1x1x32x64xi32, #tpu.memory_space<hbm>> -> memref<32x64xi32, #tpu.memory_space<hbm>>
      %dma_wait3A_277 = arith.constant 0 : i32
      %dma_wait3A_278 = arith.constant 0 : i32
      %dma_wait3A_279 = tpu.memref_slice %arg7[%dma_wait3A_268, %dma_wait3A_277, %dma_wait3A_278] : memref<2x32x64xi32, #tpu.memory_space<vmem>> -> memref<1x32x64xi32, #tpu.memory_space<vmem>>
      %dma_wait3A_280 = tpu.memref_squeeze %dma_wait3A_279 : memref<1x32x64xi32, #tpu.memory_space<vmem>> -> memref<32x64xi32, #tpu.memory_space<vmem>>
      %dma_wait3A_281 = arith.constant 0 : i32
      %dma_wait3A_282 = arith.constant 0 : i32
      %dma_wait3A_283 = tpu.memref_slice %arg2[%add3A, %dma_wait3A_267, %dma_wait3A_281, %dma_wait3A_282] : memref<32x10x32x64xi32, #tpu.memory_space<hbm>> -> memref<1x1x32x64xi32, #tpu.memory_space<hbm>>
      %dma_wait3A_284 = tpu.memref_squeeze %dma_wait3A_283 : memref<1x1x32x64xi32, #tpu.memory_space<hbm>> -> memref<32x64xi32, #tpu.memory_space<hbm>>
      tpu.wait_dma2 semaphore(%arg22 : memref<!tpu.dma_semaphore, #tpu.memory_space<semaphore_mem>>) src(%dma_wait3A_284 : memref<32x64xi32, #tpu.memory_space<hbm>>) dst(%dma_wait3A_280 : memref<32x64xi32, #tpu.memory_space<vmem>>)
      %dma_wait3A_285 = arith.constant 0 : i32
      %dma_wait3A_286 = arith.constant 1 : i32
      %dma_wait3A_287 = arith.constant 0 : i32
      %dma_wait3A_288 = arith.constant 0 : i32
      %dma_wait3A_289 = tpu.memref_slice %arg8[%dma_wait3A_286, %dma_wait3A_287, %dma_wait3A_288] : memref<2x32x64xi32, #tpu.memory_space<vmem>> -> memref<1x32x64xi32, #tpu.memory_space<vmem>>
      %dma_wait3A_290 = tpu.memref_squeeze %dma_wait3A_289 : memref<1x32x64xi32, #tpu.memory_space<vmem>> -> memref<32x64xi32, #tpu.memory_space<vmem>>
      %dma_wait3A_291 = arith.constant 0 : i32
      %dma_wait3A_292 = arith.constant 0 : i32
      %dma_wait3A_293 = tpu.memref_slice %arg3[%add3A, %dma_wait3A_285, %dma_wait3A_291, %dma_wait3A_292] : memref<32x10x32x64xi32, #tpu.memory_space<hbm>> -> memref<1x1x32x64xi32, #tpu.memory_space<hbm>>
      %dma_wait3A_294 = tpu.memref_squeeze %dma_wait3A_293 : memref<1x1x32x64xi32, #tpu.memory_space<hbm>> -> memref<32x64xi32, #tpu.memory_space<hbm>>
      %dma_wait3A_295 = arith.constant 0 : i32
      %dma_wait3A_296 = arith.constant 0 : i32
      %dma_wait3A_297 = tpu.memref_slice %arg8[%dma_wait3A_286, %dma_wait3A_295, %dma_wait3A_296] : memref<2x32x64xi32, #tpu.memory_space<vmem>> -> memref<1x32x64xi32, #tpu.memory_space<vmem>>
      %dma_wait3A_298 = tpu.memref_squeeze %dma_wait3A_297 : memref<1x32x64xi32, #tpu.memory_space<vmem>> -> memref<32x64xi32, #tpu.memory_space<vmem>>
      %dma_wait3A_299 = arith.constant 0 : i32
      %dma_wait3A_300 = arith.constant 0 : i32
      %dma_wait3A_301 = tpu.memref_slice %arg3[%add3A, %dma_wait3A_285, %dma_wait3A_299, %dma_wait3A_300] : memref<32x10x32x64xi32, #tpu.memory_space<hbm>> -> memref<1x1x32x64xi32, #tpu.memory_space<hbm>>
      %dma_wait3A_302 = tpu.memref_squeeze %dma_wait3A_301 : memref<1x1x32x64xi32, #tpu.memory_space<hbm>> -> memref<32x64xi32, #tpu.memory_space<hbm>>
      tpu.wait_dma2 semaphore(%arg22 : memref<!tpu.dma_semaphore, #tpu.memory_space<semaphore_mem>>) src(%dma_wait3A_302 : memref<32x64xi32, #tpu.memory_space<hbm>>) dst(%dma_wait3A_298 : memref<32x64xi32, #tpu.memory_space<vmem>>)
      %dma_start3A_303 = arith.constant 1 : i32
      %dma_start3A_304 = arith.constant 0 : i32
      %dma_start3A_305 = arith.constant 0 : i32
      %dma_start3A_306 = tpu.memref_slice %arg7[%dma_start3A_303, %dma_start3A_304, %dma_start3A_305] : memref<2x32x64xi32, #tpu.memory_space<vmem>> -> memref<1x1x64xi32, #tpu.memory_space<vmem>>
      %dma_start3A_307 = tpu.memref_squeeze %dma_start3A_306 : memref<1x1x64xi32, #tpu.memory_space<vmem>> -> memref<64xi32, #tpu.memory_space<vmem>>
      %dma_start3A_308 = arith.constant 0 : i32
      %dma_start3A_309 = arith.constant 0 : i32
      %dma_start3A_310 = tpu.memref_slice %arg4[%dma_start3A_308, %dma_start3A_309] : memref<20480x128xf32, #tpu.memory_space<hbm>> -> memref<20480x128xf32, #tpu.memory_space<hbm>>
      tpu.enqueue_indirect_dma source(%dma_start3A_310 : memref<20480x128xf32, #tpu.memory_space<hbm>>) target(%arg9 : memref<64x128xf32, #tpu.memory_space<vmem>>) offsets(%dma_start3A_307 : memref<64xi32, #tpu.memory_space<vmem>>) semaphore(%arg13 : memref<!tpu.dma_semaphore, #tpu.memory_space<semaphore_mem>>)
      %dma_start3A_311 = arith.constant 1 : i32
      %dma_start3A_312 = arith.constant 1 : i32
      %dma_start3A_313 = arith.constant 0 : i32
      %dma_start3A_314 = tpu.memref_slice %arg7[%dma_start3A_311, %dma_start3A_312, %dma_start3A_313] : memref<2x32x64xi32, #tpu.memory_space<vmem>> -> memref<1x1x64xi32, #tpu.memory_space<vmem>>
      %dma_start3A_315 = tpu.memref_squeeze %dma_start3A_314 : memref<1x1x64xi32, #tpu.memory_space<vmem>> -> memref<64xi32, #tpu.memory_space<vmem>>
      %dma_start3A_316 = arith.constant 0 : i32
      %dma_start3A_317 = arith.constant 0 : i32
      %dma_start3A_318 = tpu.memref_slice %arg4[%dma_start3A_316, %dma_start3A_317] : memref<20480x128xf32, #tpu.memory_space<hbm>> -> memref<20480x128xf32, #tpu.memory_space<hbm>>
      tpu.enqueue_indirect_dma source(%dma_start3A_318 : memref<20480x128xf32, #tpu.memory_space<hbm>>) target(%arg10 : memref<64x128xf32, #tpu.memory_space<vmem>>) offsets(%dma_start3A_315 : memref<64xi32, #tpu.memory_space<vmem>>) semaphore(%arg14 : memref<!tpu.dma_semaphore, #tpu.memory_space<semaphore_mem>>)
      %dma_start3A_319 = arith.constant 1 : i32
      %dma_start3A_320 = arith.constant 2 : i32
      %dma_start3A_321 = arith.constant 0 : i32
      %dma_start3A_322 = tpu.memref_slice %arg7[%dma_start3A_319, %dma_start3A_320, %dma_start3A_321] : memref<2x32x64xi32, #tpu.memory_space<vmem>> -> memref<1x1x64xi32, #tpu.memory_space<vmem>>
      %dma_start3A_323 = tpu.memref_squeeze %dma_start3A_322 : memref<1x1x64xi32, #tpu.memory_space<vmem>> -> memref<64xi32, #tpu.memory_space<vmem>>
      %dma_start3A_324 = arith.constant 0 : i32
      %dma_start3A_325 = arith.constant 0 : i32
      %dma_start3A_326 = tpu.memref_slice %arg4[%dma_start3A_324, %dma_start3A_325] : memref<20480x128xf32, #tpu.memory_space<hbm>> -> memref<20480x128xf32, #tpu.memory_space<hbm>>
      tpu.enqueue_indirect_dma source(%dma_start3A_326 : memref<20480x128xf32, #tpu.memory_space<hbm>>) target(%arg11 : memref<64x128xf32, #tpu.memory_space<vmem>>) offsets(%dma_start3A_323 : memref<64xi32, #tpu.memory_space<vmem>>) semaphore(%arg15 : memref<!tpu.dma_semaphore, #tpu.memory_space<semaphore_mem>>)
      %dma_start3A_327 = arith.constant 1 : i32
      %dma_start3A_328 = arith.constant 3 : i32
      %dma_start3A_329 = arith.constant 0 : i32
      %dma_start3A_330 = tpu.memref_slice %arg7[%dma_start3A_327, %dma_start3A_328, %dma_start3A_329] : memref<2x32x64xi32, #tpu.memory_space<vmem>> -> memref<1x1x64xi32, #tpu.memory_space<vmem>>
      %dma_start3A_331 = tpu.memref_squeeze %dma_start3A_330 : memref<1x1x64xi32, #tpu.memory_space<vmem>> -> memref<64xi32, #tpu.memory_space<vmem>>
      %dma_start3A_332 = arith.constant 0 : i32
      %dma_start3A_333 = arith.constant 0 : i32
      %dma_start3A_334 = tpu.memref_slice %arg4[%dma_start3A_332, %dma_start3A_333] : memref<20480x128xf32, #tpu.memory_space<hbm>> -> memref<20480x128xf32, #tpu.memory_space<hbm>>
      tpu.enqueue_indirect_dma source(%dma_start3A_334 : memref<20480x128xf32, #tpu.memory_space<hbm>>) target(%arg12 : memref<64x128xf32, #tpu.memory_space<vmem>>) offsets(%dma_start3A_331 : memref<64xi32, #tpu.memory_space<vmem>>) semaphore(%arg16 : memref<!tpu.dma_semaphore, #tpu.memory_space<semaphore_mem>>)
      %scan3A_335 = arith.constant 0 : i32
      %scan3A_336 = arith.constant 0 : i32
      %scan3A_337 = arith.constant 7 : i32
      %scan3A_338 = arith.addi %scan3A_336, %scan3A_337 : i32
      %scan3A_339 = arith.constant 1 : i32
      scf.for %scan3A_444 = %scan3A_336 to %scan3A_338 step %scan3A_339  : i32 {
        %mul3A_445 = arith.constant 4 : i32
        %mul3A_446 = arith.muli %scan3A_444, %mul3A_445 : i32
        %dma_wait3A_447 = arith.constant 1 : i32
        %dma_wait3A_448 = arith.constant 0 : i32
        %dma_wait3A_449 = arith.constant 0 : i32
        %dma_wait3A_450 = tpu.memref_slice %arg7[%dma_wait3A_447, %dma_wait3A_448, %dma_wait3A_449] : memref<2x32x64xi32, #tpu.memory_space<vmem>> -> memref<1x1x64xi32, #tpu.memory_space<vmem>>
        %dma_wait3A_451 = tpu.memref_squeeze %dma_wait3A_450 : memref<1x1x64xi32, #tpu.memory_space<vmem>> -> memref<64xi32, #tpu.memory_space<vmem>>
        %dma_wait3A_452 = arith.constant 0 : i32
        %dma_wait3A_453 = arith.constant 0 : i32
        %dma_wait3A_454 = tpu.memref_slice %arg4[%dma_wait3A_452, %dma_wait3A_453] : memref<20480x128xf32, #tpu.memory_space<hbm>> -> memref<20480x128xf32, #tpu.memory_space<hbm>>
        tpu.wait_indirect_dma semaphore(%arg13 : memref<!tpu.dma_semaphore, #tpu.memory_space<semaphore_mem>>) src(%dma_wait3A_454 : memref<20480x128xf32, #tpu.memory_space<hbm>>) dst(%arg9 : memref<64x128xf32, #tpu.memory_space<vmem>>)
        %add3A_455 = arith.constant 0 : i32
        %add3A_456 = arith.addi %mul3A_446, %add3A_455 : i32
        %dma_start3A_457 = arith.constant 1 : i32
        %dma_start3A_458 = arith.constant 0 : i32
        %dma_start3A_459 = tpu.memref_slice %arg8[%dma_start3A_457, %add3A_456, %dma_start3A_458] : memref<2x32x64xi32, #tpu.memory_space<vmem>> -> memref<1x1x64xi32, #tpu.memory_space<vmem>>
        %dma_start3A_460 = tpu.memref_squeeze %dma_start3A_459 : memref<1x1x64xi32, #tpu.memory_space<vmem>> -> memref<64xi32, #tpu.memory_space<vmem>>
        %dma_start3A_461 = arith.constant 0 : i32
        %dma_start3A_462 = arith.constant 0 : i32
        %dma_start3A_463 = tpu.memref_slice %arg23[%dma_start3A_461, %dma_start3A_462] : memref<10240x128xf32, #tpu.memory_space<vmem_shared>> -> memref<10240x128xf32, #tpu.memory_space<vmem_shared>>
        tpu.enqueue_indirect_dma source(%arg9 : memref<64x128xf32, #tpu.memory_space<vmem>>) target(%dma_start3A_463 : memref<10240x128xf32, #tpu.memory_space<vmem_shared>>) offsets(%dma_start3A_460 : memref<64xi32, #tpu.memory_space<vmem>>) semaphore(%arg17 : memref<!tpu.dma_semaphore, #tpu.memory_space<semaphore_mem>>) {add = true}
        %dma_wait3A_464 = arith.constant 1 : i32
        %dma_wait3A_465 = arith.constant 0 : i32
        %dma_wait3A_466 = arith.constant 0 : i32
        %dma_wait3A_467 = tpu.memref_slice %arg7[%dma_wait3A_464, %dma_wait3A_465, %dma_wait3A_466] : memref<2x32x64xi32, #tpu.memory_space<vmem>> -> memref<1x1x64xi32, #tpu.memory_space<vmem>>
        %dma_wait3A_468 = tpu.memref_squeeze %dma_wait3A_467 : memref<1x1x64xi32, #tpu.memory_space<vmem>> -> memref<64xi32, #tpu.memory_space<vmem>>
        %dma_wait3A_469 = arith.constant 0 : i32
        %dma_wait3A_470 = arith.constant 0 : i32
        %dma_wait3A_471 = tpu.memref_slice %arg4[%dma_wait3A_469, %dma_wait3A_470] : memref<20480x128xf32, #tpu.memory_space<hbm>> -> memref<20480x128xf32, #tpu.memory_space<hbm>>
        tpu.wait_indirect_dma semaphore(%arg14 : memref<!tpu.dma_semaphore, #tpu.memory_space<semaphore_mem>>) src(%dma_wait3A_471 : memref<20480x128xf32, #tpu.memory_space<hbm>>) dst(%arg10 : memref<64x128xf32, #tpu.memory_space<vmem>>)
        %add3A_472 = arith.constant 1 : i32
        %add3A_473 = arith.addi %mul3A_446, %add3A_472 : i32
        %dma_start3A_474 = arith.constant 1 : i32
        %dma_start3A_475 = arith.constant 0 : i32
        %dma_start3A_476 = tpu.memref_slice %arg8[%dma_start3A_474, %add3A_473, %dma_start3A_475] : memref<2x32x64xi32, #tpu.memory_space<vmem>> -> memref<1x1x64xi32, #tpu.memory_space<vmem>>
        %dma_start3A_477 = tpu.memref_squeeze %dma_start3A_476 : memref<1x1x64xi32, #tpu.memory_space<vmem>> -> memref<64xi32, #tpu.memory_space<vmem>>
        %dma_start3A_478 = arith.constant 0 : i32
        %dma_start3A_479 = arith.constant 0 : i32
        %dma_start3A_480 = tpu.memref_slice %arg23[%dma_start3A_478, %dma_start3A_479] : memref<10240x128xf32, #tpu.memory_space<vmem_shared>> -> memref<10240x128xf32, #tpu.memory_space<vmem_shared>>
        tpu.enqueue_indirect_dma source(%arg10 : memref<64x128xf32, #tpu.memory_space<vmem>>) target(%dma_start3A_480 : memref<10240x128xf32, #tpu.memory_space<vmem_shared>>) offsets(%dma_start3A_477 : memref<64xi32, #tpu.memory_space<vmem>>) semaphore(%arg18 : memref<!tpu.dma_semaphore, #tpu.memory_space<semaphore_mem>>) {add = true}
        %dma_wait3A_481 = arith.constant 1 : i32
        %dma_wait3A_482 = arith.constant 0 : i32
        %dma_wait3A_483 = arith.constant 0 : i32
        %dma_wait3A_484 = tpu.memref_slice %arg7[%dma_wait3A_481, %dma_wait3A_482, %dma_wait3A_483] : memref<2x32x64xi32, #tpu.memory_space<vmem>> -> memref<1x1x64xi32, #tpu.memory_space<vmem>>
        %dma_wait3A_485 = tpu.memref_squeeze %dma_wait3A_484 : memref<1x1x64xi32, #tpu.memory_space<vmem>> -> memref<64xi32, #tpu.memory_space<vmem>>
        %dma_wait3A_486 = arith.constant 0 : i32
        %dma_wait3A_487 = arith.constant 0 : i32
        %dma_wait3A_488 = tpu.memref_slice %arg4[%dma_wait3A_486, %dma_wait3A_487] : memref<20480x128xf32, #tpu.memory_space<hbm>> -> memref<20480x128xf32, #tpu.memory_space<hbm>>
        tpu.wait_indirect_dma semaphore(%arg15 : memref<!tpu.dma_semaphore, #tpu.memory_space<semaphore_mem>>) src(%dma_wait3A_488 : memref<20480x128xf32, #tpu.memory_space<hbm>>) dst(%arg11 : memref<64x128xf32, #tpu.memory_space<vmem>>)
        %add3A_489 = arith.constant 2 : i32
        %add3A_490 = arith.addi %mul3A_446, %add3A_489 : i32
        %dma_start3A_491 = arith.constant 1 : i32
        %dma_start3A_492 = arith.constant 0 : i32
        %dma_start3A_493 = tpu.memref_slice %arg8[%dma_start3A_491, %add3A_490, %dma_start3A_492] : memref<2x32x64xi32, #tpu.memory_space<vmem>> -> memref<1x1x64xi32, #tpu.memory_space<vmem>>
        %dma_start3A_494 = tpu.memref_squeeze %dma_start3A_493 : memref<1x1x64xi32, #tpu.memory_space<vmem>> -> memref<64xi32, #tpu.memory_space<vmem>>
        %dma_start3A_495 = arith.constant 0 : i32
        %dma_start3A_496 = arith.constant 0 : i32
        %dma_start3A_497 = tpu.memref_slice %arg23[%dma_start3A_495, %dma_start3A_496] : memref<10240x128xf32, #tpu.memory_space<vmem_shared>> -> memref<10240x128xf32, #tpu.memory_space<vmem_shared>>
        tpu.enqueue_indirect_dma source(%arg11 : memref<64x128xf32, #tpu.memory_space<vmem>>) target(%dma_start3A_497 : memref<10240x128xf32, #tpu.memory_space<vmem_shared>>) offsets(%dma_start3A_494 : memref<64xi32, #tpu.memory_space<vmem>>) semaphore(%arg19 : memref<!tpu.dma_semaphore, #tpu.memory_space<semaphore_mem>>) {add = true}
        %dma_wait3A_498 = arith.constant 1 : i32
        %dma_wait3A_499 = arith.constant 0 : i32
        %dma_wait3A_500 = arith.constant 0 : i32
        %dma_wait3A_501 = tpu.memref_slice %arg7[%dma_wait3A_498, %dma_wait3A_499, %dma_wait3A_500] : memref<2x32x64xi32, #tpu.memory_space<vmem>> -> memref<1x1x64xi32, #tpu.memory_space<vmem>>
        %dma_wait3A_502 = tpu.memref_squeeze %dma_wait3A_501 : memref<1x1x64xi32, #tpu.memory_space<vmem>> -> memref<64xi32, #tpu.memory_space<vmem>>
        %dma_wait3A_503 = arith.constant 0 : i32
        %dma_wait3A_504 = arith.constant 0 : i32
        %dma_wait3A_505 = tpu.memref_slice %arg4[%dma_wait3A_503, %dma_wait3A_504] : memref<20480x128xf32, #tpu.memory_space<hbm>> -> memref<20480x128xf32, #tpu.memory_space<hbm>>
        tpu.wait_indirect_dma semaphore(%arg16 : memref<!tpu.dma_semaphore, #tpu.memory_space<semaphore_mem>>) src(%dma_wait3A_505 : memref<20480x128xf32, #tpu.memory_space<hbm>>) dst(%arg12 : memref<64x128xf32, #tpu.memory_space<vmem>>)
        %add3A_506 = arith.constant 3 : i32
        %add3A_507 = arith.addi %mul3A_446, %add3A_506 : i32
        %dma_start3A_508 = arith.constant 1 : i32
        %dma_start3A_509 = arith.constant 0 : i32
        %dma_start3A_510 = tpu.memref_slice %arg8[%dma_start3A_508, %add3A_507, %dma_start3A_509] : memref<2x32x64xi32, #tpu.memory_space<vmem>> -> memref<1x1x64xi32, #tpu.memory_space<vmem>>
        %dma_start3A_511 = tpu.memref_squeeze %dma_start3A_510 : memref<1x1x64xi32, #tpu.memory_space<vmem>> -> memref<64xi32, #tpu.memory_space<vmem>>
        %dma_start3A_512 = arith.constant 0 : i32
        %dma_start3A_513 = arith.constant 0 : i32
        %dma_start3A_514 = tpu.memref_slice %arg23[%dma_start3A_512, %dma_start3A_513] : memref<10240x128xf32, #tpu.memory_space<vmem_shared>> -> memref<10240x128xf32, #tpu.memory_space<vmem_shared>>
        tpu.enqueue_indirect_dma source(%arg12 : memref<64x128xf32, #tpu.memory_space<vmem>>) target(%dma_start3A_514 : memref<10240x128xf32, #tpu.memory_space<vmem_shared>>) offsets(%dma_start3A_511 : memref<64xi32, #tpu.memory_space<vmem>>) semaphore(%arg20 : memref<!tpu.dma_semaphore, #tpu.memory_space<semaphore_mem>>) {add = true}
        %dma_wait3A_515 = arith.constant 1 : i32
        %dma_wait3A_516 = arith.constant 0 : i32
        %dma_wait3A_517 = arith.constant 0 : i32
        %dma_wait3A_518 = tpu.memref_slice %arg8[%dma_wait3A_515, %dma_wait3A_516, %dma_wait3A_517] : memref<2x32x64xi32, #tpu.memory_space<vmem>> -> memref<1x1x64xi32, #tpu.memory_space<vmem>>
        %dma_wait3A_519 = tpu.memref_squeeze %dma_wait3A_518 : memref<1x1x64xi32, #tpu.memory_space<vmem>> -> memref<64xi32, #tpu.memory_space<vmem>>
        %dma_wait3A_520 = arith.constant 0 : i32
        %dma_wait3A_521 = arith.constant 0 : i32
        %dma_wait3A_522 = tpu.memref_slice %arg23[%dma_wait3A_520, %dma_wait3A_521] : memref<10240x128xf32, #tpu.memory_space<vmem_shared>> -> memref<10240x128xf32, #tpu.memory_space<vmem_shared>>
        tpu.wait_indirect_dma semaphore(%arg17 : memref<!tpu.dma_semaphore, #tpu.memory_space<semaphore_mem>>) src(%arg9 : memref<64x128xf32, #tpu.memory_space<vmem>>) dst(%dma_wait3A_522 : memref<10240x128xf32, #tpu.memory_space<vmem_shared>>)
        %add3A_523 = arith.constant 4 : i32
        %add3A_524 = arith.addi %mul3A_446, %add3A_523 : i32
        %add3A_525 = arith.constant 0 : i32
        %add3A_526 = arith.addi %add3A_524, %add3A_525 : i32
        %dma_start3A_527 = arith.constant 1 : i32
        %dma_start3A_528 = arith.constant 0 : i32
        %dma_start3A_529 = tpu.memref_slice %arg7[%dma_start3A_527, %add3A_526, %dma_start3A_528] : memref<2x32x64xi32, #tpu.memory_space<vmem>> -> memref<1x1x64xi32, #tpu.memory_space<vmem>>
        %dma_start3A_530 = tpu.memref_squeeze %dma_start3A_529 : memref<1x1x64xi32, #tpu.memory_space<vmem>> -> memref<64xi32, #tpu.memory_space<vmem>>
        %dma_start3A_531 = arith.constant 0 : i32
        %dma_start3A_532 = arith.constant 0 : i32
        %dma_start3A_533 = tpu.memref_slice %arg4[%dma_start3A_531, %dma_start3A_532] : memref<20480x128xf32, #tpu.memory_space<hbm>> -> memref<20480x128xf32, #tpu.memory_space<hbm>>
        tpu.enqueue_indirect_dma source(%dma_start3A_533 : memref<20480x128xf32, #tpu.memory_space<hbm>>) target(%arg9 : memref<64x128xf32, #tpu.memory_space<vmem>>) offsets(%dma_start3A_530 : memref<64xi32, #tpu.memory_space<vmem>>) semaphore(%arg13 : memref<!tpu.dma_semaphore, #tpu.memory_space<semaphore_mem>>)
        %dma_wait3A_534 = arith.constant 1 : i32
        %dma_wait3A_535 = arith.constant 0 : i32
        %dma_wait3A_536 = arith.constant 0 : i32
        %dma_wait3A_537 = tpu.memref_slice %arg8[%dma_wait3A_534, %dma_wait3A_535, %dma_wait3A_536] : memref<2x32x64xi32, #tpu.memory_space<vmem>> -> memref<1x1x64xi32, #tpu.memory_space<vmem>>
        %dma_wait3A_538 = tpu.memref_squeeze %dma_wait3A_537 : memref<1x1x64xi32, #tpu.memory_space<vmem>> -> memref<64xi32, #tpu.memory_space<vmem>>
        %dma_wait3A_539 = arith.constant 0 : i32
        %dma_wait3A_540 = arith.constant 0 : i32
        %dma_wait3A_541 = tpu.memref_slice %arg23[%dma_wait3A_539, %dma_wait3A_540] : memref<10240x128xf32, #tpu.memory_space<vmem_shared>> -> memref<10240x128xf32, #tpu.memory_space<vmem_shared>>
        tpu.wait_indirect_dma semaphore(%arg18 : memref<!tpu.dma_semaphore, #tpu.memory_space<semaphore_mem>>) src(%arg10 : memref<64x128xf32, #tpu.memory_space<vmem>>) dst(%dma_wait3A_541 : memref<10240x128xf32, #tpu.memory_space<vmem_shared>>)
        %add3A_542 = arith.constant 4 : i32
        %add3A_543 = arith.addi %mul3A_446, %add3A_542 : i32
        %add3A_544 = arith.constant 1 : i32
        %add3A_545 = arith.addi %add3A_543, %add3A_544 : i32
        %dma_start3A_546 = arith.constant 1 : i32
        %dma_start3A_547 = arith.constant 0 : i32
        %dma_start3A_548 = tpu.memref_slice %arg7[%dma_start3A_546, %add3A_545, %dma_start3A_547] : memref<2x32x64xi32, #tpu.memory_space<vmem>> -> memref<1x1x64xi32, #tpu.memory_space<vmem>>
        %dma_start3A_549 = tpu.memref_squeeze %dma_start3A_548 : memref<1x1x64xi32, #tpu.memory_space<vmem>> -> memref<64xi32, #tpu.memory_space<vmem>>
        %dma_start3A_550 = arith.constant 0 : i32
        %dma_start3A_551 = arith.constant 0 : i32
        %dma_start3A_552 = tpu.memref_slice %arg4[%dma_start3A_550, %dma_start3A_551] : memref<20480x128xf32, #tpu.memory_space<hbm>> -> memref<20480x128xf32, #tpu.memory_space<hbm>>
        tpu.enqueue_indirect_dma source(%dma_start3A_552 : memref<20480x128xf32, #tpu.memory_space<hbm>>) target(%arg10 : memref<64x128xf32, #tpu.memory_space<vmem>>) offsets(%dma_start3A_549 : memref<64xi32, #tpu.memory_space<vmem>>) semaphore(%arg14 : memref<!tpu.dma_semaphore, #tpu.memory_space<semaphore_mem>>)
        %dma_wait3A_553 = arith.constant 1 : i32
        %dma_wait3A_554 = arith.constant 0 : i32
        %dma_wait3A_555 = arith.constant 0 : i32
        %dma_wait3A_556 = tpu.memref_slice %arg8[%dma_wait3A_553, %dma_wait3A_554, %dma_wait3A_555] : memref<2x32x64xi32, #tpu.memory_space<vmem>> -> memref<1x1x64xi32, #tpu.memory_space<vmem>>
        %dma_wait3A_557 = tpu.memref_squeeze %dma_wait3A_556 : memref<1x1x64xi32, #tpu.memory_space<vmem>> -> memref<64xi32, #tpu.memory_space<vmem>>
        %dma_wait3A_558 = arith.constant 0 : i32
        %dma_wait3A_559 = arith.constant 0 : i32
        %dma_wait3A_560 = tpu.memref_slice %arg23[%dma_wait3A_558, %dma_wait3A_559] : memref<10240x128xf32, #tpu.memory_space<vmem_shared>> -> memref<10240x128xf32, #tpu.memory_space<vmem_shared>>
        tpu.wait_indirect_dma semaphore(%arg19 : memref<!tpu.dma_semaphore, #tpu.memory_space<semaphore_mem>>) src(%arg11 : memref<64x128xf32, #tpu.memory_space<vmem>>) dst(%dma_wait3A_560 : memref<10240x128xf32, #tpu.memory_space<vmem_shared>>)
        %add3A_561 = arith.constant 4 : i32
        %add3A_562 = arith.addi %mul3A_446, %add3A_561 : i32
        %add3A_563 = arith.constant 2 : i32
        %add3A_564 = arith.addi %add3A_562, %add3A_563 : i32
        %dma_start3A_565 = arith.constant 1 : i32
        %dma_start3A_566 = arith.constant 0 : i32
        %dma_start3A_567 = tpu.memref_slice %arg7[%dma_start3A_565, %add3A_564, %dma_start3A_566] : memref<2x32x64xi32, #tpu.memory_space<vmem>> -> memref<1x1x64xi32, #tpu.memory_space<vmem>>
        %dma_start3A_568 = tpu.memref_squeeze %dma_start3A_567 : memref<1x1x64xi32, #tpu.memory_space<vmem>> -> memref<64xi32, #tpu.memory_space<vmem>>
        %dma_start3A_569 = arith.constant 0 : i32
        %dma_start3A_570 = arith.constant 0 : i32
        %dma_start3A_571 = tpu.memref_slice %arg4[%dma_start3A_569, %dma_start3A_570] : memref<20480x128xf32, #tpu.memory_space<hbm>> -> memref<20480x128xf32, #tpu.memory_space<hbm>>
        tpu.enqueue_indirect_dma source(%dma_start3A_571 : memref<20480x128xf32, #tpu.memory_space<hbm>>) target(%arg11 : memref<64x128xf32, #tpu.memory_space<vmem>>) offsets(%dma_start3A_568 : memref<64xi32, #tpu.memory_space<vmem>>) semaphore(%arg15 : memref<!tpu.dma_semaphore, #tpu.memory_space<semaphore_mem>>)
        %dma_wait3A_572 = arith.constant 1 : i32
        %dma_wait3A_573 = arith.constant 0 : i32
        %dma_wait3A_574 = arith.constant 0 : i32
        %dma_wait3A_575 = tpu.memref_slice %arg8[%dma_wait3A_572, %dma_wait3A_573, %dma_wait3A_574] : memref<2x32x64xi32, #tpu.memory_space<vmem>> -> memref<1x1x64xi32, #tpu.memory_space<vmem>>
        %dma_wait3A_576 = tpu.memref_squeeze %dma_wait3A_575 : memref<1x1x64xi32, #tpu.memory_space<vmem>> -> memref<64xi32, #tpu.memory_space<vmem>>
        %dma_wait3A_577 = arith.constant 0 : i32
        %dma_wait3A_578 = arith.constant 0 : i32
        %dma_wait3A_579 = tpu.memref_slice %arg23[%dma_wait3A_577, %dma_wait3A_578] : memref<10240x128xf32, #tpu.memory_space<vmem_shared>> -> memref<10240x128xf32, #tpu.memory_space<vmem_shared>>
        tpu.wait_indirect_dma semaphore(%arg20 : memref<!tpu.dma_semaphore, #tpu.memory_space<semaphore_mem>>) src(%arg12 : memref<64x128xf32, #tpu.memory_space<vmem>>) dst(%dma_wait3A_579 : memref<10240x128xf32, #tpu.memory_space<vmem_shared>>)
        %add3A_580 = arith.constant 4 : i32
        %add3A_581 = arith.addi %mul3A_446, %add3A_580 : i32
        %add3A_582 = arith.constant 3 : i32
        %add3A_583 = arith.addi %add3A_581, %add3A_582 : i32
        %dma_start3A_584 = arith.constant 1 : i32
        %dma_start3A_585 = arith.constant 0 : i32
        %dma_start3A_586 = tpu.memref_slice %arg7[%dma_start3A_584, %add3A_583, %dma_start3A_585] : memref<2x32x64xi32, #tpu.memory_space<vmem>> -> memref<1x1x64xi32, #tpu.memory_space<vmem>>
        %dma_start3A_587 = tpu.memref_squeeze %dma_start3A_586 : memref<1x1x64xi32, #tpu.memory_space<vmem>> -> memref<64xi32, #tpu.memory_space<vmem>>
        %dma_start3A_588 = arith.constant 0 : i32
        %dma_start3A_589 = arith.constant 0 : i32
        %dma_start3A_590 = tpu.memref_slice %arg4[%dma_start3A_588, %dma_start3A_589] : memref<20480x128xf32, #tpu.memory_space<hbm>> -> memref<20480x128xf32, #tpu.memory_space<hbm>>
        tpu.enqueue_indirect_dma source(%dma_start3A_590 : memref<20480x128xf32, #tpu.memory_space<hbm>>) target(%arg12 : memref<64x128xf32, #tpu.memory_space<vmem>>) offsets(%dma_start3A_587 : memref<64xi32, #tpu.memory_space<vmem>>) semaphore(%arg16 : memref<!tpu.dma_semaphore, #tpu.memory_space<semaphore_mem>>)
      }
      %scan3A_340 = arith.constant 7 : i32
      %dma_wait3A_341 = arith.constant 1 : i32
      %dma_wait3A_342 = arith.constant 0 : i32
      %dma_wait3A_343 = arith.constant 0 : i32
      %dma_wait3A_344 = tpu.memref_slice %arg7[%dma_wait3A_341, %dma_wait3A_342, %dma_wait3A_343] : memref<2x32x64xi32, #tpu.memory_space<vmem>> -> memref<1x1x64xi32, #tpu.memory_space<vmem>>
      %dma_wait3A_345 = tpu.memref_squeeze %dma_wait3A_344 : memref<1x1x64xi32, #tpu.memory_space<vmem>> -> memref<64xi32, #tpu.memory_space<vmem>>
      %dma_wait3A_346 = arith.constant 0 : i32
      %dma_wait3A_347 = arith.constant 0 : i32
      %dma_wait3A_348 = tpu.memref_slice %arg4[%dma_wait3A_346, %dma_wait3A_347] : memref<20480x128xf32, #tpu.memory_space<hbm>> -> memref<20480x128xf32, #tpu.memory_space<hbm>>
      tpu.wait_indirect_dma semaphore(%arg13 : memref<!tpu.dma_semaphore, #tpu.memory_space<semaphore_mem>>) src(%dma_wait3A_348 : memref<20480x128xf32, #tpu.memory_space<hbm>>) dst(%arg9 : memref<64x128xf32, #tpu.memory_space<vmem>>)
      %dma_start3A_349 = arith.constant 1 : i32
      %dma_start3A_350 = arith.constant 28 : i32
      %dma_start3A_351 = arith.constant 0 : i32
      %dma_start3A_352 = tpu.memref_slice %arg8[%dma_start3A_349, %dma_start3A_350, %dma_start3A_351] : memref<2x32x64xi32, #tpu.memory_space<vmem>> -> memref<1x1x64xi32, #tpu.memory_space<vmem>>
      %dma_start3A_353 = tpu.memref_squeeze %dma_start3A_352 : memref<1x1x64xi32, #tpu.memory_space<vmem>> -> memref<64xi32, #tpu.memory_space<vmem>>
      %dma_start3A_354 = arith.constant 0 : i32
      %dma_start3A_355 = arith.constant 0 : i32
      %dma_start3A_356 = tpu.memref_slice %arg23[%dma_start3A_354, %dma_start3A_355] : memref<10240x128xf32, #tpu.memory_space<vmem_shared>> -> memref<10240x128xf32, #tpu.memory_space<vmem_shared>>
      tpu.enqueue_indirect_dma source(%arg9 : memref<64x128xf32, #tpu.memory_space<vmem>>) target(%dma_start3A_356 : memref<10240x128xf32, #tpu.memory_space<vmem_shared>>) offsets(%dma_start3A_353 : memref<64xi32, #tpu.memory_space<vmem>>) semaphore(%arg17 : memref<!tpu.dma_semaphore, #tpu.memory_space<semaphore_mem>>) {add = true}
      %dma_wait3A_357 = arith.constant 1 : i32
      %dma_wait3A_358 = arith.constant 0 : i32
      %dma_wait3A_359 = arith.constant 0 : i32
      %dma_wait3A_360 = tpu.memref_slice %arg7[%dma_wait3A_357, %dma_wait3A_358, %dma_wait3A_359] : memref<2x32x64xi32, #tpu.memory_space<vmem>> -> memref<1x1x64xi32, #tpu.memory_space<vmem>>
      %dma_wait3A_361 = tpu.memref_squeeze %dma_wait3A_360 : memref<1x1x64xi32, #tpu.memory_space<vmem>> -> memref<64xi32, #tpu.memory_space<vmem>>
      %dma_wait3A_362 = arith.constant 0 : i32
      %dma_wait3A_363 = arith.constant 0 : i32
      %dma_wait3A_364 = tpu.memref_slice %arg4[%dma_wait3A_362, %dma_wait3A_363] : memref<20480x128xf32, #tpu.memory_space<hbm>> -> memref<20480x128xf32, #tpu.memory_space<hbm>>
      tpu.wait_indirect_dma semaphore(%arg14 : memref<!tpu.dma_semaphore, #tpu.memory_space<semaphore_mem>>) src(%dma_wait3A_364 : memref<20480x128xf32, #tpu.memory_space<hbm>>) dst(%arg10 : memref<64x128xf32, #tpu.memory_space<vmem>>)
      %dma_start3A_365 = arith.constant 1 : i32
      %dma_start3A_366 = arith.constant 29 : i32
      %dma_start3A_367 = arith.constant 0 : i32
      %dma_start3A_368 = tpu.memref_slice %arg8[%dma_start3A_365, %dma_start3A_366, %dma_start3A_367] : memref<2x32x64xi32, #tpu.memory_space<vmem>> -> memref<1x1x64xi32, #tpu.memory_space<vmem>>
      %dma_start3A_369 = tpu.memref_squeeze %dma_start3A_368 : memref<1x1x64xi32, #tpu.memory_space<vmem>> -> memref<64xi32, #tpu.memory_space<vmem>>
      %dma_start3A_370 = arith.constant 0 : i32
      %dma_start3A_371 = arith.constant 0 : i32
      %dma_start3A_372 = tpu.memref_slice %arg23[%dma_start3A_370, %dma_start3A_371] : memref<10240x128xf32, #tpu.memory_space<vmem_shared>> -> memref<10240x128xf32, #tpu.memory_space<vmem_shared>>
      tpu.enqueue_indirect_dma source(%arg10 : memref<64x128xf32, #tpu.memory_space<vmem>>) target(%dma_start3A_372 : memref<10240x128xf32, #tpu.memory_space<vmem_shared>>) offsets(%dma_start3A_369 : memref<64xi32, #tpu.memory_space<vmem>>) semaphore(%arg18 : memref<!tpu.dma_semaphore, #tpu.memory_space<semaphore_mem>>) {add = true}
      %dma_wait3A_373 = arith.constant 1 : i32
      %dma_wait3A_374 = arith.constant 0 : i32
      %dma_wait3A_375 = arith.constant 0 : i32
      %dma_wait3A_376 = tpu.memref_slice %arg7[%dma_wait3A_373, %dma_wait3A_374, %dma_wait3A_375] : memref<2x32x64xi32, #tpu.memory_space<vmem>> -> memref<1x1x64xi32, #tpu.memory_space<vmem>>
      %dma_wait3A_377 = tpu.memref_squeeze %dma_wait3A_376 : memref<1x1x64xi32, #tpu.memory_space<vmem>> -> memref<64xi32, #tpu.memory_space<vmem>>
      %dma_wait3A_378 = arith.constant 0 : i32
      %dma_wait3A_379 = arith.constant 0 : i32
      %dma_wait3A_380 = tpu.memref_slice %arg4[%dma_wait3A_378, %dma_wait3A_379] : memref<20480x128xf32, #tpu.memory_space<hbm>> -> memref<20480x128xf32, #tpu.memory_space<hbm>>
      tpu.wait_indirect_dma semaphore(%arg15 : memref<!tpu.dma_semaphore, #tpu.memory_space<semaphore_mem>>) src(%dma_wait3A_380 : memref<20480x128xf32, #tpu.memory_space<hbm>>) dst(%arg11 : memref<64x128xf32, #tpu.memory_space<vmem>>)
      %dma_start3A_381 = arith.constant 1 : i32
      %dma_start3A_382 = arith.constant 30 : i32
      %dma_start3A_383 = arith.constant 0 : i32
      %dma_start3A_384 = tpu.memref_slice %arg8[%dma_start3A_381, %dma_start3A_382, %dma_start3A_383] : memref<2x32x64xi32, #tpu.memory_space<vmem>> -> memref<1x1x64xi32, #tpu.memory_space<vmem>>
      %dma_start3A_385 = tpu.memref_squeeze %dma_start3A_384 : memref<1x1x64xi32, #tpu.memory_space<vmem>> -> memref<64xi32, #tpu.memory_space<vmem>>
      %dma_start3A_386 = arith.constant 0 : i32
      %dma_start3A_387 = arith.constant 0 : i32
      %dma_start3A_388 = tpu.memref_slice %arg23[%dma_start3A_386, %dma_start3A_387] : memref<10240x128xf32, #tpu.memory_space<vmem_shared>> -> memref<10240x128xf32, #tpu.memory_space<vmem_shared>>
      tpu.enqueue_indirect_dma source(%arg11 : memref<64x128xf32, #tpu.memory_space<vmem>>) target(%dma_start3A_388 : memref<10240x128xf32, #tpu.memory_space<vmem_shared>>) offsets(%dma_start3A_385 : memref<64xi32, #tpu.memory_space<vmem>>) semaphore(%arg19 : memref<!tpu.dma_semaphore, #tpu.memory_space<semaphore_mem>>) {add = true}
      %dma_wait3A_389 = arith.constant 1 : i32
      %dma_wait3A_390 = arith.constant 0 : i32
      %dma_wait3A_391 = arith.constant 0 : i32
      %dma_wait3A_392 = tpu.memref_slice %arg7[%dma_wait3A_389, %dma_wait3A_390, %dma_wait3A_391] : memref<2x32x64xi32, #tpu.memory_space<vmem>> -> memref<1x1x64xi32, #tpu.memory_space<vmem>>
      %dma_wait3A_393 = tpu.memref_squeeze %dma_wait3A_392 : memref<1x1x64xi32, #tpu.memory_space<vmem>> -> memref<64xi32, #tpu.memory_space<vmem>>
      %dma_wait3A_394 = arith.constant 0 : i32
      %dma_wait3A_395 = arith.constant 0 : i32
      %dma_wait3A_396 = tpu.memref_slice %arg4[%dma_wait3A_394, %dma_wait3A_395] : memref<20480x128xf32, #tpu.memory_space<hbm>> -> memref<20480x128xf32, #tpu.memory_space<hbm>>
      tpu.wait_indirect_dma semaphore(%arg16 : memref<!tpu.dma_semaphore, #tpu.memory_space<semaphore_mem>>) src(%dma_wait3A_396 : memref<20480x128xf32, #tpu.memory_space<hbm>>) dst(%arg12 : memref<64x128xf32, #tpu.memory_space<vmem>>)
      %dma_start3A_397 = arith.constant 1 : i32
      %dma_start3A_398 = arith.constant 31 : i32
      %dma_start3A_399 = arith.constant 0 : i32
      %dma_start3A_400 = tpu.memref_slice %arg8[%dma_start3A_397, %dma_start3A_398, %dma_start3A_399] : memref<2x32x64xi32, #tpu.memory_space<vmem>> -> memref<1x1x64xi32, #tpu.memory_space<vmem>>
      %dma_start3A_401 = tpu.memref_squeeze %dma_start3A_400 : memref<1x1x64xi32, #tpu.memory_space<vmem>> -> memref<64xi32, #tpu.memory_space<vmem>>
      %dma_start3A_402 = arith.constant 0 : i32
      %dma_start3A_403 = arith.constant 0 : i32
      %dma_start3A_404 = tpu.memref_slice %arg23[%dma_start3A_402, %dma_start3A_403] : memref<10240x128xf32, #tpu.memory_space<vmem_shared>> -> memref<10240x128xf32, #tpu.memory_space<vmem_shared>>
      tpu.enqueue_indirect_dma source(%arg12 : memref<64x128xf32, #tpu.memory_space<vmem>>) target(%dma_start3A_404 : memref<10240x128xf32, #tpu.memory_space<vmem_shared>>) offsets(%dma_start3A_401 : memref<64xi32, #tpu.memory_space<vmem>>) semaphore(%arg20 : memref<!tpu.dma_semaphore, #tpu.memory_space<semaphore_mem>>) {add = true}
      %dma_wait3A_405 = arith.constant 1 : i32
      %dma_wait3A_406 = arith.constant 0 : i32
      %dma_wait3A_407 = arith.constant 0 : i32
      %dma_wait3A_408 = tpu.memref_slice %arg8[%dma_wait3A_405, %dma_wait3A_406, %dma_wait3A_407] : memref<2x32x64xi32, #tpu.memory_space<vmem>> -> memref<1x1x64xi32, #tpu.memory_space<vmem>>
      %dma_wait3A_409 = tpu.memref_squeeze %dma_wait3A_408 : memref<1x1x64xi32, #tpu.memory_space<vmem>> -> memref<64xi32, #tpu.memory_space<vmem>>
      %dma_wait3A_410 = arith.constant 0 : i32
      %dma_wait3A_411 = arith.constant 0 : i32
      %dma_wait3A_412 = tpu.memref_slice %arg23[%dma_wait3A_410, %dma_wait3A_411] : memref<10240x128xf32, #tpu.memory_space<vmem_shared>> -> memref<10240x128xf32, #tpu.memory_space<vmem_shared>>
      tpu.wait_indirect_dma semaphore(%arg17 : memref<!tpu.dma_semaphore, #tpu.memory_space<semaphore_mem>>) src(%arg9 : memref<64x128xf32, #tpu.memory_space<vmem>>) dst(%dma_wait3A_412 : memref<10240x128xf32, #tpu.memory_space<vmem_shared>>)
      %dma_wait3A_413 = arith.constant 1 : i32
      %dma_wait3A_414 = arith.constant 0 : i32
      %dma_wait3A_415 = arith.constant 0 : i32
      %dma_wait3A_416 = tpu.memref_slice %arg8[%dma_wait3A_413, %dma_wait3A_414, %dma_wait3A_415] : memref<2x32x64xi32, #tpu.memory_space<vmem>> -> memref<1x1x64xi32, #tpu.memory_space<vmem>>
      %dma_wait3A_417 = tpu.memref_squeeze %dma_wait3A_416 : memref<1x1x64xi32, #tpu.memory_space<vmem>> -> memref<64xi32, #tpu.memory_space<vmem>>
      %dma_wait3A_418 = arith.constant 0 : i32
      %dma_wait3A_419 = arith.constant 0 : i32
      %dma_wait3A_420 = tpu.memref_slice %arg23[%dma_wait3A_418, %dma_wait3A_419] : memref<10240x128xf32, #tpu.memory_space<vmem_shared>> -> memref<10240x128xf32, #tpu.memory_space<vmem_shared>>
      tpu.wait_indirect_dma semaphore(%arg18 : memref<!tpu.dma_semaphore, #tpu.memory_space<semaphore_mem>>) src(%arg10 : memref<64x128xf32, #tpu.memory_space<vmem>>) dst(%dma_wait3A_420 : memref<10240x128xf32, #tpu.memory_space<vmem_shared>>)
      %dma_wait3A_421 = arith.constant 1 : i32
      %dma_wait3A_422 = arith.constant 0 : i32
      %dma_wait3A_423 = arith.constant 0 : i32
      %dma_wait3A_424 = tpu.memref_slice %arg8[%dma_wait3A_421, %dma_wait3A_422, %dma_wait3A_423] : memref<2x32x64xi32, #tpu.memory_space<vmem>> -> memref<1x1x64xi32, #tpu.memory_space<vmem>>
      %dma_wait3A_425 = tpu.memref_squeeze %dma_wait3A_424 : memref<1x1x64xi32, #tpu.memory_space<vmem>> -> memref<64xi32, #tpu.memory_space<vmem>>
      %dma_wait3A_426 = arith.constant 0 : i32
      %dma_wait3A_427 = arith.constant 0 : i32
      %dma_wait3A_428 = tpu.memref_slice %arg23[%dma_wait3A_426, %dma_wait3A_427] : memref<10240x128xf32, #tpu.memory_space<vmem_shared>> -> memref<10240x128xf32, #tpu.memory_space<vmem_shared>>
      tpu.wait_indirect_dma semaphore(%arg19 : memref<!tpu.dma_semaphore, #tpu.memory_space<semaphore_mem>>) src(%arg11 : memref<64x128xf32, #tpu.memory_space<vmem>>) dst(%dma_wait3A_428 : memref<10240x128xf32, #tpu.memory_space<vmem_shared>>)
      %dma_wait3A_429 = arith.constant 1 : i32
      %dma_wait3A_430 = arith.constant 0 : i32
      %dma_wait3A_431 = arith.constant 0 : i32
      %dma_wait3A_432 = tpu.memref_slice %arg8[%dma_wait3A_429, %dma_wait3A_430, %dma_wait3A_431] : memref<2x32x64xi32, #tpu.memory_space<vmem>> -> memref<1x1x64xi32, #tpu.memory_space<vmem>>
      %dma_wait3A_433 = tpu.memref_squeeze %dma_wait3A_432 : memref<1x1x64xi32, #tpu.memory_space<vmem>> -> memref<64xi32, #tpu.memory_space<vmem>>
      %dma_wait3A_434 = arith.constant 0 : i32
      %dma_wait3A_435 = arith.constant 0 : i32
      %dma_wait3A_436 = tpu.memref_slice %arg23[%dma_wait3A_434, %dma_wait3A_435] : memref<10240x128xf32, #tpu.memory_space<vmem_shared>> -> memref<10240x128xf32, #tpu.memory_space<vmem_shared>>
      tpu.wait_indirect_dma semaphore(%arg20 : memref<!tpu.dma_semaphore, #tpu.memory_space<semaphore_mem>>) src(%arg12 : memref<64x128xf32, #tpu.memory_space<vmem>>) dst(%dma_wait3A_436 : memref<10240x128xf32, #tpu.memory_space<vmem_shared>>)
      %add3A_437 = arith.constant 2 : i32
      %add3A_438 = arith.addi %add3A_266, %add3A_437 : i32
      %lt3A_439 = arith.constant 10 : i32
      %lt3A_440 = arith.cmpi slt, %add3A_438, %lt3A_439 : i32
      %convert_element_type3A_441 = arith.extui %lt3A_440 : i1 to i32
      %cond3A_442 = arith.constant 0 : i32
      %cond3A_443 = arith.cmpi ne, %convert_element_type3A_441, %cond3A_442 : i32
      scf.if %cond3A_443 {
        %add3A_444 = arith.constant 2 : i32
        %add3A_445 = arith.addi %add3A_266, %add3A_444 : i32
        %min3A = arith.constant 9 : i32
        %min3A_446 = arith.minsi %add3A_445, %min3A : i32
        %dma_start3A_447 = arith.constant 1 : i32
        %dma_start3A_448 = arith.constant 0 : i32
        %dma_start3A_449 = arith.constant 0 : i32
        %dma_start3A_450 = tpu.memref_slice %arg7[%dma_start3A_447, %dma_start3A_448, %dma_start3A_449] : memref<2x32x64xi32, #tpu.memory_space<vmem>> -> memref<1x32x64xi32, #tpu.memory_space<vmem>>
        %dma_start3A_451 = tpu.memref_squeeze %dma_start3A_450 : memref<1x32x64xi32, #tpu.memory_space<vmem>> -> memref<32x64xi32, #tpu.memory_space<vmem>>
        %dma_start3A_452 = arith.constant 0 : i32
        %dma_start3A_453 = arith.constant 0 : i32
        %dma_start3A_454 = tpu.memref_slice %arg2[%add3A, %min3A_446, %dma_start3A_452, %dma_start3A_453] : memref<32x10x32x64xi32, #tpu.memory_space<hbm>> -> memref<1x1x32x64xi32, #tpu.memory_space<hbm>>
        %dma_start3A_455 = tpu.memref_squeeze %dma_start3A_454 : memref<1x1x32x64xi32, #tpu.memory_space<hbm>> -> memref<32x64xi32, #tpu.memory_space<hbm>>
        %dma_start3A_456 = arith.constant 0 : i32
        %dma_start3A_457 = arith.constant 0 : i32
        %dma_start3A_458 = tpu.memref_slice %arg7[%dma_start3A_447, %dma_start3A_456, %dma_start3A_457] : memref<2x32x64xi32, #tpu.memory_space<vmem>> -> memref<1x32x64xi32, #tpu.memory_space<vmem>>
        %dma_start3A_459 = tpu.memref_squeeze %dma_start3A_458 : memref<1x32x64xi32, #tpu.memory_space<vmem>> -> memref<32x64xi32, #tpu.memory_space<vmem>>
        %dma_start3A_460 = arith.constant 0 : i32
        %dma_start3A_461 = arith.constant 0 : i32
        %dma_start3A_462 = tpu.memref_slice %arg2[%add3A, %min3A_446, %dma_start3A_460, %dma_start3A_461] : memref<32x10x32x64xi32, #tpu.memory_space<hbm>> -> memref<1x1x32x64xi32, #tpu.memory_space<hbm>>
        %dma_start3A_463 = tpu.memref_squeeze %dma_start3A_462 : memref<1x1x32x64xi32, #tpu.memory_space<hbm>> -> memref<32x64xi32, #tpu.memory_space<hbm>>
        tpu.enqueue_dma source(%dma_start3A_463 : memref<32x64xi32, #tpu.memory_space<hbm>>) target(%dma_start3A_459 : memref<32x64xi32, #tpu.memory_space<vmem>>) target_semaphore(%arg22 : memref<!tpu.dma_semaphore, #tpu.memory_space<semaphore_mem>>)
        %dma_start3A_464 = arith.constant 1 : i32
        %dma_start3A_465 = arith.constant 0 : i32
        %dma_start3A_466 = arith.constant 0 : i32
        %dma_start3A_467 = tpu.memref_slice %arg8[%dma_start3A_464, %dma_start3A_465, %dma_start3A_466] : memref<2x32x64xi32, #tpu.memory_space<vmem>> -> memref<1x32x64xi32, #tpu.memory_space<vmem>>
        %dma_start3A_468 = tpu.memref_squeeze %dma_start3A_467 : memref<1x32x64xi32, #tpu.memory_space<vmem>> -> memref<32x64xi32, #tpu.memory_space<vmem>>
        %dma_start3A_469 = arith.constant 0 : i32
        %dma_start3A_470 = arith.constant 0 : i32
        %dma_start3A_471 = tpu.memref_slice %arg3[%add3A, %min3A_446, %dma_start3A_469, %dma_start3A_470] : memref<32x10x32x64xi32, #tpu.memory_space<hbm>> -> memref<1x1x32x64xi32, #tpu.memory_space<hbm>>
        %dma_start3A_472 = tpu.memref_squeeze %dma_start3A_471 : memref<1x1x32x64xi32, #tpu.memory_space<hbm>> -> memref<32x64xi32, #tpu.memory_space<hbm>>
        %dma_start3A_473 = arith.constant 0 : i32
        %dma_start3A_474 = arith.constant 0 : i32
        %dma_start3A_475 = tpu.memref_slice %arg8[%dma_start3A_464, %dma_start3A_473, %dma_start3A_474] : memref<2x32x64xi32, #tpu.memory_space<vmem>> -> memref<1x32x64xi32, #tpu.memory_space<vmem>>
        %dma_start3A_476 = tpu.memref_squeeze %dma_start3A_475 : memref<1x32x64xi32, #tpu.memory_space<vmem>> -> memref<32x64xi32, #tpu.memory_space<vmem>>
        %dma_start3A_477 = arith.constant 0 : i32
        %dma_start3A_478 = arith.constant 0 : i32
        %dma_start3A_479 = tpu.memref_slice %arg3[%add3A, %min3A_446, %dma_start3A_477, %dma_start3A_478] : memref<32x10x32x64xi32, #tpu.memory_space<hbm>> -> memref<1x1x32x64xi32, #tpu.memory_space<hbm>>
        %dma_start3A_480 = tpu.memref_squeeze %dma_start3A_479 : memref<1x1x32x64xi32, #tpu.memory_space<hbm>> -> memref<32x64xi32, #tpu.memory_space<hbm>>
        tpu.enqueue_dma source(%dma_start3A_480 : memref<32x64xi32, #tpu.memory_space<hbm>>) target(%dma_start3A_476 : memref<32x64xi32, #tpu.memory_space<vmem>>) target_semaphore(%arg22 : memref<!tpu.dma_semaphore, #tpu.memory_space<semaphore_mem>>)
      } else {
      }
    }
    %scan3A_78 = arith.constant 5 : i32
    %barrier3A_79 = arith.constant 0 : index
    tpu.barrier barrier_id(%barrier3A_79)
    %mul3A_80 = arith.constant 640 : i32
    %mul3A_81 = arith.muli %arg1, %mul3A_80 : i32
    %mul3A_82 = arith.constant 10240 : i32
    %mul3A_83 = arith.muli %arg0, %mul3A_82 : i32
    %mul3A_84 = arith.constant 640 : i32
    %mul3A_85 = arith.muli %arg1, %mul3A_84 : i32
    %add3A_86 = arith.addi %mul3A_83, %mul3A_85 : i32
    "tpu.region"() ({
      %run_scoped3A = tpu.sem_alloc : memref<!tpu.dma_semaphore, #tpu.memory_space<semaphore_mem>>
      %dma_start3A_87 = arith.constant 0 : i32
      %dma_start3A_88 = tpu.memref_slice %arg6[%add3A_86, %dma_start3A_87] : memref<20480x128xf32, #tpu.memory_space<hbm>> -> memref<640x128xf32, #tpu.memory_space<hbm>>
      %dma_start3A_89 = arith.constant 0 : i32
      %dma_start3A_90 = tpu.memref_slice %arg23[%mul3A_81, %dma_start3A_89] : memref<10240x128xf32, #tpu.memory_space<vmem_shared>> -> memref<640x128xf32, #tpu.memory_space<vmem_shared>>
      tpu.enqueue_dma source(%dma_start3A_90 : memref<640x128xf32, #tpu.memory_space<vmem_shared>>) target(%dma_start3A_88 : memref<640x128xf32, #tpu.memory_space<hbm>>) target_semaphore(%run_scoped3A : memref<!tpu.dma_semaphore, #tpu.memory_space<semaphore_mem>>)
      %dma_wait3A = arith.constant 0 : i32
      %dma_wait3A_91 = tpu.memref_slice %arg6[%add3A_86, %dma_wait3A] : memref<20480x128xf32, #tpu.memory_space<hbm>> -> memref<640x128xf32, #tpu.memory_space<hbm>>
      %dma_wait3A_92 = arith.constant 0 : i32
      %dma_wait3A_93 = tpu.memref_slice %arg23[%mul3A_81, %dma_wait3A_92] : memref<10240x128xf32, #tpu.memory_space<vmem_shared>> -> memref<640x128xf32, #tpu.memory_space<vmem_shared>>
      tpu.wait_dma2 semaphore(%run_scoped3A : memref<!tpu.dma_semaphore, #tpu.memory_space<semaphore_mem>>) src(%dma_wait3A_93 : memref<640x128xf32, #tpu.memory_space<vmem_shared>>) dst(%dma_wait3A_91 : memref<640x128xf32, #tpu.memory_space<hbm>>)
      tpu.yield
    }) : () -> ()
    return
  }
}

module attributes {stable_mosaic.version = 14 : i64} {
  func.func @_prep_body(%arg0: i32, %arg1: memref<1x1000x128xf32, #tpu.memory_space<vmem>>, %arg2: memref<1x1000x1xf32, #tpu.memory_space<vmem>>, %arg3: memref<1x128xf32, #tpu.memory_space<vmem>>, %arg4: memref<1x128xf32, #tpu.memory_space<vmem>>, %arg5: memref<1x1000x128xf32, #tpu.memory_space<vmem>>, %arg6: memref<1x1000x1xf32, #tpu.memory_space<vmem>>) attributes {dimension_semantics = [#tpu.dimension_semantics<arbitrary>], iteration_bounds = array<i64: 20>, scalar_prefetch = 0 : i64, scratch_operands = 0 : i64, tpu.core_type = #tpu.core_type<tc>, window_params = [{transform_indices = @transform_0, window_bounds = array<i64: 1, 1000, 128>}, {transform_indices = @transform_1, window_bounds = array<i64: 1, 1000, 1>}, {pipeline_mode = #tpu.pipeline_mode<synchronous>, transform_indices = @transform_2, window_bounds = array<i64: 1, 128>}, {pipeline_mode = #tpu.pipeline_mode<synchronous>, transform_indices = @transform_3, window_bounds = array<i64: 1, 128>}, {transform_indices = @transform_4, window_bounds = array<i64: 1, 1000, 128>}, {transform_indices = @transform_5, window_bounds = array<i64: 1, 1000, 1>}]} {
    %get3A = arith.constant 0 : index
    %get3A_0 = arith.constant 0 : index
    %get3A_1 = arith.constant 0 : index
    %get3A_2 = vector.load %arg2[%get3A, %get3A_0, %get3A_1] : memref<1x1000x1xf32, #tpu.memory_space<vmem>>, vector<1x1000x1xf32>
    %get3A_3 = vector.shape_cast %get3A_2 : vector<1x1000x1xf32> to vector<1000x1xf32>
    %rsqrt3A = math.rsqrt %get3A_3 : vector<1000x1xf32>
    %lt3A = arith.constant 10 : i32
    %lt3A_4 = arith.cmpi slt, %arg0, %lt3A : i32
    %get3A_5 = arith.constant 0 : index
    %get3A_6 = arith.constant 0 : index
    %get3A_7 = vector.load %arg3[%get3A_5, %get3A_6] : memref<1x128xf32, #tpu.memory_space<vmem>>, vector<1x128xf32>
    %mul3A = arith.constant 0.999994993 : f32
    %mul3A_8 = vector.broadcast %mul3A : f32 to vector<1x128xf32>
    %mul3A_9 = arith.mulf %get3A_7, %mul3A_8 : vector<1x128xf32>
    %jit3A = arith.constant 1.000000e+00 : f32
    %broadcast_in_dim3A = vector.broadcast %jit3A : f32 to vector<1x128xf32>
    %select_n3A = arith.select %lt3A_4, %mul3A_9, %broadcast_in_dim3A : vector<1x128xf32>
    %get3A_10 = arith.constant 0 : index
    %get3A_11 = arith.constant 0 : index
    %get3A_12 = vector.load %arg4[%get3A_10, %get3A_11] : memref<1x128xf32, #tpu.memory_space<vmem>>, vector<1x128xf32>
    %jit3A_13 = arith.constant 0.000000e+00 : f32
    %broadcast_in_dim3A_14 = vector.broadcast %jit3A_13 : f32 to vector<1x128xf32>
    %select_n3A_15 = arith.select %lt3A_4, %get3A_12, %broadcast_in_dim3A_14 : vector<1x128xf32>
    %get3A_16 = arith.constant 0 : index
    %get3A_17 = arith.constant 0 : index
    %get3A_18 = arith.constant 0 : index
    %get3A_19 = vector.load %arg1[%get3A_16, %get3A_17, %get3A_18] : memref<1x1000x128xf32, #tpu.memory_space<vmem>>, vector<1x1000x128xf32>
    %get3A_20 = vector.shape_cast %get3A_19 : vector<1x1000x128xf32> to vector<1000x128xf32>
    %mul3A_21 = vector.broadcast %select_n3A : vector<1x128xf32> to vector<1000x128xf32>
    %mul3A_22 = arith.mulf %get3A_20, %mul3A_21 : vector<1000x128xf32>
    %add3A = vector.broadcast %select_n3A_15 : vector<1x128xf32> to vector<1000x128xf32>
    %add3A_23 = arith.addf %mul3A_22, %add3A : vector<1000x128xf32>
    %mul3A_24 = vector.broadcast %rsqrt3A : vector<1000x1xf32> to vector<1000x128xf32>
    %mul3A_25 = arith.mulf %mul3A_24, %add3A_23 : vector<1000x128xf32>
    %swap3A = arith.constant 0 : index
    %swap3A_26 = arith.constant 0 : index
    %swap3A_27 = arith.constant 0 : index
    %swap3A_28 = vector.load %arg5[%swap3A, %swap3A_26, %swap3A_27] : memref<1x1000x128xf32, #tpu.memory_space<vmem>>, vector<1x1000x128xf32>
    %swap3A_29 = vector.shape_cast %swap3A_28 : vector<1x1000x128xf32> to vector<1000x128xf32>
    %swap3A_30 = vector.shape_cast %mul3A_25 : vector<1000x128xf32> to vector<1x1000x128xf32>
    tpu.vector_store %arg5[%swap3A, %swap3A_26, %swap3A_27], %swap3A_30 {strides = array<i32>} : memref<1x1000x128xf32, #tpu.memory_space<vmem>>, vector<1x1000x128xf32>,
    %swap3A_31 = arith.constant 0 : index
    %swap3A_32 = arith.constant 0 : index
    %swap3A_33 = arith.constant 0 : index
    %swap3A_34 = vector.load %arg6[%swap3A_31, %swap3A_32, %swap3A_33] : memref<1x1000x1xf32, #tpu.memory_space<vmem>>, vector<1x1000x1xf32>
    %swap3A_35 = vector.shape_cast %swap3A_34 : vector<1x1000x1xf32> to vector<1000x1xf32>
    %swap3A_36 = vector.shape_cast %rsqrt3A : vector<1000x1xf32> to vector<1x1000x1xf32>
    tpu.vector_store %arg6[%swap3A_31, %swap3A_32, %swap3A_33], %swap3A_36 {strides = array<i32>} : memref<1x1000x1xf32, #tpu.memory_space<vmem>>, vector<1x1000x1xf32>,
    return
  }
  func.func @transform_0(%arg0: i32) -> (i32, i32, i32) {
    %jit3A = arith.constant 10 : i32
    %div3A = arith.divsi %arg0, %jit3A : i32
    %sign3A = arith.constant 0 : i32
    %sign3A_0 = arith.cmpi sgt, %arg0, %sign3A : i32
    %sign3A_1 = arith.extui %sign3A_0 : i1 to i32
    %sign3A_2 = arith.constant 0 : i32
    %sign3A_3 = arith.cmpi slt, %arg0, %sign3A_2 : i32
    %sign3A_4 = arith.extui %sign3A_3 : i1 to i32
    %sign3A_5 = arith.subi %sign3A_1, %sign3A_4 : i32
    %sign3A_6 = arith.constant 0 : i32
    %sign3A_7 = arith.cmpi sgt, %jit3A, %sign3A_6 : i32
    %sign3A_8 = arith.extui %sign3A_7 : i1 to i32
    %sign3A_9 = arith.constant 0 : i32
    %sign3A_10 = arith.cmpi slt, %jit3A, %sign3A_9 : i32
    %sign3A_11 = arith.extui %sign3A_10 : i1 to i32
    %sign3A_12 = arith.subi %sign3A_8, %sign3A_11 : i32
    %ne3A = arith.cmpi ne, %sign3A_5, %sign3A_12 : i32
    %rem3A = arith.remsi %arg0, %jit3A : i32
    %ne3A_13 = arith.constant 0 : i32
    %ne3A_14 = arith.cmpi ne, %rem3A, %ne3A_13 : i32
    %and3A = arith.andi %ne3A, %ne3A_14 : i1
    %sub3A = arith.constant 1 : i32
    %sub3A_15 = arith.subi %div3A, %sub3A : i32
    %select_n3A = arith.select %and3A, %sub3A_15, %div3A : i32
    %jit3A_16 = arith.constant 10 : i32
    %eq3A = arith.constant 0 : i32
    %eq3A_17 = arith.cmpi eq, %jit3A_16, %eq3A : i32
    %jit3A_18 = arith.constant 1 : i32
    %select_n3A_19 = arith.select %eq3A_17, %jit3A_18, %jit3A_16 : i32
    %rem3A_20 = arith.remsi %arg0, %select_n3A_19 : i32
    %ne3A_21 = arith.constant 0 : i32
    %ne3A_22 = arith.cmpi ne, %rem3A_20, %ne3A_21 : i32
    %lt3A = arith.constant 0 : i32
    %lt3A_23 = arith.cmpi slt, %rem3A_20, %lt3A : i32
    %lt3A_24 = arith.constant 0 : i32
    %lt3A_25 = arith.cmpi slt, %select_n3A_19, %lt3A_24 : i32
    %ne3A_26 = arith.xori %lt3A_23, %lt3A_25 : i1
    %and3A_27 = arith.andi %ne3A_26, %ne3A_22 : i1
    %add3A = arith.addi %rem3A_20, %select_n3A_19 : i32
    %select_n3A_28 = arith.select %and3A_27, %add3A, %rem3A_20 : i32
    %c0_i32 = arith.constant 0 : i32
    %c0_i32_29 = arith.constant 0 : i32
    return %select_n3A, %select_n3A_28, %c0_i32 : i32, i32, i32
  }
  func.func @transform_1(%arg0: i32) -> (i32, i32, i32) {
    %jit3A = arith.constant 10 : i32
    %div3A = arith.divsi %arg0, %jit3A : i32
    %sign3A = arith.constant 0 : i32
    %sign3A_0 = arith.cmpi sgt, %arg0, %sign3A : i32
    %sign3A_1 = arith.extui %sign3A_0 : i1 to i32
    %sign3A_2 = arith.constant 0 : i32
    %sign3A_3 = arith.cmpi slt, %arg0, %sign3A_2 : i32
    %sign3A_4 = arith.extui %sign3A_3 : i1 to i32
    %sign3A_5 = arith.subi %sign3A_1, %sign3A_4 : i32
    %sign3A_6 = arith.constant 0 : i32
    %sign3A_7 = arith.cmpi sgt, %jit3A, %sign3A_6 : i32
    %sign3A_8 = arith.extui %sign3A_7 : i1 to i32
    %sign3A_9 = arith.constant 0 : i32
    %sign3A_10 = arith.cmpi slt, %jit3A, %sign3A_9 : i32
    %sign3A_11 = arith.extui %sign3A_10 : i1 to i32
    %sign3A_12 = arith.subi %sign3A_8, %sign3A_11 : i32
    %ne3A = arith.cmpi ne, %sign3A_5, %sign3A_12 : i32
    %rem3A = arith.remsi %arg0, %jit3A : i32
    %ne3A_13 = arith.constant 0 : i32
    %ne3A_14 = arith.cmpi ne, %rem3A, %ne3A_13 : i32
    %and3A = arith.andi %ne3A, %ne3A_14 : i1
    %sub3A = arith.constant 1 : i32
    %sub3A_15 = arith.subi %div3A, %sub3A : i32
    %select_n3A = arith.select %and3A, %sub3A_15, %div3A : i32
    %jit3A_16 = arith.constant 10 : i32
    %eq3A = arith.constant 0 : i32
    %eq3A_17 = arith.cmpi eq, %jit3A_16, %eq3A : i32
    %jit3A_18 = arith.constant 1 : i32
    %select_n3A_19 = arith.select %eq3A_17, %jit3A_18, %jit3A_16 : i32
    %rem3A_20 = arith.remsi %arg0, %select_n3A_19 : i32
    %ne3A_21 = arith.constant 0 : i32
    %ne3A_22 = arith.cmpi ne, %rem3A_20, %ne3A_21 : i32
    %lt3A = arith.constant 0 : i32
    %lt3A_23 = arith.cmpi slt, %rem3A_20, %lt3A : i32
    %lt3A_24 = arith.constant 0 : i32
    %lt3A_25 = arith.cmpi slt, %select_n3A_19, %lt3A_24 : i32
    %ne3A_26 = arith.xori %lt3A_23, %lt3A_25 : i1
    %and3A_27 = arith.andi %ne3A_26, %ne3A_22 : i1
    %add3A = arith.addi %rem3A_20, %select_n3A_19 : i32
    %select_n3A_28 = arith.select %and3A_27, %add3A, %rem3A_20 : i32
    %c0_i32 = arith.constant 0 : i32
    %c0_i32_29 = arith.constant 0 : i32
    return %select_n3A, %select_n3A_28, %c0_i32 : i32, i32, i32
  }
  func.func @transform_2(%arg0: i32) -> (i32, i32) {
    %c0_i32 = arith.constant 0 : i32
    %c0_i32_0 = arith.constant 0 : i32
    %c0_i32_1 = arith.constant 0 : i32
    return %c0_i32, %c0_i32_0 : i32, i32
  }
  func.func @transform_3(%arg0: i32) -> (i32, i32) {
    %c0_i32 = arith.constant 0 : i32
    %c0_i32_0 = arith.constant 0 : i32
    %c0_i32_1 = arith.constant 0 : i32
    return %c0_i32, %c0_i32_0 : i32, i32
  }
  func.func @transform_4(%arg0: i32) -> (i32, i32, i32) {
    %jit3A = arith.constant 10 : i32
    %div3A = arith.divsi %arg0, %jit3A : i32
    %sign3A = arith.constant 0 : i32
    %sign3A_0 = arith.cmpi sgt, %arg0, %sign3A : i32
    %sign3A_1 = arith.extui %sign3A_0 : i1 to i32
    %sign3A_2 = arith.constant 0 : i32
    %sign3A_3 = arith.cmpi slt, %arg0, %sign3A_2 : i32
    %sign3A_4 = arith.extui %sign3A_3 : i1 to i32
    %sign3A_5 = arith.subi %sign3A_1, %sign3A_4 : i32
    %sign3A_6 = arith.constant 0 : i32
    %sign3A_7 = arith.cmpi sgt, %jit3A, %sign3A_6 : i32
    %sign3A_8 = arith.extui %sign3A_7 : i1 to i32
    %sign3A_9 = arith.constant 0 : i32
    %sign3A_10 = arith.cmpi slt, %jit3A, %sign3A_9 : i32
    %sign3A_11 = arith.extui %sign3A_10 : i1 to i32
    %sign3A_12 = arith.subi %sign3A_8, %sign3A_11 : i32
    %ne3A = arith.cmpi ne, %sign3A_5, %sign3A_12 : i32
    %rem3A = arith.remsi %arg0, %jit3A : i32
    %ne3A_13 = arith.constant 0 : i32
    %ne3A_14 = arith.cmpi ne, %rem3A, %ne3A_13 : i32
    %and3A = arith.andi %ne3A, %ne3A_14 : i1
    %sub3A = arith.constant 1 : i32
    %sub3A_15 = arith.subi %div3A, %sub3A : i32
    %select_n3A = arith.select %and3A, %sub3A_15, %div3A : i32
    %jit3A_16 = arith.constant 10 : i32
    %eq3A = arith.constant 0 : i32
    %eq3A_17 = arith.cmpi eq, %jit3A_16, %eq3A : i32
    %jit3A_18 = arith.constant 1 : i32
    %select_n3A_19 = arith.select %eq3A_17, %jit3A_18, %jit3A_16 : i32
    %rem3A_20 = arith.remsi %arg0, %select_n3A_19 : i32
    %ne3A_21 = arith.constant 0 : i32
    %ne3A_22 = arith.cmpi ne, %rem3A_20, %ne3A_21 : i32
    %lt3A = arith.constant 0 : i32
    %lt3A_23 = arith.cmpi slt, %rem3A_20, %lt3A : i32
    %lt3A_24 = arith.constant 0 : i32
    %lt3A_25 = arith.cmpi slt, %select_n3A_19, %lt3A_24 : i32
    %ne3A_26 = arith.xori %lt3A_23, %lt3A_25 : i1
    %and3A_27 = arith.andi %ne3A_26, %ne3A_22 : i1
    %add3A = arith.addi %rem3A_20, %select_n3A_19 : i32
    %select_n3A_28 = arith.select %and3A_27, %add3A, %rem3A_20 : i32
    %c0_i32 = arith.constant 0 : i32
    %c0_i32_29 = arith.constant 0 : i32
    return %select_n3A, %select_n3A_28, %c0_i32 : i32, i32, i32
  }
  func.func @transform_5(%arg0: i32) -> (i32, i32, i32) {
    %jit3A = arith.constant 10 : i32
    %div3A = arith.divsi %arg0, %jit3A : i32
    %sign3A = arith.constant 0 : i32
    %sign3A_0 = arith.cmpi sgt, %arg0, %sign3A : i32
    %sign3A_1 = arith.extui %sign3A_0 : i1 to i32
    %sign3A_2 = arith.constant 0 : i32
    %sign3A_3 = arith.cmpi slt, %arg0, %sign3A_2 : i32
    %sign3A_4 = arith.extui %sign3A_3 : i1 to i32
    %sign3A_5 = arith.subi %sign3A_1, %sign3A_4 : i32
    %sign3A_6 = arith.constant 0 : i32
    %sign3A_7 = arith.cmpi sgt, %jit3A, %sign3A_6 : i32
    %sign3A_8 = arith.extui %sign3A_7 : i1 to i32
    %sign3A_9 = arith.constant 0 : i32
    %sign3A_10 = arith.cmpi slt, %jit3A, %sign3A_9 : i32
    %sign3A_11 = arith.extui %sign3A_10 : i1 to i32
    %sign3A_12 = arith.subi %sign3A_8, %sign3A_11 : i32
    %ne3A = arith.cmpi ne, %sign3A_5, %sign3A_12 : i32
    %rem3A = arith.remsi %arg0, %jit3A : i32
    %ne3A_13 = arith.constant 0 : i32
    %ne3A_14 = arith.cmpi ne, %rem3A, %ne3A_13 : i32
    %and3A = arith.andi %ne3A, %ne3A_14 : i1
    %sub3A = arith.constant 1 : i32
    %sub3A_15 = arith.subi %div3A, %sub3A : i32
    %select_n3A = arith.select %and3A, %sub3A_15, %div3A : i32
    %jit3A_16 = arith.constant 10 : i32
    %eq3A = arith.constant 0 : i32
    %eq3A_17 = arith.cmpi eq, %jit3A_16, %eq3A : i32
    %jit3A_18 = arith.constant 1 : i32
    %select_n3A_19 = arith.select %eq3A_17, %jit3A_18, %jit3A_16 : i32
    %rem3A_20 = arith.remsi %arg0, %select_n3A_19 : i32
    %ne3A_21 = arith.constant 0 : i32
    %ne3A_22 = arith.cmpi ne, %rem3A_20, %ne3A_21 : i32
    %lt3A = arith.constant 0 : i32
    %lt3A_23 = arith.cmpi slt, %rem3A_20, %lt3A : i32
    %lt3A_24 = arith.constant 0 : i32
    %lt3A_25 = arith.cmpi slt, %select_n3A_19, %lt3A_24 : i32
    %ne3A_26 = arith.xori %lt3A_23, %lt3A_25 : i1
    %and3A_27 = arith.andi %ne3A_26, %ne3A_22 : i1
    %add3A = arith.addi %rem3A_20, %select_n3A_19 : i32
    %select_n3A_28 = arith.select %and3A_27, %add3A, %rem3A_20 : i32
    %c0_i32 = arith.constant 0 : i32
    %c0_i32_29 = arith.constant 0 : i32
    return %select_n3A, %select_n3A_28, %c0_i32 : i32, i32, i32
  }
}

module attributes {stable_mosaic.version = 14 : i64} {
  func.func @_mid_body(%arg0: i32, %arg1: memref<1x1000x128xf32, #tpu.memory_space<vmem>>, %arg2: memref<1x1000x128xf32, #tpu.memory_space<vmem>>, %arg3: memref<1x1000x1xf32, #tpu.memory_space<vmem>>, %arg4: memref<1x128x256xf32, #tpu.memory_space<vmem>>, %arg5: memref<1x1x256xf32, #tpu.memory_space<vmem>>, %arg6: memref<1x256x128xf32, #tpu.memory_space<vmem>>, %arg7: memref<1x1000x128xf32, #tpu.memory_space<vmem>>) attributes {dimension_semantics = [#tpu.dimension_semantics<arbitrary>], iteration_bounds = array<i64: 20>, scalar_prefetch = 0 : i64, scratch_operands = 0 : i64, tpu.core_type = #tpu.core_type<tc>, window_params = [{transform_indices = @transform_0, window_bounds = array<i64: 1, 1000, 128>}, {transform_indices = @transform_1, window_bounds = array<i64: 1, 1000, 128>}, {transform_indices = @transform_2, window_bounds = array<i64: 1, 1000, 1>}, {transform_indices = @transform_3, window_bounds = array<i64: 1, 128, 256>}, {transform_indices = @transform_4, window_bounds = array<i64: 1, 1, 256>}, {transform_indices = @transform_5, window_bounds = array<i64: 1, 256, 128>}, {transform_indices = @transform_6, window_bounds = array<i64: 1, 1000, 128>}]} {
    %get3A = arith.constant 0 : index
    %get3A_0 = arith.constant 0 : index
    %get3A_1 = arith.constant 0 : index
    %get3A_2 = vector.load %arg3[%get3A, %get3A_0, %get3A_1] : memref<1x1000x1xf32, #tpu.memory_space<vmem>>, vector<1x1000x1xf32>
    %get3A_3 = vector.shape_cast %get3A_2 : vector<1x1000x1xf32> to vector<1000x1xf32>
    %get3A_4 = arith.constant 0 : index
    %get3A_5 = arith.constant 0 : index
    %get3A_6 = arith.constant 0 : index
    %get3A_7 = vector.load %arg1[%get3A_4, %get3A_5, %get3A_6] : memref<1x1000x128xf32, #tpu.memory_space<vmem>>, vector<1x1000x128xf32>
    %get3A_8 = vector.shape_cast %get3A_7 : vector<1x1000x128xf32> to vector<1000x128xf32>
    %get3A_9 = arith.constant 0 : index
    %get3A_10 = arith.constant 0 : index
    %get3A_11 = arith.constant 0 : index
    %get3A_12 = vector.load %arg2[%get3A_9, %get3A_10, %get3A_11] : memref<1x1000x128xf32, #tpu.memory_space<vmem>>, vector<1x1000x128xf32>
    %get3A_13 = vector.shape_cast %get3A_12 : vector<1x1000x128xf32> to vector<1000x128xf32>
    %add3A = arith.addf %get3A_8, %get3A_13 : vector<1000x128xf32>
    %mul3A = vector.broadcast %get3A_3 : vector<1000x1xf32> to vector<1000x128xf32>
    %mul3A_14 = arith.mulf %mul3A, %add3A : vector<1000x128xf32>
    %get3A_15 = arith.constant 0 : index
    %get3A_16 = arith.constant 0 : index
    %get3A_17 = arith.constant 0 : index
    %get3A_18 = vector.load %arg4[%get3A_15, %get3A_16, %get3A_17] : memref<1x128x256xf32, #tpu.memory_space<vmem>>, vector<1x128x256xf32>
    %get3A_19 = vector.shape_cast %get3A_18 : vector<1x128x256xf32> to vector<128x256xf32>
    %dot_general3A = arith.constant dense<0.000000e+00> : vector<1000x256xf32>
    %dot_general3A_20 = tpu.matmul %mul3A_14, %get3A_19, %dot_general3A {dimension_numbers = #tpu.dot_dimension_numbers<[1], [0], [0], [1], [0, 0, 1, 1], [], []>, transpose_lhs_hint = false} : vector<1000x128xf32>, vector<128x256xf32>, vector<1000x256xf32> -> vector<1000x256xf32>
    %get3A_21 = arith.constant 0 : index
    %get3A_22 = arith.constant 0 : index
    %get3A_23 = arith.constant 0 : index
    %get3A_24 = vector.load %arg5[%get3A_21, %get3A_22, %get3A_23] : memref<1x1x256xf32, #tpu.memory_space<vmem>>, vector<1x1x256xf32>
    %get3A_25 = vector.shape_cast %get3A_24 : vector<1x1x256xf32> to vector<1x256xf32>
    %add3A_26 = vector.broadcast %get3A_25 : vector<1x256xf32> to vector<1000x256xf32>
    %add3A_27 = arith.addf %dot_general3A_20, %add3A_26 : vector<1000x256xf32>
    %max3A = arith.constant 0.000000e+00 : f32
    %max3A_28 = vector.broadcast %max3A : f32 to vector<1000x256xf32>
    %max3A_29 = arith.maximumf %add3A_27, %max3A_28 : vector<1000x256xf32>
    %get3A_30 = arith.constant 0 : index
    %get3A_31 = arith.constant 0 : index
    %get3A_32 = arith.constant 0 : index
    %get3A_33 = vector.load %arg6[%get3A_30, %get3A_31, %get3A_32] : memref<1x256x128xf32, #tpu.memory_space<vmem>>, vector<1x256x128xf32>
    %get3A_34 = vector.shape_cast %get3A_33 : vector<1x256x128xf32> to vector<256x128xf32>
    %dot_general3A_35 = arith.constant dense<0.000000e+00> : vector<1000x128xf32>
    %dot_general3A_36 = tpu.matmul %max3A_29, %get3A_34, %dot_general3A_35 {dimension_numbers = #tpu.dot_dimension_numbers<[1], [0], [0], [1], [0, 0, 1, 1], [], []>, transpose_lhs_hint = false} : vector<1000x256xf32>, vector<256x128xf32>, vector<1000x128xf32> -> vector<1000x128xf32>
    %mul3A_37 = vector.broadcast %get3A_3 : vector<1000x1xf32> to vector<1000x128xf32>
    %mul3A_38 = arith.mulf %mul3A_37, %dot_general3A_36 : vector<1000x128xf32>
    %swap3A = arith.constant 0 : index
    %swap3A_39 = arith.constant 0 : index
    %swap3A_40 = arith.constant 0 : index
    %swap3A_41 = vector.load %arg7[%swap3A, %swap3A_39, %swap3A_40] : memref<1x1000x128xf32, #tpu.memory_space<vmem>>, vector<1x1000x128xf32>
    %swap3A_42 = vector.shape_cast %swap3A_41 : vector<1x1000x128xf32> to vector<1000x128xf32>
    %swap3A_43 = vector.shape_cast %mul3A_38 : vector<1000x128xf32> to vector<1x1000x128xf32>
    tpu.vector_store %arg7[%swap3A, %swap3A_39, %swap3A_40], %swap3A_43 {strides = array<i32>} : memref<1x1000x128xf32, #tpu.memory_space<vmem>>, vector<1x1000x128xf32>,
    return
  }
  func.func @transform_0(%arg0: i32) -> (i32, i32, i32) {
    %jit3A = arith.constant 10 : i32
    %div3A = arith.divsi %arg0, %jit3A : i32
    %sign3A = arith.constant 0 : i32
    %sign3A_0 = arith.cmpi sgt, %arg0, %sign3A : i32
    %sign3A_1 = arith.extui %sign3A_0 : i1 to i32
    %sign3A_2 = arith.constant 0 : i32
    %sign3A_3 = arith.cmpi slt, %arg0, %sign3A_2 : i32
    %sign3A_4 = arith.extui %sign3A_3 : i1 to i32
    %sign3A_5 = arith.subi %sign3A_1, %sign3A_4 : i32
    %sign3A_6 = arith.constant 0 : i32
    %sign3A_7 = arith.cmpi sgt, %jit3A, %sign3A_6 : i32
    %sign3A_8 = arith.extui %sign3A_7 : i1 to i32
    %sign3A_9 = arith.constant 0 : i32
    %sign3A_10 = arith.cmpi slt, %jit3A, %sign3A_9 : i32
    %sign3A_11 = arith.extui %sign3A_10 : i1 to i32
    %sign3A_12 = arith.subi %sign3A_8, %sign3A_11 : i32
    %ne3A = arith.cmpi ne, %sign3A_5, %sign3A_12 : i32
    %rem3A = arith.remsi %arg0, %jit3A : i32
    %ne3A_13 = arith.constant 0 : i32
    %ne3A_14 = arith.cmpi ne, %rem3A, %ne3A_13 : i32
    %and3A = arith.andi %ne3A, %ne3A_14 : i1
    %sub3A = arith.constant 1 : i32
    %sub3A_15 = arith.subi %div3A, %sub3A : i32
    %select_n3A = arith.select %and3A, %sub3A_15, %div3A : i32
    %jit3A_16 = arith.constant 10 : i32
    %eq3A = arith.constant 0 : i32
    %eq3A_17 = arith.cmpi eq, %jit3A_16, %eq3A : i32
    %jit3A_18 = arith.constant 1 : i32
    %select_n3A_19 = arith.select %eq3A_17, %jit3A_18, %jit3A_16 : i32
    %rem3A_20 = arith.remsi %arg0, %select_n3A_19 : i32
    %ne3A_21 = arith.constant 0 : i32
    %ne3A_22 = arith.cmpi ne, %rem3A_20, %ne3A_21 : i32
    %lt3A = arith.constant 0 : i32
    %lt3A_23 = arith.cmpi slt, %rem3A_20, %lt3A : i32
    %lt3A_24 = arith.constant 0 : i32
    %lt3A_25 = arith.cmpi slt, %select_n3A_19, %lt3A_24 : i32
    %ne3A_26 = arith.xori %lt3A_23, %lt3A_25 : i1
    %and3A_27 = arith.andi %ne3A_26, %ne3A_22 : i1
    %add3A = arith.addi %rem3A_20, %select_n3A_19 : i32
    %select_n3A_28 = arith.select %and3A_27, %add3A, %rem3A_20 : i32
    %c0_i32 = arith.constant 0 : i32
    %c0_i32_29 = arith.constant 0 : i32
    return %select_n3A, %select_n3A_28, %c0_i32 : i32, i32, i32
  }
  func.func @transform_1(%arg0: i32) -> (i32, i32, i32) {
    %jit3A = arith.constant 10 : i32
    %div3A = arith.divsi %arg0, %jit3A : i32
    %sign3A = arith.constant 0 : i32
    %sign3A_0 = arith.cmpi sgt, %arg0, %sign3A : i32
    %sign3A_1 = arith.extui %sign3A_0 : i1 to i32
    %sign3A_2 = arith.constant 0 : i32
    %sign3A_3 = arith.cmpi slt, %arg0, %sign3A_2 : i32
    %sign3A_4 = arith.extui %sign3A_3 : i1 to i32
    %sign3A_5 = arith.subi %sign3A_1, %sign3A_4 : i32
    %sign3A_6 = arith.constant 0 : i32
    %sign3A_7 = arith.cmpi sgt, %jit3A, %sign3A_6 : i32
    %sign3A_8 = arith.extui %sign3A_7 : i1 to i32
    %sign3A_9 = arith.constant 0 : i32
    %sign3A_10 = arith.cmpi slt, %jit3A, %sign3A_9 : i32
    %sign3A_11 = arith.extui %sign3A_10 : i1 to i32
    %sign3A_12 = arith.subi %sign3A_8, %sign3A_11 : i32
    %ne3A = arith.cmpi ne, %sign3A_5, %sign3A_12 : i32
    %rem3A = arith.remsi %arg0, %jit3A : i32
    %ne3A_13 = arith.constant 0 : i32
    %ne3A_14 = arith.cmpi ne, %rem3A, %ne3A_13 : i32
    %and3A = arith.andi %ne3A, %ne3A_14 : i1
    %sub3A = arith.constant 1 : i32
    %sub3A_15 = arith.subi %div3A, %sub3A : i32
    %select_n3A = arith.select %and3A, %sub3A_15, %div3A : i32
    %jit3A_16 = arith.constant 10 : i32
    %eq3A = arith.constant 0 : i32
    %eq3A_17 = arith.cmpi eq, %jit3A_16, %eq3A : i32
    %jit3A_18 = arith.constant 1 : i32
    %select_n3A_19 = arith.select %eq3A_17, %jit3A_18, %jit3A_16 : i32
    %rem3A_20 = arith.remsi %arg0, %select_n3A_19 : i32
    %ne3A_21 = arith.constant 0 : i32
    %ne3A_22 = arith.cmpi ne, %rem3A_20, %ne3A_21 : i32
    %lt3A = arith.constant 0 : i32
    %lt3A_23 = arith.cmpi slt, %rem3A_20, %lt3A : i32
    %lt3A_24 = arith.constant 0 : i32
    %lt3A_25 = arith.cmpi slt, %select_n3A_19, %lt3A_24 : i32
    %ne3A_26 = arith.xori %lt3A_23, %lt3A_25 : i1
    %and3A_27 = arith.andi %ne3A_26, %ne3A_22 : i1
    %add3A = arith.addi %rem3A_20, %select_n3A_19 : i32
    %select_n3A_28 = arith.select %and3A_27, %add3A, %rem3A_20 : i32
    %c0_i32 = arith.constant 0 : i32
    %c0_i32_29 = arith.constant 0 : i32
    return %select_n3A, %select_n3A_28, %c0_i32 : i32, i32, i32
  }
  func.func @transform_2(%arg0: i32) -> (i32, i32, i32) {
    %jit3A = arith.constant 10 : i32
    %div3A = arith.divsi %arg0, %jit3A : i32
    %sign3A = arith.constant 0 : i32
    %sign3A_0 = arith.cmpi sgt, %arg0, %sign3A : i32
    %sign3A_1 = arith.extui %sign3A_0 : i1 to i32
    %sign3A_2 = arith.constant 0 : i32
    %sign3A_3 = arith.cmpi slt, %arg0, %sign3A_2 : i32
    %sign3A_4 = arith.extui %sign3A_3 : i1 to i32
    %sign3A_5 = arith.subi %sign3A_1, %sign3A_4 : i32
    %sign3A_6 = arith.constant 0 : i32
    %sign3A_7 = arith.cmpi sgt, %jit3A, %sign3A_6 : i32
    %sign3A_8 = arith.extui %sign3A_7 : i1 to i32
    %sign3A_9 = arith.constant 0 : i32
    %sign3A_10 = arith.cmpi slt, %jit3A, %sign3A_9 : i32
    %sign3A_11 = arith.extui %sign3A_10 : i1 to i32
    %sign3A_12 = arith.subi %sign3A_8, %sign3A_11 : i32
    %ne3A = arith.cmpi ne, %sign3A_5, %sign3A_12 : i32
    %rem3A = arith.remsi %arg0, %jit3A : i32
    %ne3A_13 = arith.constant 0 : i32
    %ne3A_14 = arith.cmpi ne, %rem3A, %ne3A_13 : i32
    %and3A = arith.andi %ne3A, %ne3A_14 : i1
    %sub3A = arith.constant 1 : i32
    %sub3A_15 = arith.subi %div3A, %sub3A : i32
    %select_n3A = arith.select %and3A, %sub3A_15, %div3A : i32
    %jit3A_16 = arith.constant 10 : i32
    %eq3A = arith.constant 0 : i32
    %eq3A_17 = arith.cmpi eq, %jit3A_16, %eq3A : i32
    %jit3A_18 = arith.constant 1 : i32
    %select_n3A_19 = arith.select %eq3A_17, %jit3A_18, %jit3A_16 : i32
    %rem3A_20 = arith.remsi %arg0, %select_n3A_19 : i32
    %ne3A_21 = arith.constant 0 : i32
    %ne3A_22 = arith.cmpi ne, %rem3A_20, %ne3A_21 : i32
    %lt3A = arith.constant 0 : i32
    %lt3A_23 = arith.cmpi slt, %rem3A_20, %lt3A : i32
    %lt3A_24 = arith.constant 0 : i32
    %lt3A_25 = arith.cmpi slt, %select_n3A_19, %lt3A_24 : i32
    %ne3A_26 = arith.xori %lt3A_23, %lt3A_25 : i1
    %and3A_27 = arith.andi %ne3A_26, %ne3A_22 : i1
    %add3A = arith.addi %rem3A_20, %select_n3A_19 : i32
    %select_n3A_28 = arith.select %and3A_27, %add3A, %rem3A_20 : i32
    %c0_i32 = arith.constant 0 : i32
    %c0_i32_29 = arith.constant 0 : i32
    return %select_n3A, %select_n3A_28, %c0_i32 : i32, i32, i32
  }
  func.func @transform_3(%arg0: i32) -> (i32, i32, i32) {
    %ge3A = arith.constant 10 : i32
    %ge3A_0 = arith.cmpi sge, %arg0, %ge3A : i32
    %convert_element_type3A = arith.extui %ge3A_0 : i1 to i32
    %ge3A_1 = arith.constant 14 : i32
    %ge3A_2 = arith.cmpi sge, %arg0, %ge3A_1 : i32
    %convert_element_type3A_3 = arith.extui %ge3A_2 : i1 to i32
    %add3A = arith.addi %convert_element_type3A, %convert_element_type3A_3 : i32
    %ge3A_4 = arith.constant 17 : i32
    %ge3A_5 = arith.cmpi sge, %arg0, %ge3A_4 : i32
    %convert_element_type3A_6 = arith.extui %ge3A_5 : i1 to i32
    %add3A_7 = arith.addi %add3A, %convert_element_type3A_6 : i32
    %c0_i32 = arith.constant 0 : i32
    %c0_i32_8 = arith.constant 0 : i32
    %c0_i32_9 = arith.constant 0 : i32
    return %add3A_7, %c0_i32, %c0_i32_8 : i32, i32, i32
  }
  func.func @transform_4(%arg0: i32) -> (i32, i32, i32) {
    %ge3A = arith.constant 10 : i32
    %ge3A_0 = arith.cmpi sge, %arg0, %ge3A : i32
    %convert_element_type3A = arith.extui %ge3A_0 : i1 to i32
    %ge3A_1 = arith.constant 14 : i32
    %ge3A_2 = arith.cmpi sge, %arg0, %ge3A_1 : i32
    %convert_element_type3A_3 = arith.extui %ge3A_2 : i1 to i32
    %add3A = arith.addi %convert_element_type3A, %convert_element_type3A_3 : i32
    %ge3A_4 = arith.constant 17 : i32
    %ge3A_5 = arith.cmpi sge, %arg0, %ge3A_4 : i32
    %convert_element_type3A_6 = arith.extui %ge3A_5 : i1 to i32
    %add3A_7 = arith.addi %add3A, %convert_element_type3A_6 : i32
    %c0_i32 = arith.constant 0 : i32
    %c0_i32_8 = arith.constant 0 : i32
    %c0_i32_9 = arith.constant 0 : i32
    return %add3A_7, %c0_i32, %c0_i32_8 : i32, i32, i32
  }
  func.func @transform_5(%arg0: i32) -> (i32, i32, i32) {
    %ge3A = arith.constant 10 : i32
    %ge3A_0 = arith.cmpi sge, %arg0, %ge3A : i32
    %convert_element_type3A = arith.extui %ge3A_0 : i1 to i32
    %ge3A_1 = arith.constant 14 : i32
    %ge3A_2 = arith.cmpi sge, %arg0, %ge3A_1 : i32
    %convert_element_type3A_3 = arith.extui %ge3A_2 : i1 to i32
    %add3A = arith.addi %convert_element_type3A, %convert_element_type3A_3 : i32
    %ge3A_4 = arith.constant 17 : i32
    %ge3A_5 = arith.cmpi sge, %arg0, %ge3A_4 : i32
    %convert_element_type3A_6 = arith.extui %ge3A_5 : i1 to i32
    %add3A_7 = arith.addi %add3A, %convert_element_type3A_6 : i32
    %c0_i32 = arith.constant 0 : i32
    %c0_i32_8 = arith.constant 0 : i32
    %c0_i32_9 = arith.constant 0 : i32
    return %add3A_7, %c0_i32, %c0_i32_8 : i32, i32, i32
  }
  func.func @transform_6(%arg0: i32) -> (i32, i32, i32) {
    %jit3A = arith.constant 10 : i32
    %div3A = arith.divsi %arg0, %jit3A : i32
    %sign3A = arith.constant 0 : i32
    %sign3A_0 = arith.cmpi sgt, %arg0, %sign3A : i32
    %sign3A_1 = arith.extui %sign3A_0 : i1 to i32
    %sign3A_2 = arith.constant 0 : i32
    %sign3A_3 = arith.cmpi slt, %arg0, %sign3A_2 : i32
    %sign3A_4 = arith.extui %sign3A_3 : i1 to i32
    %sign3A_5 = arith.subi %sign3A_1, %sign3A_4 : i32
    %sign3A_6 = arith.constant 0 : i32
    %sign3A_7 = arith.cmpi sgt, %jit3A, %sign3A_6 : i32
    %sign3A_8 = arith.extui %sign3A_7 : i1 to i32
    %sign3A_9 = arith.constant 0 : i32
    %sign3A_10 = arith.cmpi slt, %jit3A, %sign3A_9 : i32
    %sign3A_11 = arith.extui %sign3A_10 : i1 to i32
    %sign3A_12 = arith.subi %sign3A_8, %sign3A_11 : i32
    %ne3A = arith.cmpi ne, %sign3A_5, %sign3A_12 : i32
    %rem3A = arith.remsi %arg0, %jit3A : i32
    %ne3A_13 = arith.constant 0 : i32
    %ne3A_14 = arith.cmpi ne, %rem3A, %ne3A_13 : i32
    %and3A = arith.andi %ne3A, %ne3A_14 : i1
    %sub3A = arith.constant 1 : i32
    %sub3A_15 = arith.subi %div3A, %sub3A : i32
    %select_n3A = arith.select %and3A, %sub3A_15, %div3A : i32
    %jit3A_16 = arith.constant 10 : i32
    %eq3A = arith.constant 0 : i32
    %eq3A_17 = arith.cmpi eq, %jit3A_16, %eq3A : i32
    %jit3A_18 = arith.constant 1 : i32
    %select_n3A_19 = arith.select %eq3A_17, %jit3A_18, %jit3A_16 : i32
    %rem3A_20 = arith.remsi %arg0, %select_n3A_19 : i32
    %ne3A_21 = arith.constant 0 : i32
    %ne3A_22 = arith.cmpi ne, %rem3A_20, %ne3A_21 : i32
    %lt3A = arith.constant 0 : i32
    %lt3A_23 = arith.cmpi slt, %rem3A_20, %lt3A : i32
    %lt3A_24 = arith.constant 0 : i32
    %lt3A_25 = arith.cmpi slt, %select_n3A_19, %lt3A_24 : i32
    %ne3A_26 = arith.xori %lt3A_23, %lt3A_25 : i1
    %and3A_27 = arith.andi %ne3A_26, %ne3A_22 : i1
    %add3A = arith.addi %rem3A_20, %select_n3A_19 : i32
    %select_n3A_28 = arith.select %and3A_27, %add3A, %rem3A_20 : i32
    %c0_i32 = arith.constant 0 : i32
    %c0_i32_29 = arith.constant 0 : i32
    return %select_n3A, %select_n3A_28, %c0_i32 : i32, i32, i32
  }
}

module attributes {stable_mosaic.version = 14 : i64} {
  func.func @_fin_body(%arg0: i32, %arg1: memref<1x1000x128xf32, #tpu.memory_space<vmem>>, %arg2: memref<1x1000x128xf32, #tpu.memory_space<vmem>>, %arg3: memref<1x1000x1xf32, #tpu.memory_space<vmem>>, %arg4: memref<1x1000x128xf32, #tpu.memory_space<vmem>>, %arg5: memref<1x1000x128xf32, #tpu.memory_space<vmem>>, %arg6: memref<1x1000x1xf32, #tpu.memory_space<vmem>>, %arg7: memref<1x1x128xf32, #tpu.memory_space<vmem>>, %arg8: memref<1x1x128xf32, #tpu.memory_space<vmem>>, %arg9: memref<128x128xf32, #tpu.memory_space<vmem>>, %arg10: memref<1x128xf32, #tpu.memory_space<vmem>>, %arg11: memref<1x128xf32, #tpu.memory_space<vmem>>, %arg12: memref<1000x128xf32, #tpu.memory_space<vmem>>) attributes {dimension_semantics = [#tpu.dimension_semantics<arbitrary>], iteration_bounds = array<i64: 10>, scalar_prefetch = 0 : i64, scratch_operands = 0 : i64, tpu.core_type = #tpu.core_type<tc>, window_params = [{transform_indices = @transform_0, window_bounds = array<i64: 1, 1000, 128>}, {transform_indices = @transform_1, window_bounds = array<i64: 1, 1000, 128>}, {transform_indices = @transform_2, window_bounds = array<i64: 1, 1000, 1>}, {transform_indices = @transform_3, window_bounds = array<i64: 1, 1000, 128>}, {transform_indices = @transform_4, window_bounds = array<i64: 1, 1000, 128>}, {transform_indices = @transform_5, window_bounds = array<i64: 1, 1000, 1>}, {transform_indices = @transform_6, window_bounds = array<i64: 1, 1, 128>}, {transform_indices = @transform_7, window_bounds = array<i64: 1, 1, 128>}, {pipeline_mode = #tpu.pipeline_mode<synchronous>, transform_indices = @transform_8, window_bounds = array<i64: 128, 128>}, {pipeline_mode = #tpu.pipeline_mode<synchronous>, transform_indices = @transform_9, window_bounds = array<i64: 1, 128>}, {pipeline_mode = #tpu.pipeline_mode<synchronous>, transform_indices = @transform_10, window_bounds = array<i64: 1, 128>}, {transform_indices = @transform_11, window_bounds = array<i64: 1000, 128>}]} {
    %get3A = arith.constant 0 : index
    %get3A_0 = arith.constant 0 : index
    %get3A_1 = arith.constant 0 : index
    %get3A_2 = vector.load %arg3[%get3A, %get3A_0, %get3A_1] : memref<1x1000x1xf32, #tpu.memory_space<vmem>>, vector<1x1000x1xf32>
    %get3A_3 = vector.shape_cast %get3A_2 : vector<1x1000x1xf32> to vector<1000x1xf32>
    %get3A_4 = arith.constant 0 : index
    %get3A_5 = arith.constant 0 : index
    %get3A_6 = arith.constant 0 : index
    %get3A_7 = vector.load %arg1[%get3A_4, %get3A_5, %get3A_6] : memref<1x1000x128xf32, #tpu.memory_space<vmem>>, vector<1x1000x128xf32>
    %get3A_8 = vector.shape_cast %get3A_7 : vector<1x1000x128xf32> to vector<1000x128xf32>
    %get3A_9 = arith.constant 0 : index
    %get3A_10 = arith.constant 0 : index
    %get3A_11 = arith.constant 0 : index
    %get3A_12 = vector.load %arg2[%get3A_9, %get3A_10, %get3A_11] : memref<1x1000x128xf32, #tpu.memory_space<vmem>>, vector<1x1000x128xf32>
    %get3A_13 = vector.shape_cast %get3A_12 : vector<1x1000x128xf32> to vector<1000x128xf32>
    %add3A = arith.addf %get3A_8, %get3A_13 : vector<1000x128xf32>
    %mul3A = vector.broadcast %get3A_3 : vector<1000x1xf32> to vector<1000x128xf32>
    %mul3A_14 = arith.mulf %mul3A, %add3A : vector<1000x128xf32>
    %get3A_15 = arith.constant 0 : index
    %get3A_16 = arith.constant 0 : index
    %get3A_17 = arith.constant 0 : index
    %get3A_18 = vector.load %arg7[%get3A_15, %get3A_16, %get3A_17] : memref<1x1x128xf32, #tpu.memory_space<vmem>>, vector<1x1x128xf32>
    %get3A_19 = vector.shape_cast %get3A_18 : vector<1x1x128xf32> to vector<1x128xf32>
    %add3A_20 = vector.broadcast %get3A_19 : vector<1x128xf32> to vector<1000x128xf32>
    %add3A_21 = arith.addf %mul3A_14, %add3A_20 : vector<1000x128xf32>
    %get3A_22 = arith.constant 0 : index
    %get3A_23 = arith.constant 0 : index
    %get3A_24 = arith.constant 0 : index
    %get3A_25 = vector.load %arg6[%get3A_22, %get3A_23, %get3A_24] : memref<1x1000x1xf32, #tpu.memory_space<vmem>>, vector<1x1000x1xf32>
    %get3A_26 = vector.shape_cast %get3A_25 : vector<1x1000x1xf32> to vector<1000x1xf32>
    %get3A_27 = arith.constant 0 : index
    %get3A_28 = arith.constant 0 : index
    %get3A_29 = arith.constant 0 : index
    %get3A_30 = vector.load %arg4[%get3A_27, %get3A_28, %get3A_29] : memref<1x1000x128xf32, #tpu.memory_space<vmem>>, vector<1x1000x128xf32>
    %get3A_31 = vector.shape_cast %get3A_30 : vector<1x1000x128xf32> to vector<1000x128xf32>
    %get3A_32 = arith.constant 0 : index
    %get3A_33 = arith.constant 0 : index
    %get3A_34 = arith.constant 0 : index
    %get3A_35 = vector.load %arg5[%get3A_32, %get3A_33, %get3A_34] : memref<1x1000x128xf32, #tpu.memory_space<vmem>>, vector<1x1000x128xf32>
    %get3A_36 = vector.shape_cast %get3A_35 : vector<1x1000x128xf32> to vector<1000x128xf32>
    %add3A_37 = arith.addf %get3A_31, %get3A_36 : vector<1000x128xf32>
    %mul3A_38 = vector.broadcast %get3A_26 : vector<1000x1xf32> to vector<1000x128xf32>
    %mul3A_39 = arith.mulf %mul3A_38, %add3A_37 : vector<1000x128xf32>
    %get3A_40 = arith.constant 0 : index
    %get3A_41 = arith.constant 0 : index
    %get3A_42 = arith.constant 0 : index
    %get3A_43 = vector.load %arg8[%get3A_40, %get3A_41, %get3A_42] : memref<1x1x128xf32, #tpu.memory_space<vmem>>, vector<1x1x128xf32>
    %get3A_44 = vector.shape_cast %get3A_43 : vector<1x1x128xf32> to vector<1x128xf32>
    %add3A_45 = vector.broadcast %get3A_44 : vector<1x128xf32> to vector<1000x128xf32>
    %add3A_46 = arith.addf %mul3A_39, %add3A_45 : vector<1000x128xf32>
    %get3A_47 = arith.constant 0 : index
    %get3A_48 = arith.constant 0 : index
    %get3A_49 = vector.load %arg9[%get3A_47, %get3A_48] : memref<128x128xf32, #tpu.memory_space<vmem>>, vector<128x128xf32>
    %dot_general3A = arith.constant dense<0.000000e+00> : vector<1000x128xf32>
    %dot_general3A_50 = tpu.matmul %add3A_21, %get3A_49, %dot_general3A {dimension_numbers = #tpu.dot_dimension_numbers<[1], [0], [0], [1], [0, 0, 1, 1], [], []>, transpose_lhs_hint = false} : vector<1000x128xf32>, vector<128x128xf32>, vector<1000x128xf32> -> vector<1000x128xf32>
    %get3A_51 = arith.constant 0 : index
    %get3A_52 = arith.constant 0 : index
    %get3A_53 = vector.load %arg10[%get3A_51, %get3A_52] : memref<1x128xf32, #tpu.memory_space<vmem>>, vector<1x128xf32>
    %add3A_54 = vector.broadcast %get3A_53 : vector<1x128xf32> to vector<1000x128xf32>
    %add3A_55 = arith.addf %dot_general3A_50, %add3A_54 : vector<1000x128xf32>
    %tanh3A = math.tanh %add3A_55 : vector<1000x128xf32>
    %get3A_56 = arith.constant 0 : index
    %get3A_57 = arith.constant 0 : index
    %get3A_58 = vector.load %arg11[%get3A_56, %get3A_57] : memref<1x128xf32, #tpu.memory_space<vmem>>, vector<1x128xf32>
    %mul3A_59 = vector.broadcast %get3A_58 : vector<1x128xf32> to vector<1000x128xf32>
    %mul3A_60 = arith.mulf %tanh3A, %mul3A_59 : vector<1000x128xf32>
    %reduce_sum3A = arith.constant dense<0.000000e+00> : vector<1000xf32>
    %reduce_sum3A_61 = vector.multi_reduction <add>, %mul3A_60, %reduce_sum3A [1] : vector<1000x128xf32> to vector<1000xf32>
    %broadcast_in_dim3A = vector.shape_cast %reduce_sum3A_61 : vector<1000xf32> to vector<1000x1xf32>
    %get3A_62 = arith.constant 0 : index
    %get3A_63 = arith.constant 0 : index
    %get3A_64 = vector.load %arg9[%get3A_62, %get3A_63] : memref<128x128xf32, #tpu.memory_space<vmem>>, vector<128x128xf32>
    %dot_general3A_65 = arith.constant dense<0.000000e+00> : vector<1000x128xf32>
    %dot_general3A_66 = tpu.matmul %add3A_46, %get3A_64, %dot_general3A_65 {dimension_numbers = #tpu.dot_dimension_numbers<[1], [0], [0], [1], [0, 0, 1, 1], [], []>, transpose_lhs_hint = false} : vector<1000x128xf32>, vector<128x128xf32>, vector<1000x128xf32> -> vector<1000x128xf32>
    %get3A_67 = arith.constant 0 : index
    %get3A_68 = arith.constant 0 : index
    %get3A_69 = vector.load %arg10[%get3A_67, %get3A_68] : memref<1x128xf32, #tpu.memory_space<vmem>>, vector<1x128xf32>
    %add3A_70 = vector.broadcast %get3A_69 : vector<1x128xf32> to vector<1000x128xf32>
    %add3A_71 = arith.addf %dot_general3A_66, %add3A_70 : vector<1000x128xf32>
    %tanh3A_72 = math.tanh %add3A_71 : vector<1000x128xf32>
    %get3A_73 = arith.constant 0 : index
    %get3A_74 = arith.constant 0 : index
    %get3A_75 = vector.load %arg11[%get3A_73, %get3A_74] : memref<1x128xf32, #tpu.memory_space<vmem>>, vector<1x128xf32>
    %mul3A_76 = vector.broadcast %get3A_75 : vector<1x128xf32> to vector<1000x128xf32>
    %mul3A_77 = arith.mulf %tanh3A_72, %mul3A_76 : vector<1000x128xf32>
    %reduce_sum3A_78 = arith.constant dense<0.000000e+00> : vector<1000xf32>
    %reduce_sum3A_79 = vector.multi_reduction <add>, %mul3A_77, %reduce_sum3A_78 [1] : vector<1000x128xf32> to vector<1000xf32>
    %broadcast_in_dim3A_80 = vector.shape_cast %reduce_sum3A_79 : vector<1000xf32> to vector<1000x1xf32>
    %max3A = arith.maximumf %broadcast_in_dim3A, %broadcast_in_dim3A_80 : vector<1000x1xf32>
    %sub3A = arith.subf %broadcast_in_dim3A, %max3A : vector<1000x1xf32>
    %exp3A = math.exp %sub3A : vector<1000x1xf32>
    %sub3A_81 = arith.subf %broadcast_in_dim3A_80, %max3A : vector<1000x1xf32>
    %exp3A_82 = math.exp %sub3A_81 : vector<1000x1xf32>
    %mul3A_83 = vector.broadcast %exp3A : vector<1000x1xf32> to vector<1000x128xf32>
    %mul3A_84 = arith.mulf %mul3A_83, %add3A_21 : vector<1000x128xf32>
    %mul3A_85 = vector.broadcast %exp3A_82 : vector<1000x1xf32> to vector<1000x128xf32>
    %mul3A_86 = arith.mulf %mul3A_85, %add3A_46 : vector<1000x128xf32>
    %add3A_87 = arith.addf %mul3A_84, %mul3A_86 : vector<1000x128xf32>
    %add3A_88 = arith.addf %exp3A, %exp3A_82 : vector<1000x1xf32>
    %div3A = vector.broadcast %add3A_88 : vector<1000x1xf32> to vector<1000x128xf32>
    %div3A_89 = arith.divf %add3A_87, %div3A : vector<1000x128xf32>
    %swap3A = arith.constant 0 : index
    %swap3A_90 = arith.constant 0 : index
    %swap3A_91 = vector.load %arg12[%swap3A, %swap3A_90] : memref<1000x128xf32, #tpu.memory_space<vmem>>, vector<1000x128xf32>
    tpu.vector_store %arg12[%swap3A, %swap3A_90], %div3A_89 {strides = array<i32>} : memref<1000x128xf32, #tpu.memory_space<vmem>>, vector<1000x128xf32>,
    return
  }
  func.func @transform_0(%arg0: i32) -> (i32, i32, i32) {
    %c0_i32 = arith.constant 0 : i32
    %c0_i32_0 = arith.constant 0 : i32
    %c0_i32_1 = arith.constant 0 : i32
    return %c0_i32, %arg0, %c0_i32_0 : i32, i32, i32
  }
  func.func @transform_1(%arg0: i32) -> (i32, i32, i32) {
    %c0_i32 = arith.constant 0 : i32
    %c0_i32_0 = arith.constant 0 : i32
    %c0_i32_1 = arith.constant 0 : i32
    return %c0_i32, %arg0, %c0_i32_0 : i32, i32, i32
  }
  func.func @transform_2(%arg0: i32) -> (i32, i32, i32) {
    %c0_i32 = arith.constant 0 : i32
    %c0_i32_0 = arith.constant 0 : i32
    %c0_i32_1 = arith.constant 0 : i32
    return %c0_i32, %arg0, %c0_i32_0 : i32, i32, i32
  }
  func.func @transform_3(%arg0: i32) -> (i32, i32, i32) {
    %c1_i32 = arith.constant 1 : i32
    %c0_i32 = arith.constant 0 : i32
    %c0_i32_0 = arith.constant 0 : i32
    return %c1_i32, %arg0, %c0_i32 : i32, i32, i32
  }
  func.func @transform_4(%arg0: i32) -> (i32, i32, i32) {
    %c1_i32 = arith.constant 1 : i32
    %c0_i32 = arith.constant 0 : i32
    %c0_i32_0 = arith.constant 0 : i32
    return %c1_i32, %arg0, %c0_i32 : i32, i32, i32
  }
  func.func @transform_5(%arg0: i32) -> (i32, i32, i32) {
    %c1_i32 = arith.constant 1 : i32
    %c0_i32 = arith.constant 0 : i32
    %c0_i32_0 = arith.constant 0 : i32
    return %c1_i32, %arg0, %c0_i32 : i32, i32, i32
  }
  func.func @transform_6(%arg0: i32) -> (i32, i32, i32) {
    %c0_i32 = arith.constant 0 : i32
    %c0_i32_0 = arith.constant 0 : i32
    %c0_i32_1 = arith.constant 0 : i32
    %c0_i32_2 = arith.constant 0 : i32
    return %c0_i32, %c0_i32_0, %c0_i32_1 : i32, i32, i32
  }
  func.func @transform_7(%arg0: i32) -> (i32, i32, i32) {
    %ge3A = arith.constant 4 : i32
    %ge3A_0 = arith.cmpi sge, %arg0, %ge3A : i32
    %convert_element_type3A = arith.extui %ge3A_0 : i1 to i32
    %add3A = arith.constant 1 : i32
    %add3A_1 = arith.addi %add3A, %convert_element_type3A : i32
    %ge3A_2 = arith.constant 7 : i32
    %ge3A_3 = arith.cmpi sge, %arg0, %ge3A_2 : i32
    %convert_element_type3A_4 = arith.extui %ge3A_3 : i1 to i32
    %add3A_5 = arith.addi %add3A_1, %convert_element_type3A_4 : i32
    %c0_i32 = arith.constant 0 : i32
    %c0_i32_6 = arith.constant 0 : i32
    %c0_i32_7 = arith.constant 0 : i32
    return %add3A_5, %c0_i32, %c0_i32_6 : i32, i32, i32
  }
  func.func @transform_8(%arg0: i32) -> (i32, i32) {
    %c0_i32 = arith.constant 0 : i32
    %c0_i32_0 = arith.constant 0 : i32
    %c0_i32_1 = arith.constant 0 : i32
    return %c0_i32, %c0_i32_0 : i32, i32
  }
  func.func @transform_9(%arg0: i32) -> (i32, i32) {
    %c0_i32 = arith.constant 0 : i32
    %c0_i32_0 = arith.constant 0 : i32
    %c0_i32_1 = arith.constant 0 : i32
    return %c0_i32, %c0_i32_0 : i32, i32
  }
  func.func @transform_10(%arg0: i32) -> (i32, i32) {
    %c0_i32 = arith.constant 0 : i32
    %c0_i32_0 = arith.constant 0 : i32
    %c0_i32_1 = arith.constant 0 : i32
    return %c0_i32, %c0_i32_0 : i32, i32
  }
  func.func @transform_11(%arg0: i32) -> (i32, i32) {
    %c0_i32 = arith.constant 0 : i32
    %c0_i32_0 = arith.constant 0 : i32
    return %arg0, %c0_i32 : i32, i32
  }
}

</mosaic_0001>

<sc_bundles>
// kernel: kernel.11.cloned.1.call-start
scs
__scs_entry_jumppad:
0x0: {  	(pc) =	sbr.rel $0x88, $3  }
0x1: {  	(tag) =	ssettag $0x0;
	lr =	simm.s32 $0x1  }
0x2: {  	[smem:$0x3F84] =	sst lr;
	_ =	strace $0xD0000000  }
0x3: {  	_ = 	snop  }
0x4: {  	_ = 	snop  }
0x5: {  	_ = 	snop  }
0x6: {  	_ = 	snop  }
0x7: {  	_ = 	snop  }
__scs_overlays_trampoline_lowered:
0x8: {  	[smem:$0x3F93] =	sst s0  }
0x9: {  	[smem:$0x3F94] =	sst s1  }
0xa: {  	[smem:$0x3F95] =	sst s2  }
0xb: {  	[smem:$0x3F96] =	sst s3  }
0xc: {  	[smem:$0x3F97] =	sst s4  }
0xd: {  	[smem:$0x3F98] =	sst s5  }
0xe: {  	[smem:$0x3F99] =	sst s6  }
0xf: {  	[smem:$0x3F9A] =	sst s7  }
0x10: {  	[smem:$0x3F9B] =	sst s8  }
0x11: {  	[smem:$0x3F9C] =	sst s9;
	s0 =	simm.s32 @!p0 $0x0  }
0x12: {  	s1 =	sld [smem:$0x3F82];
	s0 =	simm.s32 @p0 $0x1  }
0x13: {  	[smem:$0x3F9D] =	sst s0;
	s0 =	simm.s32 @!p1 $0x0  }
0x14: {  	s2 =	sld [smem:$0x3F81];
	s0 =	simm.s32 @p1 $0x1  }
0x15: {  	[smem:$0x3F9E] =	sst s0;
	s0 =	simm.s32 @!p2 $0x0  }
0x16: {  	s3 =	sld [smem:$0x3FDB];
	s0 =	simm.s32 @p2 $0x1  }
0x17: {  	s4 =	simm.s32 $0x1BF5;
	[smem:$0x3FA0] =	sst s0  }
0x18: {  	s0 =	sld [smem:$0x3F83];
	_ =	swait.ge [sflag:s4], $0x0  }
0x19: {  	s7 =	sld [smem:$0x3F84]  }
0x1a: {  	s8 =	sadd.s32 $0xFFFFE003, lr  }
0x1b: {  	s9 =	sadd.s32 $0xFFFFFEF7, lr;
	s5 =	simm.s32 $0xFFFFFFFF;
	p2 =	slt.u32 s8, $0xFFFFF086  }
0x1c: {  	p1 =	slt.u32 s9, $0xF7A;
	s5 =	simm.s32 @!p2 $0x0  }
0x1d: {  	s5 =	simm.s32 @p1 $0x1;
	p0 =	seq.s32 s7, s2  }
0x1e: {  	s7 =	smul.u32 @!p0 $0xF7A, s2;
	p2 =	seq.s32 @!p0 s5, $0x0  }
0x1f: {  	s9 =	smul.u32 $0xF7A, s1;
	s8 =	simm.s32 @!p0 $0x1BF5;
	p2 =	por !p2, p0  }
0x20: {  	[sflag:s8] =	ssyncset.s32 @!p0 $0xFFFFF086;
	s6 =	sadd.s32 @!p0 s3, s7;
	s7 =	simm.s32 @!p0 $0x108  }
0x21: {  	s3 =	sadd.s32 s3, s9;
	s6 =	sadd.s32 @!p0 $0x88, s6;
	s7 =	simm.s32 @p2 $0x1082  }
0x22: {  	[simem:s7], [sflag:s8] =	dma.local @!p0 [hbm:s6], $0xF7A  }
0x23: {  	s9 =	sor.u32 $0xD0000000, s2;
	s6 =	simm.s32 $0x108;
	_ =	swait.ge @!p0 [sflag:s8], $0x0  }
0x24: {  	s3 =	sadd.s32 $0x88, s3;
	s6 =	simm.s32 @!p1 $0x1082;
	[sflag:s4] =	ssyncset.s32 $0xFFFFF086  }
0x25: {  	[simem:s6], [sflag:s4] =	dma.local [hbm:s3], $0xF7A  }
0x26: {  	[smem:$0x3F84] =	sst s1;
	(tag) =	ssettag s2;
	_ =	strace s9  }
0x27: {  	s1 =	sld [smem:$0x3F94]  }
0x28: {  	s2 =	sld [smem:$0x3F95]  }
0x29: {  	s4 =	sld [smem:$0x3F97]  }
0x2a: {  	p0 =	seq.s32 s5, $0x0;
	s5 =	sld [smem:$0x3F98]  }
0x2b: {  	s6 =	sld [smem:$0x3F99]  }
0x2c: {  	s7 =	sld [smem:$0x3F9A]  }
0x2d: {  	s3 =	simm.s32 $0x108;
	s8 =	sld [smem:$0x3F9B]  }
0x2e: {  	s3 =	simm.s32 @!p0 $0x1082;
	s9 =	sld [smem:$0x3F9C]  }
0x2f: {  	lr =	sadd.s32 s0, s3;
	s0 =	sld [smem:$0x3F93]  }
0x30: {  	s3 =	sld [smem:$0x3F96]  }
0x31: {  	[smem:$0x3F9F] =	sst s10  }
0x32: {  	s10 =	sld [smem:$0x3F9D];
	_ =	sdelay $0x3  }
0x33: {  	p0 =	seq.s32 s10, $0x1;
	s10 =	sld [smem:$0x3F9F];
	_ =	sdelay $0x3  }
0x34: {  	[smem:$0x3F9F] =	sst s10  }
0x35: {  	s10 =	sld [smem:$0x3F9E];
	_ =	sdelay $0x3  }
0x36: {  	p1 =	seq.s32 s10, $0x1;
	s10 =	sld [smem:$0x3F9F];
	_ =	sdelay $0x3  }
0x37: {  	[smem:$0x3F9F] =	sst s10  }
0x38: {  	s10 =	sld [smem:$0x3FA0]  }
0x39: {  	_ = 	snop;
	(pc) =	sbr.ind lr, $3  }
0x3a: {  	_ = 	snop  }
0x3b: {  	_ = 	snop  }
0x3c: {  	p2 =	seq.s32 s10, $0x1;
	s10 =	sld [smem:$0x3F9F]  }
0x3d: {  	_ =	shalt  }
0x3e: {  	_ =	shalt  }
0x3f: {  	_ =	shalt  }
0x40: {  	_ =	shalt  }
0x41: {  	_ =	shalt  }
0x42: {  	_ =	shalt  }
0x43: {  	_ =	shalt  }
0x44: {  	_ =	shalt  }
0x45: {  	_ =	shalt  }
0x46: {  	_ =	shalt  }
0x47: {  	_ =	shalt  }
0x48: {  	_ =	shalt  }
0x49: {  	_ =	shalt  }
0x4a: {  	_ =	shalt  }
0x4b: {  	_ =	shalt  }
0x4c: {  	_ =	shalt  }
0x4d: {  	_ =	shalt  }
0x4e: {  	_ =	shalt  }
0x4f: {  	_ =	shalt  }
0x50: {  	_ =	shalt  }
0x51: {  	_ =	shalt  }
0x52: {  	_ =	shalt  }
0x53: {  	_ =	shalt  }
0x54: {  	_ =	shalt  }
0x55: {  	_ =	shalt  }
0x56: {  	_ =	shalt  }
0x57: {  	_ =	shalt  }
0x58: {  	_ =	shalt  }
0x59: {  	_ =	shalt  }
0x5a: {  	_ =	shalt  }
0x5b: {  	_ =	shalt  }
0x5c: {  	_ =	shalt  }
0x5d: {  	_ =	shalt  }
0x5e: {  	_ =	shalt  }
0x5f: {  	_ =	shalt  }
0x60: {  	_ =	shalt  }
0x61: {  	_ =	shalt  }
0x62: {  	_ =	shalt  }
0x63: {  	_ =	shalt  }
0x64: {  	_ =	shalt  }
0x65: {  	_ =	shalt  }
0x66: {  	_ =	shalt  }
0x67: {  	_ =	shalt  }
0x68: {  	_ =	shalt  }
0x69: {  	_ =	shalt  }
0x6a: {  	_ =	shalt  }
0x6b: {  	_ =	shalt  }
0x6c: {  	_ =	shalt  }
0x6d: {  	_ =	shalt  }
0x6e: {  	_ =	shalt  }
0x6f: {  	_ =	shalt  }
0x70: {  	_ =	shalt  }
0x71: {  	_ =	shalt  }
0x72: {  	_ =	shalt  }
0x73: {  	_ =	shalt  }
0x74: {  	_ =	shalt  }
0x75: {  	_ =	shalt  }
0x76: {  	_ =	shalt  }
0x77: {  	_ =	shalt  }
0x78: {  	_ =	shalt  }
0x79: {  	_ =	shalt  }
0x7a: {  	_ =	shalt  }
0x7b: {  	_ =	shalt  }
0x7c: {  	_ =	shalt  }
0x7d: {  	_ =	shalt  }
0x7e: {  	_ =	shalt  }
0x7f: {  	_ =	shalt  }
0x80: {  	_ =	shalt  }
0x81: {  	_ =	shalt  }
0x82: {  	_ =	shalt  }
0x83: {  	_ =	shalt  }
0x84: {  	_ =	shalt  }
0x85: {  	_ =	shalt  }
0x86: {  	_ =	shalt  }
0x87: {  	_ =	shalt  }
.Lfunc_end0:
.L_simem_size_0:
called_computation.1_lowered:
.L_overlay_start_0:
0x88: {  	s2 =	sld [smem:$0x3FD9]  }
0x89: {  	s3 =	sld [smem:$0x3FFE];
	_ =	sdelay $0x1  }
0x8a: {  	s1 =	srdreg.scid  }
0x8b: {  	s0 =	sand.u32 $0x1, s1  }
0x8c: {  	s17 =	sshll.u32 s0, $0xA;
	s2 =	sadd.s32 s3, s2  }
0x8d: {  	s2 =	sadd.s32 s2, s17  }
0x8e: {  	[smem:$0x3FAB] =	sst s2  }
0x8f: {  	_ = 	snop  }
0x90: {  	s2 =	sld [smem:$0x3FD0];
	(tm) =	ssettm $0x1  }
0x91: {  	s18 =	sld [smem:$0x3FFB];
	_ =	sdelay $0x3  }
0x92: {  	_ =	strace s18  }
0x93: {  	s3 =	sld [smem:$0x3FFC];
	_ =	sdelay $0x3  }
0x94: {  	_ =	strace s3  }
0x95: {  	s3 =	sld [smem:$0x3FFD];
	_ =	sdelay $0x3  }
0x96: {  	_ =	strace s3  }
0x97: {  	_ =	strace $0x8FFFFFFF  }
0x98: {  	s19 =	sld [smem:$0x3FDB];
	_ =	sdelay $0x1  }
0x99: {  	s4 =	simm.s32 $_scs_section_size  }
0x9a: {  	s5 =	simm.s32 $_size__tile_overlayer_lowered;
	s6 =	simm.s32 $_tile_overlayer_lowered  }
0x9b: {  	s22 =	simm.s32 $0x1BFF;
	s21 =	sshll.u32 s6, $0x1;
	s3 =	sadd.s32 s4, s19  }
0x9c: {  	s7 =	simm.s32 $0x0;
	s20 =	sshll.u32 s5, $0x1;
	s5 =	sadd.s32 s21, s3  }
0x9d: {  	[timem:s7], [sflag:s22] =	dma.local [hbm:s5], s20  }
0x9e: {  	_ =	swait.ge [sflag:s22], s20  }
0x9f: {  	s4 =	ssub.s32 $0x0, s20;
	[sflag:s22] =	ssyncset.done $0x0  }
0xa0: {  	[sflag:s22] =	ssyncadd.s32 s4;
	_ =	sdelay $0x1  }
0xa1: {  	s23 =	simm.s32 $0x1B8B  }
0xa2: {  	_ =	swait.ge [sflag:s23], $0x1  }
0xa3: {  	[sflag:s23] =	ssyncset.done $0x0  }
0xa4: {  	s25 =	simm.s32 $0x1B8E;
	s24 =	sld [smem:$0x3FFE];
	[sflag:s23] =	ssyncadd.s32 $0xFFFFFFFF  }
0xa5: {  	s26 =	simm.s32 $execute0_lowered;
	[smem:$0x3FD2] =	sst s25  }
0xa6: {  	s5 =	sshll.u32 s26, $0x1;
	_ =	strace $0x80000049;
	[dreg:$0x1] =	wrdreg $0xFFFFFFFF  }
0xa7: {  	s28 =	simm.s32 $_size_execute0_lowered;
	s3 =	sadd.s32 s3, s5;
	[dreg:$0x0] =	wrdreg $0x0  }
0xa8: {  	s5 =	sshll.u32 s28, $0x1;
	[dreg:$0x2] =	wrdreg s3  }
0xa9: {  	[dreg:$0x3] =	wrdreg s5  }
0xaa: {  	[dreg:$0x4] =	wrdreg $0xC0  }
0xab: {  	_ =	task [dreg:s7], $0x5FFFF  }
0xac: {  	[dreg:$0x1] =	wrdreg $0xFFFFFFFF  }
0xad: {  	[dreg:$0x0] =	wrdreg $0x60  }
0xae: {  	[dreg:$0x2] =	wrdreg s24  }
0xaf: {  	[dreg:$0x3] =	wrdreg s2  }
0xb0: {  	[dreg:$0x4] =	wrdreg $0xC0000  }
0xb1: {  	[dreg:$0x5] =	wrdreg $0x9  }
0xb2: {  	_ =	task.clear_ibuf [dreg:s7], $0x6FFFF;
	_ =	strace $0x90000049  }
0xb3: {  	s29 =	simm.s32 $0x9;
	_ =	strace $0x8000004B  }
0xb4: {  	_ =	swait.ge [sflag:s29], $0x1  }
0xb5: {  	[sflag:s29] =	ssyncadd.s32 $0xFFFFFFFF  }
0xb6: {  	_ =	strace $0x9000004B  }
0xb7: {  	_ =	sfence  }
0xb8: {  	s30 =	sld [smem:$0x0];
	_ =	sdelay $0x2  }
0xb9: {  	s31 =	sshll.u32 s1, $0xD;
	s1 =	sshrl.u32 s1, $0x2  }
0xba: {  	s3 =	sand.u32 $0x4000, s31;
	s1 =	sadd.s32 s1, s30  }
0xbb: {  	s0 =	sor.u32 s3, s0;
	s1 =	sshll.u32 s1, $0x11  }
0xbc: {  	s0 =	sor.u32 s1, s0  }
0xbd: {  	s0 =	sadd.s32 $0x8F2B, s0  }
0xbe: {  	[sflag:s0] =	ssyncadd.remote.s32 $0x1  }
0xbf: {  	_ =	sfence.sel $0xFFFF  }
0xc0: {  	[dreg:$0x0] =	wrdreg $0xFFFFFFFF;
	(pc) =	sbr.abs _section_cstart, $3  }
0xc1: {  	[dreg:$0x1] =	wrdreg $0xFFFFFFFF  }
0xc2: {  	_ =	task.clear_ibuf [dreg:s7], $0x2FFFF;
	_ =	strace $0x9FFFFFFF  }
0xc3: {  	(tm) =	ssettm $0x7FFFFFFF  }
tec
execute0_lowered:
.L_overlay_start_1:
0x0: {  	(tag) =	ssettag $0x1  }
0x1: {  	s0 =	rddreg [dreg:$0x0]  }
0x2: {  	s2 =	rddreg [dreg:$0x2]  }
0x3: {  	s3 =	simm.s32 $0x0;
	s1 =	srdreg.scid;
	s11 =	stileid.u32  }
0x4: {  	s28 =	simm.s32 $0xB;
	s29 =	simm.s32 $0x8000;
	s31 =	simm.s32 $0xA000  }
0x5: {  	s19 =	simm.s32 $0x4;
	s12 =	simm.s32 $0x8;
	s18 =	simm.s32 $0xA  }
0x6: {  	s15 =	simm.s32 $0x3E80;
	s16 =	simm.s32 $0x3F00;
	s17 =	simm.s32 $0x0  }
0x7: {  	[smem:$0x7FF] =	sst s3;
	s5 =	sadd.s32 $0x2DE00, s0;
	s6 =	sadd.s32 $0x5E00, s0  }
0x8: {  	s1 =	sand.u32 $0x1, s1;
	s4 =	smul.u32 $0x2800, s11;
	s7 =	sadd.s32 $0x55E00, s0  }
0x9: {  	s10 =	smul.u32 $0x50000, s11;
	s22 =	sshll.u32 s11, $0x6;
	_ =	strace $0x8000004A  }
0xa: {  	s8 =	smul.u32 $0x28000, s1;
	s9 =	sshll.u32 s1, $0x4;
	s1 =	ssub.s32 $0x2, s1  }
0xb: {  	[dreg:$0xc] =	wrdreg s17;
	s9 =	sor.u32 s11, s9;
	s20 =	sshrl.u32 s1, $0x1  }
0xc: {  	s21 =	sshrl.u32 s10, $0x2;
	s11 =	simm.s32 $0x7;
	s4 =	sadd.s32 s4, s8  }
0xd: {  	s9 =	smul.u32 $0xA000, s9;
	s1 =	ssub.s32 s1, s20;
	s20 =	simm.s32 $0x1000  }
0xe: {  	s0 =	sadd.s32 s4, s0;
	s4 =	sadd.s32 s21, s2;
	s21 =	sor.u32 $0x1C0B, s22  }
0xf: {  	s30 =	smax.u32 s1, $0x1;
	s22 =	simm.s32 $0x9;
	s1 =	simm.s32 $0x3  }
0x10: {  	s23 =	sshrl.u32 s9, $0x3;
	s13 =	sadd.s32 $0x2000, s9;
	s14 =	sadd.s32 $0x3000, s9  }
0x11: {  	s0 =	sadd.s32 $0xF5E00, s0;
	[dreg:$0xa] =	wrdreg s30;
	s9 =	simm.s32 $0x5  }
0x12: {  	[dreg:$0x4] =	wrdreg s21;
	s24 =	sadd.s32 s5, s23;
	s25 =	sor.u32 $0x200, s23  }
0x13: {  	s10 =	sadd.s32 s6, s23;
	[dreg:$0x9] =	wrdreg s0;
	s23 =	simm.s32 $0x40  }
.Ltmp0:
0x14: {  	s0 =	simm.s32 $0x1;
	[dreg:$0x5] =	wrdreg s24;
	(pc) =	sbr.rel .LBB2_1-.Ltmp0, $4  }
0x15: {  	[dreg:$0x6] =	wrdreg s10;
	s26 =	sadd.s32 s5, s25;
	s8 =	sadd.s32 s6, s25  }
0x16: {  	s25 =	sshrl.u32 s4, $0x3;
	s24 =	simm.s32 $0x4000;
	[dreg:$0x7] =	wrdreg s26  }
0x17: {  	s4 =	simm.s32 $0x2;
	s10 =	simm.s32 $0x6;
	[dreg:$0x8] =	wrdreg s8  }
0x18: {  	s26 =	simm.s32 $0x6000;
	s8 =	simm.s32 $0x3F80;
	[dreg:$0xb] =	wrdreg s25  }
.LBB2_8:
0x19: {  	[bflag:$0x0] =	sbarrier.arrive $0xFFFF  }
0x1a: {  	s21 =	rddreg [dreg:$0x4]  }
0x1b: {  	s17 =	rddreg [dreg:$0x9]  }
0x1c: {  	s28 =	simm.s32 $0xB;
	s25 =	rddreg [dreg:$0xb]  }
0x1d: {  	[hbm:s17], [sflag:s21] =	dma.local [spmem:s25], $0x2800  }
0x1e: {  	_ =	swait.ge [sflag:s28], $0x2800  }
0x1f: {  	s30 =	rddreg [dreg:$0xc]  }
0x20: {  	s17 =	rddreg [dreg:$0xa];
	s30 =	sadd.s32 $0x1, s30  }
0x21: {  	p0 =	sne.s32 s30, s17  }
.Ltmp1:
0x22: {  	_ = 	snop;
	(pc) =	sbr.rel @!p0 .LBB2_9-.Ltmp1, $3  }
0x23: {  	_ =	sdelay $0x1  }
0x24: {  	[sflag:s28] =	ssyncset.done $0x0  }
0x25: {  	[sflag:s28] =	ssyncadd.s32 $0xFFFFD800;
	[dreg:$0xc] =	wrdreg s30  }
.LBB2_1:
0x26: {  	s17 =	rddreg [dreg:$0x1]  }
0x27: {  	[spmem:s25], [sflag:s21] =	dma.local [hbm:s17], $0x2800  }
0x28: {  	_ =	swait.ge [sflag:s28], $0x2800  }
0x29: {  	[sflag:s28] =	ssyncset.done $0x0  }
0x2a: {  	s25 =	rddreg [dreg:$0x5];
	[sflag:s28] =	ssyncadd.s32 $0xFFFFD800  }
0x2b: {  	[tilespmem:s3], [sflag:$0x9] =	stream.linear.gather [hbm4b:s25+s3], $0x1000, $0x38;
	v63 =	vld [tilespmem:$0x0]  }
0x2c: {  	s30 =	simm.s32 $0x2000;
	s28 =	rddreg [dreg:$0x6]  }
0x2d: {  	[tilespmem:s30], [sflag:$0x9] =	stream.linear.gather [hbm4b:s28+s3], $0x1000, $0x38;
	v63 =	vld [tilespmem:$0x0]  }
0x2e: {  	s25 =	rddreg [dreg:$0x7]  }
0x2f: {  	[tilespmem:s20], [sflag:$0xA] =	stream.linear.gather [hbm4b:s25+s3], $0x1000, $0x38;
	v63 =	vld [tilespmem:$0x0]  }
0x30: {  	s28 =	rddreg [dreg:$0x8];
	s30 =	simm.s32 $0x3000  }
0x31: {  	[tilespmem:s30], [sflag:$0xA] =	stream.linear.gather [hbm4b:s28+s3], $0x1000, $0x38;
	v63 =	vld [tilespmem:$0x0]  }
0x32: {  	s17 =	simm.s32 $0x0;
	[bflag:$0x0] =	sbarrier.arrive $0xFFFF  }
.LBB2_2:
0x33: {  	_ =	swait.ge [sflag:s22], $0x1000  }
0x34: {  	[sflag:s22] =	ssyncset.done $0x0  }
0x35: {  	[sflag:s22] =	ssyncadd.s32 $0xFFFFF000  }
0x36: {  	_ =	swait.ge [sflag:s22], $0x1000  }
0x37: {  	[sflag:s22] =	ssyncset.done $0x0  }
0x38: {  	s21 =	simm.s32 $0x0;
	[sflag:s22] =	ssyncadd.s32 $0xFFFFF000  }
0x39: {  	[tilespmem:s24], [sflag:$0x1] =	stream.indirect.gather [hbm4b:s7+s23], $0x80, s21, s23, $0xb8;
	v63 =	vld [tilespmem:$0x0]  }
0x3a: {  	s30 =	simm.s32 $0x80  }
0x3b: {  	[tilespmem:s26], [sflag:$0x2] =	stream.indirect.gather [hbm4b:s7+s23], $0x80, s30, s23, $0xb8;
	v63 =	vld [tilespmem:$0x0]  }
0x3c: {  	s25 =	simm.s32 $0x100  }
0x3d: {  	[tilespmem:s29], [sflag:$0x3] =	stream.indirect.gather [hbm4b:s7+s23], $0x80, s25, s23, $0xb8;
	v63 =	vld [tilespmem:$0x0]  }
0x3e: {  	s28 =	simm.s32 $0x180  }
0x3f: {  	[tilespmem:s31], [sflag:$0x4] =	stream.indirect.gather [hbm4b:s7+s23], $0x80, s28, s23, $0xb8;
	v63 =	vld [tilespmem:$0x0]  }
0x40: {  	_ =	swait.ge [sflag:s0], $0x2000  }
0x41: {  	[sflag:s0] =	ssyncset.done $0x0  }
0x42: {  	s30 =	simm.s32 $0x2000;
	[sflag:s0] =	ssyncadd.s32 $0xFFFFE000  }
0x43: {  	[spmem:s2] =	stream.indirect.scatter.add.f32 [tilespmem:s24], [sflag:$0x5], $0x80, s30, s23, $0xb8;
	v63 =	vld [tilespmem:$0x0]  }
0x44: {  	_ =	swait.ge [sflag:s4], $0x2000  }
0x45: {  	[sflag:s4] =	ssyncset.done $0x0  }
0x46: {  	s25 =	simm.s32 $0x2080;
	[sflag:s4] =	ssyncadd.s32 $0xFFFFE000  }
0x47: {  	[spmem:s2] =	stream.indirect.scatter.add.f32 [tilespmem:s26], [sflag:$0x6], $0x80, s25, s23, $0xb8;
	v63 =	vld [tilespmem:$0x0]  }
0x48: {  	_ =	swait.ge [sflag:s1], $0x2000  }
0x49: {  	[sflag:s1] =	ssyncset.done $0x0  }
0x4a: {  	s28 =	simm.s32 $0x2100;
	[sflag:s1] =	ssyncadd.s32 $0xFFFFE000  }
0x4b: {  	[spmem:s2] =	stream.indirect.scatter.add.f32 [tilespmem:s29], [sflag:$0x7], $0x80, s28, s23, $0xb8;
	v63 =	vld [tilespmem:$0x0]  }
0x4c: {  	_ =	swait.ge [sflag:s19], $0x2000  }
0x4d: {  	[sflag:s19] =	ssyncset.done $0x0  }
0x4e: {  	s30 =	simm.s32 $0x2180;
	[sflag:s19] =	ssyncadd.s32 $0xFFFFE000  }
0x4f: {  	[spmem:s2] =	stream.indirect.scatter.add.f32 [tilespmem:s31], [sflag:$0x8], $0x80, s30, s23, $0xb8;
	v63 =	vld [tilespmem:$0x0]  }
0x50: {  	_ =	swait.ge [sflag:s9], $0x2000  }
0x51: {  	[sflag:s9] =	ssyncset.done $0x0  }
0x52: {  	s25 =	simm.s32 $0x200;
	[sflag:s9] =	ssyncadd.s32 $0xFFFFE000  }
0x53: {  	[tilespmem:s24], [sflag:$0x1] =	stream.indirect.gather [hbm4b:s7+s23], $0x80, s25, s23, $0xb8;
	v63 =	vld [tilespmem:$0x0]  }
0x54: {  	_ =	swait.ge [sflag:s10], $0x2000  }
0x55: {  	[sflag:s10] =	ssyncset.done $0x0  }
0x56: {  	s28 =	simm.s32 $0x280;
	[sflag:s10] =	ssyncadd.s32 $0xFFFFE000  }
0x57: {  	[tilespmem:s26], [sflag:$0x2] =	stream.indirect.gather [hbm4b:s7+s23], $0x80, s28, s23, $0xb8;
	v63 =	vld [tilespmem:$0x0]  }
0x58: {  	_ =	swait.ge [sflag:s11], $0x2000  }
0x59: {  	[sflag:s11] =	ssyncset.done $0x0  }
0x5a: {  	s30 =	simm.s32 $0x300;
	[sflag:s11] =	ssyncadd.s32 $0xFFFFE000  }
0x5b: {  	[tilespmem:s29], [sflag:$0x3] =	stream.indirect.gather [hbm4b:s7+s23], $0x80, s30, s23, $0xb8;
	v63 =	vld [tilespmem:$0x0]  }
0x5c: {  	_ =	swait.ge [sflag:s12], $0x2000  }
0x5d: {  	[sflag:s12] =	ssyncset.done $0x0  }
0x5e: {  	s21 =	simm.s32 $0x800;
	s25 =	simm.s32 $0x380;
	[sflag:s12] =	ssyncadd.s32 $0xFFFFE000  }
.LBB2_3:
0x5f: {  	[tilespmem:s31], [sflag:$0x4] =	stream.indirect.gather [hbm4b:s7+s23], $0x80, s25, s23, $0xb8;
	v63 =	vld [tilespmem:$0x0]  }
0x60: {  	s25 =	smov.u32 s21  }
0x61: {  	p0 =	sne.s32 s21, $0x3000;
	s21 =	sadd.s32 $0x800, s21;
	_ =	swait.ge [sflag:s0], $0x2000  }
0x62: {  	s25 =	sshra.s32 s25, $0x2;
	[sflag:s0] =	ssyncset.done $0x0  }
0x63: {  	s28 =	sadd.s32 $0x2000, s25;
	[sflag:s0] =	ssyncadd.s32 $0xFFFFE000  }
0x64: {  	[spmem:s2] =	stream.indirect.scatter.add.f32 [tilespmem:s24], [sflag:$0x5], $0x80, s28, s23, $0xb8;
	v63 =	vld [tilespmem:$0x0]  }
0x65: {  	_ =	swait.ge [sflag:s4], $0x2000  }
0x66: {  	[sflag:s4] =	ssyncset.done $0x0  }
0x67: {  	s28 =	sadd.s32 $0x2080, s25;
	[sflag:s4] =	ssyncadd.s32 $0xFFFFE000  }
0x68: {  	[spmem:s2] =	stream.indirect.scatter.add.f32 [tilespmem:s26], [sflag:$0x6], $0x80, s28, s23, $0xb8;
	v63 =	vld [tilespmem:$0x0]  }
0x69: {  	_ =	swait.ge [sflag:s1], $0x2000  }
0x6a: {  	[sflag:s1] =	ssyncset.done $0x0  }
0x6b: {  	s28 =	sadd.s32 $0x2100, s25;
	[sflag:s1] =	ssyncadd.s32 $0xFFFFE000  }
0x6c: {  	[spmem:s2] =	stream.indirect.scatter.add.f32 [tilespmem:s29], [sflag:$0x7], $0x80, s28, s23, $0xb8;
	v63 =	vld [tilespmem:$0x0]  }
0x6d: {  	_ =	swait.ge [sflag:s19], $0x2000  }
0x6e: {  	[sflag:s19] =	ssyncset.done $0x0  }
0x6f: {  	s28 =	sadd.s32 $0x2180, s25;
	[sflag:s19] =	ssyncadd.s32 $0xFFFFE000  }
0x70: {  	[spmem:s2] =	stream.indirect.scatter.add.f32 [tilespmem:s31], [sflag:$0x8], $0x80, s28, s23, $0xb8;
	v63 =	vld [tilespmem:$0x0]  }
0x71: {  	_ =	swait.ge [sflag:s9], $0x2000  }
0x72: {  	[sflag:s9] =	ssyncset.done $0x0  }
0x73: {  	s28 =	sadd.s32 $0x200, s25;
	[sflag:s9] =	ssyncadd.s32 $0xFFFFE000  }
0x74: {  	[tilespmem:s24], [sflag:$0x1] =	stream.indirect.gather [hbm4b:s7+s23], $0x80, s28, s23, $0xb8;
	v63 =	vld [tilespmem:$0x0]  }
0x75: {  	_ =	swait.ge [sflag:s10], $0x2000  }
0x76: {  	[sflag:s10] =	ssyncset.done $0x0  }
0x77: {  	s28 =	sadd.s32 $0x280, s25;
	[sflag:s10] =	ssyncadd.s32 $0xFFFFE000  }
0x78: {  	[tilespmem:s26], [sflag:$0x2] =	stream.indirect.gather [hbm4b:s7+s23], $0x80, s28, s23, $0xb8;
	v63 =	vld [tilespmem:$0x0]  }
0x79: {  	_ =	swait.ge [sflag:s11], $0x2000  }
0x7a: {  	[sflag:s11] =	ssyncset.done $0x0  }
.Ltmp2:
0x7b: {  	s28 =	sadd.s32 $0x300, s25;
	[sflag:s11] =	ssyncadd.s32 $0xFFFFE000;
	(pc) =	sbr.rel @p0 .LBB2_3-.Ltmp2, $4  }
0x7c: {  	[tilespmem:s29], [sflag:$0x3] =	stream.indirect.gather [hbm4b:s7+s23], $0x80, s28, s23, $0xb8;
	v63 =	vld [tilespmem:$0x0]  }
0x7d: {  	_ =	swait.ge [sflag:s12], $0x2000  }
0x7e: {  	[sflag:s12] =	ssyncset.done $0x0  }
0x7f: {  	s25 =	sadd.s32 $0x380, s25;
	[sflag:s12] =	ssyncadd.s32 $0xFFFFE000  }
0x80: {  	[tilespmem:s31], [sflag:$0x4] =	stream.indirect.gather [hbm4b:s7+s23], $0x80, s25, s23, $0xb8;
	v63 =	vld [tilespmem:$0x0]  }
0x81: {  	_ =	swait.ge [sflag:s0], $0x2000  }
0x82: {  	[sflag:s0] =	ssyncset.done $0x0  }
0x83: {  	s21 =	simm.s32 $0x2E00;
	[sflag:s0] =	ssyncadd.s32 $0xFFFFE000  }
0x84: {  	[spmem:s2] =	stream.indirect.scatter.add.f32 [tilespmem:s24], [sflag:$0x5], $0x80, s21, s23, $0xb8;
	v63 =	vld [tilespmem:$0x0]  }
0x85: {  	_ =	swait.ge [sflag:s4], $0x2000  }
0x86: {  	[sflag:s4] =	ssyncset.done $0x0  }
0x87: {  	s25 =	simm.s32 $0x2E80;
	[sflag:s4] =	ssyncadd.s32 $0xFFFFE000  }
0x88: {  	[spmem:s2] =	stream.indirect.scatter.add.f32 [tilespmem:s26], [sflag:$0x6], $0x80, s25, s23, $0xb8;
	v63 =	vld [tilespmem:$0x0]  }
0x89: {  	_ =	swait.ge [sflag:s1], $0x2000  }
0x8a: {  	[sflag:s1] =	ssyncset.done $0x0  }
0x8b: {  	s30 =	simm.s32 $0x2F00;
	[sflag:s1] =	ssyncadd.s32 $0xFFFFE000  }
0x8c: {  	[spmem:s2] =	stream.indirect.scatter.add.f32 [tilespmem:s29], [sflag:$0x7], $0x80, s30, s23, $0xb8;
	v63 =	vld [tilespmem:$0x0]  }
0x8d: {  	_ =	swait.ge [sflag:s19], $0x2000  }
0x8e: {  	[sflag:s19] =	ssyncset.done $0x0  }
0x8f: {  	s25 =	simm.s32 $0x2F80;
	[sflag:s19] =	ssyncadd.s32 $0xFFFFE000  }
0x90: {  	[spmem:s2] =	stream.indirect.scatter.add.f32 [tilespmem:s31], [sflag:$0x8], $0x80, s25, s23, $0xb8;
	v63 =	vld [tilespmem:$0x0]  }
0x91: {  	_ =	swait.ge [sflag:s9], $0x2000  }
0x92: {  	[sflag:s9] =	ssyncset.done $0x0  }
0x93: {  	[sflag:s9] =	ssyncadd.s32 $0xFFFFE000  }
0x94: {  	_ =	swait.ge [sflag:s10], $0x2000  }
0x95: {  	[sflag:s10] =	ssyncset.done $0x0  }
0x96: {  	[sflag:s10] =	ssyncadd.s32 $0xFFFFE000  }
0x97: {  	_ =	swait.ge [sflag:s11], $0x2000  }
0x98: {  	[sflag:s11] =	ssyncset.done $0x0  }
0x99: {  	p0 =	seq.s32 s17, $0x4;
	s21 =	sshll.u32 s17, $0xD;
	[sflag:s11] =	ssyncadd.s32 $0xFFFFE000  }
0x9a: {  	s25 =	sadd.s32 @!p0 s21, s13;
	_ =	swait.ge [sflag:s12], $0x2000  }
0x9b: {  	s25 =	sshrl.u32 @!p0 s25, $0x3;
	[sflag:s12] =	ssyncset.done $0x0  }
0x9c: {  	s30 =	simm.s32 @!p0 $0x0;
	s28 =	sadd.s32 @!p0 s5, s25;
	[sflag:s12] =	ssyncadd.s32 $0xFFFFE000  }
0x9d: {  	[tilespmem:s30], [sflag:$0x9] =	stream.linear.gather @!p0 [hbm4b:s28+s30], $0x1000, $0x38;
	v63 =	vld [tilespmem:$0x0]  }
0x9e: {  	s25 =	sadd.s32 @!p0 s6, s25;
	s28 =	simm.s32 @!p0 $0x2000  }
0x9f: {  	[tilespmem:s28], [sflag:$0x9] =	stream.linear.gather @!p0 [hbm4b:s25+s30], $0x1000, $0x38;
	v63 =	vld [tilespmem:$0x0]  }
0xa0: {  	_ =	swait.ge [sflag:s18], $0x1000  }
0xa1: {  	[sflag:s18] =	ssyncset.done $0x0  }
0xa2: {  	[sflag:s18] =	ssyncadd.s32 $0xFFFFF000  }
0xa3: {  	_ =	swait.ge [sflag:s18], $0x1000  }
0xa4: {  	[sflag:s18] =	ssyncset.done $0x0  }
0xa5: {  	[sflag:s18] =	ssyncadd.s32 $0xFFFFF000  }
0xa6: {  	[tilespmem:s24], [sflag:$0x1] =	stream.indirect.gather [hbm4b:s7+s23], $0x80, s20, s23, $0xb8;
	v63 =	vld [tilespmem:$0x0]  }
0xa7: {  	s30 =	simm.s32 $0x1080  }
0xa8: {  	[tilespmem:s26], [sflag:$0x2] =	stream.indirect.gather [hbm4b:s7+s23], $0x80, s30, s23, $0xb8;
	v63 =	vld [tilespmem:$0x0]  }
0xa9: {  	s30 =	simm.s32 $0x1100  }
0xaa: {  	[tilespmem:s29], [sflag:$0x3] =	stream.indirect.gather [hbm4b:s7+s23], $0x80, s30, s23, $0xb8;
	v63 =	vld [tilespmem:$0x0]  }
0xab: {  	s30 =	simm.s32 $0x1180  }
0xac: {  	[tilespmem:s31], [sflag:$0x4] =	stream.indirect.gather [hbm4b:s7+s23], $0x80, s30, s23, $0xb8;
	v63 =	vld [tilespmem:$0x0]  }
0xad: {  	_ =	swait.ge [sflag:s0], $0x2000  }
0xae: {  	[sflag:s0] =	ssyncset.done $0x0  }
0xaf: {  	s30 =	simm.s32 $0x3000;
	[sflag:s0] =	ssyncadd.s32 $0xFFFFE000  }
0xb0: {  	[spmem:s2] =	stream.indirect.scatter.add.f32 [tilespmem:s24], [sflag:$0x5], $0x80, s30, s23, $0xb8;
	v63 =	vld [tilespmem:$0x0]  }
0xb1: {  	_ =	swait.ge [sflag:s4], $0x2000  }
0xb2: {  	[sflag:s4] =	ssyncset.done $0x0  }
0xb3: {  	s30 =	simm.s32 $0x3080;
	[sflag:s4] =	ssyncadd.s32 $0xFFFFE000  }
0xb4: {  	[spmem:s2] =	stream.indirect.scatter.add.f32 [tilespmem:s26], [sflag:$0x6], $0x80, s30, s23, $0xb8;
	v63 =	vld [tilespmem:$0x0]  }
0xb5: {  	_ =	swait.ge [sflag:s1], $0x2000  }
0xb6: {  	[sflag:s1] =	ssyncset.done $0x0  }
0xb7: {  	s30 =	simm.s32 $0x3100;
	[sflag:s1] =	ssyncadd.s32 $0xFFFFE000  }
0xb8: {  	[spmem:s2] =	stream.indirect.scatter.add.f32 [tilespmem:s29], [sflag:$0x7], $0x80, s30, s23, $0xb8;
	v63 =	vld [tilespmem:$0x0]  }
0xb9: {  	_ =	swait.ge [sflag:s19], $0x2000  }
0xba: {  	[sflag:s19] =	ssyncset.done $0x0  }
0xbb: {  	s30 =	simm.s32 $0x3180;
	[sflag:s19] =	ssyncadd.s32 $0xFFFFE000  }
0xbc: {  	[spmem:s2] =	stream.indirect.scatter.add.f32 [tilespmem:s31], [sflag:$0x8], $0x80, s30, s23, $0xb8;
	v63 =	vld [tilespmem:$0x0]  }
0xbd: {  	_ =	swait.ge [sflag:s9], $0x2000  }
0xbe: {  	[sflag:s9] =	ssyncset.done $0x0  }
0xbf: {  	s30 =	simm.s32 $0x1200;
	[sflag:s9] =	ssyncadd.s32 $0xFFFFE000  }
0xc0: {  	[tilespmem:s24], [sflag:$0x1] =	stream.indirect.gather [hbm4b:s7+s23], $0x80, s30, s23, $0xb8;
	v63 =	vld [tilespmem:$0x0]  }
0xc1: {  	_ =	swait.ge [sflag:s10], $0x2000  }
0xc2: {  	[sflag:s10] =	ssyncset.done $0x0  }
0xc3: {  	s30 =	simm.s32 $0x1280;
	[sflag:s10] =	ssyncadd.s32 $0xFFFFE000  }
0xc4: {  	[tilespmem:s26], [sflag:$0x2] =	stream.indirect.gather [hbm4b:s7+s23], $0x80, s30, s23, $0xb8;
	v63 =	vld [tilespmem:$0x0]  }
0xc5: {  	_ =	swait.ge [sflag:s11], $0x2000  }
0xc6: {  	[sflag:s11] =	ssyncset.done $0x0  }
0xc7: {  	s30 =	simm.s32 $0x1300;
	[sflag:s11] =	ssyncadd.s32 $0xFFFFE000  }
0xc8: {  	[tilespmem:s29], [sflag:$0x3] =	stream.indirect.gather [hbm4b:s7+s23], $0x80, s30, s23, $0xb8;
	v63 =	vld [tilespmem:$0x0]  }
0xc9: {  	_ =	swait.ge [sflag:s12], $0x2000  }
0xca: {  	[sflag:s12] =	ssyncset.done $0x0  }
0xcb: {  	s25 =	simm.s32 $0x800;
	s28 =	simm.s32 $0x1380;
	[sflag:s12] =	ssyncadd.s32 $0xFFFFE000  }
.LBB2_5:
0xcc: {  	[tilespmem:s31], [sflag:$0x4] =	stream.indirect.gather [hbm4b:s7+s23], $0x80, s28, s23, $0xb8;
	v63 =	vld [tilespmem:$0x0]  }
0xcd: {  	s28 =	smov.u32 s25  }
0xce: {  	p1 =	sne.s32 s25, $0x3000;
	s25 =	sadd.s32 $0x800, s25;
	_ =	swait.ge [sflag:s0], $0x2000  }
0xcf: {  	s28 =	sshra.s32 s28, $0x2;
	[sflag:s0] =	ssyncset.done $0x0  }
0xd0: {  	s30 =	sadd.s32 $0x3000, s28;
	[sflag:s0] =	ssyncadd.s32 $0xFFFFE000  }
0xd1: {  	[spmem:s2] =	stream.indirect.scatter.add.f32 [tilespmem:s24], [sflag:$0x5], $0x80, s30, s23, $0xb8;
	v63 =	vld [tilespmem:$0x0]  }
0xd2: {  	_ =	swait.ge [sflag:s4], $0x2000  }
0xd3: {  	[sflag:s4] =	ssyncset.done $0x0  }
0xd4: {  	s30 =	sadd.s32 $0x3080, s28;
	[sflag:s4] =	ssyncadd.s32 $0xFFFFE000  }
0xd5: {  	[spmem:s2] =	stream.indirect.scatter.add.f32 [tilespmem:s26], [sflag:$0x6], $0x80, s30, s23, $0xb8;
	v63 =	vld [tilespmem:$0x0]  }
0xd6: {  	_ =	swait.ge [sflag:s1], $0x2000  }
0xd7: {  	[sflag:s1] =	ssyncset.done $0x0  }
0xd8: {  	s30 =	sadd.s32 $0x3100, s28;
	[sflag:s1] =	ssyncadd.s32 $0xFFFFE000  }
0xd9: {  	[spmem:s2] =	stream.indirect.scatter.add.f32 [tilespmem:s29], [sflag:$0x7], $0x80, s30, s23, $0xb8;
	v63 =	vld [tilespmem:$0x0]  }
0xda: {  	_ =	swait.ge [sflag:s19], $0x2000  }
0xdb: {  	[sflag:s19] =	ssyncset.done $0x0  }
0xdc: {  	s30 =	sadd.s32 $0x3180, s28;
	[sflag:s19] =	ssyncadd.s32 $0xFFFFE000  }
0xdd: {  	[spmem:s2] =	stream.indirect.scatter.add.f32 [tilespmem:s31], [sflag:$0x8], $0x80, s30, s23, $0xb8;
	v63 =	vld [tilespmem:$0x0]  }
0xde: {  	_ =	swait.ge [sflag:s9], $0x2000  }
0xdf: {  	[sflag:s9] =	ssyncset.done $0x0  }
0xe0: {  	s30 =	sadd.s32 $0x1200, s28;
	[sflag:s9] =	ssyncadd.s32 $0xFFFFE000  }
0xe1: {  	[tilespmem:s24], [sflag:$0x1] =	stream.indirect.gather [hbm4b:s7+s23], $0x80, s30, s23, $0xb8;
	v63 =	vld [tilespmem:$0x0]  }
0xe2: {  	_ =	swait.ge [sflag:s10], $0x2000  }
0xe3: {  	[sflag:s10] =	ssyncset.done $0x0  }
0xe4: {  	s30 =	sadd.s32 $0x1280, s28;
	[sflag:s10] =	ssyncadd.s32 $0xFFFFE000  }
0xe5: {  	[tilespmem:s26], [sflag:$0x2] =	stream.indirect.gather [hbm4b:s7+s23], $0x80, s30, s23, $0xb8;
	v63 =	vld [tilespmem:$0x0]  }
0xe6: {  	_ =	swait.ge [sflag:s11], $0x2000  }
0xe7: {  	[sflag:s11] =	ssyncset.done $0x0  }
.Ltmp3:
0xe8: {  	s30 =	sadd.s32 $0x1300, s28;
	[sflag:s11] =	ssyncadd.s32 $0xFFFFE000;
	(pc) =	sbr.rel @p1 .LBB2_5-.Ltmp3, $4  }
0xe9: {  	[tilespmem:s29], [sflag:$0x3] =	stream.indirect.gather [hbm4b:s7+s23], $0x80, s30, s23, $0xb8;
	v63 =	vld [tilespmem:$0x0]  }
0xea: {  	_ =	swait.ge [sflag:s12], $0x2000  }
0xeb: {  	[sflag:s12] =	ssyncset.done $0x0  }
0xec: {  	s28 =	sadd.s32 $0x1380, s28;
	[sflag:s12] =	ssyncadd.s32 $0xFFFFE000  }
0xed: {  	[tilespmem:s31], [sflag:$0x4] =	stream.indirect.gather [hbm4b:s7+s23], $0x80, s28, s23, $0xb8;
	v63 =	vld [tilespmem:$0x0]  }
0xee: {  	_ =	swait.ge [sflag:s0], $0x2000  }
0xef: {  	[sflag:s0] =	ssyncset.done $0x0  }
0xf0: {  	s25 =	simm.s32 $0x3E00;
	[sflag:s0] =	ssyncadd.s32 $0xFFFFE000  }
0xf1: {  	[spmem:s2] =	stream.indirect.scatter.add.f32 [tilespmem:s24], [sflag:$0x5], $0x80, s25, s23, $0xb8;
	v63 =	vld [tilespmem:$0x0]  }
0xf2: {  	_ =	swait.ge [sflag:s4], $0x2000  }
0xf3: {  	[sflag:s4] =	ssyncset.done $0x0  }
0xf4: {  	[sflag:s4] =	ssyncadd.s32 $0xFFFFE000  }
0xf5: {  	[spmem:s2] =	stream.indirect.scatter.add.f32 [tilespmem:s26], [sflag:$0x6], $0x80, s15, s23, $0xb8;
	v63 =	vld [tilespmem:$0x0]  }
0xf6: {  	_ =	swait.ge [sflag:s1], $0x2000  }
0xf7: {  	[sflag:s1] =	ssyncset.done $0x0  }
0xf8: {  	[sflag:s1] =	ssyncadd.s32 $0xFFFFE000  }
0xf9: {  	[spmem:s2] =	stream.indirect.scatter.add.f32 [tilespmem:s29], [sflag:$0x7], $0x80, s16, s23, $0xb8;
	v63 =	vld [tilespmem:$0x0]  }
0xfa: {  	_ =	swait.ge [sflag:s19], $0x2000  }
0xfb: {  	[sflag:s19] =	ssyncset.done $0x0  }
0xfc: {  	[sflag:s19] =	ssyncadd.s32 $0xFFFFE000  }
0xfd: {  	[spmem:s2] =	stream.indirect.scatter.add.f32 [tilespmem:s31], [sflag:$0x8], $0x80, s8, s23, $0xb8;
	v63 =	vld [tilespmem:$0x0]  }
0xfe: {  	_ =	swait.ge [sflag:s9], $0x2000  }
0xff: {  	[sflag:s9] =	ssyncset.done $0x0  }
0x100: {  	[sflag:s9] =	ssyncadd.s32 $0xFFFFE000  }
0x101: {  	_ =	swait.ge [sflag:s10], $0x2000  }
0x102: {  	[sflag:s10] =	ssyncset.done $0x0  }
0x103: {  	[sflag:s10] =	ssyncadd.s32 $0xFFFFE000  }
0x104: {  	_ =	swait.ge [sflag:s11], $0x2000  }
.Ltmp4:
0x105: {  	[sflag:s11] =	ssyncset.done $0x0;
	(pc) =	sbr.rel @p0 .LBB2_8-.Ltmp4, $4  }
0x106: {  	[sflag:s11] =	ssyncadd.s32 $0xFFFFE000  }
0x107: {  	_ =	swait.ge [sflag:s12], $0x2000  }
0x108: {  	[sflag:s12] =	ssyncset.done $0x0  }
0x109: {  	[sflag:s12] =	ssyncadd.s32 $0xFFFFE000  }
0x10a: {  	s21 =	sadd.s32 s21, s14  }
.Ltmp5:
0x10b: {  	s21 =	sshrl.u32 s21, $0x3;
	(pc) =	sbr.rel .LBB2_2-.Ltmp5, $4  }
0x10c: {  	s25 =	sadd.s32 s5, s21  }
0x10d: {  	[tilespmem:s20], [sflag:$0xA] =	stream.linear.gather [hbm4b:s25+s3], $0x1000, $0x38;
	v63 =	vld [tilespmem:$0x0]  }
0x10e: {  	s30 =	simm.s32 $0x3000;
	s17 =	sadd.s32 $0x1, s17;
	s21 =	sadd.s32 s6, s21  }
0x10f: {  	[tilespmem:s30], [sflag:$0xA] =	stream.linear.gather [hbm4b:s21+s3], $0x1000, $0x38;
	v63 =	vld [tilespmem:$0x0]  }
.LBB2_9:
0x110: {  	_ =	sfence.sel $0x180000  }
0x111: {  	[bflag:$0x0] =	sbarrier.arrive $0xFFFF  }
0x112: {  	_ =	strace $0x9000004A  }
0x113: {  	s0 =	stileid.u32;
	[bflag:$0x2] =	sbarrier.arrive $0xFFFF  }
0x114: {  	p0 =	sne.s32 s0, $0x0;
	s0 =	rddreg [dreg:$0x3]  }
0x115: {  	s0 =	sadd.s32 @!p0 $0x100000, s0  }
0x116: {  	[sflag:s0] =	ssyncadd.tile.s32 @!p0 $0x1;
	_ =	shalt  }
.Lfunc_end2:
_tile_overlayer_lowered:
.L_overlay_start_2:
0x117: {  	(tag) =	ssettag $0x2  }
0x118: {  	s0 =	rddreg [dreg:$0x0];
	s2 =	stileid.u32  }
0x119: {  	s1 =	rddreg [dreg:$0x1];
	p0 =	sne.s32 s2, $0x0  }
0x11a: {  	s3 =	rddreg [dreg:$0x2];
	[bflag:$0x3] =	sbarrier.arrive $0xFFFF;
	s2 =	simm.s32 @!p0 $0x1C0B  }
0x11b: {  	[timem:s3], [sflag:s2] =	dma.local @!p0 [hbm:s0], s1  }
0x11c: {  	s0 =	simm.s32 @!p0 $0xB  }
0x11d: {  	_ =	swait.ge @!p0 [sflag:s0], s1  }
0x11e: {  	s1 =	ssub.s32 @!p0 $0x0, s1;
	[sflag:s0] =	ssyncset.done @!p0 $0x0  }
0x11f: {  	[sflag:s0] =	ssyncadd.s32 @!p0 s1  }
0x120: {  	[bflag:$0x3] =	sbarrier.arrive $0xFFFF  }
0x121: {  	_ =	shalt  }

// kernel: kernel.14.cloned.1.call-start
scs
__scs_entry_jumppad:
0x0: {  	(pc) =	sbr.rel $0x88, $3  }
0x1: {  	(tag) =	ssettag $0x0;
	lr =	simm.s32 $0x1  }
0x2: {  	[smem:$0x3F84] =	sst lr;
	_ =	strace $0xD0000000  }
0x3: {  	_ = 	snop  }
0x4: {  	_ = 	snop  }
0x5: {  	_ = 	snop  }
0x6: {  	_ = 	snop  }
0x7: {  	_ = 	snop  }
__scs_overlays_trampoline_lowered:
0x8: {  	[smem:$0x3F93] =	sst s0  }
0x9: {  	[smem:$0x3F94] =	sst s1  }
0xa: {  	[smem:$0x3F95] =	sst s2  }
0xb: {  	[smem:$0x3F96] =	sst s3  }
0xc: {  	[smem:$0x3F97] =	sst s4  }
0xd: {  	[smem:$0x3F98] =	sst s5  }
0xe: {  	[smem:$0x3F99] =	sst s6  }
0xf: {  	[smem:$0x3F9A] =	sst s7  }
0x10: {  	[smem:$0x3F9B] =	sst s8  }
0x11: {  	[smem:$0x3F9C] =	sst s9;
	s0 =	simm.s32 @!p0 $0x0  }
0x12: {  	s1 =	sld [smem:$0x3F82];
	s0 =	simm.s32 @p0 $0x1  }
0x13: {  	[smem:$0x3F9D] =	sst s0;
	s0 =	simm.s32 @!p1 $0x0  }
0x14: {  	s2 =	sld [smem:$0x3F81];
	s0 =	simm.s32 @p1 $0x1  }
0x15: {  	[smem:$0x3F9E] =	sst s0;
	s0 =	simm.s32 @!p2 $0x0  }
0x16: {  	s3 =	sld [smem:$0x3FDB];
	s0 =	simm.s32 @p2 $0x1  }
0x17: {  	s4 =	simm.s32 $0x1BF5;
	[smem:$0x3FA0] =	sst s0  }
0x18: {  	s0 =	sld [smem:$0x3F83];
	_ =	swait.ge [sflag:s4], $0x0  }
0x19: {  	s7 =	sld [smem:$0x3F84]  }
0x1a: {  	s8 =	sadd.s32 $0xFFFFE003, lr  }
0x1b: {  	s9 =	sadd.s32 $0xFFFFFEF7, lr;
	s5 =	simm.s32 $0xFFFFFFFF;
	p2 =	slt.u32 s8, $0xFFFFF086  }
0x1c: {  	p1 =	slt.u32 s9, $0xF7A;
	s5 =	simm.s32 @!p2 $0x0  }
0x1d: {  	s5 =	simm.s32 @p1 $0x1;
	p0 =	seq.s32 s7, s2  }
0x1e: {  	s7 =	smul.u32 @!p0 $0xF7A, s2;
	p2 =	seq.s32 @!p0 s5, $0x0  }
0x1f: {  	s9 =	smul.u32 $0xF7A, s1;
	s8 =	simm.s32 @!p0 $0x1BF5;
	p2 =	por !p2, p0  }
0x20: {  	[sflag:s8] =	ssyncset.s32 @!p0 $0xFFFFF086;
	s6 =	sadd.s32 @!p0 s3, s7;
	s7 =	simm.s32 @!p0 $0x108  }
0x21: {  	s3 =	sadd.s32 s3, s9;
	s6 =	sadd.s32 @!p0 $0x88, s6;
	s7 =	simm.s32 @p2 $0x1082  }
0x22: {  	[simem:s7], [sflag:s8] =	dma.local @!p0 [hbm:s6], $0xF7A  }
0x23: {  	s9 =	sor.u32 $0xD0000000, s2;
	s6 =	simm.s32 $0x108;
	_ =	swait.ge @!p0 [sflag:s8], $0x0  }
0x24: {  	s3 =	sadd.s32 $0x88, s3;
	s6 =	simm.s32 @!p1 $0x1082;
	[sflag:s4] =	ssyncset.s32 $0xFFFFF086  }
0x25: {  	[simem:s6], [sflag:s4] =	dma.local [hbm:s3], $0xF7A  }
0x26: {  	[smem:$0x3F84] =	sst s1;
	(tag) =	ssettag s2;
	_ =	strace s9  }
0x27: {  	s1 =	sld [smem:$0x3F94]  }
0x28: {  	s2 =	sld [smem:$0x3F95]  }
0x29: {  	s4 =	sld [smem:$0x3F97]  }
0x2a: {  	p0 =	seq.s32 s5, $0x0;
	s5 =	sld [smem:$0x3F98]  }
0x2b: {  	s6 =	sld [smem:$0x3F99]  }
0x2c: {  	s7 =	sld [smem:$0x3F9A]  }
0x2d: {  	s3 =	simm.s32 $0x108;
	s8 =	sld [smem:$0x3F9B]  }
0x2e: {  	s3 =	simm.s32 @!p0 $0x1082;
	s9 =	sld [smem:$0x3F9C]  }
0x2f: {  	lr =	sadd.s32 s0, s3;
	s0 =	sld [smem:$0x3F93]  }
0x30: {  	s3 =	sld [smem:$0x3F96]  }
0x31: {  	[smem:$0x3F9F] =	sst s10  }
0x32: {  	s10 =	sld [smem:$0x3F9D];
	_ =	sdelay $0x3  }
0x33: {  	p0 =	seq.s32 s10, $0x1;
	s10 =	sld [smem:$0x3F9F];
	_ =	sdelay $0x3  }
0x34: {  	[smem:$0x3F9F] =	sst s10  }
0x35: {  	s10 =	sld [smem:$0x3F9E];
	_ =	sdelay $0x3  }
0x36: {  	p1 =	seq.s32 s10, $0x1;
	s10 =	sld [smem:$0x3F9F];
	_ =	sdelay $0x3  }
0x37: {  	[smem:$0x3F9F] =	sst s10  }
0x38: {  	s10 =	sld [smem:$0x3FA0]  }
0x39: {  	_ = 	snop;
	(pc) =	sbr.ind lr, $3  }
0x3a: {  	_ = 	snop  }
0x3b: {  	_ = 	snop  }
0x3c: {  	p2 =	seq.s32 s10, $0x1;
	s10 =	sld [smem:$0x3F9F]  }
0x3d: {  	_ =	shalt  }
0x3e: {  	_ =	shalt  }
0x3f: {  	_ =	shalt  }
0x40: {  	_ =	shalt  }
0x41: {  	_ =	shalt  }
0x42: {  	_ =	shalt  }
0x43: {  	_ =	shalt  }
0x44: {  	_ =	shalt  }
0x45: {  	_ =	shalt  }
0x46: {  	_ =	shalt  }
0x47: {  	_ =	shalt  }
0x48: {  	_ =	shalt  }
0x49: {  	_ =	shalt  }
0x4a: {  	_ =	shalt  }
0x4b: {  	_ =	shalt  }
0x4c: {  	_ =	shalt  }
0x4d: {  	_ =	shalt  }
0x4e: {  	_ =	shalt  }
0x4f: {  	_ =	shalt  }
0x50: {  	_ =	shalt  }
0x51: {  	_ =	shalt  }
0x52: {  	_ =	shalt  }
0x53: {  	_ =	shalt  }
0x54: {  	_ =	shalt  }
0x55: {  	_ =	shalt  }
0x56: {  	_ =	shalt  }
0x57: {  	_ =	shalt  }
0x58: {  	_ =	shalt  }
0x59: {  	_ =	shalt  }
0x5a: {  	_ =	shalt  }
0x5b: {  	_ =	shalt  }
0x5c: {  	_ =	shalt  }
0x5d: {  	_ =	shalt  }
0x5e: {  	_ =	shalt  }
0x5f: {  	_ =	shalt  }
0x60: {  	_ =	shalt  }
0x61: {  	_ =	shalt  }
0x62: {  	_ =	shalt  }
0x63: {  	_ =	shalt  }
0x64: {  	_ =	shalt  }
0x65: {  	_ =	shalt  }
0x66: {  	_ =	shalt  }
0x67: {  	_ =	shalt  }
0x68: {  	_ =	shalt  }
0x69: {  	_ =	shalt  }
0x6a: {  	_ =	shalt  }
0x6b: {  	_ =	shalt  }
0x6c: {  	_ =	shalt  }
0x6d: {  	_ =	shalt  }
0x6e: {  	_ =	shalt  }
0x6f: {  	_ =	shalt  }
0x70: {  	_ =	shalt  }
0x71: {  	_ =	shalt  }
0x72: {  	_ =	shalt  }
0x73: {  	_ =	shalt  }
0x74: {  	_ =	shalt  }
0x75: {  	_ =	shalt  }
0x76: {  	_ =	shalt  }
0x77: {  	_ =	shalt  }
0x78: {  	_ =	shalt  }
0x79: {  	_ =	shalt  }
0x7a: {  	_ =	shalt  }
0x7b: {  	_ =	shalt  }
0x7c: {  	_ =	shalt  }
0x7d: {  	_ =	shalt  }
0x7e: {  	_ =	shalt  }
0x7f: {  	_ =	shalt  }
0x80: {  	_ =	shalt  }
0x81: {  	_ =	shalt  }
0x82: {  	_ =	shalt  }
0x83: {  	_ =	shalt  }
0x84: {  	_ =	shalt  }
0x85: {  	_ =	shalt  }
0x86: {  	_ =	shalt  }
0x87: {  	_ =	shalt  }
.Lfunc_end0:
.L_simem_size_0:
called_computation.2_lowered:
.L_overlay_start_0:
0x88: {  	s2 =	sld [smem:$0x3FD9]  }
0x89: {  	s3 =	sld [smem:$0x3FFE];
	_ =	sdelay $0x1  }
0x8a: {  	s1 =	srdreg.scid  }
0x8b: {  	s0 =	sand.u32 $0x1, s1  }
0x8c: {  	s17 =	sshll.u32 s0, $0xA;
	s2 =	sadd.s32 s3, s2  }
0x8d: {  	s2 =	sadd.s32 s2, s17  }
0x8e: {  	[smem:$0x3FAB] =	sst s2  }
0x8f: {  	_ = 	snop  }
0x90: {  	s2 =	sld [smem:$0x3FD0];
	(tm) =	ssettm $0x1  }
0x91: {  	s18 =	sld [smem:$0x3FFB];
	_ =	sdelay $0x3  }
0x92: {  	_ =	strace s18  }
0x93: {  	s3 =	sld [smem:$0x3FFC];
	_ =	sdelay $0x3  }
0x94: {  	_ =	strace s3  }
0x95: {  	s3 =	sld [smem:$0x3FFD];
	_ =	sdelay $0x3  }
0x96: {  	_ =	strace s3  }
0x97: {  	_ =	strace $0x8FFFFFFF  }
0x98: {  	s19 =	sld [smem:$0x3FDB];
	_ =	sdelay $0x1  }
0x99: {  	s4 =	simm.s32 $_scs_section_size  }
0x9a: {  	s5 =	simm.s32 $_size__tile_overlayer_lowered;
	s6 =	simm.s32 $_tile_overlayer_lowered  }
0x9b: {  	s22 =	simm.s32 $0x1BFF;
	s21 =	sshll.u32 s6, $0x1;
	s3 =	sadd.s32 s4, s19  }
0x9c: {  	s7 =	simm.s32 $0x0;
	s20 =	sshll.u32 s5, $0x1;
	s5 =	sadd.s32 s21, s3  }
0x9d: {  	[timem:s7], [sflag:s22] =	dma.local [hbm:s5], s20  }
0x9e: {  	_ =	swait.ge [sflag:s22], s20  }
0x9f: {  	s4 =	ssub.s32 $0x0, s20;
	[sflag:s22] =	ssyncset.done $0x0  }
0xa0: {  	[sflag:s22] =	ssyncadd.s32 s4;
	_ =	sdelay $0x1  }
0xa1: {  	s23 =	simm.s32 $0x1B8B  }
0xa2: {  	_ =	swait.ge [sflag:s23], $0x1  }
0xa3: {  	[sflag:s23] =	ssyncset.done $0x0  }
0xa4: {  	s25 =	simm.s32 $0x1B8E;
	s24 =	sld [smem:$0x3FFE];
	[sflag:s23] =	ssyncadd.s32 $0xFFFFFFFF  }
0xa5: {  	s26 =	simm.s32 $execute0_lowered;
	[smem:$0x3FD2] =	sst s25  }
0xa6: {  	s5 =	sshll.u32 s26, $0x1;
	_ =	strace $0x8000004C;
	[dreg:$0x1] =	wrdreg $0xFFFFFFFF  }
0xa7: {  	s28 =	simm.s32 $_size_execute0_lowered;
	s3 =	sadd.s32 s3, s5;
	[dreg:$0x0] =	wrdreg $0x0  }
0xa8: {  	s5 =	sshll.u32 s28, $0x1;
	[dreg:$0x2] =	wrdreg s3  }
0xa9: {  	[dreg:$0x3] =	wrdreg s5  }
0xaa: {  	[dreg:$0x4] =	wrdreg $0xC0  }
0xab: {  	_ =	task [dreg:s7], $0x5FFFF  }
0xac: {  	[dreg:$0x1] =	wrdreg $0xFFFFFFFF  }
0xad: {  	[dreg:$0x0] =	wrdreg $0x60  }
0xae: {  	[dreg:$0x2] =	wrdreg s24  }
0xaf: {  	[dreg:$0x3] =	wrdreg s2  }
0xb0: {  	[dreg:$0x4] =	wrdreg $0xC0000  }
0xb1: {  	[dreg:$0x5] =	wrdreg $0x9  }
0xb2: {  	_ =	task.clear_ibuf [dreg:s7], $0x6FFFF;
	_ =	strace $0x9000004C  }
0xb3: {  	s29 =	simm.s32 $0x9;
	_ =	strace $0x8000004E  }
0xb4: {  	_ =	swait.ge [sflag:s29], $0x1  }
0xb5: {  	[sflag:s29] =	ssyncadd.s32 $0xFFFFFFFF  }
0xb6: {  	_ =	strace $0x9000004E  }
0xb7: {  	_ =	sfence  }
0xb8: {  	s30 =	sld [smem:$0x0];
	_ =	sdelay $0x2  }
0xb9: {  	s31 =	sshll.u32 s1, $0xD;
	s1 =	sshrl.u32 s1, $0x2  }
0xba: {  	s3 =	sand.u32 $0x4000, s31;
	s1 =	sadd.s32 s1, s30  }
0xbb: {  	s0 =	sor.u32 s3, s0;
	s1 =	sshll.u32 s1, $0x11  }
0xbc: {  	s0 =	sor.u32 s1, s0  }
0xbd: {  	s0 =	sadd.s32 $0x8F2B, s0  }
0xbe: {  	[sflag:s0] =	ssyncadd.remote.s32 $0x1  }
0xbf: {  	_ =	sfence.sel $0xFFFF  }
0xc0: {  	[dreg:$0x0] =	wrdreg $0xFFFFFFFF;
	(pc) =	sbr.abs _section_cstart, $3  }
0xc1: {  	[dreg:$0x1] =	wrdreg $0xFFFFFFFF  }
0xc2: {  	_ =	task.clear_ibuf [dreg:s7], $0x2FFFF;
	_ =	strace $0x9FFFFFFF  }
0xc3: {  	(tm) =	ssettm $0x7FFFFFFF  }
tec
execute0_lowered:
.L_overlay_start_1:
0x0: {  	(tag) =	ssettag $0x1  }
0x1: {  	s0 =	rddreg [dreg:$0x0]  }
0x2: {  	s2 =	rddreg [dreg:$0x2]  }
0x3: {  	s3 =	simm.s32 $0x0;
	s1 =	srdreg.scid;
	s11 =	stileid.u32  }
0x4: {  	s28 =	simm.s32 $0xB;
	s29 =	simm.s32 $0x8000;
	s31 =	simm.s32 $0xA000  }
0x5: {  	s19 =	simm.s32 $0x4;
	s12 =	simm.s32 $0x8;
	s18 =	simm.s32 $0xA  }
0x6: {  	s15 =	simm.s32 $0x3E80;
	s16 =	simm.s32 $0x3F00;
	s17 =	simm.s32 $0x0  }
0x7: {  	[smem:$0x7FF] =	sst s3;
	s5 =	sadd.s32 $0x2DE00, s0;
	s6 =	sadd.s32 $0x5E00, s0  }
0x8: {  	s1 =	sand.u32 $0x1, s1;
	s4 =	smul.u32 $0x2800, s11;
	s7 =	sadd.s32 $0x55E00, s0  }
0x9: {  	s10 =	smul.u32 $0x50000, s11;
	s22 =	sshll.u32 s11, $0x6;
	_ =	strace $0x8000004D  }
0xa: {  	s8 =	smul.u32 $0x28000, s1;
	s9 =	sshll.u32 s1, $0x4;
	s1 =	ssub.s32 $0x2, s1  }
0xb: {  	[dreg:$0xc] =	wrdreg s17;
	s9 =	sor.u32 s11, s9;
	s20 =	sshrl.u32 s1, $0x1  }
0xc: {  	s21 =	sshrl.u32 s10, $0x2;
	s11 =	simm.s32 $0x7;
	s4 =	sadd.s32 s4, s8  }
0xd: {  	s9 =	smul.u32 $0xA000, s9;
	s1 =	ssub.s32 s1, s20;
	s20 =	simm.s32 $0x1000  }
0xe: {  	s0 =	sadd.s32 s4, s0;
	s4 =	sadd.s32 s21, s2;
	s21 =	sor.u32 $0x1C0B, s22  }
0xf: {  	s30 =	smax.u32 s1, $0x1;
	s22 =	simm.s32 $0x9;
	s1 =	simm.s32 $0x3  }
0x10: {  	s23 =	sshrl.u32 s9, $0x3;
	s13 =	sadd.s32 $0x2000, s9;
	s14 =	sadd.s32 $0x3000, s9  }
0x11: {  	s0 =	sadd.s32 $0xF5E00, s0;
	[dreg:$0xa] =	wrdreg s30;
	s9 =	simm.s32 $0x5  }
0x12: {  	[dreg:$0x4] =	wrdreg s21;
	s24 =	sadd.s32 s5, s23;
	s25 =	sor.u32 $0x200, s23  }
0x13: {  	s10 =	sadd.s32 s6, s23;
	[dreg:$0x9] =	wrdreg s0;
	s23 =	simm.s32 $0x40  }
.Ltmp0:
0x14: {  	s0 =	simm.s32 $0x1;
	[dreg:$0x5] =	wrdreg s24;
	(pc) =	sbr.rel .LBB2_1-.Ltmp0, $4  }
0x15: {  	[dreg:$0x6] =	wrdreg s10;
	s26 =	sadd.s32 s5, s25;
	s8 =	sadd.s32 s6, s25  }
0x16: {  	s25 =	sshrl.u32 s4, $0x3;
	s24 =	simm.s32 $0x4000;
	[dreg:$0x7] =	wrdreg s26  }
0x17: {  	s4 =	simm.s32 $0x2;
	s10 =	simm.s32 $0x6;
	[dreg:$0x8] =	wrdreg s8  }
0x18: {  	s26 =	simm.s32 $0x6000;
	s8 =	simm.s32 $0x3F80;
	[dreg:$0xb] =	wrdreg s25  }
.LBB2_8:
0x19: {  	[bflag:$0x0] =	sbarrier.arrive $0xFFFF  }
0x1a: {  	s21 =	rddreg [dreg:$0x4]  }
0x1b: {  	s17 =	rddreg [dreg:$0x9]  }
0x1c: {  	s28 =	simm.s32 $0xB;
	s25 =	rddreg [dreg:$0xb]  }
0x1d: {  	[hbm:s17], [sflag:s21] =	dma.local [spmem:s25], $0x2800  }
0x1e: {  	_ =	swait.ge [sflag:s28], $0x2800  }
0x1f: {  	s30 =	rddreg [dreg:$0xc]  }
0x20: {  	s17 =	rddreg [dreg:$0xa];
	s30 =	sadd.s32 $0x1, s30  }
0x21: {  	p0 =	sne.s32 s30, s17  }
.Ltmp1:
0x22: {  	_ = 	snop;
	(pc) =	sbr.rel @!p0 .LBB2_9-.Ltmp1, $3  }
0x23: {  	_ =	sdelay $0x1  }
0x24: {  	[sflag:s28] =	ssyncset.done $0x0  }
0x25: {  	[sflag:s28] =	ssyncadd.s32 $0xFFFFD800;
	[dreg:$0xc] =	wrdreg s30  }
.LBB2_1:
0x26: {  	s17 =	rddreg [dreg:$0x1]  }
0x27: {  	[spmem:s25], [sflag:s21] =	dma.local [hbm:s17], $0x2800  }
0x28: {  	_ =	swait.ge [sflag:s28], $0x2800  }
0x29: {  	[sflag:s28] =	ssyncset.done $0x0  }
0x2a: {  	s25 =	rddreg [dreg:$0x5];
	[sflag:s28] =	ssyncadd.s32 $0xFFFFD800  }
0x2b: {  	[tilespmem:s3], [sflag:$0x9] =	stream.linear.gather [hbm4b:s25+s3], $0x1000, $0x38;
	v63 =	vld [tilespmem:$0x0]  }
0x2c: {  	s30 =	simm.s32 $0x2000;
	s28 =	rddreg [dreg:$0x6]  }
0x2d: {  	[tilespmem:s30], [sflag:$0x9] =	stream.linear.gather [hbm4b:s28+s3], $0x1000, $0x38;
	v63 =	vld [tilespmem:$0x0]  }
0x2e: {  	s25 =	rddreg [dreg:$0x7]  }
0x2f: {  	[tilespmem:s20], [sflag:$0xA] =	stream.linear.gather [hbm4b:s25+s3], $0x1000, $0x38;
	v63 =	vld [tilespmem:$0x0]  }
0x30: {  	s28 =	rddreg [dreg:$0x8];
	s30 =	simm.s32 $0x3000  }
0x31: {  	[tilespmem:s30], [sflag:$0xA] =	stream.linear.gather [hbm4b:s28+s3], $0x1000, $0x38;
	v63 =	vld [tilespmem:$0x0]  }
0x32: {  	s17 =	simm.s32 $0x0;
	[bflag:$0x0] =	sbarrier.arrive $0xFFFF  }
.LBB2_2:
0x33: {  	_ =	swait.ge [sflag:s22], $0x1000  }
0x34: {  	[sflag:s22] =	ssyncset.done $0x0  }
0x35: {  	[sflag:s22] =	ssyncadd.s32 $0xFFFFF000  }
0x36: {  	_ =	swait.ge [sflag:s22], $0x1000  }
0x37: {  	[sflag:s22] =	ssyncset.done $0x0  }
0x38: {  	s21 =	simm.s32 $0x0;
	[sflag:s22] =	ssyncadd.s32 $0xFFFFF000  }
0x39: {  	[tilespmem:s24], [sflag:$0x1] =	stream.indirect.gather [hbm4b:s7+s23], $0x80, s21, s23, $0xb8;
	v63 =	vld [tilespmem:$0x0]  }
0x3a: {  	s30 =	simm.s32 $0x80  }
0x3b: {  	[tilespmem:s26], [sflag:$0x2] =	stream.indirect.gather [hbm4b:s7+s23], $0x80, s30, s23, $0xb8;
	v63 =	vld [tilespmem:$0x0]  }
0x3c: {  	s25 =	simm.s32 $0x100  }
0x3d: {  	[tilespmem:s29], [sflag:$0x3] =	stream.indirect.gather [hbm4b:s7+s23], $0x80, s25, s23, $0xb8;
	v63 =	vld [tilespmem:$0x0]  }
0x3e: {  	s28 =	simm.s32 $0x180  }
0x3f: {  	[tilespmem:s31], [sflag:$0x4] =	stream.indirect.gather [hbm4b:s7+s23], $0x80, s28, s23, $0xb8;
	v63 =	vld [tilespmem:$0x0]  }
0x40: {  	_ =	swait.ge [sflag:s0], $0x2000  }
0x41: {  	[sflag:s0] =	ssyncset.done $0x0  }
0x42: {  	s30 =	simm.s32 $0x2000;
	[sflag:s0] =	ssyncadd.s32 $0xFFFFE000  }
0x43: {  	[spmem:s2] =	stream.indirect.scatter.add.f32 [tilespmem:s24], [sflag:$0x5], $0x80, s30, s23, $0xb8;
	v63 =	vld [tilespmem:$0x0]  }
0x44: {  	_ =	swait.ge [sflag:s4], $0x2000  }
0x45: {  	[sflag:s4] =	ssyncset.done $0x0  }
0x46: {  	s25 =	simm.s32 $0x2080;
	[sflag:s4] =	ssyncadd.s32 $0xFFFFE000  }
0x47: {  	[spmem:s2] =	stream.indirect.scatter.add.f32 [tilespmem:s26], [sflag:$0x6], $0x80, s25, s23, $0xb8;
	v63 =	vld [tilespmem:$0x0]  }
0x48: {  	_ =	swait.ge [sflag:s1], $0x2000  }
0x49: {  	[sflag:s1] =	ssyncset.done $0x0  }
0x4a: {  	s28 =	simm.s32 $0x2100;
	[sflag:s1] =	ssyncadd.s32 $0xFFFFE000  }
0x4b: {  	[spmem:s2] =	stream.indirect.scatter.add.f32 [tilespmem:s29], [sflag:$0x7], $0x80, s28, s23, $0xb8;
	v63 =	vld [tilespmem:$0x0]  }
0x4c: {  	_ =	swait.ge [sflag:s19], $0x2000  }
0x4d: {  	[sflag:s19] =	ssyncset.done $0x0  }
0x4e: {  	s30 =	simm.s32 $0x2180;
	[sflag:s19] =	ssyncadd.s32 $0xFFFFE000  }
0x4f: {  	[spmem:s2] =	stream.indirect.scatter.add.f32 [tilespmem:s31], [sflag:$0x8], $0x80, s30, s23, $0xb8;
	v63 =	vld [tilespmem:$0x0]  }
0x50: {  	_ =	swait.ge [sflag:s9], $0x2000  }
0x51: {  	[sflag:s9] =	ssyncset.done $0x0  }
0x52: {  	s25 =	simm.s32 $0x200;
	[sflag:s9] =	ssyncadd.s32 $0xFFFFE000  }
0x53: {  	[tilespmem:s24], [sflag:$0x1] =	stream.indirect.gather [hbm4b:s7+s23], $0x80, s25, s23, $0xb8;
	v63 =	vld [tilespmem:$0x0]  }
0x54: {  	_ =	swait.ge [sflag:s10], $0x2000  }
0x55: {  	[sflag:s10] =	ssyncset.done $0x0  }
0x56: {  	s28 =	simm.s32 $0x280;
	[sflag:s10] =	ssyncadd.s32 $0xFFFFE000  }
0x57: {  	[tilespmem:s26], [sflag:$0x2] =	stream.indirect.gather [hbm4b:s7+s23], $0x80, s28, s23, $0xb8;
	v63 =	vld [tilespmem:$0x0]  }
0x58: {  	_ =	swait.ge [sflag:s11], $0x2000  }
0x59: {  	[sflag:s11] =	ssyncset.done $0x0  }
0x5a: {  	s30 =	simm.s32 $0x300;
	[sflag:s11] =	ssyncadd.s32 $0xFFFFE000  }
0x5b: {  	[tilespmem:s29], [sflag:$0x3] =	stream.indirect.gather [hbm4b:s7+s23], $0x80, s30, s23, $0xb8;
	v63 =	vld [tilespmem:$0x0]  }
0x5c: {  	_ =	swait.ge [sflag:s12], $0x2000  }
0x5d: {  	[sflag:s12] =	ssyncset.done $0x0  }
0x5e: {  	s21 =	simm.s32 $0x800;
	s25 =	simm.s32 $0x380;
	[sflag:s12] =	ssyncadd.s32 $0xFFFFE000  }
.LBB2_3:
0x5f: {  	[tilespmem:s31], [sflag:$0x4] =	stream.indirect.gather [hbm4b:s7+s23], $0x80, s25, s23, $0xb8;
	v63 =	vld [tilespmem:$0x0]  }
0x60: {  	s25 =	smov.u32 s21  }
0x61: {  	p0 =	sne.s32 s21, $0x3000;
	s21 =	sadd.s32 $0x800, s21;
	_ =	swait.ge [sflag:s0], $0x2000  }
0x62: {  	s25 =	sshra.s32 s25, $0x2;
	[sflag:s0] =	ssyncset.done $0x0  }
0x63: {  	s28 =	sadd.s32 $0x2000, s25;
	[sflag:s0] =	ssyncadd.s32 $0xFFFFE000  }
0x64: {  	[spmem:s2] =	stream.indirect.scatter.add.f32 [tilespmem:s24], [sflag:$0x5], $0x80, s28, s23, $0xb8;
	v63 =	vld [tilespmem:$0x0]  }
0x65: {  	_ =	swait.ge [sflag:s4], $0x2000  }
0x66: {  	[sflag:s4] =	ssyncset.done $0x0  }
0x67: {  	s28 =	sadd.s32 $0x2080, s25;
	[sflag:s4] =	ssyncadd.s32 $0xFFFFE000  }
0x68: {  	[spmem:s2] =	stream.indirect.scatter.add.f32 [tilespmem:s26], [sflag:$0x6], $0x80, s28, s23, $0xb8;
	v63 =	vld [tilespmem:$0x0]  }
0x69: {  	_ =	swait.ge [sflag:s1], $0x2000  }
0x6a: {  	[sflag:s1] =	ssyncset.done $0x0  }
0x6b: {  	s28 =	sadd.s32 $0x2100, s25;
	[sflag:s1] =	ssyncadd.s32 $0xFFFFE000  }
0x6c: {  	[spmem:s2] =	stream.indirect.scatter.add.f32 [tilespmem:s29], [sflag:$0x7], $0x80, s28, s23, $0xb8;
	v63 =	vld [tilespmem:$0x0]  }
0x6d: {  	_ =	swait.ge [sflag:s19], $0x2000  }
0x6e: {  	[sflag:s19] =	ssyncset.done $0x0  }
0x6f: {  	s28 =	sadd.s32 $0x2180, s25;
	[sflag:s19] =	ssyncadd.s32 $0xFFFFE000  }
0x70: {  	[spmem:s2] =	stream.indirect.scatter.add.f32 [tilespmem:s31], [sflag:$0x8], $0x80, s28, s23, $0xb8;
	v63 =	vld [tilespmem:$0x0]  }
0x71: {  	_ =	swait.ge [sflag:s9], $0x2000  }
0x72: {  	[sflag:s9] =	ssyncset.done $0x0  }
0x73: {  	s28 =	sadd.s32 $0x200, s25;
	[sflag:s9] =	ssyncadd.s32 $0xFFFFE000  }
0x74: {  	[tilespmem:s24], [sflag:$0x1] =	stream.indirect.gather [hbm4b:s7+s23], $0x80, s28, s23, $0xb8;
	v63 =	vld [tilespmem:$0x0]  }
0x75: {  	_ =	swait.ge [sflag:s10], $0x2000  }
0x76: {  	[sflag:s10] =	ssyncset.done $0x0  }
0x77: {  	s28 =	sadd.s32 $0x280, s25;
	[sflag:s10] =	ssyncadd.s32 $0xFFFFE000  }
0x78: {  	[tilespmem:s26], [sflag:$0x2] =	stream.indirect.gather [hbm4b:s7+s23], $0x80, s28, s23, $0xb8;
	v63 =	vld [tilespmem:$0x0]  }
0x79: {  	_ =	swait.ge [sflag:s11], $0x2000  }
0x7a: {  	[sflag:s11] =	ssyncset.done $0x0  }
.Ltmp2:
0x7b: {  	s28 =	sadd.s32 $0x300, s25;
	[sflag:s11] =	ssyncadd.s32 $0xFFFFE000;
	(pc) =	sbr.rel @p0 .LBB2_3-.Ltmp2, $4  }
0x7c: {  	[tilespmem:s29], [sflag:$0x3] =	stream.indirect.gather [hbm4b:s7+s23], $0x80, s28, s23, $0xb8;
	v63 =	vld [tilespmem:$0x0]  }
0x7d: {  	_ =	swait.ge [sflag:s12], $0x2000  }
0x7e: {  	[sflag:s12] =	ssyncset.done $0x0  }
0x7f: {  	s25 =	sadd.s32 $0x380, s25;
	[sflag:s12] =	ssyncadd.s32 $0xFFFFE000  }
0x80: {  	[tilespmem:s31], [sflag:$0x4] =	stream.indirect.gather [hbm4b:s7+s23], $0x80, s25, s23, $0xb8;
	v63 =	vld [tilespmem:$0x0]  }
0x81: {  	_ =	swait.ge [sflag:s0], $0x2000  }
0x82: {  	[sflag:s0] =	ssyncset.done $0x0  }
0x83: {  	s21 =	simm.s32 $0x2E00;
	[sflag:s0] =	ssyncadd.s32 $0xFFFFE000  }
0x84: {  	[spmem:s2] =	stream.indirect.scatter.add.f32 [tilespmem:s24], [sflag:$0x5], $0x80, s21, s23, $0xb8;
	v63 =	vld [tilespmem:$0x0]  }
0x85: {  	_ =	swait.ge [sflag:s4], $0x2000  }
0x86: {  	[sflag:s4] =	ssyncset.done $0x0  }
0x87: {  	s25 =	simm.s32 $0x2E80;
	[sflag:s4] =	ssyncadd.s32 $0xFFFFE000  }
0x88: {  	[spmem:s2] =	stream.indirect.scatter.add.f32 [tilespmem:s26], [sflag:$0x6], $0x80, s25, s23, $0xb8;
	v63 =	vld [tilespmem:$0x0]  }
0x89: {  	_ =	swait.ge [sflag:s1], $0x2000  }
0x8a: {  	[sflag:s1] =	ssyncset.done $0x0  }
0x8b: {  	s30 =	simm.s32 $0x2F00;
	[sflag:s1] =	ssyncadd.s32 $0xFFFFE000  }
0x8c: {  	[spmem:s2] =	stream.indirect.scatter.add.f32 [tilespmem:s29], [sflag:$0x7], $0x80, s30, s23, $0xb8;
	v63 =	vld [tilespmem:$0x0]  }
0x8d: {  	_ =	swait.ge [sflag:s19], $0x2000  }
0x8e: {  	[sflag:s19] =	ssyncset.done $0x0  }
0x8f: {  	s25 =	simm.s32 $0x2F80;
	[sflag:s19] =	ssyncadd.s32 $0xFFFFE000  }
0x90: {  	[spmem:s2] =	stream.indirect.scatter.add.f32 [tilespmem:s31], [sflag:$0x8], $0x80, s25, s23, $0xb8;
	v63 =	vld [tilespmem:$0x0]  }
0x91: {  	_ =	swait.ge [sflag:s9], $0x2000  }
0x92: {  	[sflag:s9] =	ssyncset.done $0x0  }
0x93: {  	[sflag:s9] =	ssyncadd.s32 $0xFFFFE000  }
0x94: {  	_ =	swait.ge [sflag:s10], $0x2000  }
0x95: {  	[sflag:s10] =	ssyncset.done $0x0  }
0x96: {  	[sflag:s10] =	ssyncadd.s32 $0xFFFFE000  }
0x97: {  	_ =	swait.ge [sflag:s11], $0x2000  }
0x98: {  	[sflag:s11] =	ssyncset.done $0x0  }
0x99: {  	p0 =	seq.s32 s17, $0x4;
	s21 =	sshll.u32 s17, $0xD;
	[sflag:s11] =	ssyncadd.s32 $0xFFFFE000  }
0x9a: {  	s25 =	sadd.s32 @!p0 s21, s13;
	_ =	swait.ge [sflag:s12], $0x2000  }
0x9b: {  	s25 =	sshrl.u32 @!p0 s25, $0x3;
	[sflag:s12] =	ssyncset.done $0x0  }
0x9c: {  	s30 =	simm.s32 @!p0 $0x0;
	s28 =	sadd.s32 @!p0 s5, s25;
	[sflag:s12] =	ssyncadd.s32 $0xFFFFE000  }
0x9d: {  	[tilespmem:s30], [sflag:$0x9] =	stream.linear.gather @!p0 [hbm4b:s28+s30], $0x1000, $0x38;
	v63 =	vld [tilespmem:$0x0]  }
0x9e: {  	s25 =	sadd.s32 @!p0 s6, s25;
	s28 =	simm.s32 @!p0 $0x2000  }
0x9f: {  	[tilespmem:s28], [sflag:$0x9] =	stream.linear.gather @!p0 [hbm4b:s25+s30], $0x1000, $0x38;
	v63 =	vld [tilespmem:$0x0]  }
0xa0: {  	_ =	swait.ge [sflag:s18], $0x1000  }
0xa1: {  	[sflag:s18] =	ssyncset.done $0x0  }
0xa2: {  	[sflag:s18] =	ssyncadd.s32 $0xFFFFF000  }
0xa3: {  	_ =	swait.ge [sflag:s18], $0x1000  }
0xa4: {  	[sflag:s18] =	ssyncset.done $0x0  }
0xa5: {  	[sflag:s18] =	ssyncadd.s32 $0xFFFFF000  }
0xa6: {  	[tilespmem:s24], [sflag:$0x1] =	stream.indirect.gather [hbm4b:s7+s23], $0x80, s20, s23, $0xb8;
	v63 =	vld [tilespmem:$0x0]  }
0xa7: {  	s30 =	simm.s32 $0x1080  }
0xa8: {  	[tilespmem:s26], [sflag:$0x2] =	stream.indirect.gather [hbm4b:s7+s23], $0x80, s30, s23, $0xb8;
	v63 =	vld [tilespmem:$0x0]  }
0xa9: {  	s30 =	simm.s32 $0x1100  }
0xaa: {  	[tilespmem:s29], [sflag:$0x3] =	stream.indirect.gather [hbm4b:s7+s23], $0x80, s30, s23, $0xb8;
	v63 =	vld [tilespmem:$0x0]  }
0xab: {  	s30 =	simm.s32 $0x1180  }
0xac: {  	[tilespmem:s31], [sflag:$0x4] =	stream.indirect.gather [hbm4b:s7+s23], $0x80, s30, s23, $0xb8;
	v63 =	vld [tilespmem:$0x0]  }
0xad: {  	_ =	swait.ge [sflag:s0], $0x2000  }
0xae: {  	[sflag:s0] =	ssyncset.done $0x0  }
0xaf: {  	s30 =	simm.s32 $0x3000;
	[sflag:s0] =	ssyncadd.s32 $0xFFFFE000  }
0xb0: {  	[spmem:s2] =	stream.indirect.scatter.add.f32 [tilespmem:s24], [sflag:$0x5], $0x80, s30, s23, $0xb8;
	v63 =	vld [tilespmem:$0x0]  }
0xb1: {  	_ =	swait.ge [sflag:s4], $0x2000  }
0xb2: {  	[sflag:s4] =	ssyncset.done $0x0  }
0xb3: {  	s30 =	simm.s32 $0x3080;
	[sflag:s4] =	ssyncadd.s32 $0xFFFFE000  }
0xb4: {  	[spmem:s2] =	stream.indirect.scatter.add.f32 [tilespmem:s26], [sflag:$0x6], $0x80, s30, s23, $0xb8;
	v63 =	vld [tilespmem:$0x0]  }
0xb5: {  	_ =	swait.ge [sflag:s1], $0x2000  }
0xb6: {  	[sflag:s1] =	ssyncset.done $0x0  }
0xb7: {  	s30 =	simm.s32 $0x3100;
	[sflag:s1] =	ssyncadd.s32 $0xFFFFE000  }
0xb8: {  	[spmem:s2] =	stream.indirect.scatter.add.f32 [tilespmem:s29], [sflag:$0x7], $0x80, s30, s23, $0xb8;
	v63 =	vld [tilespmem:$0x0]  }
0xb9: {  	_ =	swait.ge [sflag:s19], $0x2000  }
0xba: {  	[sflag:s19] =	ssyncset.done $0x0  }
0xbb: {  	s30 =	simm.s32 $0x3180;
	[sflag:s19] =	ssyncadd.s32 $0xFFFFE000  }
0xbc: {  	[spmem:s2] =	stream.indirect.scatter.add.f32 [tilespmem:s31], [sflag:$0x8], $0x80, s30, s23, $0xb8;
	v63 =	vld [tilespmem:$0x0]  }
0xbd: {  	_ =	swait.ge [sflag:s9], $0x2000  }
0xbe: {  	[sflag:s9] =	ssyncset.done $0x0  }
0xbf: {  	s30 =	simm.s32 $0x1200;
	[sflag:s9] =	ssyncadd.s32 $0xFFFFE000  }
0xc0: {  	[tilespmem:s24], [sflag:$0x1] =	stream.indirect.gather [hbm4b:s7+s23], $0x80, s30, s23, $0xb8;
	v63 =	vld [tilespmem:$0x0]  }
0xc1: {  	_ =	swait.ge [sflag:s10], $0x2000  }
0xc2: {  	[sflag:s10] =	ssyncset.done $0x0  }
0xc3: {  	s30 =	simm.s32 $0x1280;
	[sflag:s10] =	ssyncadd.s32 $0xFFFFE000  }
0xc4: {  	[tilespmem:s26], [sflag:$0x2] =	stream.indirect.gather [hbm4b:s7+s23], $0x80, s30, s23, $0xb8;
	v63 =	vld [tilespmem:$0x0]  }
0xc5: {  	_ =	swait.ge [sflag:s11], $0x2000  }
0xc6: {  	[sflag:s11] =	ssyncset.done $0x0  }
0xc7: {  	s30 =	simm.s32 $0x1300;
	[sflag:s11] =	ssyncadd.s32 $0xFFFFE000  }
0xc8: {  	[tilespmem:s29], [sflag:$0x3] =	stream.indirect.gather [hbm4b:s7+s23], $0x80, s30, s23, $0xb8;
	v63 =	vld [tilespmem:$0x0]  }
0xc9: {  	_ =	swait.ge [sflag:s12], $0x2000  }
0xca: {  	[sflag:s12] =	ssyncset.done $0x0  }
0xcb: {  	s25 =	simm.s32 $0x800;
	s28 =	simm.s32 $0x1380;
	[sflag:s12] =	ssyncadd.s32 $0xFFFFE000  }
.LBB2_5:
0xcc: {  	[tilespmem:s31], [sflag:$0x4] =	stream.indirect.gather [hbm4b:s7+s23], $0x80, s28, s23, $0xb8;
	v63 =	vld [tilespmem:$0x0]  }
0xcd: {  	s28 =	smov.u32 s25  }
0xce: {  	p1 =	sne.s32 s25, $0x3000;
	s25 =	sadd.s32 $0x800, s25;
	_ =	swait.ge [sflag:s0], $0x2000  }
0xcf: {  	s28 =	sshra.s32 s28, $0x2;
	[sflag:s0] =	ssyncset.done $0x0  }
0xd0: {  	s30 =	sadd.s32 $0x3000, s28;
	[sflag:s0] =	ssyncadd.s32 $0xFFFFE000  }
0xd1: {  	[spmem:s2] =	stream.indirect.scatter.add.f32 [tilespmem:s24], [sflag:$0x5], $0x80, s30, s23, $0xb8;
	v63 =	vld [tilespmem:$0x0]  }
0xd2: {  	_ =	swait.ge [sflag:s4], $0x2000  }
0xd3: {  	[sflag:s4] =	ssyncset.done $0x0  }
0xd4: {  	s30 =	sadd.s32 $0x3080, s28;
	[sflag:s4] =	ssyncadd.s32 $0xFFFFE000  }
0xd5: {  	[spmem:s2] =	stream.indirect.scatter.add.f32 [tilespmem:s26], [sflag:$0x6], $0x80, s30, s23, $0xb8;
	v63 =	vld [tilespmem:$0x0]  }
0xd6: {  	_ =	swait.ge [sflag:s1], $0x2000  }
0xd7: {  	[sflag:s1] =	ssyncset.done $0x0  }
0xd8: {  	s30 =	sadd.s32 $0x3100, s28;
	[sflag:s1] =	ssyncadd.s32 $0xFFFFE000  }
0xd9: {  	[spmem:s2] =	stream.indirect.scatter.add.f32 [tilespmem:s29], [sflag:$0x7], $0x80, s30, s23, $0xb8;
	v63 =	vld [tilespmem:$0x0]  }
0xda: {  	_ =	swait.ge [sflag:s19], $0x2000  }
0xdb: {  	[sflag:s19] =	ssyncset.done $0x0  }
0xdc: {  	s30 =	sadd.s32 $0x3180, s28;
	[sflag:s19] =	ssyncadd.s32 $0xFFFFE000  }
0xdd: {  	[spmem:s2] =	stream.indirect.scatter.add.f32 [tilespmem:s31], [sflag:$0x8], $0x80, s30, s23, $0xb8;
	v63 =	vld [tilespmem:$0x0]  }
0xde: {  	_ =	swait.ge [sflag:s9], $0x2000  }
0xdf: {  	[sflag:s9] =	ssyncset.done $0x0  }
0xe0: {  	s30 =	sadd.s32 $0x1200, s28;
	[sflag:s9] =	ssyncadd.s32 $0xFFFFE000  }
0xe1: {  	[tilespmem:s24], [sflag:$0x1] =	stream.indirect.gather [hbm4b:s7+s23], $0x80, s30, s23, $0xb8;
	v63 =	vld [tilespmem:$0x0]  }
0xe2: {  	_ =	swait.ge [sflag:s10], $0x2000  }
0xe3: {  	[sflag:s10] =	ssyncset.done $0x0  }
0xe4: {  	s30 =	sadd.s32 $0x1280, s28;
	[sflag:s10] =	ssyncadd.s32 $0xFFFFE000  }
0xe5: {  	[tilespmem:s26], [sflag:$0x2] =	stream.indirect.gather [hbm4b:s7+s23], $0x80, s30, s23, $0xb8;
	v63 =	vld [tilespmem:$0x0]  }
0xe6: {  	_ =	swait.ge [sflag:s11], $0x2000  }
0xe7: {  	[sflag:s11] =	ssyncset.done $0x0  }
.Ltmp3:
0xe8: {  	s30 =	sadd.s32 $0x1300, s28;
	[sflag:s11] =	ssyncadd.s32 $0xFFFFE000;
	(pc) =	sbr.rel @p1 .LBB2_5-.Ltmp3, $4  }
0xe9: {  	[tilespmem:s29], [sflag:$0x3] =	stream.indirect.gather [hbm4b:s7+s23], $0x80, s30, s23, $0xb8;
	v63 =	vld [tilespmem:$0x0]  }
0xea: {  	_ =	swait.ge [sflag:s12], $0x2000  }
0xeb: {  	[sflag:s12] =	ssyncset.done $0x0  }
0xec: {  	s28 =	sadd.s32 $0x1380, s28;
	[sflag:s12] =	ssyncadd.s32 $0xFFFFE000  }
0xed: {  	[tilespmem:s31], [sflag:$0x4] =	stream.indirect.gather [hbm4b:s7+s23], $0x80, s28, s23, $0xb8;
	v63 =	vld [tilespmem:$0x0]  }
0xee: {  	_ =	swait.ge [sflag:s0], $0x2000  }
0xef: {  	[sflag:s0] =	ssyncset.done $0x0  }
0xf0: {  	s25 =	simm.s32 $0x3E00;
	[sflag:s0] =	ssyncadd.s32 $0xFFFFE000  }
0xf1: {  	[spmem:s2] =	stream.indirect.scatter.add.f32 [tilespmem:s24], [sflag:$0x5], $0x80, s25, s23, $0xb8;
	v63 =	vld [tilespmem:$0x0]  }
0xf2: {  	_ =	swait.ge [sflag:s4], $0x2000  }
0xf3: {  	[sflag:s4] =	ssyncset.done $0x0  }
0xf4: {  	[sflag:s4] =	ssyncadd.s32 $0xFFFFE000  }
0xf5: {  	[spmem:s2] =	stream.indirect.scatter.add.f32 [tilespmem:s26], [sflag:$0x6], $0x80, s15, s23, $0xb8;
	v63 =	vld [tilespmem:$0x0]  }
0xf6: {  	_ =	swait.ge [sflag:s1], $0x2000  }
0xf7: {  	[sflag:s1] =	ssyncset.done $0x0  }
0xf8: {  	[sflag:s1] =	ssyncadd.s32 $0xFFFFE000  }
0xf9: {  	[spmem:s2] =	stream.indirect.scatter.add.f32 [tilespmem:s29], [sflag:$0x7], $0x80, s16, s23, $0xb8;
	v63 =	vld [tilespmem:$0x0]  }
0xfa: {  	_ =	swait.ge [sflag:s19], $0x2000  }
0xfb: {  	[sflag:s19] =	ssyncset.done $0x0  }
0xfc: {  	[sflag:s19] =	ssyncadd.s32 $0xFFFFE000  }
0xfd: {  	[spmem:s2] =	stream.indirect.scatter.add.f32 [tilespmem:s31], [sflag:$0x8], $0x80, s8, s23, $0xb8;
	v63 =	vld [tilespmem:$0x0]  }
0xfe: {  	_ =	swait.ge [sflag:s9], $0x2000  }
0xff: {  	[sflag:s9] =	ssyncset.done $0x0  }
0x100: {  	[sflag:s9] =	ssyncadd.s32 $0xFFFFE000  }
0x101: {  	_ =	swait.ge [sflag:s10], $0x2000  }
0x102: {  	[sflag:s10] =	ssyncset.done $0x0  }
0x103: {  	[sflag:s10] =	ssyncadd.s32 $0xFFFFE000  }
0x104: {  	_ =	swait.ge [sflag:s11], $0x2000  }
.Ltmp4:
0x105: {  	[sflag:s11] =	ssyncset.done $0x0;
	(pc) =	sbr.rel @p0 .LBB2_8-.Ltmp4, $4  }
0x106: {  	[sflag:s11] =	ssyncadd.s32 $0xFFFFE000  }
0x107: {  	_ =	swait.ge [sflag:s12], $0x2000  }
0x108: {  	[sflag:s12] =	ssyncset.done $0x0  }
0x109: {  	[sflag:s12] =	ssyncadd.s32 $0xFFFFE000  }
0x10a: {  	s21 =	sadd.s32 s21, s14  }
.Ltmp5:
0x10b: {  	s21 =	sshrl.u32 s21, $0x3;
	(pc) =	sbr.rel .LBB2_2-.Ltmp5, $4  }
0x10c: {  	s25 =	sadd.s32 s5, s21  }
0x10d: {  	[tilespmem:s20], [sflag:$0xA] =	stream.linear.gather [hbm4b:s25+s3], $0x1000, $0x38;
	v63 =	vld [tilespmem:$0x0]  }
0x10e: {  	s30 =	simm.s32 $0x3000;
	s17 =	sadd.s32 $0x1, s17;
	s21 =	sadd.s32 s6, s21  }
0x10f: {  	[tilespmem:s30], [sflag:$0xA] =	stream.linear.gather [hbm4b:s21+s3], $0x1000, $0x38;
	v63 =	vld [tilespmem:$0x0]  }
.LBB2_9:
0x110: {  	_ =	sfence.sel $0x180000  }
0x111: {  	[bflag:$0x0] =	sbarrier.arrive $0xFFFF  }
0x112: {  	_ =	strace $0x9000004D  }
0x113: {  	s0 =	stileid.u32;
	[bflag:$0x2] =	sbarrier.arrive $0xFFFF  }
0x114: {  	p0 =	sne.s32 s0, $0x0;
	s0 =	rddreg [dreg:$0x3]  }
0x115: {  	s0 =	sadd.s32 @!p0 $0x100000, s0  }
0x116: {  	[sflag:s0] =	ssyncadd.tile.s32 @!p0 $0x1;
	_ =	shalt  }
.Lfunc_end2:
_tile_overlayer_lowered:
.L_overlay_start_2:
0x117: {  	(tag) =	ssettag $0x2  }
0x118: {  	s0 =	rddreg [dreg:$0x0];
	s2 =	stileid.u32  }
0x119: {  	s1 =	rddreg [dreg:$0x1];
	p0 =	sne.s32 s2, $0x0  }
0x11a: {  	s3 =	rddreg [dreg:$0x2];
	[bflag:$0x3] =	sbarrier.arrive $0xFFFF;
	s2 =	simm.s32 @!p0 $0x1C0B  }
0x11b: {  	[timem:s3], [sflag:s2] =	dma.local @!p0 [hbm:s0], s1  }
0x11c: {  	s0 =	simm.s32 @!p0 $0xB  }
0x11d: {  	_ =	swait.ge @!p0 [sflag:s0], s1  }
0x11e: {  	s1 =	ssub.s32 @!p0 $0x0, s1;
	[sflag:s0] =	ssyncset.done @!p0 $0x0  }
0x11f: {  	[sflag:s0] =	ssyncadd.s32 @!p0 s1  }
0x120: {  	[bflag:$0x3] =	sbarrier.arrive $0xFFFF  }
0x121: {  	_ =	shalt  }

// kernel: kernel.8.cloned.1.call-start
scs
__scs_entry_jumppad:
0x0: {  	(pc) =	sbr.rel $0x88, $3  }
0x1: {  	(tag) =	ssettag $0x0;
	lr =	simm.s32 $0x1  }
0x2: {  	[smem:$0x3F84] =	sst lr;
	_ =	strace $0xD0000000  }
0x3: {  	_ = 	snop  }
0x4: {  	_ = 	snop  }
0x5: {  	_ = 	snop  }
0x6: {  	_ = 	snop  }
0x7: {  	_ = 	snop  }
__scs_overlays_trampoline_lowered:
0x8: {  	[smem:$0x3F93] =	sst s0  }
0x9: {  	[smem:$0x3F94] =	sst s1  }
0xa: {  	[smem:$0x3F95] =	sst s2  }
0xb: {  	[smem:$0x3F96] =	sst s3  }
0xc: {  	[smem:$0x3F97] =	sst s4  }
0xd: {  	[smem:$0x3F98] =	sst s5  }
0xe: {  	[smem:$0x3F99] =	sst s6  }
0xf: {  	[smem:$0x3F9A] =	sst s7  }
0x10: {  	[smem:$0x3F9B] =	sst s8  }
0x11: {  	[smem:$0x3F9C] =	sst s9;
	s0 =	simm.s32 @!p0 $0x0  }
0x12: {  	s1 =	sld [smem:$0x3F82];
	s0 =	simm.s32 @p0 $0x1  }
0x13: {  	[smem:$0x3F9D] =	sst s0;
	s0 =	simm.s32 @!p1 $0x0  }
0x14: {  	s2 =	sld [smem:$0x3F81];
	s0 =	simm.s32 @p1 $0x1  }
0x15: {  	[smem:$0x3F9E] =	sst s0;
	s0 =	simm.s32 @!p2 $0x0  }
0x16: {  	s3 =	sld [smem:$0x3FDB];
	s0 =	simm.s32 @p2 $0x1  }
0x17: {  	s4 =	simm.s32 $0x1BF5;
	[smem:$0x3FA0] =	sst s0  }
0x18: {  	s0 =	sld [smem:$0x3F83];
	_ =	swait.ge [sflag:s4], $0x0  }
0x19: {  	s7 =	sld [smem:$0x3F84]  }
0x1a: {  	s8 =	sadd.s32 $0xFFFFE003, lr  }
0x1b: {  	s9 =	sadd.s32 $0xFFFFFEF7, lr;
	s5 =	simm.s32 $0xFFFFFFFF;
	p2 =	slt.u32 s8, $0xFFFFF086  }
0x1c: {  	p1 =	slt.u32 s9, $0xF7A;
	s5 =	simm.s32 @!p2 $0x0  }
0x1d: {  	s5 =	simm.s32 @p1 $0x1;
	p0 =	seq.s32 s7, s2  }
0x1e: {  	s7 =	smul.u32 @!p0 $0xF7A, s2;
	p2 =	seq.s32 @!p0 s5, $0x0  }
0x1f: {  	s9 =	smul.u32 $0xF7A, s1;
	s8 =	simm.s32 @!p0 $0x1BF5;
	p2 =	por !p2, p0  }
0x20: {  	[sflag:s8] =	ssyncset.s32 @!p0 $0xFFFFF086;
	s6 =	sadd.s32 @!p0 s3, s7;
	s7 =	simm.s32 @!p0 $0x108  }
0x21: {  	s3 =	sadd.s32 s3, s9;
	s6 =	sadd.s32 @!p0 $0x88, s6;
	s7 =	simm.s32 @p2 $0x1082  }
0x22: {  	[simem:s7], [sflag:s8] =	dma.local @!p0 [hbm:s6], $0xF7A  }
0x23: {  	s9 =	sor.u32 $0xD0000000, s2;
	s6 =	simm.s32 $0x108;
	_ =	swait.ge @!p0 [sflag:s8], $0x0  }
0x24: {  	s3 =	sadd.s32 $0x88, s3;
	s6 =	simm.s32 @!p1 $0x1082;
	[sflag:s4] =	ssyncset.s32 $0xFFFFF086  }
0x25: {  	[simem:s6], [sflag:s4] =	dma.local [hbm:s3], $0xF7A  }
0x26: {  	[smem:$0x3F84] =	sst s1;
	(tag) =	ssettag s2;
	_ =	strace s9  }
0x27: {  	s1 =	sld [smem:$0x3F94]  }
0x28: {  	s2 =	sld [smem:$0x3F95]  }
0x29: {  	s4 =	sld [smem:$0x3F97]  }
0x2a: {  	p0 =	seq.s32 s5, $0x0;
	s5 =	sld [smem:$0x3F98]  }
0x2b: {  	s6 =	sld [smem:$0x3F99]  }
0x2c: {  	s7 =	sld [smem:$0x3F9A]  }
0x2d: {  	s3 =	simm.s32 $0x108;
	s8 =	sld [smem:$0x3F9B]  }
0x2e: {  	s3 =	simm.s32 @!p0 $0x1082;
	s9 =	sld [smem:$0x3F9C]  }
0x2f: {  	lr =	sadd.s32 s0, s3;
	s0 =	sld [smem:$0x3F93]  }
0x30: {  	s3 =	sld [smem:$0x3F96]  }
0x31: {  	[smem:$0x3F9F] =	sst s10  }
0x32: {  	s10 =	sld [smem:$0x3F9D];
	_ =	sdelay $0x3  }
0x33: {  	p0 =	seq.s32 s10, $0x1;
	s10 =	sld [smem:$0x3F9F];
	_ =	sdelay $0x3  }
0x34: {  	[smem:$0x3F9F] =	sst s10  }
0x35: {  	s10 =	sld [smem:$0x3F9E];
	_ =	sdelay $0x3  }
0x36: {  	p1 =	seq.s32 s10, $0x1;
	s10 =	sld [smem:$0x3F9F];
	_ =	sdelay $0x3  }
0x37: {  	[smem:$0x3F9F] =	sst s10  }
0x38: {  	s10 =	sld [smem:$0x3FA0]  }
0x39: {  	_ = 	snop;
	(pc) =	sbr.ind lr, $3  }
0x3a: {  	_ = 	snop  }
0x3b: {  	_ = 	snop  }
0x3c: {  	p2 =	seq.s32 s10, $0x1;
	s10 =	sld [smem:$0x3F9F]  }
0x3d: {  	_ =	shalt  }
0x3e: {  	_ =	shalt  }
0x3f: {  	_ =	shalt  }
0x40: {  	_ =	shalt  }
0x41: {  	_ =	shalt  }
0x42: {  	_ =	shalt  }
0x43: {  	_ =	shalt  }
0x44: {  	_ =	shalt  }
0x45: {  	_ =	shalt  }
0x46: {  	_ =	shalt  }
0x47: {  	_ =	shalt  }
0x48: {  	_ =	shalt  }
0x49: {  	_ =	shalt  }
0x4a: {  	_ =	shalt  }
0x4b: {  	_ =	shalt  }
0x4c: {  	_ =	shalt  }
0x4d: {  	_ =	shalt  }
0x4e: {  	_ =	shalt  }
0x4f: {  	_ =	shalt  }
0x50: {  	_ =	shalt  }
0x51: {  	_ =	shalt  }
0x52: {  	_ =	shalt  }
0x53: {  	_ =	shalt  }
0x54: {  	_ =	shalt  }
0x55: {  	_ =	shalt  }
0x56: {  	_ =	shalt  }
0x57: {  	_ =	shalt  }
0x58: {  	_ =	shalt  }
0x59: {  	_ =	shalt  }
0x5a: {  	_ =	shalt  }
0x5b: {  	_ =	shalt  }
0x5c: {  	_ =	shalt  }
0x5d: {  	_ =	shalt  }
0x5e: {  	_ =	shalt  }
0x5f: {  	_ =	shalt  }
0x60: {  	_ =	shalt  }
0x61: {  	_ =	shalt  }
0x62: {  	_ =	shalt  }
0x63: {  	_ =	shalt  }
0x64: {  	_ =	shalt  }
0x65: {  	_ =	shalt  }
0x66: {  	_ =	shalt  }
0x67: {  	_ =	shalt  }
0x68: {  	_ =	shalt  }
0x69: {  	_ =	shalt  }
0x6a: {  	_ =	shalt  }
0x6b: {  	_ =	shalt  }
0x6c: {  	_ =	shalt  }
0x6d: {  	_ =	shalt  }
0x6e: {  	_ =	shalt  }
0x6f: {  	_ =	shalt  }
0x70: {  	_ =	shalt  }
0x71: {  	_ =	shalt  }
0x72: {  	_ =	shalt  }
0x73: {  	_ =	shalt  }
0x74: {  	_ =	shalt  }
0x75: {  	_ =	shalt  }
0x76: {  	_ =	shalt  }
0x77: {  	_ =	shalt  }
0x78: {  	_ =	shalt  }
0x79: {  	_ =	shalt  }
0x7a: {  	_ =	shalt  }
0x7b: {  	_ =	shalt  }
0x7c: {  	_ =	shalt  }
0x7d: {  	_ =	shalt  }
0x7e: {  	_ =	shalt  }
0x7f: {  	_ =	shalt  }
0x80: {  	_ =	shalt  }
0x81: {  	_ =	shalt  }
0x82: {  	_ =	shalt  }
0x83: {  	_ =	shalt  }
0x84: {  	_ =	shalt  }
0x85: {  	_ =	shalt  }
0x86: {  	_ =	shalt  }
0x87: {  	_ =	shalt  }
.Lfunc_end0:
.L_simem_size_0:
called_computation_lowered:
.L_overlay_start_0:
0x88: {  	s2 =	sld [smem:$0x3FD9]  }
0x89: {  	s3 =	sld [smem:$0x3FFE];
	_ =	sdelay $0x1  }
0x8a: {  	s1 =	srdreg.scid  }
0x8b: {  	s0 =	sand.u32 $0x1, s1  }
0x8c: {  	s17 =	sshll.u32 s0, $0xA;
	s2 =	sadd.s32 s3, s2  }
0x8d: {  	s2 =	sadd.s32 s2, s17  }
0x8e: {  	[smem:$0x3FAB] =	sst s2  }
0x8f: {  	_ = 	snop  }
0x90: {  	s2 =	sld [smem:$0x3FD0];
	(tm) =	ssettm $0x1  }
0x91: {  	s18 =	sld [smem:$0x3FFB];
	_ =	sdelay $0x3  }
0x92: {  	_ =	strace s18  }
0x93: {  	s3 =	sld [smem:$0x3FFC];
	_ =	sdelay $0x3  }
0x94: {  	_ =	strace s3  }
0x95: {  	s3 =	sld [smem:$0x3FFD];
	_ =	sdelay $0x3  }
0x96: {  	_ =	strace s3  }
0x97: {  	_ =	strace $0x8FFFFFFF  }
0x98: {  	s19 =	sld [smem:$0x3FDB];
	_ =	sdelay $0x1  }
0x99: {  	s4 =	simm.s32 $_scs_section_size  }
0x9a: {  	s5 =	simm.s32 $_size__tile_overlayer_lowered;
	s6 =	simm.s32 $_tile_overlayer_lowered  }
0x9b: {  	s22 =	simm.s32 $0x1BFF;
	s21 =	sshll.u32 s6, $0x1;
	s3 =	sadd.s32 s4, s19  }
0x9c: {  	s7 =	simm.s32 $0x0;
	s20 =	sshll.u32 s5, $0x1;
	s5 =	sadd.s32 s21, s3  }
0x9d: {  	[timem:s7], [sflag:s22] =	dma.local [hbm:s5], s20  }
0x9e: {  	_ =	swait.ge [sflag:s22], s20  }
0x9f: {  	s4 =	ssub.s32 $0x0, s20;
	[sflag:s22] =	ssyncset.done $0x0  }
0xa0: {  	[sflag:s22] =	ssyncadd.s32 s4;
	_ =	sdelay $0x1  }
0xa1: {  	s23 =	simm.s32 $0x1B8B  }
0xa2: {  	_ =	swait.ge [sflag:s23], $0x1  }
0xa3: {  	[sflag:s23] =	ssyncset.done $0x0  }
0xa4: {  	s25 =	simm.s32 $0x1B8E;
	s24 =	sld [smem:$0x3FFE];
	[sflag:s23] =	ssyncadd.s32 $0xFFFFFFFF  }
0xa5: {  	s26 =	simm.s32 $execute0_lowered;
	[smem:$0x3FD2] =	sst s25  }
0xa6: {  	s5 =	sshll.u32 s26, $0x1;
	_ =	strace $0x80000046;
	[dreg:$0x1] =	wrdreg $0xFFFFFFFF  }
0xa7: {  	s28 =	simm.s32 $_size_execute0_lowered;
	s3 =	sadd.s32 s3, s5;
	[dreg:$0x0] =	wrdreg $0x0  }
0xa8: {  	s5 =	sshll.u32 s28, $0x1;
	[dreg:$0x2] =	wrdreg s3  }
0xa9: {  	[dreg:$0x3] =	wrdreg s5  }
0xaa: {  	[dreg:$0x4] =	wrdreg $0xC0  }
0xab: {  	_ =	task [dreg:s7], $0x5FFFF  }
0xac: {  	[dreg:$0x1] =	wrdreg $0xFFFFFFFF  }
0xad: {  	[dreg:$0x0] =	wrdreg $0x60  }
0xae: {  	[dreg:$0x2] =	wrdreg s2  }
0xaf: {  	[dreg:$0x3] =	wrdreg s24  }
0xb0: {  	[dreg:$0x4] =	wrdreg $0xA2800  }
0xb1: {  	[dreg:$0x5] =	wrdreg $0x9  }
0xb2: {  	_ =	task.clear_ibuf [dreg:s7], $0x6FFFF;
	_ =	strace $0x90000046  }
0xb3: {  	s29 =	simm.s32 $0x9;
	_ =	strace $0x80000048  }
0xb4: {  	_ =	swait.ge [sflag:s29], $0x1  }
0xb5: {  	[sflag:s29] =	ssyncadd.s32 $0xFFFFFFFF  }
0xb6: {  	_ =	strace $0x90000048  }
0xb7: {  	_ =	sfence  }
0xb8: {  	s30 =	sld [smem:$0x0];
	_ =	sdelay $0x2  }
0xb9: {  	s31 =	sshll.u32 s1, $0xD;
	s1 =	sshrl.u32 s1, $0x2  }
0xba: {  	s3 =	sand.u32 $0x4000, s31;
	s1 =	sadd.s32 s1, s30  }
0xbb: {  	s0 =	sor.u32 s3, s0;
	s1 =	sshll.u32 s1, $0x11  }
0xbc: {  	s0 =	sor.u32 s1, s0  }
0xbd: {  	s0 =	sadd.s32 $0x8F2B, s0  }
0xbe: {  	[sflag:s0] =	ssyncadd.remote.s32 $0x1  }
0xbf: {  	_ =	sfence.sel $0xFFFF  }
0xc0: {  	[dreg:$0x0] =	wrdreg $0xFFFFFFFF;
	(pc) =	sbr.abs _section_cstart, $3  }
0xc1: {  	[dreg:$0x1] =	wrdreg $0xFFFFFFFF  }
0xc2: {  	_ =	task.clear_ibuf [dreg:s7], $0x2FFFF;
	_ =	strace $0x9FFFFFFF  }
0xc3: {  	(tm) =	ssettm $0x7FFFFFFF  }
tec
execute0_lowered:
.L_overlay_start_1:
0x0: {  	(tag) =	ssettag $0x1  }
0x1: {  	s0 =	rddreg [dreg:$0x0]  }
0x2: {  	s1 =	rddreg [dreg:$0x1]  }
0x3: {  	s3 =	rddreg [dreg:$0x2]  }
0x4: {  	s4 =	srdreg.scid;
	s10 =	stileid.u32;
	s2 =	simm.s32 $0x0  }
0x5: {  	s4 =	sand.u32 $0x1, s4;
	s5 =	smul.u32 $0x280, s10;
	[smem:$0x7FF] =	sst s2  }
0x6: {  	s8 =	sadd.s32 $0x4E00, s1;
	s25 =	sshrl.u32 s10, $0x3;
	s26 =	sshll.u32 s10, $0x7  }
0x7: {  	s6 =	smul.u32 $0x2800, s4;
	s7 =	sshll.u32 s4, $0x4;
	_ =	strace $0x80000047  }
0x8: {  	[dreg:$0x4] =	wrdreg s8;
	s4 =	ssub.s32 $0x2, s4;
	s7 =	sor.u32 s10, s7  }
0x9: {  	s8 =	sand.u32 $0x380, s26;
	s10 =	smul.u32 $0x5000, s10;
	s24 =	sshrl.u32 s7, $0x3  }
0xa: {  	s9 =	sshrl.u32 s4, $0x1;
	s5 =	sadd.s32 s5, s6;
	s6 =	smul.u32 $0x28000, s24  }
0xb: {  	s7 =	smul.u32 $0x50000, s25;
	s4 =	ssub.s32 s4, s9;
	s5 =	sshrl.u32 s5, $0x3  }
0xc: {  	s10 =	sshrl.u32 s10, $0x2;
	s4 =	smax.u32 s4, $0x1;
	s6 =	sor.u32 s8, s6  }
0xd: {  	s1 =	sadd.s32 s5, s1;
	s9 =	sshrl.u32 s7, $0x2;
	s5 =	sshrl.u32 s6, $0x3  }
0xe: {  	[dreg:$0x17] =	wrdreg s4;
	s11 =	sadd.s32 s9, s3;
	s0 =	sadd.s32 s0, s5  }
0xf: {  	s5 =	sadd.s32 s10, s3;
	s3 =	sadd.s32 $0x5400, s1;
	[dreg:$0x5] =	wrdreg s0  }
0x10: {  	s0 =	sadd.s32 s8, s11;
	[dreg:$0x16] =	wrdreg s3  }
0x11: {  	s12 =	sadd.s32 $0x80, s5;
	[dreg:$0x6] =	wrdreg s0  }
0x12: {  	s13 =	sadd.s32 $0x100, s5;
	[dreg:$0x7] =	wrdreg s12  }
0x13: {  	s14 =	sadd.s32 $0x180, s5;
	[dreg:$0x8] =	wrdreg s13  }
0x14: {  	s15 =	sadd.s32 $0x200, s5;
	[dreg:$0x9] =	wrdreg s14  }
0x15: {  	s16 =	sadd.s32 $0x280, s5;
	[dreg:$0xa] =	wrdreg s15  }
0x16: {  	s17 =	sadd.s32 $0x300, s5;
	[dreg:$0xb] =	wrdreg s16  }
0x17: {  	s18 =	sadd.s32 $0x380, s5;
	[dreg:$0xc] =	wrdreg s17  }
0x18: {  	s19 =	sadd.s32 $0x14000, s5;
	[dreg:$0xd] =	wrdreg s18  }
0x19: {  	s20 =	sadd.s32 $0x14080, s5;
	[dreg:$0xe] =	wrdreg s19  }
0x1a: {  	s21 =	sadd.s32 $0x14100, s5;
	[dreg:$0xf] =	wrdreg s20  }
0x1b: {  	s22 =	sadd.s32 $0x14180, s5;
	[dreg:$0x10] =	wrdreg s21  }
0x1c: {  	s23 =	sadd.s32 $0x14200, s5;
	[dreg:$0x11] =	wrdreg s22  }
0x1d: {  	s24 =	sadd.s32 $0x14280, s5;
	[dreg:$0x12] =	wrdreg s23  }
0x1e: {  	s25 =	sadd.s32 $0x14300, s5;
	[dreg:$0x13] =	wrdreg s24  }
0x1f: {  	s26 =	sadd.s32 $0x14380, s5;
	[dreg:$0x14] =	wrdreg s25  }
0x20: {  	s6 =	sadd.s32 $0x400, s5;
	[dreg:$0x15] =	wrdreg s26  }
0x21: {  	s7 =	sadd.s32 $0x800, s5;
	[dreg:$0x18] =	wrdreg s6  }
0x22: {  	s8 =	sadd.s32 $0xC00, s5;
	[dreg:$0x19] =	wrdreg s7  }
0x23: {  	s9 =	sadd.s32 $0x1000, s5;
	[dreg:$0x1a] =	wrdreg s8  }
0x24: {  	s10 =	sadd.s32 $0x480, s5;
	[dreg:$0x1b] =	wrdreg s9  }
0x25: {  	s11 =	sadd.s32 $0x880, s5;
	[dreg:$0x1c] =	wrdreg s10  }
0x26: {  	s1 =	sadd.s32 $0xA80, s5;
	[dreg:$0x1d] =	wrdreg s11  }
0x27: {  	s3 =	sadd.s32 $0xE80, s5;
	[smem:$0x7E6] =	sst s1  }
0x28: {  	s4 =	sadd.s32 $0x1280, s5;
	[smem:$0x7E7] =	sst s3  }
0x29: {  	s12 =	sadd.s32 $0xC80, s5;
	[smem:$0x7E8] =	sst s4  }
0x2a: {  	s13 =	sadd.s32 $0x1080, s5;
	[dreg:$0x1e] =	wrdreg s12  }
0x2b: {  	s14 =	sadd.s32 $0x500, s5;
	[dreg:$0x1f] =	wrdreg s13  }
0x2c: {  	s15 =	sadd.s32 $0x900, s5;
	[smem:$0x7D9] =	sst s14  }
0x2d: {  	s16 =	sadd.s32 $0xD00, s5;
	[smem:$0x7DA] =	sst s15  }
0x2e: {  	s17 =	sadd.s32 $0x1100, s5;
	[smem:$0x7DB] =	sst s16  }
0x2f: {  	s18 =	sadd.s32 $0x580, s5;
	[smem:$0x7DC] =	sst s17  }
0x30: {  	s19 =	sadd.s32 $0x980, s5;
	[smem:$0x7DD] =	sst s18  }
0x31: {  	s20 =	sadd.s32 $0xD80, s5;
	[smem:$0x7DE] =	sst s19  }
0x32: {  	s21 =	sadd.s32 $0x1180, s5;
	[smem:$0x7DF] =	sst s20  }
0x33: {  	s22 =	sadd.s32 $0x600, s5;
	[smem:$0x7E0] =	sst s21  }
0x34: {  	s23 =	sadd.s32 $0xA00, s5;
	[smem:$0x7E1] =	sst s22  }
0x35: {  	s24 =	sadd.s32 $0xE00, s5;
	[smem:$0x7E2] =	sst s23  }
0x36: {  	s25 =	sadd.s32 $0x1200, s5;
	[smem:$0x7E3] =	sst s24  }
0x37: {  	s26 =	sadd.s32 $0x680, s5;
	[smem:$0x7E4] =	sst s25  }
0x38: {  	s6 =	sadd.s32 $0x700, s5;
	[smem:$0x7E5] =	sst s26  }
0x39: {  	s7 =	sadd.s32 $0xB00, s5;
	[smem:$0x7E9] =	sst s6  }
0x3a: {  	s8 =	sadd.s32 $0xF00, s5;
	[smem:$0x7EA] =	sst s7  }
0x3b: {  	s9 =	sadd.s32 $0x1300, s5;
	[smem:$0x7EB] =	sst s8  }
0x3c: {  	s10 =	sadd.s32 $0x780, s5;
	[smem:$0x7EC] =	sst s9  }
0x3d: {  	s11 =	sadd.s32 $0xB80, s5;
	[smem:$0x7ED] =	sst s10  }
0x3e: {  	[smem:$0x7EE] =	sst s11;
	s12 =	sadd.s32 $0xF80, s5  }
0x3f: {  	s13 =	sadd.s32 $0x1380, s5;
	[smem:$0x7EF] =	sst s12  }
0x40: {  	s14 =	sadd.s32 $0x14400, s5;
	[smem:$0x7F0] =	sst s13  }
0x41: {  	s15 =	sadd.s32 $0x14800, s5;
	[smem:$0x7F1] =	sst s14  }
0x42: {  	s16 =	sadd.s32 $0x14C00, s5;
	[smem:$0x7F2] =	sst s15  }
0x43: {  	s17 =	sadd.s32 $0x15000, s5;
	[smem:$0x7F3] =	sst s16  }
0x44: {  	s18 =	sadd.s32 $0x14480, s5;
	[smem:$0x7F4] =	sst s17  }
0x45: {  	s19 =	sadd.s32 $0x14880, s5;
	[smem:$0x7F5] =	sst s18  }
0x46: {  	s31 =	simm.s32 $0x80;
	s20 =	sadd.s32 $0x14C80, s5;
	[smem:$0x7F6] =	sst s19  }
0x47: {  	s28 =	sadd.s32 $0x14B80, s5;
	s21 =	sadd.s32 $0x15080, s5;
	[smem:$0x7F7] =	sst s20  }
0x48: {  	s29 =	sadd.s32 $0x14F80, s5;
	s22 =	sadd.s32 $0x14500, s5;
	[smem:$0x7F8] =	sst s21  }
0x49: {  	s30 =	sadd.s32 $0x15380, s5;
	s23 =	sadd.s32 $0x14900, s5;
	[smem:$0x7F9] =	sst s22  }
0x4a: {  	s0 =	simm.s32 $0x400;
	s24 =	sadd.s32 $0x14D00, s5;
	[smem:$0x7FA] =	sst s23  }
0x4b: {  	s1 =	simm.s32 $0x1;
	s25 =	sadd.s32 $0x15100, s5;
	[smem:$0x7FB] =	sst s24  }
0x4c: {  	s3 =	simm.s32 $0x5000;
	s26 =	sadd.s32 $0x14580, s5;
	[smem:$0x7FC] =	sst s25  }
0x4d: {  	s4 =	simm.s32 $0x0;
	s11 =	sadd.s32 $0x14980, s5;
	[smem:$0x7FD] =	sst s26  }
0x4e: {  	s12 =	sadd.s32 $0x14D80, s5;
	s13 =	sadd.s32 $0x15180, s5;
	s14 =	sadd.s32 $0x14600, s5  }
0x4f: {  	s15 =	sadd.s32 $0x14A00, s5;
	s16 =	sadd.s32 $0x14E00, s5;
	s17 =	sadd.s32 $0x15200, s5  }
0x50: {  	s18 =	sadd.s32 $0x14680, s5;
	s19 =	sadd.s32 $0x14A80, s5;
	s20 =	sadd.s32 $0x14E80, s5  }
0x51: {  	s21 =	sadd.s32 $0x15280, s5;
	s22 =	sadd.s32 $0x14700, s5;
	s23 =	sadd.s32 $0x14B00, s5  }
0x52: {  	v0 =	vimm.f32 $1.000000000e+00;
	s24 =	sadd.s32 $0x14F00, s5;
	s25 =	sadd.s32 $0x15300, s5;
	s26 =	sadd.s32 $0x14780, s5  }
.LBB2_1:
0x53: {  	s6 =	rddreg [dreg:$0x5]  }
0x54: {  	[tilespmem:s2], [sflag:$0x1] =	stream.strided.gather [hbm4b:s6+s31], $0x5000, s0, s31, $0x38;
	[tilespmem:$0xCA80] =	vst v63  }
0x55: {  	_ =	swait.ge [sflag:s1], $0x5000  }
0x56: {  	[sflag:s1] =	ssyncset.done $0x0  }
0x57: {  	s10 =	rddreg [dreg:$0x4];
	[sflag:s1] =	ssyncadd.s32 $0xFFFFB000  }
0x58: {  	[tilespmem:s3], [sflag:$0x1] =	stream.linear.gather [hbm4b:s10+s2], $0x2800, $0x38;
	[tilespmem:$0xCA80] =	vst v63  }
0x59: {  	_ =	swait.ge [sflag:s1], $0x2800  }
0x5a: {  	[sflag:s1] =	ssyncset.done $0x0  }
0x5b: {  	s7 =	simm.s32 $0x0;
	s6 =	simm.s32 $0x40;
	[sflag:s1] =	ssyncadd.s32 $0xFFFFD800  }
.LBB2_2:
0x5c: {  	p0 =	sne.s32 s6, $0x13FC0;
	v1 =	vld [tilespmem:s7+$0x0];
	_ =	sdelay $0x3  }
.Ltmp0:
0x5d: {  	(pc) =	sbr.rel @p0 .LBB2_2-.Ltmp0, $2  }
0x5e: {  	_ =	sdelay $0x2  }
0x5f: {  	s7 =	sshra.s32 s6, $0x2;
	s6 =	sadd.s32 $0x40, s6;
	[tilespmem:v1+s3+$0x0] =	vst.idx.add.f32.msk $0xffff, v0  }
0x60: {  	v1 =	vld [tilespmem:s7+$0x0];
	_ =	sdelay $0x7  }
0x61: {  	s6 =	rddreg [dreg:$0x6];
	[tilespmem:v1+s3+$0x0] =	vst.idx.add.f32.msk $0xffff, v0  }
0x62: {  	[spmem:s6] =	stream.strided.scatter [tilespmem:s3], [sflag:$0x1], $0x2800, s0, s31, $0x38;
	[tilespmem:$0xCA80] =	vst v63  }
0x63: {  	_ =	swait.ge [sflag:s1], $0x2800  }
0x64: {  	[sflag:s1] =	ssyncset.done $0x0  }
0x65: {  	[sflag:s1] =	ssyncadd.s32 $0xFFFFD800  }
0x66: {  	s8 =	simm.s32 $0x7800;
	[bflag:$0x0] =	sbarrier.arrive $0xFFFF  }
0x67: {  	[tilespmem:s8], [sflag:$0x1] =	stream.linear.gather [spmem:s5], $0x80, $0x38;
	[tilespmem:$0xCA80] =	vst v63  }
0x68: {  	s10 =	simm.s32 $0x7C00;
	s9 =	rddreg [dreg:$0x18]  }
0x69: {  	[tilespmem:s10], [sflag:$0x1] =	stream.linear.gather [spmem:s9], $0x80, $0x38;
	[tilespmem:$0xCA80] =	vst v63  }
0x6a: {  	s7 =	rddreg [dreg:$0x19];
	s8 =	simm.s32 $0x8000  }
0x6b: {  	[tilespmem:s8], [sflag:$0x1] =	stream.linear.gather [spmem:s7], $0x80, $0x38;
	[tilespmem:$0xCA80] =	vst v63  }
0x6c: {  	s9 =	rddreg [dreg:$0x1a];
	s10 =	simm.s32 $0x8400  }
0x6d: {  	[tilespmem:s10], [sflag:$0x1] =	stream.linear.gather [spmem:s9], $0x80, $0x38;
	[tilespmem:$0xCA80] =	vst v63  }
0x6e: {  	s7 =	rddreg [dreg:$0x1b];
	s8 =	simm.s32 $0x8800  }
0x6f: {  	[tilespmem:s8], [sflag:$0x1] =	stream.linear.gather [spmem:s7], $0x80, $0x38;
	[tilespmem:$0xCA80] =	vst v63  }
0x70: {  	_ =	swait.ge [sflag:s1], $0x280  }
0x71: {  	[sflag:s1] =	ssyncset.done $0x0  }
0x72: {  	s10 =	simm.s32 $0x7880;
	s9 =	rddreg [dreg:$0x7];
	[sflag:s1] =	ssyncadd.s32 $0xFFFFFD80  }
0x73: {  	[tilespmem:s10], [sflag:$0x1] =	stream.linear.gather [spmem:s9], $0x80, $0x38;
	[tilespmem:$0xCA80] =	vst v63  }
0x74: {  	s8 =	simm.s32 $0x7C80;
	s7 =	rddreg [dreg:$0x1c]  }
0x75: {  	[tilespmem:s8], [sflag:$0x1] =	stream.linear.gather [spmem:s7], $0x80, $0x38;
	[tilespmem:$0xCA80] =	vst v63  }
0x76: {  	s9 =	rddreg [dreg:$0x1d];
	s10 =	simm.s32 $0x8080  }
0x77: {  	[tilespmem:s10], [sflag:$0x1] =	stream.linear.gather [spmem:s9], $0x80, $0x38;
	[tilespmem:$0xCA80] =	vst v63  }
0x78: {  	s7 =	rddreg [dreg:$0x1e];
	s8 =	simm.s32 $0x8480  }
0x79: {  	[tilespmem:s8], [sflag:$0x1] =	stream.linear.gather [spmem:s7], $0x80, $0x38;
	[tilespmem:$0xCA80] =	vst v63  }
0x7a: {  	s9 =	rddreg [dreg:$0x1f];
	s10 =	simm.s32 $0x8880  }
0x7b: {  	[tilespmem:s10], [sflag:$0x1] =	stream.linear.gather [spmem:s9], $0x80, $0x38;
	[tilespmem:$0xCA80] =	vst v63  }
0x7c: {  	_ =	swait.ge [sflag:s1], $0x280  }
0x7d: {  	[sflag:s1] =	ssyncset.done $0x0;
	s7 =	rddreg [dreg:$0x8]  }
0x7e: {  	s8 =	simm.s32 $0x7900;
	s9 =	sld [smem:$0x7D9];
	[sflag:s1] =	ssyncadd.s32 $0xFFFFFD80  }
0x7f: {  	[tilespmem:s8], [sflag:$0x1] =	stream.linear.gather [spmem:s7], $0x80, $0x38;
	[tilespmem:$0xCA80] =	vst v63  }
0x80: {  	s10 =	simm.s32 $0x7D00;
	s7 =	sld [smem:$0x7DA]  }
0x81: {  	[tilespmem:s10], [sflag:$0x1] =	stream.linear.gather [spmem:s9], $0x80, $0x38;
	[tilespmem:$0xCA80] =	vst v63  }
0x82: {  	s8 =	simm.s32 $0x8100;
	s9 =	sld [smem:$0x7DB]  }
0x83: {  	[tilespmem:s8], [sflag:$0x1] =	stream.linear.gather [spmem:s7], $0x80, $0x38;
	[tilespmem:$0xCA80] =	vst v63  }
0x84: {  	s10 =	simm.s32 $0x8500;
	s7 =	sld [smem:$0x7DC]  }
0x85: {  	[tilespmem:s10], [sflag:$0x1] =	stream.linear.gather [spmem:s9], $0x80, $0x38;
	[tilespmem:$0xCA80] =	vst v63  }
0x86: {  	s8 =	simm.s32 $0x8900  }
0x87: {  	[tilespmem:s8], [sflag:$0x1] =	stream.linear.gather [spmem:s7], $0x80, $0x38;
	[tilespmem:$0xCA80] =	vst v63  }
0x88: {  	_ =	swait.ge [sflag:s1], $0x280  }
0x89: {  	[sflag:s1] =	ssyncset.done $0x0;
	s9 =	rddreg [dreg:$0x9]  }
0x8a: {  	s10 =	simm.s32 $0x7980;
	s7 =	sld [smem:$0x7DD];
	[sflag:s1] =	ssyncadd.s32 $0xFFFFFD80  }
0x8b: {  	[tilespmem:s10], [sflag:$0x1] =	stream.linear.gather [spmem:s9], $0x80, $0x38;
	[tilespmem:$0xCA80] =	vst v63  }
0x8c: {  	s8 =	simm.s32 $0x7D80;
	s9 =	sld [smem:$0x7DE]  }
0x8d: {  	[tilespmem:s8], [sflag:$0x1] =	stream.linear.gather [spmem:s7], $0x80, $0x38;
	[tilespmem:$0xCA80] =	vst v63  }
0x8e: {  	s10 =	simm.s32 $0x8180;
	s7 =	sld [smem:$0x7DF]  }
0x8f: {  	[tilespmem:s10], [sflag:$0x1] =	stream.linear.gather [spmem:s9], $0x80, $0x38;
	[tilespmem:$0xCA80] =	vst v63  }
0x90: {  	s8 =	simm.s32 $0x8580;
	s9 =	sld [smem:$0x7E0]  }
0x91: {  	[tilespmem:s8], [sflag:$0x1] =	stream.linear.gather [spmem:s7], $0x80, $0x38;
	[tilespmem:$0xCA80] =	vst v63  }
0x92: {  	s10 =	simm.s32 $0x8980  }
0x93: {  	[tilespmem:s10], [sflag:$0x1] =	stream.linear.gather [spmem:s9], $0x80, $0x38;
	[tilespmem:$0xCA80] =	vst v63  }
0x94: {  	_ =	swait.ge [sflag:s1], $0x280  }
0x95: {  	[sflag:s1] =	ssyncset.done $0x0;
	s7 =	rddreg [dreg:$0xa]  }
0x96: {  	s8 =	simm.s32 $0x7A00;
	s9 =	sld [smem:$0x7E1];
	[sflag:s1] =	ssyncadd.s32 $0xFFFFFD80  }
0x97: {  	[tilespmem:s8], [sflag:$0x1] =	stream.linear.gather [spmem:s7], $0x80, $0x38;
	[tilespmem:$0xCA80] =	vst v63  }
0x98: {  	s10 =	simm.s32 $0x7E00;
	s7 =	sld [smem:$0x7E2]  }
0x99: {  	[tilespmem:s10], [sflag:$0x1] =	stream.linear.gather [spmem:s9], $0x80, $0x38;
	[tilespmem:$0xCA80] =	vst v63  }
0x9a: {  	s8 =	simm.s32 $0x8200;
	s9 =	sld [smem:$0x7E3]  }
0x9b: {  	[tilespmem:s8], [sflag:$0x1] =	stream.linear.gather [spmem:s7], $0x80, $0x38;
	[tilespmem:$0xCA80] =	vst v63  }
0x9c: {  	s10 =	simm.s32 $0x8600;
	s7 =	sld [smem:$0x7E4]  }
0x9d: {  	[tilespmem:s10], [sflag:$0x1] =	stream.linear.gather [spmem:s9], $0x80, $0x38;
	[tilespmem:$0xCA80] =	vst v63  }
0x9e: {  	s8 =	simm.s32 $0x8A00  }
0x9f: {  	[tilespmem:s8], [sflag:$0x1] =	stream.linear.gather [spmem:s7], $0x80, $0x38;
	[tilespmem:$0xCA80] =	vst v63  }
0xa0: {  	_ =	swait.ge [sflag:s1], $0x280  }
0xa1: {  	[sflag:s1] =	ssyncset.done $0x0;
	s9 =	rddreg [dreg:$0xb]  }
0xa2: {  	s10 =	simm.s32 $0x7A80;
	s7 =	sld [smem:$0x7E5];
	[sflag:s1] =	ssyncadd.s32 $0xFFFFFD80  }
0xa3: {  	[tilespmem:s10], [sflag:$0x1] =	stream.linear.gather [spmem:s9], $0x80, $0x38;
	[tilespmem:$0xCA80] =	vst v63  }
0xa4: {  	s8 =	simm.s32 $0x7E80;
	s9 =	sld [smem:$0x7E6]  }
0xa5: {  	[tilespmem:s8], [sflag:$0x1] =	stream.linear.gather [spmem:s7], $0x80, $0x38;
	[tilespmem:$0xCA80] =	vst v63  }
0xa6: {  	s10 =	simm.s32 $0x8280;
	s7 =	sld [smem:$0x7E7]  }
0xa7: {  	[tilespmem:s10], [sflag:$0x1] =	stream.linear.gather [spmem:s9], $0x80, $0x38;
	[tilespmem:$0xCA80] =	vst v63  }
0xa8: {  	s8 =	simm.s32 $0x8680;
	s9 =	sld [smem:$0x7E8]  }
0xa9: {  	[tilespmem:s8], [sflag:$0x1] =	stream.linear.gather [spmem:s7], $0x80, $0x38;
	[tilespmem:$0xCA80] =	vst v63  }
0xaa: {  	s10 =	simm.s32 $0x8A80  }
0xab: {  	[tilespmem:s10], [sflag:$0x1] =	stream.linear.gather [spmem:s9], $0x80, $0x38;
	[tilespmem:$0xCA80] =	vst v63  }
0xac: {  	_ =	swait.ge [sflag:s1], $0x280  }
0xad: {  	[sflag:s1] =	ssyncset.done $0x0;
	s7 =	rddreg [dreg:$0xc]  }
0xae: {  	s8 =	simm.s32 $0x7B00;
	s9 =	sld [smem:$0x7E9];
	[sflag:s1] =	ssyncadd.s32 $0xFFFFFD80  }
0xaf: {  	[tilespmem:s8], [sflag:$0x1] =	stream.linear.gather [spmem:s7], $0x80, $0x38;
	[tilespmem:$0xCA80] =	vst v63  }
0xb0: {  	s10 =	simm.s32 $0x7F00;
	s7 =	sld [smem:$0x7EA]  }
0xb1: {  	[tilespmem:s10], [sflag:$0x1] =	stream.linear.gather [spmem:s9], $0x80, $0x38;
	[tilespmem:$0xCA80] =	vst v63  }
0xb2: {  	s8 =	simm.s32 $0x8300;
	s9 =	sld [smem:$0x7EB]  }
0xb3: {  	[tilespmem:s8], [sflag:$0x1] =	stream.linear.gather [spmem:s7], $0x80, $0x38;
	[tilespmem:$0xCA80] =	vst v63  }
0xb4: {  	s10 =	simm.s32 $0x8700;
	s7 =	sld [smem:$0x7EC]  }
0xb5: {  	[tilespmem:s10], [sflag:$0x1] =	stream.linear.gather [spmem:s9], $0x80, $0x38;
	[tilespmem:$0xCA80] =	vst v63  }
0xb6: {  	s8 =	simm.s32 $0x8B00  }
0xb7: {  	[tilespmem:s8], [sflag:$0x1] =	stream.linear.gather [spmem:s7], $0x80, $0x38;
	[tilespmem:$0xCA80] =	vst v63  }
0xb8: {  	_ =	swait.ge [sflag:s1], $0x280  }
0xb9: {  	[sflag:s1] =	ssyncset.done $0x0;
	s9 =	rddreg [dreg:$0xd]  }
0xba: {  	s10 =	simm.s32 $0x7B80;
	s7 =	sld [smem:$0x7ED];
	[sflag:s1] =	ssyncadd.s32 $0xFFFFFD80  }
0xbb: {  	[tilespmem:s10], [sflag:$0x1] =	stream.linear.gather [spmem:s9], $0x80, $0x38;
	[tilespmem:$0xCA80] =	vst v63  }
0xbc: {  	s8 =	simm.s32 $0x7F80;
	s9 =	sld [smem:$0x7EE]  }
0xbd: {  	[tilespmem:s8], [sflag:$0x1] =	stream.linear.gather [spmem:s7], $0x80, $0x38;
	[tilespmem:$0xCA80] =	vst v63  }
0xbe: {  	s10 =	simm.s32 $0x8380;
	s7 =	sld [smem:$0x7EF]  }
0xbf: {  	[tilespmem:s10], [sflag:$0x1] =	stream.linear.gather [spmem:s9], $0x80, $0x38;
	[tilespmem:$0xCA80] =	vst v63  }
0xc0: {  	s8 =	simm.s32 $0x8780;
	s9 =	sld [smem:$0x7F0]  }
0xc1: {  	[tilespmem:s8], [sflag:$0x1] =	stream.linear.gather [spmem:s7], $0x80, $0x38;
	[tilespmem:$0xCA80] =	vst v63  }
0xc2: {  	s10 =	simm.s32 $0x8B80  }
0xc3: {  	[tilespmem:s10], [sflag:$0x1] =	stream.linear.gather [spmem:s9], $0x80, $0x38;
	[tilespmem:$0xCA80] =	vst v63  }
0xc4: {  	_ =	swait.ge [sflag:s1], $0x280  }
0xc5: {  	[sflag:s1] =	ssyncset.done $0x0;
	s7 =	rddreg [dreg:$0xe]  }
0xc6: {  	s8 =	simm.s32 $0x8C00;
	s9 =	sld [smem:$0x7F1];
	[sflag:s1] =	ssyncadd.s32 $0xFFFFFD80  }
0xc7: {  	[tilespmem:s8], [sflag:$0x1] =	stream.linear.gather [spmem:s7], $0x80, $0x38;
	[tilespmem:$0xCA80] =	vst v63  }
0xc8: {  	s10 =	simm.s32 $0x9000;
	s7 =	sld [smem:$0x7F2]  }
0xc9: {  	[tilespmem:s10], [sflag:$0x1] =	stream.linear.gather [spmem:s9], $0x80, $0x38;
	[tilespmem:$0xCA80] =	vst v63  }
0xca: {  	s8 =	simm.s32 $0x9400;
	s9 =	sld [smem:$0x7F3]  }
0xcb: {  	[tilespmem:s8], [sflag:$0x1] =	stream.linear.gather [spmem:s7], $0x80, $0x38;
	[tilespmem:$0xCA80] =	vst v63  }
0xcc: {  	s10 =	simm.s32 $0x9800;
	s7 =	sld [smem:$0x7F4]  }
0xcd: {  	[tilespmem:s10], [sflag:$0x1] =	stream.linear.gather [spmem:s9], $0x80, $0x38;
	[tilespmem:$0xCA80] =	vst v63  }
0xce: {  	s8 =	simm.s32 $0x9C00  }
0xcf: {  	[tilespmem:s8], [sflag:$0x1] =	stream.linear.gather [spmem:s7], $0x80, $0x38;
	[tilespmem:$0xCA80] =	vst v63  }
0xd0: {  	_ =	swait.ge [sflag:s1], $0x280  }
0xd1: {  	[sflag:s1] =	ssyncset.done $0x0;
	s9 =	rddreg [dreg:$0xf]  }
0xd2: {  	s10 =	simm.s32 $0x8C80;
	s7 =	sld [smem:$0x7F5];
	[sflag:s1] =	ssyncadd.s32 $0xFFFFFD80  }
0xd3: {  	[tilespmem:s10], [sflag:$0x1] =	stream.linear.gather [spmem:s9], $0x80, $0x38;
	[tilespmem:$0xCA80] =	vst v63  }
0xd4: {  	s8 =	simm.s32 $0x9080;
	s9 =	sld [smem:$0x7F6]  }
0xd5: {  	[tilespmem:s8], [sflag:$0x1] =	stream.linear.gather [spmem:s7], $0x80, $0x38;
	[tilespmem:$0xCA80] =	vst v63  }
0xd6: {  	s10 =	simm.s32 $0x9480;
	s7 =	sld [smem:$0x7F7]  }
0xd7: {  	[tilespmem:s10], [sflag:$0x1] =	stream.linear.gather [spmem:s9], $0x80, $0x38;
	[tilespmem:$0xCA80] =	vst v63  }
0xd8: {  	s8 =	simm.s32 $0x9880;
	s9 =	sld [smem:$0x7F8]  }
0xd9: {  	[tilespmem:s8], [sflag:$0x1] =	stream.linear.gather [spmem:s7], $0x80, $0x38;
	[tilespmem:$0xCA80] =	vst v63  }
0xda: {  	s10 =	simm.s32 $0x9C80  }
0xdb: {  	[tilespmem:s10], [sflag:$0x1] =	stream.linear.gather [spmem:s9], $0x80, $0x38;
	[tilespmem:$0xCA80] =	vst v63  }
0xdc: {  	_ =	swait.ge [sflag:s1], $0x280  }
0xdd: {  	[sflag:s1] =	ssyncset.done $0x0;
	s7 =	rddreg [dreg:$0x10]  }
0xde: {  	s8 =	simm.s32 $0x8D00;
	s9 =	sld [smem:$0x7F9];
	[sflag:s1] =	ssyncadd.s32 $0xFFFFFD80  }
0xdf: {  	[tilespmem:s8], [sflag:$0x1] =	stream.linear.gather [spmem:s7], $0x80, $0x38;
	[tilespmem:$0xCA80] =	vst v63  }
0xe0: {  	s10 =	simm.s32 $0x9100;
	s7 =	sld [smem:$0x7FA]  }
0xe1: {  	[tilespmem:s10], [sflag:$0x1] =	stream.linear.gather [spmem:s9], $0x80, $0x38;
	[tilespmem:$0xCA80] =	vst v63  }
0xe2: {  	s8 =	simm.s32 $0x9500;
	s9 =	sld [smem:$0x7FB]  }
0xe3: {  	[tilespmem:s8], [sflag:$0x1] =	stream.linear.gather [spmem:s7], $0x80, $0x38;
	[tilespmem:$0xCA80] =	vst v63  }
0xe4: {  	s10 =	simm.s32 $0x9900;
	s7 =	sld [smem:$0x7FC]  }
0xe5: {  	[tilespmem:s10], [sflag:$0x1] =	stream.linear.gather [spmem:s9], $0x80, $0x38;
	[tilespmem:$0xCA80] =	vst v63  }
0xe6: {  	s8 =	simm.s32 $0x9D00  }
0xe7: {  	[tilespmem:s8], [sflag:$0x1] =	stream.linear.gather [spmem:s7], $0x80, $0x38;
	[tilespmem:$0xCA80] =	vst v63  }
0xe8: {  	_ =	swait.ge [sflag:s1], $0x280  }
0xe9: {  	[sflag:s1] =	ssyncset.done $0x0;
	s9 =	rddreg [dreg:$0x11]  }
0xea: {  	s10 =	simm.s32 $0x8D80;
	s8 =	sld [smem:$0x7FD];
	[sflag:s1] =	ssyncadd.s32 $0xFFFFFD80  }
0xeb: {  	[tilespmem:s10], [sflag:$0x1] =	stream.linear.gather [spmem:s9], $0x80, $0x38;
	[tilespmem:$0xCA80] =	vst v63  }
0xec: {  	s9 =	simm.s32 $0x9180  }
0xed: {  	[tilespmem:s9], [sflag:$0x1] =	stream.linear.gather [spmem:s8], $0x80, $0x38;
	[tilespmem:$0xCA80] =	vst v63  }
0xee: {  	s10 =	simm.s32 $0x9580  }
0xef: {  	[tilespmem:s10], [sflag:$0x1] =	stream.linear.gather [spmem:s11], $0x80, $0x38;
	[tilespmem:$0xCA80] =	vst v63  }
0xf0: {  	s7 =	simm.s32 $0x9980  }
0xf1: {  	[tilespmem:s7], [sflag:$0x1] =	stream.linear.gather [spmem:s12], $0x80, $0x38;
	[tilespmem:$0xCA80] =	vst v63  }
0xf2: {  	s8 =	simm.s32 $0x9D80  }
0xf3: {  	[tilespmem:s8], [sflag:$0x1] =	stream.linear.gather [spmem:s13], $0x80, $0x38;
	[tilespmem:$0xCA80] =	vst v63  }
0xf4: {  	_ =	swait.ge [sflag:s1], $0x280  }
0xf5: {  	[sflag:s1] =	ssyncset.done $0x0  }
0xf6: {  	s10 =	simm.s32 $0x8E00;
	s9 =	rddreg [dreg:$0x12];
	[sflag:s1] =	ssyncadd.s32 $0xFFFFFD80  }
0xf7: {  	[tilespmem:s10], [sflag:$0x1] =	stream.linear.gather [spmem:s9], $0x80, $0x38;
	[tilespmem:$0xCA80] =	vst v63  }
0xf8: {  	s7 =	simm.s32 $0x9200  }
0xf9: {  	[tilespmem:s7], [sflag:$0x1] =	stream.linear.gather [spmem:s14], $0x80, $0x38;
	[tilespmem:$0xCA80] =	vst v63  }
0xfa: {  	s8 =	simm.s32 $0x9600  }
0xfb: {  	[tilespmem:s8], [sflag:$0x1] =	stream.linear.gather [spmem:s15], $0x80, $0x38;
	[tilespmem:$0xCA80] =	vst v63  }
0xfc: {  	s9 =	simm.s32 $0x9A00  }
0xfd: {  	[tilespmem:s9], [sflag:$0x1] =	stream.linear.gather [spmem:s16], $0x80, $0x38;
	[tilespmem:$0xCA80] =	vst v63  }
0xfe: {  	s10 =	simm.s32 $0x9E00  }
0xff: {  	[tilespmem:s10], [sflag:$0x1] =	stream.linear.gather [spmem:s17], $0x80, $0x38;
	[tilespmem:$0xCA80] =	vst v63  }
0x100: {  	_ =	swait.ge [sflag:s1], $0x280  }
0x101: {  	[sflag:s1] =	ssyncset.done $0x0  }
0x102: {  	s8 =	simm.s32 $0x8E80;
	s7 =	rddreg [dreg:$0x13];
	[sflag:s1] =	ssyncadd.s32 $0xFFFFFD80  }
0x103: {  	[tilespmem:s8], [sflag:$0x1] =	stream.linear.gather [spmem:s7], $0x80, $0x38;
	[tilespmem:$0xCA80] =	vst v63  }
0x104: {  	s9 =	simm.s32 $0x9280  }
0x105: {  	[tilespmem:s9], [sflag:$0x1] =	stream.linear.gather [spmem:s18], $0x80, $0x38;
	[tilespmem:$0xCA80] =	vst v63  }
0x106: {  	s10 =	simm.s32 $0x9680  }
0x107: {  	[tilespmem:s10], [sflag:$0x1] =	stream.linear.gather [spmem:s19], $0x80, $0x38;
	[tilespmem:$0xCA80] =	vst v63  }
0x108: {  	s7 =	simm.s32 $0x9A80  }
0x109: {  	[tilespmem:s7], [sflag:$0x1] =	stream.linear.gather [spmem:s20], $0x80, $0x38;
	[tilespmem:$0xCA80] =	vst v63  }
0x10a: {  	s8 =	simm.s32 $0x9E80  }
0x10b: {  	[tilespmem:s8], [sflag:$0x1] =	stream.linear.gather [spmem:s21], $0x80, $0x38;
	[tilespmem:$0xCA80] =	vst v63  }
0x10c: {  	_ =	swait.ge [sflag:s1], $0x280  }
0x10d: {  	[sflag:s1] =	ssyncset.done $0x0  }
0x10e: {  	s10 =	simm.s32 $0x8F00;
	s9 =	rddreg [dreg:$0x14];
	[sflag:s1] =	ssyncadd.s32 $0xFFFFFD80  }
0x10f: {  	[tilespmem:s10], [sflag:$0x1] =	stream.linear.gather [spmem:s9], $0x80, $0x38;
	[tilespmem:$0xCA80] =	vst v63  }
0x110: {  	s7 =	simm.s32 $0x9300  }
0x111: {  	[tilespmem:s7], [sflag:$0x1] =	stream.linear.gather [spmem:s22], $0x80, $0x38;
	[tilespmem:$0xCA80] =	vst v63  }
0x112: {  	s8 =	simm.s32 $0x9700  }
0x113: {  	[tilespmem:s8], [sflag:$0x1] =	stream.linear.gather [spmem:s23], $0x80, $0x38;
	[tilespmem:$0xCA80] =	vst v63  }
0x114: {  	s9 =	simm.s32 $0x9B00  }
0x115: {  	[tilespmem:s9], [sflag:$0x1] =	stream.linear.gather [spmem:s24], $0x80, $0x38;
	[tilespmem:$0xCA80] =	vst v63  }
0x116: {  	s10 =	simm.s32 $0x9F00  }
0x117: {  	[tilespmem:s10], [sflag:$0x1] =	stream.linear.gather [spmem:s25], $0x80, $0x38;
	[tilespmem:$0xCA80] =	vst v63  }
0x118: {  	_ =	swait.ge [sflag:s1], $0x280  }
0x119: {  	[sflag:s1] =	ssyncset.done $0x0  }
0x11a: {  	s8 =	simm.s32 $0x8F80;
	s7 =	rddreg [dreg:$0x15];
	[sflag:s1] =	ssyncadd.s32 $0xFFFFFD80  }
0x11b: {  	[tilespmem:s8], [sflag:$0x1] =	stream.linear.gather [spmem:s7], $0x80, $0x38;
	[tilespmem:$0xCA80] =	vst v63  }
0x11c: {  	s9 =	simm.s32 $0x9380  }
0x11d: {  	[tilespmem:s9], [sflag:$0x1] =	stream.linear.gather [spmem:s26], $0x80, $0x38;
	[tilespmem:$0xCA80] =	vst v63  }
0x11e: {  	s10 =	simm.s32 $0x9780  }
0x11f: {  	[tilespmem:s10], [sflag:$0x1] =	stream.linear.gather [spmem:s28], $0x80, $0x38;
	[tilespmem:$0xCA80] =	vst v63  }
0x120: {  	s7 =	simm.s32 $0x9B80  }
0x121: {  	[tilespmem:s7], [sflag:$0x1] =	stream.linear.gather [spmem:s29], $0x80, $0x38;
	[tilespmem:$0xCA80] =	vst v63  }
0x122: {  	s8 =	simm.s32 $0x9F80  }
0x123: {  	[tilespmem:s8], [sflag:$0x1] =	stream.linear.gather [spmem:s30], $0x80, $0x38;
	[tilespmem:$0xCA80] =	vst v63  }
0x124: {  	s9 =	simm.s32 $0x0;
	_ =	swait.ge [sflag:s1], $0x280  }
0x125: {  	s6 =	sand.u32 $0x1C00, s9;
	s10 =	sand.u32 $0x70, s9;
	[sflag:s1] =	ssyncset.done $0x0  }
0x126: {  	s6 =	sor.u32 s10, s6;
	[sflag:s1] =	ssyncadd.s32 $0xFFFFFD80  }
0x127: {  	v1 =	vld [tilespmem:s6+$0x7800];
	_ =	sdelay $0x1  }
0x128: {  	v2 =	vld [tilespmem:s6+$0x7880];
	_ =	sdelay $0x1  }
0x129: {  	v3 =	vld [tilespmem:s6+$0x7900]  }
0x12a: {  	v1 =	vadd.f32 $1.000000000e+00, v1  }
0x12b: {  	v4 =	vld [tilespmem:s6+$0x7980]  }
0x12c: {  	v1 =	vadd.f32 v2, v1  }
0x12d: {  	v2 =	vld [tilespmem:s6+$0x7A00]  }
0x12e: {  	v1 =	vadd.f32 v3, v1  }
0x12f: {  	v3 =	vld [tilespmem:s6+$0x7A80]  }
0x130: {  	v1 =	vadd.f32 v4, v1  }
0x131: {  	v60 =	vld [tilespmem:s6+$0x7B00]  }
0x132: {  	v1 =	vadd.f32 v2, v1  }
0x133: {  	v2 =	vld [tilespmem:s6+$0x7B80]  }
0x134: {  	v1 =	vadd.f32 v3, v1  }
0x135: {  	v3 =	vld [tilespmem:s6+$0x8C00]  }
0x136: {  	v1 =	vadd.f32 v60, v1  }
0x137: {  	v61 =	vld [tilespmem:s6+$0x8C80]  }
0x138: {  	v1 =	vadd.f32 v2, v1  }
0x139: {  	v2 =	vld [tilespmem:s6+$0x8D00]  }
0x13a: {  	v1 =	vadd.f32 v3, v1  }
0x13b: {  	v3 =	vld [tilespmem:s6+$0x8D80]  }
0x13c: {  	v1 =	vadd.f32 v61, v1  }
0x13d: {  	v62 =	vld [tilespmem:s6+$0x8E00]  }
0x13e: {  	v1 =	vadd.f32 v2, v1  }
0x13f: {  	v2 =	vld [tilespmem:s6+$0x8E80]  }
0x140: {  	v1 =	vadd.f32 v3, v1  }
0x141: {  	v3 =	vld [tilespmem:s6+$0x8F00]  }
0x142: {  	v1 =	vadd.f32 v62, v1  }
0x143: {  	v63 =	vld [tilespmem:s6+$0x8F80]  }
0x144: {  	v1 =	vadd.f32 v2, v1;
	_ =	sdelay $0x1  }
0x145: {  	v1 =	vadd.f32 v3, v1  }
0x146: {  	s7 =	simm.s32 $0x80  }
0x147: {  	s10 =	sand.u32 $0x1C00, s7;
	s8 =	simm.s32 $0x10;
	v1 =	vadd.f32 v63, v1  }
0x148: {  	s9 =	sand.u32 $0x70, s8;
	s8 =	simm.s32 $0x20;
	s6 =	simm.s32 $0xA000  }
.LBB2_4:
0x149: {  	p0 =	sne.s32 s8, $0x270;
	s9 =	sor.u32 s9, s10;
	[tilespmem:s6+$0x0] =	vst v1  }
0x14a: {  	v1 =	vld [tilespmem:s9+$0x7800];
	_ =	sdelay $0x1  }
0x14b: {  	v2 =	vld [tilespmem:s9+$0x7880];
	_ =	sdelay $0x1  }
0x14c: {  	v3 =	vld [tilespmem:s9+$0x7900]  }
0x14d: {  	v1 =	vadd.f32 $1.000000000e+00, v1  }
0x14e: {  	v4 =	vld [tilespmem:s9+$0x7980]  }
0x14f: {  	v1 =	vadd.f32 v2, v1  }
0x150: {  	v2 =	vld [tilespmem:s9+$0x7A00]  }
0x151: {  	v1 =	vadd.f32 v3, v1  }
0x152: {  	v3 =	vld [tilespmem:s9+$0x7A80]  }
0x153: {  	v1 =	vadd.f32 v4, v1  }
0x154: {  	v4 =	vld [tilespmem:s9+$0x7B00]  }
0x155: {  	v1 =	vadd.f32 v2, v1  }
0x156: {  	v2 =	vld [tilespmem:s9+$0x7B80]  }
0x157: {  	v1 =	vadd.f32 v3, v1  }
0x158: {  	v3 =	vld [tilespmem:s9+$0x8C00]  }
0x159: {  	v1 =	vadd.f32 v4, v1  }
0x15a: {  	v4 =	vld [tilespmem:s9+$0x8C80]  }
0x15b: {  	v1 =	vadd.f32 v2, v1  }
0x15c: {  	v2 =	vld [tilespmem:s9+$0x8D00]  }
0x15d: {  	v1 =	vadd.f32 v3, v1  }
0x15e: {  	v3 =	vld [tilespmem:s9+$0x8D80]  }
0x15f: {  	v1 =	vadd.f32 v4, v1  }
0x160: {  	v4 =	vld [tilespmem:s9+$0x8E00]  }
0x161: {  	v1 =	vadd.f32 v2, v1  }
0x162: {  	v2 =	vld [tilespmem:s9+$0x8E80]  }
0x163: {  	v1 =	vadd.f32 v3, v1  }
0x164: {  	v3 =	vld [tilespmem:s9+$0x8F00]  }
0x165: {  	v1 =	vadd.f32 v4, v1  }
0x166: {  	v4 =	vld [tilespmem:s9+$0x8F80]  }
0x167: {  	v1 =	vadd.f32 v2, v1  }
.Ltmp1:
0x168: {  	(pc) =	sbr.rel @p0 .LBB2_4-.Ltmp1, $3  }
0x169: {  	v1 =	vadd.f32 v3, v1;
	_ =	sdelay $0x1  }
0x16a: {  	s7 =	sadd.s32 $0x80, s7;
	s6 =	sadd.s32 $0x10, s6;
	v1 =	vadd.f32 v4, v1  }
0x16b: {  	s10 =	sand.u32 $0x1C00, s7;
	s9 =	sand.u32 $0x70, s8;
	s8 =	sadd.s32 $0x10, s8  }
0x16c: {  	s7 =	sor.u32 s9, s10;
	[tilespmem:s6+$0x0] =	vst v1  }
0x16d: {  	v1 =	vld [tilespmem:s7+$0x7800];
	_ =	sdelay $0x1  }
0x16e: {  	v2 =	vld [tilespmem:s7+$0x7880];
	_ =	sdelay $0x1  }
0x16f: {  	v3 =	vld [tilespmem:s7+$0x7900]  }
0x170: {  	v1 =	vadd.f32 $1.000000000e+00, v1  }
0x171: {  	v4 =	vld [tilespmem:s7+$0x7980]  }
0x172: {  	v1 =	vadd.f32 v2, v1  }
0x173: {  	v2 =	vld [tilespmem:s7+$0x7A00]  }
0x174: {  	v1 =	vadd.f32 v3, v1  }
0x175: {  	v3 =	vld [tilespmem:s7+$0x7A80]  }
0x176: {  	v1 =	vadd.f32 v4, v1  }
0x177: {  	v60 =	vld [tilespmem:s7+$0x7B00]  }
0x178: {  	v1 =	vadd.f32 v2, v1  }
0x179: {  	v2 =	vld [tilespmem:s7+$0x7B80]  }
0x17a: {  	v1 =	vadd.f32 v3, v1  }
0x17b: {  	v3 =	vld [tilespmem:s7+$0x8C00]  }
0x17c: {  	v1 =	vadd.f32 v60, v1  }
0x17d: {  	v61 =	vld [tilespmem:s7+$0x8C80]  }
0x17e: {  	v1 =	vadd.f32 v2, v1  }
0x17f: {  	v2 =	vld [tilespmem:s7+$0x8D00]  }
0x180: {  	v1 =	vadd.f32 v3, v1  }
0x181: {  	v3 =	vld [tilespmem:s7+$0x8D80]  }
0x182: {  	v1 =	vadd.f32 v61, v1  }
0x183: {  	v62 =	vld [tilespmem:s7+$0x8E00]  }
0x184: {  	v1 =	vadd.f32 v2, v1  }
0x185: {  	v2 =	vld [tilespmem:s7+$0x8E80]  }
0x186: {  	v1 =	vadd.f32 v3, v1  }
0x187: {  	v3 =	vld [tilespmem:s7+$0x8F00]  }
0x188: {  	v1 =	vadd.f32 v62, v1  }
0x189: {  	v63 =	vld [tilespmem:s7+$0x8F80]  }
0x18a: {  	v1 =	vadd.f32 v2, v1;
	_ =	sdelay $0x1  }
0x18b: {  	v1 =	vadd.f32 v3, v1;
	_ =	sdelay $0x1  }
0x18c: {  	v1 =	vadd.f32 v63, v1  }
0x18d: {  	s7 =	sadd.s32 $0x10, s6  }
0x18e: {  	s8 =	rddreg [dreg:$0x16];
	s9 =	simm.s32 $0xA000;
	[tilespmem:s7+$0x0] =	vst v1  }
0x18f: {  	[hbm4b:s8+s2] =	stream.linear.scatter [tilespmem:s9], [sflag:$0x1], $0x280, $0x38;
	[tilespmem:$0xCA80] =	vst v63  }
0x190: {  	_ =	swait.ge [sflag:s1], $0x280  }
0x191: {  	s4 =	sadd.s32 $0x1, s4;
	s10 =	rddreg [dreg:$0x17]  }
0x192: {  	p0 =	sne.s32 s4, s10  }
.Ltmp2:
0x193: {  	_ = 	snop;
	(pc) =	sbr.rel @p0 .LBB2_1-.Ltmp2, $3  }
0x194: {  	_ =	sdelay $0x1  }
0x195: {  	[sflag:s1] =	ssyncset.done $0x0  }
0x196: {  	[sflag:s1] =	ssyncadd.s32 $0xFFFFFD80  }
0x197: {  	_ =	sfence.sel $0x180000  }
0x198: {  	[bflag:$0x0] =	sbarrier.arrive $0xFFFF  }
0x199: {  	_ =	strace $0x90000047  }
0x19a: {  	s0 =	stileid.u32;
	[bflag:$0x2] =	sbarrier.arrive $0xFFFF  }
0x19b: {  	p0 =	sne.s32 s0, $0x0;
	s0 =	rddreg [dreg:$0x3]  }
0x19c: {  	s0 =	sadd.s32 @!p0 $0x100000, s0  }
0x19d: {  	[sflag:s0] =	ssyncadd.tile.s32 @!p0 $0x1;
	_ =	shalt  }
.Lfunc_end2:
_tile_overlayer_lowered:
.L_overlay_start_2:
0x19e: {  	(tag) =	ssettag $0x2  }
0x19f: {  	s0 =	rddreg [dreg:$0x0];
	s2 =	stileid.u32  }
0x1a0: {  	s1 =	rddreg [dreg:$0x1];
	p0 =	sne.s32 s2, $0x0  }
0x1a1: {  	s3 =	rddreg [dreg:$0x2];
	[bflag:$0x3] =	sbarrier.arrive $0xFFFF;
	s2 =	simm.s32 @!p0 $0x1C01  }
0x1a2: {  	[timem:s3], [sflag:s2] =	dma.local @!p0 [hbm:s0], s1  }
0x1a3: {  	s0 =	simm.s32 @!p0 $0x1  }
0x1a4: {  	_ =	swait.ge @!p0 [sflag:s0], s1  }
0x1a5: {  	s1 =	ssub.s32 @!p0 $0x0, s1;
	[sflag:s0] =	ssyncset.done @!p0 $0x0  }
0x1a6: {  	[sflag:s0] =	ssyncadd.s32 @!p0 s1  }
0x1a7: {  	[bflag:$0x3] =	sbarrier.arrive $0xFFFF  }
0x1a8: {  	_ =	shalt  }

</sc_bundles>
